<compile_context>
chip_gen: v7x
topology: tpu7x:2x2x1
jax: 0.10.2.dev20260603
libtpu: 0.0.44.dev20260713+nightly
codegen_flags: <defaults>
</compile_context>

<pallas_src>
import functools

import jax
import jax.numpy as jnp
from jax import lax
from jax.experimental import pallas as pl
from jax.experimental.pallas import tpu as pltpu
from jax.experimental.pallas import tpu_sc as plsc

OUT_H, OUT_W = 7, 7
SPATIAL_SCALE = 0.125
SR = 2
NBINS = OUT_H * OUT_W
BPG = 7
GROUPS = NBINS // BPG
LPB = SR * SR * 4
GROUP_ROWS = BPG * LPB

NC, NS = 2, 16
NW = NC * NS


def _build_call(N, C, H, W, R):
  RPW = R // NW
  mesh = plsc.VectorSubcoreMesh(core_axis_name="c", subcore_axis_name="s")

  @functools.partial(
      pl.kernel,
      out_type=jax.ShapeDtypeStruct((R, C * NBINS), jnp.float32),
      mesh=mesh,
      compiler_params=pltpu.CompilerParams(
          needs_layout_passes=False, use_tc_tiling_on_sc=False),
      scratch_types=[
          pltpu.VMEM((5 * RPW,), jnp.float32),
          pltpu.VMEM((4 * RPW,), jnp.float32),
          pltpu.VMEM((RPW,), jnp.int32),
          pltpu.VMEM((GROUPS, GROUP_ROWS), jnp.int32),
          pltpu.VMEM((NBINS * LPB,), jnp.float32),
          pltpu.VMEM((OUT_H * LPB,), jnp.int32),
          pltpu.VMEM((OUT_H * LPB,), jnp.float32),
          pltpu.VMEM((OUT_W * LPB,), jnp.int32),
          pltpu.VMEM((OUT_W * LPB,), jnp.float32),
          pltpu.VMEM((GROUP_ROWS, C), jnp.bfloat16),
          pltpu.VMEM((GROUP_ROWS, C), jnp.bfloat16),
          pltpu.VMEM((C * NBINS,), jnp.float32),
          pltpu.SemaphoreType.DMA,
          pltpu.SemaphoreType.DMA,
          pltpu.SemaphoreType.DMA,
      ],
  )
  def k(table_hbm, rois_hbm, out_hbm, roi_v, paramf, basei, idx_buf, w_buf,
        yiw_buf, ywt_buf, xiv_buf, xwt_buf, rows0, rows1, outbuf,
        sem0, sem1, semo):
    wid = lax.axis_index("s") * NC + lax.axis_index("c")
    rbase = wid * RPW
    pltpu.sync_copy(rois_hbm.at[wid], roi_v)

    iota = lax.iota(jnp.int32, 16)

    for ch in range(RPW // 16):
      sl = pl.ds(ch * 16, 16)
      bidx = roi_v[pl.ds(0 * RPW + ch * 16, 16)]
      x1 = roi_v[pl.ds(1 * RPW + ch * 16, 16)] * SPATIAL_SCALE - 0.5
      y1 = roi_v[pl.ds(2 * RPW + ch * 16, 16)] * SPATIAL_SCALE - 0.5
      x2 = roi_v[pl.ds(3 * RPW + ch * 16, 16)] * SPATIAL_SCALE - 0.5
      y2 = roi_v[pl.ds(4 * RPW + ch * 16, 16)] * SPATIAL_SCALE - 0.5
      paramf[pl.ds(0 * RPW + ch * 16, 16)] = x1
      paramf[pl.ds(1 * RPW + ch * 16, 16)] = y1
      paramf[pl.ds(2 * RPW + ch * 16, 16)] = (x2 - x1) * (1.0 / OUT_W)
      paramf[pl.ds(3 * RPW + ch * 16, 16)] = (y2 - y1) * (1.0 / OUT_H)
      basei[sl] = bidx.astype(jnp.int32) * (H * W)

    s_i = iota >> 2
    n_i = iota & 3
    fy = ((s_i >> 1).astype(jnp.float32) + 0.5) * (1.0 / SR)
    fx = ((s_i & 1).astype(jnp.float32) + 0.5) * (1.0 / SR)
    dyb = (n_i >> 1) == 1
    dxb = (n_i & 1) == 1

    def do_roi(r, carry):
      fullr = jnp.zeros((16,), jnp.int32) + r
      vx1 = plsc.load_gather(paramf, [fullr])
      vy1 = plsc.load_gather(paramf, [fullr + RPW])
      vbw = plsc.load_gather(paramf, [fullr + 2 * RPW])
      vbh = plsc.load_gather(paramf, [fullr + 3 * RPW])
      vbase = plsc.load_gather(basei, [fullr])

      def yside(ph, c2):
        phf = ph.astype(jnp.float32)
        ys = vy1 + (jnp.zeros((16,), jnp.float32) + phf + fy) * vbh
        vldy = (ys >= -1.0) & (ys <= float(H))
        yc = jnp.clip(ys, 0.0, H - 1.0)
        y0 = yc.astype(jnp.int32)
        ly = yc - y0.astype(jnp.float32)
        y1i = jnp.minimum(y0 + 1, H - 1)
        yi = jnp.where(dyb, y1i, y0)
        wy = jnp.where(dyb, ly, 1.0 - ly)
        yiw_buf[pl.ds(ph * LPB, LPB)] = vbase + yi * W
        ywt_buf[pl.ds(ph * LPB, LPB)] = jnp.where(
            vldy, wy * (1.0 / (SR * SR)), 0.0)
        return c2

      def xside(pw, c2):
        pwf = pw.astype(jnp.float32)
        xs = vx1 + (jnp.zeros((16,), jnp.float32) + pwf + fx) * vbw
        vldx = (xs >= -1.0) & (xs <= float(W))
        xc = jnp.clip(xs, 0.0, W - 1.0)
        x0 = xc.astype(jnp.int32)
        lx = xc - x0.astype(jnp.float32)
        x1i = jnp.minimum(x0 + 1, W - 1)
        xi = jnp.where(dxb, x1i, x0)
        wx = jnp.where(dxb, lx, 1.0 - lx)
        xiv_buf[pl.ds(pw * LPB, LPB)] = xi
        xwt_buf[pl.ds(pw * LPB, LPB)] = jnp.where(vldx, wx, 0.0)
        return c2

      lax.fori_loop(0, OUT_H, yside, 0)
      lax.fori_loop(0, OUT_W, xside, 0)

      def build(b, _g=0):
        g = _g
        jj = b - g * BPG
        ph = b // OUT_W
        pw = b % OUT_W
        idx_buf[g, pl.ds(jj * LPB, LPB)] = (
            yiw_buf[pl.ds(ph * LPB, LPB)] + xiv_buf[pl.ds(pw * LPB, LPB)])
        w_buf[pl.ds(b * LPB, LPB)] = (
            ywt_buf[pl.ds(ph * LPB, LPB)] * xwt_buf[pl.ds(pw * LPB, LPB)])

      rows = [rows0, rows1]
      sems = [sem0, sem1]

      def start(g):
        return pltpu.async_copy(
            table_hbm.at[idx_buf.at[g]], rows[g % 2], sems[g % 2])

      def build_group(g):
        plsc.parallel_loop(g * BPG, (g + 1) * BPG)(
            functools.partial(build, _g=g))

      handles = {}
      for g in range(2):
        build_group(g)
        handles[g] = start(g)

      @pl.when(r > 0)
      def _wait_prev_out():
        pltpu.make_async_copy(outbuf, out_hbm.at[rbase], semo).wait()

      for g in range(GROUPS):
        handles[g].wait()
        buf = rows[g % 2]

        def accum(j, c2, _g=g, _buf=buf):
          b = _g * BPG + j
          fullb = jnp.zeros((16,), jnp.int32) + b * LPB
          wps = [
              plsc.pack(wl, wl, format=plsc.PackFormat.INTERLEAVED)
              for wl in (plsc.load_gather(w_buf, [fullb + l])
                         for l in range(LPB))
          ]
          colbase = iota * (2 * NBINS) + b

          def chunk(cc):
            terms = [
                wps[l] * _buf[j * LPB + l, pl.ds(cc * 32, 32)]
                for l in range(LPB)
            ]
            while len(terms) > 1:
              terms = [terms[i] + terms[i + 1]
                       for i in range(0, len(terms), 2)]
            even, odd = plsc.unpack(terms[0],
                                    format=plsc.PackFormat.INTERLEAVED)
            cbase = colbase + cc * 32 * NBINS
            plsc.store_scatter(outbuf, [cbase], even)
            plsc.store_scatter(outbuf, [cbase + NBINS], odd)

          plsc.parallel_loop(0, C // 32, unroll=3)(chunk)
          return c2

        lax.fori_loop(0, BPG, accum, 0)
        if g + 2 < GROUPS:
          build_group(g + 2)
          handles[g + 2] = start(g + 2)

      pltpu.make_async_copy(outbuf, out_hbm.at[rbase + r], semo).start()
      return carry

    lax.fori_loop(0, RPW, do_roi, 0)
    pltpu.make_async_copy(outbuf, out_hbm.at[rbase + RPW - 1], semo).wait()

  return k


def kernel(input, rois):
  N, C, H, W = input.shape
  R = rois.shape[0]
  table = (jnp.transpose(input, (0, 2, 3, 1))
           .reshape(N * H * W, C).astype(jnp.bfloat16))
  rpw = R // NW
  roist = (jnp.transpose(rois).reshape(5, NW, rpw)
           .transpose(1, 0, 2).reshape(NW, 5 * rpw))
  out = _build_call(N, C, H, W, R)(table, roist)
  return out.reshape(R, C, OUT_H, OUT_W)

# --- scband reference (transcript-rebuilt; emitter-appended) ---
"""Pipeline reference for scband-ro-ialign-2826088481283 (READ-ONLY COPY).

The authoritative reference and input builder live on the scoring server;
editing this copy changes nothing except your own understanding.
"""

import jax, jax.numpy as jnp
import numpy as np

OUT_H, OUT_W = 7, 7
SPATIAL_SCALE = 0.125
SAMPLING_RATIO = 2
ALIGNED = True


def setup_inputs(seed: int = 0):
    key = jax.random.key(seed)
    k1, k2, k3, k4, k5, k6 = jax.random.split(key, 6)
    N, C, H, W = 4, 192, 64, 64
    R = 1024
    img = 512.0
    x = jax.random.normal(k1, (N, C, H, W), dtype=jnp.float32)
    bidx = jax.random.randint(k2, (R,), 0, N).astype(jnp.float32)
    x1 = jax.random.uniform(k3, (R,), minval=0.0, maxval=img - 32.0)
    y1 = jax.random.uniform(k4, (R,), minval=0.0, maxval=img - 32.0)
    bw = jax.random.uniform(k5, (R,), minval=16.0, maxval=224.0)
    bh = jax.random.uniform(k6, (R,), minval=16.0, maxval=224.0)
    rois = jnp.stack([bidx, x1, y1, jnp.minimum(x1 + bw, img), jnp.minimum(y1 + bh, img)], axis=1).astype(jnp.float32)
    return {"input": x, "rois": rois}


def _bilinear(feat, n_idx, y, x):
    # feat: [N, H, W, C]; n_idx: [P] int32; y, x: [P] float32
    N, H, W, C = feat.shape
    valid = (y >= -1.0) & (y <= H) & (x >= -1.0) & (x <= W)
    y = jnp.clip(y, 0.0, H - 1.0)
    x = jnp.clip(x, 0.0, W - 1.0)
    y0 = jnp.floor(y).astype(jnp.int32)
    x0 = jnp.floor(x).astype(jnp.int32)
    y1 = jnp.minimum(y0 + 1, H - 1)
    x1 = jnp.minimum(x0 + 1, W - 1)
    ly = y - y0.astype(jnp.float32)
    lx = x - x0.astype(jnp.float32)
    hy = 1.0 - ly
    hx = 1.0 - lx
    val = (hy * hx)[:, None] * feat[n_idx, y0, x0]
    val = val + (hy * lx)[:, None] * feat[n_idx, y0, x1]
    val = val + (ly * hx)[:, None] * feat[n_idx, y1, x0]
    val = val + (ly * lx)[:, None] * feat[n_idx, y1, x1]
    return jnp.where(valid[:, None], val, 0.0)


def _roi_align(input, rois):
    N, C, H, W = input.shape
    feat = jnp.transpose(input, (0, 2, 3, 1))
    R = rois.shape[0]
    offset = 0.5 if ALIGNED else 0.0
    bidx = rois[:, 0].astype(jnp.int32)
    x1 = rois[:, 1] * SPATIAL_SCALE - offset
    y1 = rois[:, 2] * SPATIAL_SCALE - offset
    x2 = rois[:, 3] * SPATIAL_SCALE - offset
    y2 = rois[:, 4] * SPATIAL_SCALE - offset
    roi_w = x2 - x1
    roi_h = y2 - y1
    if not ALIGNED:
        roi_w = jnp.maximum(roi_w, 1.0)
        roi_h = jnp.maximum(roi_h, 1.0)
    bin_w = roi_w / OUT_W
    bin_h = roi_h / OUT_H
    sr = SAMPLING_RATIO
    ph = jnp.arange(OUT_H, dtype=jnp.float32)
    pw = jnp.arange(OUT_W, dtype=jnp.float32)
    frac = (jnp.arange(sr, dtype=jnp.float32) + 0.5) / sr
    ys = y1[:, None, None] + (ph[None, :, None] + frac[None, None, :]) * bin_h[:, None, None]
    xs = x1[:, None, None] + (pw[None, :, None] + frac[None, None, :]) * bin_w[:, None, None]
    yy = jnp.broadcast_to(ys[:, :, None, :, None], (R, OUT_H, OUT_W, sr, sr))
    xx = jnp.broadcast_to(xs[:, None, :, None, :], (R, OUT_H, OUT_W, sr, sr))
    nn = jnp.broadcast_to(bidx[:, None, None, None, None], (R, OUT_H, OUT_W, sr, sr))
    P = R * OUT_H * OUT_W * sr * sr
    vals = _bilinear(feat, nn.reshape(P), yy.reshape(P), xx.reshape(P))
    vals = vals.reshape(R, OUT_H, OUT_W, sr * sr, C)
    pooled = jnp.mean(vals, axis=3)
    return jnp.transpose(pooled, (0, 3, 1, 2))


def reference(input, rois):
    return _roi_align(input, rois)

if __name__ == "__main__":
    import jax
    _d = setup_inputs()
    print(jax.jit(kernel)(*tuple(_d.values())))

</pallas_src>

<mosaic_0001>
#map = affine_map<(d0, d1) -> (0, 0)>
module attributes {stable_mosaic.version = 14 : i64} {
  func.func @k(%arg0: i32, %arg1: i32, %arg2: memref<16384x192xbf16, #tpu.memory_space<hbm>>, %arg3: memref<32x160xf32, #tpu.memory_space<hbm>>, %arg4: memref<1024x9408xf32, #tpu.memory_space<hbm>>, %arg5: memref<160xf32, #tpu.memory_space<vmem>>, %arg6: memref<128xf32, #tpu.memory_space<vmem>>, %arg7: memref<32xi32, #tpu.memory_space<vmem>>, %arg8: memref<7x112xi32, #tpu.memory_space<vmem>>, %arg9: memref<784xf32, #tpu.memory_space<vmem>>, %arg10: memref<112xi32, #tpu.memory_space<vmem>>, %arg11: memref<112xf32, #tpu.memory_space<vmem>>, %arg12: memref<112xi32, #tpu.memory_space<vmem>>, %arg13: memref<112xf32, #tpu.memory_space<vmem>>, %arg14: memref<112x192xbf16, #tpu.memory_space<vmem>>, %arg15: memref<112x192xbf16, #tpu.memory_space<vmem>>, %arg16: memref<9408xf32, #tpu.memory_space<vmem>>, %arg17: memref<!tpu.dma_semaphore, #tpu.memory_space<semaphore_mem>>, %arg18: memref<!tpu.dma_semaphore, #tpu.memory_space<semaphore_mem>>, %arg19: memref<!tpu.dma_semaphore, #tpu.memory_space<semaphore_mem>>) attributes {dimension_semantics = [#tpu.dimension_semantics<core_parallel>, #tpu.dimension_semantics<subcore_parallel>], iteration_bounds = array<i64: 2, 16>, scalar_prefetch = 0 : i64, scratch_operands = 15 : i64, tpu.core_type = #tpu.core_type<sc_vector_subcore>, window_params = [{transform_indices = #map}, {transform_indices = #map}, {transform_indices = #map}]} {
    %mul3A = arith.constant 2 : i32
    %mul3A_0 = arith.muli %arg1, %mul3A : i32
    %add3A = arith.addi %mul3A_0, %arg0 : i32
    %mul3A_1 = arith.constant 32 : i32
    %mul3A_2 = arith.muli %add3A, %mul3A_1 : i32
    "tpu.region"() ({
      %run_scoped3A = tpu.sem_alloc : memref<!tpu.dma_semaphore, #tpu.memory_space<semaphore_mem>>
      %dma_start3A = arith.constant 0 : i32
      %dma_start3A_160 = tpu.memref_slice %arg3[%add3A, %dma_start3A] : memref<32x160xf32, #tpu.memory_space<hbm>> -> memref<1x160xf32, #tpu.memory_space<hbm>>
      %dma_start3A_161 = tpu.memref_squeeze %dma_start3A_160 : memref<1x160xf32, #tpu.memory_space<hbm>> -> memref<160xf32, #tpu.memory_space<hbm>>
      %dma_start3A_162 = arith.constant 0 : i32
      %dma_start3A_163 = tpu.memref_slice %arg3[%add3A, %dma_start3A_162] : memref<32x160xf32, #tpu.memory_space<hbm>> -> memref<1x160xf32, #tpu.memory_space<hbm>>
      %dma_start3A_164 = tpu.memref_squeeze %dma_start3A_163 : memref<1x160xf32, #tpu.memory_space<hbm>> -> memref<160xf32, #tpu.memory_space<hbm>>
      tpu.enqueue_dma source(%dma_start3A_164 : memref<160xf32, #tpu.memory_space<hbm>>) target(%arg5 : memref<160xf32, #tpu.memory_space<vmem>>) target_semaphore(%run_scoped3A : memref<!tpu.dma_semaphore, #tpu.memory_space<semaphore_mem>>)
      %dma_wait3A_165 = arith.constant 0 : i32
      %dma_wait3A_166 = tpu.memref_slice %arg3[%add3A, %dma_wait3A_165] : memref<32x160xf32, #tpu.memory_space<hbm>> -> memref<1x160xf32, #tpu.memory_space<hbm>>
      %dma_wait3A_167 = tpu.memref_squeeze %dma_wait3A_166 : memref<1x160xf32, #tpu.memory_space<hbm>> -> memref<160xf32, #tpu.memory_space<hbm>>
      %dma_wait3A_168 = arith.constant 0 : i32
      %dma_wait3A_169 = tpu.memref_slice %arg3[%add3A, %dma_wait3A_168] : memref<32x160xf32, #tpu.memory_space<hbm>> -> memref<1x160xf32, #tpu.memory_space<hbm>>
      %dma_wait3A_170 = tpu.memref_squeeze %dma_wait3A_169 : memref<1x160xf32, #tpu.memory_space<hbm>> -> memref<160xf32, #tpu.memory_space<hbm>>
      tpu.wait_dma2 semaphore(%run_scoped3A : memref<!tpu.dma_semaphore, #tpu.memory_space<semaphore_mem>>) src(%dma_wait3A_170 : memref<160xf32, #tpu.memory_space<hbm>>) dst(%arg5 : memref<160xf32, #tpu.memory_space<vmem>>)
      tpu.yield
    }) : () -> ()
    %iota3A = tpu.iota {dimensions = array<i32: 0>} : vector<16xi32>
    %get3A = arith.constant 0 : index
    %get3A_3 = tpu.vector_load %arg5[%get3A] {strides = array<i32>} : memref<160xf32, #tpu.memory_space<vmem>>, vector<16xf32>,
    %get3A_4 = arith.constant 32 : index
    %get3A_5 = tpu.vector_load %arg5[%get3A_4] {strides = array<i32>} : memref<160xf32, #tpu.memory_space<vmem>>, vector<16xf32>,
    %mul3A_6 = arith.constant 1.250000e-01 : f32
    %mul3A_7 = vector.broadcast %mul3A_6 : f32 to vector<16xf32>
    %mul3A_8 = arith.mulf %get3A_5, %mul3A_7 : vector<16xf32>
    %sub3A = arith.constant 5.000000e-01 : f32
    %sub3A_9 = vector.broadcast %sub3A : f32 to vector<16xf32>
    %sub3A_10 = arith.subf %mul3A_8, %sub3A_9 : vector<16xf32>
    %get3A_11 = arith.constant 64 : index
    %get3A_12 = tpu.vector_load %arg5[%get3A_11] {strides = array<i32>} : memref<160xf32, #tpu.memory_space<vmem>>, vector<16xf32>,
    %mul3A_13 = arith.constant 1.250000e-01 : f32
    %mul3A_14 = vector.broadcast %mul3A_13 : f32 to vector<16xf32>
    %mul3A_15 = arith.mulf %get3A_12, %mul3A_14 : vector<16xf32>
    %sub3A_16 = arith.constant 5.000000e-01 : f32
    %sub3A_17 = vector.broadcast %sub3A_16 : f32 to vector<16xf32>
    %sub3A_18 = arith.subf %mul3A_15, %sub3A_17 : vector<16xf32>
    %get3A_19 = arith.constant 96 : index
    %get3A_20 = tpu.vector_load %arg5[%get3A_19] {strides = array<i32>} : memref<160xf32, #tpu.memory_space<vmem>>, vector<16xf32>,
    %mul3A_21 = arith.constant 1.250000e-01 : f32
    %mul3A_22 = vector.broadcast %mul3A_21 : f32 to vector<16xf32>
    %mul3A_23 = arith.mulf %get3A_20, %mul3A_22 : vector<16xf32>
    %sub3A_24 = arith.constant 5.000000e-01 : f32
    %sub3A_25 = vector.broadcast %sub3A_24 : f32 to vector<16xf32>
    %sub3A_26 = arith.subf %mul3A_23, %sub3A_25 : vector<16xf32>
    %get3A_27 = arith.constant 128 : index
    %get3A_28 = tpu.vector_load %arg5[%get3A_27] {strides = array<i32>} : memref<160xf32, #tpu.memory_space<vmem>>, vector<16xf32>,
    %mul3A_29 = arith.constant 1.250000e-01 : f32
    %mul3A_30 = vector.broadcast %mul3A_29 : f32 to vector<16xf32>
    %mul3A_31 = arith.mulf %get3A_28, %mul3A_30 : vector<16xf32>
    %sub3A_32 = arith.constant 5.000000e-01 : f32
    %sub3A_33 = vector.broadcast %sub3A_32 : f32 to vector<16xf32>
    %sub3A_34 = arith.subf %mul3A_31, %sub3A_33 : vector<16xf32>
    %swap3A = arith.constant 0 : index
    %swap3A_35 = tpu.vector_load %arg6[%swap3A] {strides = array<i32>} : memref<128xf32, #tpu.memory_space<vmem>>, vector<16xf32>,
    tpu.vector_store %arg6[%swap3A], %sub3A_10 {strides = array<i32>} : memref<128xf32, #tpu.memory_space<vmem>>, vector<16xf32>,
    %swap3A_36 = arith.constant 32 : index
    %swap3A_37 = tpu.vector_load %arg6[%swap3A_36] {strides = array<i32>} : memref<128xf32, #tpu.memory_space<vmem>>, vector<16xf32>,
    tpu.vector_store %arg6[%swap3A_36], %sub3A_18 {strides = array<i32>} : memref<128xf32, #tpu.memory_space<vmem>>, vector<16xf32>,
    %sub3A_38 = arith.subf %sub3A_26, %sub3A_10 : vector<16xf32>
    %mul3A_39 = arith.constant 0.142857149 : f32
    %mul3A_40 = vector.broadcast %mul3A_39 : f32 to vector<16xf32>
    %mul3A_41 = arith.mulf %sub3A_38, %mul3A_40 : vector<16xf32>
    %swap3A_42 = arith.constant 64 : index
    %swap3A_43 = tpu.vector_load %arg6[%swap3A_42] {strides = array<i32>} : memref<128xf32, #tpu.memory_space<vmem>>, vector<16xf32>,
    tpu.vector_store %arg6[%swap3A_42], %mul3A_41 {strides = array<i32>} : memref<128xf32, #tpu.memory_space<vmem>>, vector<16xf32>,
    %sub3A_44 = arith.subf %sub3A_34, %sub3A_18 : vector<16xf32>
    %mul3A_45 = arith.constant 0.142857149 : f32
    %mul3A_46 = vector.broadcast %mul3A_45 : f32 to vector<16xf32>
    %mul3A_47 = arith.mulf %sub3A_44, %mul3A_46 : vector<16xf32>
    %swap3A_48 = arith.constant 96 : index
    %swap3A_49 = tpu.vector_load %arg6[%swap3A_48] {strides = array<i32>} : memref<128xf32, #tpu.memory_space<vmem>>, vector<16xf32>,
    tpu.vector_store %arg6[%swap3A_48], %mul3A_47 {strides = array<i32>} : memref<128xf32, #tpu.memory_space<vmem>>, vector<16xf32>,
    %convert_element_type3A = arith.fptosi %get3A_3 : vector<16xf32> to vector<16xi32>
    %mul3A_50 = arith.constant 4096 : i32
    %mul3A_51 = vector.broadcast %mul3A_50 : i32 to vector<16xi32>
    %mul3A_52 = arith.muli %convert_element_type3A, %mul3A_51 : vector<16xi32>
    %swap3A_53 = arith.constant 0 : index
    %swap3A_54 = tpu.vector_load %arg7[%swap3A_53] {strides = array<i32>} : memref<32xi32, #tpu.memory_space<vmem>>, vector<16xi32>,
    tpu.vector_store %arg7[%swap3A_53], %mul3A_52 {strides = array<i32>} : memref<32xi32, #tpu.memory_space<vmem>>, vector<16xi32>,
    %get3A_55 = arith.constant 16 : index
    %get3A_56 = tpu.vector_load %arg5[%get3A_55] {strides = array<i32>} : memref<160xf32, #tpu.memory_space<vmem>>, vector<16xf32>,
    %get3A_57 = arith.constant 48 : index
    %get3A_58 = tpu.vector_load %arg5[%get3A_57] {strides = array<i32>} : memref<160xf32, #tpu.memory_space<vmem>>, vector<16xf32>,
    %mul3A_59 = arith.constant 1.250000e-01 : f32
    %mul3A_60 = vector.broadcast %mul3A_59 : f32 to vector<16xf32>
    %mul3A_61 = arith.mulf %get3A_58, %mul3A_60 : vector<16xf32>
    %sub3A_62 = arith.constant 5.000000e-01 : f32
    %sub3A_63 = vector.broadcast %sub3A_62 : f32 to vector<16xf32>
    %sub3A_64 = arith.subf %mul3A_61, %sub3A_63 : vector<16xf32>
    %get3A_65 = arith.constant 80 : index
    %get3A_66 = tpu.vector_load %arg5[%get3A_65] {strides = array<i32>} : memref<160xf32, #tpu.memory_space<vmem>>, vector<16xf32>,
    %mul3A_67 = arith.constant 1.250000e-01 : f32
    %mul3A_68 = vector.broadcast %mul3A_67 : f32 to vector<16xf32>
    %mul3A_69 = arith.mulf %get3A_66, %mul3A_68 : vector<16xf32>
    %sub3A_70 = arith.constant 5.000000e-01 : f32
    %sub3A_71 = vector.broadcast %sub3A_70 : f32 to vector<16xf32>
    %sub3A_72 = arith.subf %mul3A_69, %sub3A_71 : vector<16xf32>
    %get3A_73 = arith.constant 112 : index
    %get3A_74 = tpu.vector_load %arg5[%get3A_73] {strides = array<i32>} : memref<160xf32, #tpu.memory_space<vmem>>, vector<16xf32>,
    %mul3A_75 = arith.constant 1.250000e-01 : f32
    %mul3A_76 = vector.broadcast %mul3A_75 : f32 to vector<16xf32>
    %mul3A_77 = arith.mulf %get3A_74, %mul3A_76 : vector<16xf32>
    %sub3A_78 = arith.constant 5.000000e-01 : f32
    %sub3A_79 = vector.broadcast %sub3A_78 : f32 to vector<16xf32>
    %sub3A_80 = arith.subf %mul3A_77, %sub3A_79 : vector<16xf32>
    %get3A_81 = arith.constant 144 : index
    %get3A_82 = tpu.vector_load %arg5[%get3A_81] {strides = array<i32>} : memref<160xf32, #tpu.memory_space<vmem>>, vector<16xf32>,
    %mul3A_83 = arith.constant 1.250000e-01 : f32
    %mul3A_84 = vector.broadcast %mul3A_83 : f32 to vector<16xf32>
    %mul3A_85 = arith.mulf %get3A_82, %mul3A_84 : vector<16xf32>
    %sub3A_86 = arith.constant 5.000000e-01 : f32
    %sub3A_87 = vector.broadcast %sub3A_86 : f32 to vector<16xf32>
    %sub3A_88 = arith.subf %mul3A_85, %sub3A_87 : vector<16xf32>
    %swap3A_89 = arith.constant 16 : index
    %swap3A_90 = tpu.vector_load %arg6[%swap3A_89] {strides = array<i32>} : memref<128xf32, #tpu.memory_space<vmem>>, vector<16xf32>,
    tpu.vector_store %arg6[%swap3A_89], %sub3A_64 {strides = array<i32>} : memref<128xf32, #tpu.memory_space<vmem>>, vector<16xf32>,
    %swap3A_91 = arith.constant 48 : index
    %swap3A_92 = tpu.vector_load %arg6[%swap3A_91] {strides = array<i32>} : memref<128xf32, #tpu.memory_space<vmem>>, vector<16xf32>,
    tpu.vector_store %arg6[%swap3A_91], %sub3A_72 {strides = array<i32>} : memref<128xf32, #tpu.memory_space<vmem>>, vector<16xf32>,
    %sub3A_93 = arith.subf %sub3A_80, %sub3A_64 : vector<16xf32>
    %mul3A_94 = arith.constant 0.142857149 : f32
    %mul3A_95 = vector.broadcast %mul3A_94 : f32 to vector<16xf32>
    %mul3A_96 = arith.mulf %sub3A_93, %mul3A_95 : vector<16xf32>
    %swap3A_97 = arith.constant 80 : index
    %swap3A_98 = tpu.vector_load %arg6[%swap3A_97] {strides = array<i32>} : memref<128xf32, #tpu.memory_space<vmem>>, vector<16xf32>,
    tpu.vector_store %arg6[%swap3A_97], %mul3A_96 {strides = array<i32>} : memref<128xf32, #tpu.memory_space<vmem>>, vector<16xf32>,
    %sub3A_99 = arith.subf %sub3A_88, %sub3A_72 : vector<16xf32>
    %mul3A_100 = arith.constant 0.142857149 : f32
    %mul3A_101 = vector.broadcast %mul3A_100 : f32 to vector<16xf32>
    %mul3A_102 = arith.mulf %sub3A_99, %mul3A_101 : vector<16xf32>
    %swap3A_103 = arith.constant 112 : index
    %swap3A_104 = tpu.vector_load %arg6[%swap3A_103] {strides = array<i32>} : memref<128xf32, #tpu.memory_space<vmem>>, vector<16xf32>,
    tpu.vector_store %arg6[%swap3A_103], %mul3A_102 {strides = array<i32>} : memref<128xf32, #tpu.memory_space<vmem>>, vector<16xf32>,
    %convert_element_type3A_105 = arith.fptosi %get3A_56 : vector<16xf32> to vector<16xi32>
    %mul3A_106 = arith.constant 4096 : i32
    %mul3A_107 = vector.broadcast %mul3A_106 : i32 to vector<16xi32>
    %mul3A_108 = arith.muli %convert_element_type3A_105, %mul3A_107 : vector<16xi32>
    %swap3A_109 = arith.constant 16 : index
    %swap3A_110 = tpu.vector_load %arg7[%swap3A_109] {strides = array<i32>} : memref<32xi32, #tpu.memory_space<vmem>>, vector<16xi32>,
    tpu.vector_store %arg7[%swap3A_109], %mul3A_108 {strides = array<i32>} : memref<32xi32, #tpu.memory_space<vmem>>, vector<16xi32>,
    %shift_right_arithmetic3A = arith.constant 2 : i32
    %shift_right_arithmetic3A_111 = vector.broadcast %shift_right_arithmetic3A : i32 to vector<16xi32>
    %shift_right_arithmetic3A_112 = arith.shrsi %iota3A, %shift_right_arithmetic3A_111 : vector<16xi32>
    %and3A = arith.constant 3 : i32
    %and3A_113 = vector.broadcast %and3A : i32 to vector<16xi32>
    %and3A_114 = arith.andi %iota3A, %and3A_113 : vector<16xi32>
    %shift_right_arithmetic3A_115 = arith.constant 1 : i32
    %shift_right_arithmetic3A_116 = vector.broadcast %shift_right_arithmetic3A_115 : i32 to vector<16xi32>
    %shift_right_arithmetic3A_117 = arith.shrsi %shift_right_arithmetic3A_112, %shift_right_arithmetic3A_116 : vector<16xi32>
    %convert_element_type3A_118 = arith.sitofp %shift_right_arithmetic3A_117 : vector<16xi32> to vector<16xf32>
    %add3A_119 = arith.constant 5.000000e-01 : f32
    %add3A_120 = vector.broadcast %add3A_119 : f32 to vector<16xf32>
    %add3A_121 = arith.addf %convert_element_type3A_118, %add3A_120 : vector<16xf32>
    %mul3A_122 = arith.constant 5.000000e-01 : f32
    %mul3A_123 = vector.broadcast %mul3A_122 : f32 to vector<16xf32>
    %mul3A_124 = arith.mulf %add3A_121, %mul3A_123 : vector<16xf32>
    %and3A_125 = arith.constant 1 : i32
    %and3A_126 = vector.broadcast %and3A_125 : i32 to vector<16xi32>
    %and3A_127 = arith.andi %shift_right_arithmetic3A_112, %and3A_126 : vector<16xi32>
    %convert_element_type3A_128 = arith.sitofp %and3A_127 : vector<16xi32> to vector<16xf32>
    %add3A_129 = arith.constant 5.000000e-01 : f32
    %add3A_130 = vector.broadcast %add3A_129 : f32 to vector<16xf32>
    %add3A_131 = arith.addf %convert_element_type3A_128, %add3A_130 : vector<16xf32>
    %mul3A_132 = arith.constant 5.000000e-01 : f32
    %mul3A_133 = vector.broadcast %mul3A_132 : f32 to vector<16xf32>
    %mul3A_134 = arith.mulf %add3A_131, %mul3A_133 : vector<16xf32>
    %shift_right_arithmetic3A_135 = arith.constant 1 : i32
    %shift_right_arithmetic3A_136 = vector.broadcast %shift_right_arithmetic3A_135 : i32 to vector<16xi32>
    %shift_right_arithmetic3A_137 = arith.shrsi %and3A_114, %shift_right_arithmetic3A_136 : vector<16xi32>
    %eq3A = arith.constant 1 : i32
    %eq3A_138 = vector.broadcast %eq3A : i32 to vector<16xi32>
    %eq3A_139 = arith.cmpi eq, %shift_right_arithmetic3A_137, %eq3A_138 : vector<16xi32>
    %and3A_140 = arith.constant 1 : i32
    %and3A_141 = vector.broadcast %and3A_140 : i32 to vector<16xi32>
    %and3A_142 = arith.andi %and3A_114, %and3A_141 : vector<16xi32>
    %eq3A_143 = arith.constant 1 : i32
    %eq3A_144 = vector.broadcast %eq3A_143 : i32 to vector<16xi32>
    %eq3A_145 = arith.cmpi eq, %and3A_142, %eq3A_144 : vector<16xi32>
    %scan3A = arith.constant 0 : i32
    %scan3A_146 = arith.constant 0 : i32
    %scan3A_147 = arith.constant 32 : i32
    %scan3A_148 = arith.addi %scan3A_146, %scan3A_147 : i32
    %scan3A_149 = arith.constant 1 : i32
    scf.for %scan3A_160 = %scan3A_146 to %scan3A_148 step %scan3A_149  : i32 {
      %broadcast_in_dim3A = arith.constant 0 : i32
      %broadcast_in_dim3A_161 = vector.broadcast %broadcast_in_dim3A : i32 to vector<16xi32>
      %add3A_162 = vector.broadcast %scan3A_160 : i32 to vector<16xi32>
      %add3A_163 = arith.addi %broadcast_in_dim3A_161, %add3A_162 : vector<16xi32>
      %gather3A = tpu.vector_load_idx %arg6[%add3A_163] : memref<128xf32, #tpu.memory_space<vmem>>[vector<16xi32>], vector<16xf32>,
      %add3A_164 = arith.constant 32 : i32
      %add3A_165 = vector.broadcast %add3A_164 : i32 to vector<16xi32>
      %add3A_166 = arith.addi %add3A_163, %add3A_165 : vector<16xi32>
      %gather3A_167 = tpu.vector_load_idx %arg6[%add3A_166] : memref<128xf32, #tpu.memory_space<vmem>>[vector<16xi32>], vector<16xf32>,
      %add3A_168 = arith.constant 64 : i32
      %add3A_169 = vector.broadcast %add3A_168 : i32 to vector<16xi32>
      %add3A_170 = arith.addi %add3A_163, %add3A_169 : vector<16xi32>
      %gather3A_171 = tpu.vector_load_idx %arg6[%add3A_170] : memref<128xf32, #tpu.memory_space<vmem>>[vector<16xi32>], vector<16xf32>,
      %add3A_172 = arith.constant 96 : i32
      %add3A_173 = vector.broadcast %add3A_172 : i32 to vector<16xi32>
      %add3A_174 = arith.addi %add3A_163, %add3A_173 : vector<16xi32>
      %gather3A_175 = tpu.vector_load_idx %arg6[%add3A_174] : memref<128xf32, #tpu.memory_space<vmem>>[vector<16xi32>], vector<16xf32>,
      %gather3A_176 = tpu.vector_load_idx %arg7[%add3A_163] : memref<32xi32, #tpu.memory_space<vmem>>[vector<16xi32>], vector<16xi32>,
      %scan3A_177 = arith.constant 0 : i32
      %scan3A_178 = arith.constant 0 : i32
      %scan3A_179 = arith.constant 7 : i32
      %scan3A_180 = arith.addi %scan3A_178, %scan3A_179 : i32
      %scan3A_181 = arith.constant 1 : i32
      scf.for %scan3A_358 = %scan3A_178 to %scan3A_180 step %scan3A_181  : i32 {
        %convert_element_type3A_359 = arith.sitofp %scan3A_358 : i32 to f32
        %broadcast_in_dim3A_360 = arith.constant 0.000000e+00 : f32
        %broadcast_in_dim3A_361 = vector.broadcast %broadcast_in_dim3A_360 : f32 to vector<16xf32>
        %add3A_362 = vector.broadcast %convert_element_type3A_359 : f32 to vector<16xf32>
        %add3A_363 = arith.addf %broadcast_in_dim3A_361, %add3A_362 : vector<16xf32>
        %add3A_364 = arith.addf %add3A_363, %mul3A_124 : vector<16xf32>
        %mul3A_365 = arith.mulf %add3A_364, %gather3A_175 : vector<16xf32>
        %add3A_366 = arith.addf %gather3A_167, %mul3A_365 : vector<16xf32>
        %ge3A = arith.constant -1.000000e+00 : f32
        %ge3A_367 = vector.broadcast %ge3A : f32 to vector<16xf32>
        %ge3A_368 = arith.cmpf oge, %add3A_366, %ge3A_367 : vector<16xf32>
        %le3A = arith.constant 6.400000e+01 : f32
        %le3A_369 = vector.broadcast %le3A : f32 to vector<16xf32>
        %le3A_370 = arith.cmpf ole, %add3A_366, %le3A_369 : vector<16xf32>
        %and3A_371 = arith.andi %ge3A_368, %le3A_370 : vector<16xi1>
        %jit3A = arith.constant 0.000000e+00 : f32
        %jit3A_372 = arith.constant 6.300000e+01 : f32
        %max3A = vector.broadcast %jit3A : f32 to vector<16xf32>
        %max3A_373 = arith.maximumf %max3A, %add3A_366 : vector<16xf32>
        %min3A = vector.broadcast %jit3A_372 : f32 to vector<16xf32>
        %min3A_374 = arith.minimumf %min3A, %max3A_373 : vector<16xf32>
        %convert_element_type3A_375 = arith.fptosi %min3A_374 : vector<16xf32> to vector<16xi32>
        %convert_element_type3A_376 = arith.sitofp %convert_element_type3A_375 : vector<16xi32> to vector<16xf32>
        %sub3A_377 = arith.subf %min3A_374, %convert_element_type3A_376 : vector<16xf32>
        %add3A_378 = arith.constant 1 : i32
        %add3A_379 = vector.broadcast %add3A_378 : i32 to vector<16xi32>
        %add3A_380 = arith.addi %convert_element_type3A_375, %add3A_379 : vector<16xi32>
        %min3A_381 = arith.constant 63 : i32
        %min3A_382 = vector.broadcast %min3A_381 : i32 to vector<16xi32>
        %min3A_383 = arith.minsi %add3A_380, %min3A_382 : vector<16xi32>
        %select_n3A = arith.select %eq3A_139, %min3A_383, %convert_element_type3A_375 : vector<16xi1>, vector<16xi32>
        %sub3A_384 = arith.constant 1.000000e+00 : f32
        %sub3A_385 = vector.broadcast %sub3A_384 : f32 to vector<16xf32>
        %sub3A_386 = arith.subf %sub3A_385, %sub3A_377 : vector<16xf32>
        %select_n3A_387 = arith.select %eq3A_139, %sub3A_377, %sub3A_386 : vector<16xi1>, vector<16xf32>
        %mul3A_388 = arith.constant 64 : i32
        %mul3A_389 = vector.broadcast %mul3A_388 : i32 to vector<16xi32>
        %mul3A_390 = arith.muli %select_n3A, %mul3A_389 : vector<16xi32>
        %add3A_391 = arith.addi %gather3A_176, %mul3A_390 : vector<16xi32>
        %mul3A_392 = arith.constant 16 : i32
        %mul3A_393 = arith.muli %scan3A_358, %mul3A_392 : i32
        %swap3A_394 = arith.index_cast %mul3A_393 : i32 to index
        %swap3A_395 = tpu.vector_load %arg10[%swap3A_394] {strides = array<i32>} : memref<112xi32, #tpu.memory_space<vmem>>, vector<16xi32>,
        tpu.vector_store %arg10[%swap3A_394], %add3A_391 {strides = array<i32>} : memref<112xi32, #tpu.memory_space<vmem>>, vector<16xi32>,
        %mul3A_396 = arith.constant 2.500000e-01 : f32
        %mul3A_397 = vector.broadcast %mul3A_396 : f32 to vector<16xf32>
        %mul3A_398 = arith.mulf %select_n3A_387, %mul3A_397 : vector<16xf32>
        %jit3A_399 = arith.constant 0.000000e+00 : f32
        %broadcast_in_dim3A_400 = vector.broadcast %jit3A_399 : f32 to vector<16xf32>
        %select_n3A_401 = arith.select %and3A_371, %mul3A_398, %broadcast_in_dim3A_400 : vector<16xi1>, vector<16xf32>
        %mul3A_402 = arith.constant 16 : i32
        %mul3A_403 = arith.muli %scan3A_358, %mul3A_402 : i32
        %swap3A_404 = arith.index_cast %mul3A_403 : i32 to index
        %swap3A_405 = tpu.vector_load %arg11[%swap3A_404] {strides = array<i32>} : memref<112xf32, #tpu.memory_space<vmem>>, vector<16xf32>,
        tpu.vector_store %arg11[%swap3A_404], %select_n3A_401 {strides = array<i32>} : memref<112xf32, #tpu.memory_space<vmem>>, vector<16xf32>,
      }
      %scan3A_182 = arith.constant 7 : i32
      %scan3A_183 = arith.constant 0 : i32
      %scan3A_184 = arith.constant 0 : i32
      %scan3A_185 = arith.constant 7 : i32
      %scan3A_186 = arith.addi %scan3A_184, %scan3A_185 : i32
      %scan3A_187 = arith.constant 1 : i32
      scf.for %scan3A_358 = %scan3A_184 to %scan3A_186 step %scan3A_187  : i32 {
        %convert_element_type3A_359 = arith.sitofp %scan3A_358 : i32 to f32
        %broadcast_in_dim3A_360 = arith.constant 0.000000e+00 : f32
        %broadcast_in_dim3A_361 = vector.broadcast %broadcast_in_dim3A_360 : f32 to vector<16xf32>
        %add3A_362 = vector.broadcast %convert_element_type3A_359 : f32 to vector<16xf32>
        %add3A_363 = arith.addf %broadcast_in_dim3A_361, %add3A_362 : vector<16xf32>
        %add3A_364 = arith.addf %add3A_363, %mul3A_134 : vector<16xf32>
        %mul3A_365 = arith.mulf %add3A_364, %gather3A_171 : vector<16xf32>
        %add3A_366 = arith.addf %gather3A, %mul3A_365 : vector<16xf32>
        %ge3A = arith.constant -1.000000e+00 : f32
        %ge3A_367 = vector.broadcast %ge3A : f32 to vector<16xf32>
        %ge3A_368 = arith.cmpf oge, %add3A_366, %ge3A_367 : vector<16xf32>
        %le3A = arith.constant 6.400000e+01 : f32
        %le3A_369 = vector.broadcast %le3A : f32 to vector<16xf32>
        %le3A_370 = arith.cmpf ole, %add3A_366, %le3A_369 : vector<16xf32>
        %and3A_371 = arith.andi %ge3A_368, %le3A_370 : vector<16xi1>
        %jit3A = arith.constant 0.000000e+00 : f32
        %jit3A_372 = arith.constant 6.300000e+01 : f32
        %max3A = vector.broadcast %jit3A : f32 to vector<16xf32>
        %max3A_373 = arith.maximumf %max3A, %add3A_366 : vector<16xf32>
        %min3A = vector.broadcast %jit3A_372 : f32 to vector<16xf32>
        %min3A_374 = arith.minimumf %min3A, %max3A_373 : vector<16xf32>
        %convert_element_type3A_375 = arith.fptosi %min3A_374 : vector<16xf32> to vector<16xi32>
        %convert_element_type3A_376 = arith.sitofp %convert_element_type3A_375 : vector<16xi32> to vector<16xf32>
        %sub3A_377 = arith.subf %min3A_374, %convert_element_type3A_376 : vector<16xf32>
        %add3A_378 = arith.constant 1 : i32
        %add3A_379 = vector.broadcast %add3A_378 : i32 to vector<16xi32>
        %add3A_380 = arith.addi %convert_element_type3A_375, %add3A_379 : vector<16xi32>
        %min3A_381 = arith.constant 63 : i32
        %min3A_382 = vector.broadcast %min3A_381 : i32 to vector<16xi32>
        %min3A_383 = arith.minsi %add3A_380, %min3A_382 : vector<16xi32>
        %select_n3A = arith.select %eq3A_145, %min3A_383, %convert_element_type3A_375 : vector<16xi1>, vector<16xi32>
        %sub3A_384 = arith.constant 1.000000e+00 : f32
        %sub3A_385 = vector.broadcast %sub3A_384 : f32 to vector<16xf32>
        %sub3A_386 = arith.subf %sub3A_385, %sub3A_377 : vector<16xf32>
        %select_n3A_387 = arith.select %eq3A_145, %sub3A_377, %sub3A_386 : vector<16xi1>, vector<16xf32>
        %mul3A_388 = arith.constant 16 : i32
        %mul3A_389 = arith.muli %scan3A_358, %mul3A_388 : i32
        %swap3A_390 = arith.index_cast %mul3A_389 : i32 to index
        %swap3A_391 = tpu.vector_load %arg12[%swap3A_390] {strides = array<i32>} : memref<112xi32, #tpu.memory_space<vmem>>, vector<16xi32>,
        tpu.vector_store %arg12[%swap3A_390], %select_n3A {strides = array<i32>} : memref<112xi32, #tpu.memory_space<vmem>>, vector<16xi32>,
        %jit3A_392 = arith.constant 0.000000e+00 : f32
        %broadcast_in_dim3A_393 = vector.broadcast %jit3A_392 : f32 to vector<16xf32>
        %select_n3A_394 = arith.select %and3A_371, %select_n3A_387, %broadcast_in_dim3A_393 : vector<16xi1>, vector<16xf32>
        %mul3A_395 = arith.constant 16 : i32
        %mul3A_396 = arith.muli %scan3A_358, %mul3A_395 : i32
        %swap3A_397 = arith.index_cast %mul3A_396 : i32 to index
        %swap3A_398 = tpu.vector_load %arg13[%swap3A_397] {strides = array<i32>} : memref<112xf32, #tpu.memory_space<vmem>>, vector<16xf32>,
        tpu.vector_store %arg13[%swap3A_397], %select_n3A_394 {strides = array<i32>} : memref<112xf32, #tpu.memory_space<vmem>>, vector<16xf32>,
      }
      %scan3A_188 = arith.constant 7 : i32
      %parallel_loop3A = arith.constant 0 : i32
      %parallel_loop3A_189 = arith.constant 7 : i32
      %parallel_loop3A_190 = arith.constant 1 : i32
      scf.for %parallel_loop3A_358 = %parallel_loop3A to %parallel_loop3A_189 step %parallel_loop3A_190  : i32 {
        %parallel_loop3A_359 = arith.constant 0 : i32
        %parallel_loop3A_360 = arith.subi %parallel_loop3A_358, %parallel_loop3A_359 : i32
        %parallel_loop3A_361 = arith.constant 7 : i32
        %parallel_loop3A_362 = arith.divsi %parallel_loop3A_358, %parallel_loop3A_361 : i32
        %parallel_loop3A_363 = arith.constant 0 : i32
        %parallel_loop3A_364 = arith.cmpi sgt, %parallel_loop3A_358, %parallel_loop3A_363 : i32
        %parallel_loop3A_365 = arith.extui %parallel_loop3A_364 : i1 to i32
        %parallel_loop3A_366 = arith.constant 0 : i32
        %parallel_loop3A_367 = arith.cmpi slt, %parallel_loop3A_358, %parallel_loop3A_366 : i32
        %parallel_loop3A_368 = arith.extui %parallel_loop3A_367 : i1 to i32
        %parallel_loop3A_369 = arith.subi %parallel_loop3A_365, %parallel_loop3A_368 : i32
        %parallel_loop3A_370 = arith.constant 0 : i32
        %parallel_loop3A_371 = arith.cmpi sgt, %parallel_loop3A_361, %parallel_loop3A_370 : i32
        %parallel_loop3A_372 = arith.extui %parallel_loop3A_371 : i1 to i32
        %parallel_loop3A_373 = arith.constant 0 : i32
        %parallel_loop3A_374 = arith.cmpi slt, %parallel_loop3A_361, %parallel_loop3A_373 : i32
        %parallel_loop3A_375 = arith.extui %parallel_loop3A_374 : i1 to i32
        %parallel_loop3A_376 = arith.subi %parallel_loop3A_372, %parallel_loop3A_375 : i32
        %parallel_loop3A_377 = arith.cmpi ne, %parallel_loop3A_369, %parallel_loop3A_376 : i32
        %parallel_loop3A_378 = arith.remsi %parallel_loop3A_358, %parallel_loop3A_361 : i32
        %parallel_loop3A_379 = arith.constant 0 : i32
        %parallel_loop3A_380 = arith.cmpi ne, %parallel_loop3A_378, %parallel_loop3A_379 : i32
        %parallel_loop3A_381 = arith.andi %parallel_loop3A_377, %parallel_loop3A_380 : i1
        %parallel_loop3A_382 = arith.constant 1 : i32
        %parallel_loop3A_383 = arith.subi %parallel_loop3A_362, %parallel_loop3A_382 : i32
        %parallel_loop3A_384 = arith.select %parallel_loop3A_381, %parallel_loop3A_383, %parallel_loop3A_362 : i32
        %parallel_loop3A_385 = arith.constant 7 : i32
        %parallel_loop3A_386 = arith.constant 0 : i32
        %parallel_loop3A_387 = arith.cmpi eq, %parallel_loop3A_385, %parallel_loop3A_386 : i32
        %parallel_loop3A_388 = arith.constant 1 : i32
        %parallel_loop3A_389 = arith.select %parallel_loop3A_387, %parallel_loop3A_388, %parallel_loop3A_385 : i32
        %parallel_loop3A_390 = arith.remsi %parallel_loop3A_358, %parallel_loop3A_389 : i32
        %parallel_loop3A_391 = arith.constant 0 : i32
        %parallel_loop3A_392 = arith.cmpi ne, %parallel_loop3A_390, %parallel_loop3A_391 : i32
        %parallel_loop3A_393 = arith.constant 0 : i32
        %parallel_loop3A_394 = arith.cmpi slt, %parallel_loop3A_390, %parallel_loop3A_393 : i32
        %parallel_loop3A_395 = arith.constant 0 : i32
        %parallel_loop3A_396 = arith.cmpi slt, %parallel_loop3A_389, %parallel_loop3A_395 : i32
        %parallel_loop3A_397 = arith.xori %parallel_loop3A_394, %parallel_loop3A_396 : i1
        %parallel_loop3A_398 = arith.andi %parallel_loop3A_397, %parallel_loop3A_392 : i1
        %parallel_loop3A_399 = arith.addi %parallel_loop3A_390, %parallel_loop3A_389 : i32
        %parallel_loop3A_400 = arith.select %parallel_loop3A_398, %parallel_loop3A_399, %parallel_loop3A_390 : i32
        %parallel_loop3A_401 = arith.constant 16 : i32
        %parallel_loop3A_402 = arith.muli %parallel_loop3A_384, %parallel_loop3A_401 : i32
        %parallel_loop3A_403 = arith.index_cast %parallel_loop3A_402 : i32 to index
        %parallel_loop3A_404 = tpu.vector_load %arg10[%parallel_loop3A_403] {strides = array<i32>} : memref<112xi32, #tpu.memory_space<vmem>>, vector<16xi32>,
        %parallel_loop3A_405 = arith.constant 16 : i32
        %parallel_loop3A_406 = arith.muli %parallel_loop3A_400, %parallel_loop3A_405 : i32
        %parallel_loop3A_407 = arith.index_cast %parallel_loop3A_406 : i32 to index
        %parallel_loop3A_408 = tpu.vector_load %arg12[%parallel_loop3A_407] {strides = array<i32>} : memref<112xi32, #tpu.memory_space<vmem>>, vector<16xi32>,
        %parallel_loop3A_409 = arith.addi %parallel_loop3A_404, %parallel_loop3A_408 : vector<16xi32>
        %parallel_loop3A_410 = arith.constant 16 : i32
        %parallel_loop3A_411 = arith.muli %parallel_loop3A_360, %parallel_loop3A_410 : i32
        %parallel_loop3A_412 = arith.constant 0 : i32
        %parallel_loop3A_413 = arith.index_cast %parallel_loop3A_412 : i32 to index
        %parallel_loop3A_414 = arith.index_cast %parallel_loop3A_411 : i32 to index
        %parallel_loop3A_415 = tpu.vector_load %arg8[%parallel_loop3A_413, %parallel_loop3A_414] {strides = array<i32>} : memref<7x112xi32, #tpu.memory_space<vmem>>, vector<16xi32>,
        tpu.vector_store %arg8[%parallel_loop3A_413, %parallel_loop3A_414], %parallel_loop3A_409 {strides = array<i32>} : memref<7x112xi32, #tpu.memory_space<vmem>>, vector<16xi32>,
        %parallel_loop3A_416 = arith.constant 16 : i32
        %parallel_loop3A_417 = arith.muli %parallel_loop3A_384, %parallel_loop3A_416 : i32
        %parallel_loop3A_418 = arith.index_cast %parallel_loop3A_417 : i32 to index
        %parallel_loop3A_419 = tpu.vector_load %arg11[%parallel_loop3A_418] {strides = array<i32>} : memref<112xf32, #tpu.memory_space<vmem>>, vector<16xf32>,
        %parallel_loop3A_420 = arith.constant 16 : i32
        %parallel_loop3A_421 = arith.muli %parallel_loop3A_400, %parallel_loop3A_420 : i32
        %parallel_loop3A_422 = arith.index_cast %parallel_loop3A_421 : i32 to index
        %parallel_loop3A_423 = tpu.vector_load %arg13[%parallel_loop3A_422] {strides = array<i32>} : memref<112xf32, #tpu.memory_space<vmem>>, vector<16xf32>,
        %parallel_loop3A_424 = arith.mulf %parallel_loop3A_419, %parallel_loop3A_423 : vector<16xf32>
        %parallel_loop3A_425 = arith.constant 16 : i32
        %parallel_loop3A_426 = arith.muli %parallel_loop3A_358, %parallel_loop3A_425 : i32
        %parallel_loop3A_427 = arith.index_cast %parallel_loop3A_426 : i32 to index
        %parallel_loop3A_428 = tpu.vector_load %arg9[%parallel_loop3A_427] {strides = array<i32>} : memref<784xf32, #tpu.memory_space<vmem>>, vector<16xf32>,
        tpu.vector_store %arg9[%parallel_loop3A_427], %parallel_loop3A_424 {strides = array<i32>} : memref<784xf32, #tpu.memory_space<vmem>>, vector<16xf32>,
      } {sc.loop_unroll_factor = 1 : i64, sc.parallel_access}
      %dma_start3A = arith.constant 0 : i32
      %dma_start3A_191 = arith.constant 0 : i32
      %dma_start3A_192 = tpu.memref_slice %arg8[%dma_start3A, %dma_start3A_191] : memref<7x112xi32, #tpu.memory_space<vmem>> -> memref<1x112xi32, #tpu.memory_space<vmem>>
      %dma_start3A_193 = tpu.memref_squeeze %dma_start3A_192 : memref<1x112xi32, #tpu.memory_space<vmem>> -> memref<112xi32, #tpu.memory_space<vmem>>
      %dma_start3A_194 = arith.constant 0 : i32
      %dma_start3A_195 = arith.constant 0 : i32
      %dma_start3A_196 = tpu.memref_slice %arg2[%dma_start3A_194, %dma_start3A_195] : memref<16384x192xbf16, #tpu.memory_space<hbm>> -> memref<16384x192xbf16, #tpu.memory_space<hbm>>
      tpu.enqueue_indirect_dma source(%dma_start3A_196 : memref<16384x192xbf16, #tpu.memory_space<hbm>>) target(%arg14 : memref<112x192xbf16, #tpu.memory_space<vmem>>) offsets(%dma_start3A_193 : memref<112xi32, #tpu.memory_space<vmem>>) semaphore(%arg17 : memref<!tpu.dma_semaphore, #tpu.memory_space<semaphore_mem>>)
      %parallel_loop3A_197 = arith.constant 7 : i32
      %parallel_loop3A_198 = arith.constant 14 : i32
      %parallel_loop3A_199 = arith.constant 1 : i32
      scf.for %parallel_loop3A_358 = %parallel_loop3A_197 to %parallel_loop3A_198 step %parallel_loop3A_199  : i32 {
        %parallel_loop3A_359 = arith.constant 7 : i32
        %parallel_loop3A_360 = arith.subi %parallel_loop3A_358, %parallel_loop3A_359 : i32
        %parallel_loop3A_361 = arith.constant 7 : i32
        %parallel_loop3A_362 = arith.divsi %parallel_loop3A_358, %parallel_loop3A_361 : i32
        %parallel_loop3A_363 = arith.constant 0 : i32
        %parallel_loop3A_364 = arith.cmpi sgt, %parallel_loop3A_358, %parallel_loop3A_363 : i32
        %parallel_loop3A_365 = arith.extui %parallel_loop3A_364 : i1 to i32
        %parallel_loop3A_366 = arith.constant 0 : i32
        %parallel_loop3A_367 = arith.cmpi slt, %parallel_loop3A_358, %parallel_loop3A_366 : i32
        %parallel_loop3A_368 = arith.extui %parallel_loop3A_367 : i1 to i32
        %parallel_loop3A_369 = arith.subi %parallel_loop3A_365, %parallel_loop3A_368 : i32
        %parallel_loop3A_370 = arith.constant 0 : i32
        %parallel_loop3A_371 = arith.cmpi sgt, %parallel_loop3A_361, %parallel_loop3A_370 : i32
        %parallel_loop3A_372 = arith.extui %parallel_loop3A_371 : i1 to i32
        %parallel_loop3A_373 = arith.constant 0 : i32
        %parallel_loop3A_374 = arith.cmpi slt, %parallel_loop3A_361, %parallel_loop3A_373 : i32
        %parallel_loop3A_375 = arith.extui %parallel_loop3A_374 : i1 to i32
        %parallel_loop3A_376 = arith.subi %parallel_loop3A_372, %parallel_loop3A_375 : i32
        %parallel_loop3A_377 = arith.cmpi ne, %parallel_loop3A_369, %parallel_loop3A_376 : i32
        %parallel_loop3A_378 = arith.remsi %parallel_loop3A_358, %parallel_loop3A_361 : i32
        %parallel_loop3A_379 = arith.constant 0 : i32
        %parallel_loop3A_380 = arith.cmpi ne, %parallel_loop3A_378, %parallel_loop3A_379 : i32
        %parallel_loop3A_381 = arith.andi %parallel_loop3A_377, %parallel_loop3A_380 : i1
        %parallel_loop3A_382 = arith.constant 1 : i32
        %parallel_loop3A_383 = arith.subi %parallel_loop3A_362, %parallel_loop3A_382 : i32
        %parallel_loop3A_384 = arith.select %parallel_loop3A_381, %parallel_loop3A_383, %parallel_loop3A_362 : i32
        %parallel_loop3A_385 = arith.constant 7 : i32
        %parallel_loop3A_386 = arith.constant 0 : i32
        %parallel_loop3A_387 = arith.cmpi eq, %parallel_loop3A_385, %parallel_loop3A_386 : i32
        %parallel_loop3A_388 = arith.constant 1 : i32
        %parallel_loop3A_389 = arith.select %parallel_loop3A_387, %parallel_loop3A_388, %parallel_loop3A_385 : i32
        %parallel_loop3A_390 = arith.remsi %parallel_loop3A_358, %parallel_loop3A_389 : i32
        %parallel_loop3A_391 = arith.constant 0 : i32
        %parallel_loop3A_392 = arith.cmpi ne, %parallel_loop3A_390, %parallel_loop3A_391 : i32
        %parallel_loop3A_393 = arith.constant 0 : i32
        %parallel_loop3A_394 = arith.cmpi slt, %parallel_loop3A_390, %parallel_loop3A_393 : i32
        %parallel_loop3A_395 = arith.constant 0 : i32
        %parallel_loop3A_396 = arith.cmpi slt, %parallel_loop3A_389, %parallel_loop3A_395 : i32
        %parallel_loop3A_397 = arith.xori %parallel_loop3A_394, %parallel_loop3A_396 : i1
        %parallel_loop3A_398 = arith.andi %parallel_loop3A_397, %parallel_loop3A_392 : i1
        %parallel_loop3A_399 = arith.addi %parallel_loop3A_390, %parallel_loop3A_389 : i32
        %parallel_loop3A_400 = arith.select %parallel_loop3A_398, %parallel_loop3A_399, %parallel_loop3A_390 : i32
        %parallel_loop3A_401 = arith.constant 16 : i32
        %parallel_loop3A_402 = arith.muli %parallel_loop3A_384, %parallel_loop3A_401 : i32
        %parallel_loop3A_403 = arith.index_cast %parallel_loop3A_402 : i32 to index
        %parallel_loop3A_404 = tpu.vector_load %arg10[%parallel_loop3A_403] {strides = array<i32>} : memref<112xi32, #tpu.memory_space<vmem>>, vector<16xi32>,
        %parallel_loop3A_405 = arith.constant 16 : i32
        %parallel_loop3A_406 = arith.muli %parallel_loop3A_400, %parallel_loop3A_405 : i32
        %parallel_loop3A_407 = arith.index_cast %parallel_loop3A_406 : i32 to index
        %parallel_loop3A_408 = tpu.vector_load %arg12[%parallel_loop3A_407] {strides = array<i32>} : memref<112xi32, #tpu.memory_space<vmem>>, vector<16xi32>,
        %parallel_loop3A_409 = arith.addi %parallel_loop3A_404, %parallel_loop3A_408 : vector<16xi32>
        %parallel_loop3A_410 = arith.constant 16 : i32
        %parallel_loop3A_411 = arith.muli %parallel_loop3A_360, %parallel_loop3A_410 : i32
        %parallel_loop3A_412 = arith.constant 1 : i32
        %parallel_loop3A_413 = arith.index_cast %parallel_loop3A_412 : i32 to index
        %parallel_loop3A_414 = arith.index_cast %parallel_loop3A_411 : i32 to index
        %parallel_loop3A_415 = tpu.vector_load %arg8[%parallel_loop3A_413, %parallel_loop3A_414] {strides = array<i32>} : memref<7x112xi32, #tpu.memory_space<vmem>>, vector<16xi32>,
        tpu.vector_store %arg8[%parallel_loop3A_413, %parallel_loop3A_414], %parallel_loop3A_409 {strides = array<i32>} : memref<7x112xi32, #tpu.memory_space<vmem>>, vector<16xi32>,
        %parallel_loop3A_416 = arith.constant 16 : i32
        %parallel_loop3A_417 = arith.muli %parallel_loop3A_384, %parallel_loop3A_416 : i32
        %parallel_loop3A_418 = arith.index_cast %parallel_loop3A_417 : i32 to index
        %parallel_loop3A_419 = tpu.vector_load %arg11[%parallel_loop3A_418] {strides = array<i32>} : memref<112xf32, #tpu.memory_space<vmem>>, vector<16xf32>,
        %parallel_loop3A_420 = arith.constant 16 : i32
        %parallel_loop3A_421 = arith.muli %parallel_loop3A_400, %parallel_loop3A_420 : i32
        %parallel_loop3A_422 = arith.index_cast %parallel_loop3A_421 : i32 to index
        %parallel_loop3A_423 = tpu.vector_load %arg13[%parallel_loop3A_422] {strides = array<i32>} : memref<112xf32, #tpu.memory_space<vmem>>, vector<16xf32>,
        %parallel_loop3A_424 = arith.mulf %parallel_loop3A_419, %parallel_loop3A_423 : vector<16xf32>
        %parallel_loop3A_425 = arith.constant 16 : i32
        %parallel_loop3A_426 = arith.muli %parallel_loop3A_358, %parallel_loop3A_425 : i32
        %parallel_loop3A_427 = arith.index_cast %parallel_loop3A_426 : i32 to index
        %parallel_loop3A_428 = tpu.vector_load %arg9[%parallel_loop3A_427] {strides = array<i32>} : memref<784xf32, #tpu.memory_space<vmem>>, vector<16xf32>,
        tpu.vector_store %arg9[%parallel_loop3A_427], %parallel_loop3A_424 {strides = array<i32>} : memref<784xf32, #tpu.memory_space<vmem>>, vector<16xf32>,
      } {sc.loop_unroll_factor = 1 : i64, sc.parallel_access}
      %dma_start3A_200 = arith.constant 1 : i32
      %dma_start3A_201 = arith.constant 0 : i32
      %dma_start3A_202 = tpu.memref_slice %arg8[%dma_start3A_200, %dma_start3A_201] : memref<7x112xi32, #tpu.memory_space<vmem>> -> memref<1x112xi32, #tpu.memory_space<vmem>>
      %dma_start3A_203 = tpu.memref_squeeze %dma_start3A_202 : memref<1x112xi32, #tpu.memory_space<vmem>> -> memref<112xi32, #tpu.memory_space<vmem>>
      %dma_start3A_204 = arith.constant 0 : i32
      %dma_start3A_205 = arith.constant 0 : i32
      %dma_start3A_206 = tpu.memref_slice %arg2[%dma_start3A_204, %dma_start3A_205] : memref<16384x192xbf16, #tpu.memory_space<hbm>> -> memref<16384x192xbf16, #tpu.memory_space<hbm>>
      tpu.enqueue_indirect_dma source(%dma_start3A_206 : memref<16384x192xbf16, #tpu.memory_space<hbm>>) target(%arg15 : memref<112x192xbf16, #tpu.memory_space<vmem>>) offsets(%dma_start3A_203 : memref<112xi32, #tpu.memory_space<vmem>>) semaphore(%arg18 : memref<!tpu.dma_semaphore, #tpu.memory_space<semaphore_mem>>)
      %gt3A = arith.constant 0 : i32
      %gt3A_207 = arith.cmpi sgt, %scan3A_160, %gt3A : i32
      %convert_element_type3A_208 = arith.extui %gt3A_207 : i1 to i32
      %cond3A = arith.constant 0 : i32
      %cond3A_209 = arith.cmpi ne, %convert_element_type3A_208, %cond3A : i32
      scf.if %cond3A_209 {
        %dma_wait3A_358 = arith.constant 0 : i32
        %dma_wait3A_359 = tpu.memref_slice %arg4[%mul3A_2, %dma_wait3A_358] : memref<1024x9408xf32, #tpu.memory_space<hbm>> -> memref<1x9408xf32, #tpu.memory_space<hbm>>
        %dma_wait3A_360 = tpu.memref_squeeze %dma_wait3A_359 : memref<1x9408xf32, #tpu.memory_space<hbm>> -> memref<9408xf32, #tpu.memory_space<hbm>>
        %dma_wait3A_361 = arith.constant 0 : i32
        %dma_wait3A_362 = tpu.memref_slice %arg4[%mul3A_2, %dma_wait3A_361] : memref<1024x9408xf32, #tpu.memory_space<hbm>> -> memref<1x9408xf32, #tpu.memory_space<hbm>>
        %dma_wait3A_363 = tpu.memref_squeeze %dma_wait3A_362 : memref<1x9408xf32, #tpu.memory_space<hbm>> -> memref<9408xf32, #tpu.memory_space<hbm>>
        tpu.wait_dma2 semaphore(%arg19 : memref<!tpu.dma_semaphore, #tpu.memory_space<semaphore_mem>>) src(%arg16 : memref<9408xf32, #tpu.memory_space<vmem>>) dst(%dma_wait3A_363 : memref<9408xf32, #tpu.memory_space<hbm>>)
      } else {
      }
      %dma_wait3A_210 = arith.constant 0 : i32
      %dma_wait3A_211 = arith.constant 0 : i32
      %dma_wait3A_212 = tpu.memref_slice %arg8[%dma_wait3A_210, %dma_wait3A_211] : memref<7x112xi32, #tpu.memory_space<vmem>> -> memref<1x112xi32, #tpu.memory_space<vmem>>
      %dma_wait3A_213 = tpu.memref_squeeze %dma_wait3A_212 : memref<1x112xi32, #tpu.memory_space<vmem>> -> memref<112xi32, #tpu.memory_space<vmem>>
      %dma_wait3A_214 = arith.constant 0 : i32
      %dma_wait3A_215 = arith.constant 0 : i32
      %dma_wait3A_216 = tpu.memref_slice %arg2[%dma_wait3A_214, %dma_wait3A_215] : memref<16384x192xbf16, #tpu.memory_space<hbm>> -> memref<16384x192xbf16, #tpu.memory_space<hbm>>
      tpu.wait_indirect_dma semaphore(%arg17 : memref<!tpu.dma_semaphore, #tpu.memory_space<semaphore_mem>>) src(%dma_wait3A_216 : memref<16384x192xbf16, #tpu.memory_space<hbm>>) dst(%arg14 : memref<112x192xbf16, #tpu.memory_space<vmem>>)
      %scan3A_217 = arith.constant 0 : i32
      %scan3A_218 = arith.constant 0 : i32
      %scan3A_219 = arith.constant 7 : i32
      %scan3A_220 = arith.addi %scan3A_218, %scan3A_219 : i32
      %scan3A_221 = arith.constant 1 : i32
      scf.for %scan3A_358 = %scan3A_218 to %scan3A_220 step %scan3A_221  : i32 {
        %add3A_359 = arith.constant 0 : i32
        %add3A_360 = arith.addi %add3A_359, %scan3A_358 : i32
        %broadcast_in_dim3A_361 = arith.constant 0 : i32
        %broadcast_in_dim3A_362 = vector.broadcast %broadcast_in_dim3A_361 : i32 to vector<16xi32>
        %mul3A_363 = arith.constant 16 : i32
        %mul3A_364 = arith.muli %add3A_360, %mul3A_363 : i32
        %add3A_365 = vector.broadcast %mul3A_364 : i32 to vector<16xi32>
        %add3A_366 = arith.addi %broadcast_in_dim3A_362, %add3A_365 : vector<16xi32>
        %add3A_367 = arith.constant 0 : i32
        %add3A_368 = vector.broadcast %add3A_367 : i32 to vector<16xi32>
        %add3A_369 = arith.addi %add3A_366, %add3A_368 : vector<16xi32>
        %gather3A_370 = tpu.vector_load_idx %arg9[%add3A_369] : memref<784xf32, #tpu.memory_space<vmem>>[vector<16xi32>], vector<16xf32>,
        %pack3A = tpu.pack_subelements %gather3A_370, %gather3A_370 {pack_format = #tpu.pack_format<interleaved>, positions = array<i32: 0, 1>} : vector<16xf32>, vector<16xf32> -> vector<32xbf16>
        %add3A_371 = arith.constant 1 : i32
        %add3A_372 = vector.broadcast %add3A_371 : i32 to vector<16xi32>
        %add3A_373 = arith.addi %add3A_366, %add3A_372 : vector<16xi32>
        %gather3A_374 = tpu.vector_load_idx %arg9[%add3A_373] : memref<784xf32, #tpu.memory_space<vmem>>[vector<16xi32>], vector<16xf32>,
        %pack3A_375 = tpu.pack_subelements %gather3A_374, %gather3A_374 {pack_format = #tpu.pack_format<interleaved>, positions = array<i32: 0, 1>} : vector<16xf32>, vector<16xf32> -> vector<32xbf16>
        %add3A_376 = arith.constant 2 : i32
        %add3A_377 = vector.broadcast %add3A_376 : i32 to vector<16xi32>
        %add3A_378 = arith.addi %add3A_366, %add3A_377 : vector<16xi32>
        %gather3A_379 = tpu.vector_load_idx %arg9[%add3A_378] : memref<784xf32, #tpu.memory_space<vmem>>[vector<16xi32>], vector<16xf32>,
        %pack3A_380 = tpu.pack_subelements %gather3A_379, %gather3A_379 {pack_format = #tpu.pack_format<interleaved>, positions = array<i32: 0, 1>} : vector<16xf32>, vector<16xf32> -> vector<32xbf16>
        %add3A_381 = arith.constant 3 : i32
        %add3A_382 = vector.broadcast %add3A_381 : i32 to vector<16xi32>
        %add3A_383 = arith.addi %add3A_366, %add3A_382 : vector<16xi32>
        %gather3A_384 = tpu.vector_load_idx %arg9[%add3A_383] : memref<784xf32, #tpu.memory_space<vmem>>[vector<16xi32>], vector<16xf32>,
        %pack3A_385 = tpu.pack_subelements %gather3A_384, %gather3A_384 {pack_format = #tpu.pack_format<interleaved>, positions = array<i32: 0, 1>} : vector<16xf32>, vector<16xf32> -> vector<32xbf16>
        %add3A_386 = arith.constant 4 : i32
        %add3A_387 = vector.broadcast %add3A_386 : i32 to vector<16xi32>
        %add3A_388 = arith.addi %add3A_366, %add3A_387 : vector<16xi32>
        %gather3A_389 = tpu.vector_load_idx %arg9[%add3A_388] : memref<784xf32, #tpu.memory_space<vmem>>[vector<16xi32>], vector<16xf32>,
        %pack3A_390 = tpu.pack_subelements %gather3A_389, %gather3A_389 {pack_format = #tpu.pack_format<interleaved>, positions = array<i32: 0, 1>} : vector<16xf32>, vector<16xf32> -> vector<32xbf16>
        %add3A_391 = arith.constant 5 : i32
        %add3A_392 = vector.broadcast %add3A_391 : i32 to vector<16xi32>
        %add3A_393 = arith.addi %add3A_366, %add3A_392 : vector<16xi32>
        %gather3A_394 = tpu.vector_load_idx %arg9[%add3A_393] : memref<784xf32, #tpu.memory_space<vmem>>[vector<16xi32>], vector<16xf32>,
        %pack3A_395 = tpu.pack_subelements %gather3A_394, %gather3A_394 {pack_format = #tpu.pack_format<interleaved>, positions = array<i32: 0, 1>} : vector<16xf32>, vector<16xf32> -> vector<32xbf16>
        %add3A_396 = arith.constant 6 : i32
        %add3A_397 = vector.broadcast %add3A_396 : i32 to vector<16xi32>
        %add3A_398 = arith.addi %add3A_366, %add3A_397 : vector<16xi32>
        %gather3A_399 = tpu.vector_load_idx %arg9[%add3A_398] : memref<784xf32, #tpu.memory_space<vmem>>[vector<16xi32>], vector<16xf32>,
        %pack3A_400 = tpu.pack_subelements %gather3A_399, %gather3A_399 {pack_format = #tpu.pack_format<interleaved>, positions = array<i32: 0, 1>} : vector<16xf32>, vector<16xf32> -> vector<32xbf16>
        %add3A_401 = arith.constant 7 : i32
        %add3A_402 = vector.broadcast %add3A_401 : i32 to vector<16xi32>
        %add3A_403 = arith.addi %add3A_366, %add3A_402 : vector<16xi32>
        %gather3A_404 = tpu.vector_load_idx %arg9[%add3A_403] : memref<784xf32, #tpu.memory_space<vmem>>[vector<16xi32>], vector<16xf32>,
        %pack3A_405 = tpu.pack_subelements %gather3A_404, %gather3A_404 {pack_format = #tpu.pack_format<interleaved>, positions = array<i32: 0, 1>} : vector<16xf32>, vector<16xf32> -> vector<32xbf16>
        %add3A_406 = arith.constant 8 : i32
        %add3A_407 = vector.broadcast %add3A_406 : i32 to vector<16xi32>
        %add3A_408 = arith.addi %add3A_366, %add3A_407 : vector<16xi32>
        %gather3A_409 = tpu.vector_load_idx %arg9[%add3A_408] : memref<784xf32, #tpu.memory_space<vmem>>[vector<16xi32>], vector<16xf32>,
        %pack3A_410 = tpu.pack_subelements %gather3A_409, %gather3A_409 {pack_format = #tpu.pack_format<interleaved>, positions = array<i32: 0, 1>} : vector<16xf32>, vector<16xf32> -> vector<32xbf16>
        %add3A_411 = arith.constant 9 : i32
        %add3A_412 = vector.broadcast %add3A_411 : i32 to vector<16xi32>
        %add3A_413 = arith.addi %add3A_366, %add3A_412 : vector<16xi32>
        %gather3A_414 = tpu.vector_load_idx %arg9[%add3A_413] : memref<784xf32, #tpu.memory_space<vmem>>[vector<16xi32>], vector<16xf32>,
        %pack3A_415 = tpu.pack_subelements %gather3A_414, %gather3A_414 {pack_format = #tpu.pack_format<interleaved>, positions = array<i32: 0, 1>} : vector<16xf32>, vector<16xf32> -> vector<32xbf16>
        %add3A_416 = arith.constant 10 : i32
        %add3A_417 = vector.broadcast %add3A_416 : i32 to vector<16xi32>
        %add3A_418 = arith.addi %add3A_366, %add3A_417 : vector<16xi32>
        %gather3A_419 = tpu.vector_load_idx %arg9[%add3A_418] : memref<784xf32, #tpu.memory_space<vmem>>[vector<16xi32>], vector<16xf32>,
        %pack3A_420 = tpu.pack_subelements %gather3A_419, %gather3A_419 {pack_format = #tpu.pack_format<interleaved>, positions = array<i32: 0, 1>} : vector<16xf32>, vector<16xf32> -> vector<32xbf16>
        %add3A_421 = arith.constant 11 : i32
        %add3A_422 = vector.broadcast %add3A_421 : i32 to vector<16xi32>
        %add3A_423 = arith.addi %add3A_366, %add3A_422 : vector<16xi32>
        %gather3A_424 = tpu.vector_load_idx %arg9[%add3A_423] : memref<784xf32, #tpu.memory_space<vmem>>[vector<16xi32>], vector<16xf32>,
        %pack3A_425 = tpu.pack_subelements %gather3A_424, %gather3A_424 {pack_format = #tpu.pack_format<interleaved>, positions = array<i32: 0, 1>} : vector<16xf32>, vector<16xf32> -> vector<32xbf16>
        %add3A_426 = arith.constant 12 : i32
        %add3A_427 = vector.broadcast %add3A_426 : i32 to vector<16xi32>
        %add3A_428 = arith.addi %add3A_366, %add3A_427 : vector<16xi32>
        %gather3A_429 = tpu.vector_load_idx %arg9[%add3A_428] : memref<784xf32, #tpu.memory_space<vmem>>[vector<16xi32>], vector<16xf32>,
        %pack3A_430 = tpu.pack_subelements %gather3A_429, %gather3A_429 {pack_format = #tpu.pack_format<interleaved>, positions = array<i32: 0, 1>} : vector<16xf32>, vector<16xf32> -> vector<32xbf16>
        %add3A_431 = arith.constant 13 : i32
        %add3A_432 = vector.broadcast %add3A_431 : i32 to vector<16xi32>
        %add3A_433 = arith.addi %add3A_366, %add3A_432 : vector<16xi32>
        %gather3A_434 = tpu.vector_load_idx %arg9[%add3A_433] : memref<784xf32, #tpu.memory_space<vmem>>[vector<16xi32>], vector<16xf32>,
        %pack3A_435 = tpu.pack_subelements %gather3A_434, %gather3A_434 {pack_format = #tpu.pack_format<interleaved>, positions = array<i32: 0, 1>} : vector<16xf32>, vector<16xf32> -> vector<32xbf16>
        %add3A_436 = arith.constant 14 : i32
        %add3A_437 = vector.broadcast %add3A_436 : i32 to vector<16xi32>
        %add3A_438 = arith.addi %add3A_366, %add3A_437 : vector<16xi32>
        %gather3A_439 = tpu.vector_load_idx %arg9[%add3A_438] : memref<784xf32, #tpu.memory_space<vmem>>[vector<16xi32>], vector<16xf32>,
        %pack3A_440 = tpu.pack_subelements %gather3A_439, %gather3A_439 {pack_format = #tpu.pack_format<interleaved>, positions = array<i32: 0, 1>} : vector<16xf32>, vector<16xf32> -> vector<32xbf16>
        %add3A_441 = arith.constant 15 : i32
        %add3A_442 = vector.broadcast %add3A_441 : i32 to vector<16xi32>
        %add3A_443 = arith.addi %add3A_366, %add3A_442 : vector<16xi32>
        %gather3A_444 = tpu.vector_load_idx %arg9[%add3A_443] : memref<784xf32, #tpu.memory_space<vmem>>[vector<16xi32>], vector<16xf32>,
        %pack3A_445 = tpu.pack_subelements %gather3A_444, %gather3A_444 {pack_format = #tpu.pack_format<interleaved>, positions = array<i32: 0, 1>} : vector<16xf32>, vector<16xf32> -> vector<32xbf16>
        %mul3A_446 = arith.constant 98 : i32
        %mul3A_447 = vector.broadcast %mul3A_446 : i32 to vector<16xi32>
        %mul3A_448 = arith.muli %iota3A, %mul3A_447 : vector<16xi32>
        %add3A_449 = vector.broadcast %add3A_360 : i32 to vector<16xi32>
        %add3A_450 = arith.addi %mul3A_448, %add3A_449 : vector<16xi32>
        %parallel_loop3A_451 = arith.constant 0 : i32
        %parallel_loop3A_452 = arith.constant 6 : i32
        %parallel_loop3A_453 = arith.constant 1 : i32
        scf.for %parallel_loop3A_454 = %parallel_loop3A_451 to %parallel_loop3A_452 step %parallel_loop3A_453  : i32 {
          %parallel_loop3A_455 = arith.constant 16 : i32
          %parallel_loop3A_456 = arith.muli %scan3A_358, %parallel_loop3A_455 : i32
          %parallel_loop3A_457 = arith.constant 0 : i32
          %parallel_loop3A_458 = arith.addi %parallel_loop3A_456, %parallel_loop3A_457 : i32
          %parallel_loop3A_459 = arith.constant 32 : i32
          %parallel_loop3A_460 = arith.muli %parallel_loop3A_454, %parallel_loop3A_459 : i32
          %parallel_loop3A_461 = arith.index_cast %parallel_loop3A_458 : i32 to index
          %parallel_loop3A_462 = arith.index_cast %parallel_loop3A_460 : i32 to index
          %parallel_loop3A_463 = tpu.vector_load %arg14[%parallel_loop3A_461, %parallel_loop3A_462] {strides = array<i32>} : memref<112x192xbf16, #tpu.memory_space<vmem>>, vector<32xbf16>,
          %parallel_loop3A_464 = arith.mulf %pack3A, %parallel_loop3A_463 : vector<32xbf16>
          %parallel_loop3A_465 = arith.constant 16 : i32
          %parallel_loop3A_466 = arith.muli %scan3A_358, %parallel_loop3A_465 : i32
          %parallel_loop3A_467 = arith.constant 1 : i32
          %parallel_loop3A_468 = arith.addi %parallel_loop3A_466, %parallel_loop3A_467 : i32
          %parallel_loop3A_469 = arith.constant 32 : i32
          %parallel_loop3A_470 = arith.muli %parallel_loop3A_454, %parallel_loop3A_469 : i32
          %parallel_loop3A_471 = arith.index_cast %parallel_loop3A_468 : i32 to index
          %parallel_loop3A_472 = arith.index_cast %parallel_loop3A_470 : i32 to index
          %parallel_loop3A_473 = tpu.vector_load %arg14[%parallel_loop3A_471, %parallel_loop3A_472] {strides = array<i32>} : memref<112x192xbf16, #tpu.memory_space<vmem>>, vector<32xbf16>,
          %parallel_loop3A_474 = arith.mulf %pack3A_375, %parallel_loop3A_473 : vector<32xbf16>
          %parallel_loop3A_475 = arith.constant 16 : i32
          %parallel_loop3A_476 = arith.muli %scan3A_358, %parallel_loop3A_475 : i32
          %parallel_loop3A_477 = arith.constant 2 : i32
          %parallel_loop3A_478 = arith.addi %parallel_loop3A_476, %parallel_loop3A_477 : i32
          %parallel_loop3A_479 = arith.constant 32 : i32
          %parallel_loop3A_480 = arith.muli %parallel_loop3A_454, %parallel_loop3A_479 : i32
          %parallel_loop3A_481 = arith.index_cast %parallel_loop3A_478 : i32 to index
          %parallel_loop3A_482 = arith.index_cast %parallel_loop3A_480 : i32 to index
          %parallel_loop3A_483 = tpu.vector_load %arg14[%parallel_loop3A_481, %parallel_loop3A_482] {strides = array<i32>} : memref<112x192xbf16, #tpu.memory_space<vmem>>, vector<32xbf16>,
          %parallel_loop3A_484 = arith.mulf %pack3A_380, %parallel_loop3A_483 : vector<32xbf16>
          %parallel_loop3A_485 = arith.constant 16 : i32
          %parallel_loop3A_486 = arith.muli %scan3A_358, %parallel_loop3A_485 : i32
          %parallel_loop3A_487 = arith.constant 3 : i32
          %parallel_loop3A_488 = arith.addi %parallel_loop3A_486, %parallel_loop3A_487 : i32
          %parallel_loop3A_489 = arith.constant 32 : i32
          %parallel_loop3A_490 = arith.muli %parallel_loop3A_454, %parallel_loop3A_489 : i32
          %parallel_loop3A_491 = arith.index_cast %parallel_loop3A_488 : i32 to index
          %parallel_loop3A_492 = arith.index_cast %parallel_loop3A_490 : i32 to index
          %parallel_loop3A_493 = tpu.vector_load %arg14[%parallel_loop3A_491, %parallel_loop3A_492] {strides = array<i32>} : memref<112x192xbf16, #tpu.memory_space<vmem>>, vector<32xbf16>,
          %parallel_loop3A_494 = arith.mulf %pack3A_385, %parallel_loop3A_493 : vector<32xbf16>
          %parallel_loop3A_495 = arith.constant 16 : i32
          %parallel_loop3A_496 = arith.muli %scan3A_358, %parallel_loop3A_495 : i32
          %parallel_loop3A_497 = arith.constant 4 : i32
          %parallel_loop3A_498 = arith.addi %parallel_loop3A_496, %parallel_loop3A_497 : i32
          %parallel_loop3A_499 = arith.constant 32 : i32
          %parallel_loop3A_500 = arith.muli %parallel_loop3A_454, %parallel_loop3A_499 : i32
          %parallel_loop3A_501 = arith.index_cast %parallel_loop3A_498 : i32 to index
          %parallel_loop3A_502 = arith.index_cast %parallel_loop3A_500 : i32 to index
          %parallel_loop3A_503 = tpu.vector_load %arg14[%parallel_loop3A_501, %parallel_loop3A_502] {strides = array<i32>} : memref<112x192xbf16, #tpu.memory_space<vmem>>, vector<32xbf16>,
          %parallel_loop3A_504 = arith.mulf %pack3A_390, %parallel_loop3A_503 : vector<32xbf16>
          %parallel_loop3A_505 = arith.constant 16 : i32
          %parallel_loop3A_506 = arith.muli %scan3A_358, %parallel_loop3A_505 : i32
          %parallel_loop3A_507 = arith.constant 5 : i32
          %parallel_loop3A_508 = arith.addi %parallel_loop3A_506, %parallel_loop3A_507 : i32
          %parallel_loop3A_509 = arith.constant 32 : i32
          %parallel_loop3A_510 = arith.muli %parallel_loop3A_454, %parallel_loop3A_509 : i32
          %parallel_loop3A_511 = arith.index_cast %parallel_loop3A_508 : i32 to index
          %parallel_loop3A_512 = arith.index_cast %parallel_loop3A_510 : i32 to index
          %parallel_loop3A_513 = tpu.vector_load %arg14[%parallel_loop3A_511, %parallel_loop3A_512] {strides = array<i32>} : memref<112x192xbf16, #tpu.memory_space<vmem>>, vector<32xbf16>,
          %parallel_loop3A_514 = arith.mulf %pack3A_395, %parallel_loop3A_513 : vector<32xbf16>
          %parallel_loop3A_515 = arith.constant 16 : i32
          %parallel_loop3A_516 = arith.muli %scan3A_358, %parallel_loop3A_515 : i32
          %parallel_loop3A_517 = arith.constant 6 : i32
          %parallel_loop3A_518 = arith.addi %parallel_loop3A_516, %parallel_loop3A_517 : i32
          %parallel_loop3A_519 = arith.constant 32 : i32
          %parallel_loop3A_520 = arith.muli %parallel_loop3A_454, %parallel_loop3A_519 : i32
          %parallel_loop3A_521 = arith.index_cast %parallel_loop3A_518 : i32 to index
          %parallel_loop3A_522 = arith.index_cast %parallel_loop3A_520 : i32 to index
          %parallel_loop3A_523 = tpu.vector_load %arg14[%parallel_loop3A_521, %parallel_loop3A_522] {strides = array<i32>} : memref<112x192xbf16, #tpu.memory_space<vmem>>, vector<32xbf16>,
          %parallel_loop3A_524 = arith.mulf %pack3A_400, %parallel_loop3A_523 : vector<32xbf16>
          %parallel_loop3A_525 = arith.constant 16 : i32
          %parallel_loop3A_526 = arith.muli %scan3A_358, %parallel_loop3A_525 : i32
          %parallel_loop3A_527 = arith.constant 7 : i32
          %parallel_loop3A_528 = arith.addi %parallel_loop3A_526, %parallel_loop3A_527 : i32
          %parallel_loop3A_529 = arith.constant 32 : i32
          %parallel_loop3A_530 = arith.muli %parallel_loop3A_454, %parallel_loop3A_529 : i32
          %parallel_loop3A_531 = arith.index_cast %parallel_loop3A_528 : i32 to index
          %parallel_loop3A_532 = arith.index_cast %parallel_loop3A_530 : i32 to index
          %parallel_loop3A_533 = tpu.vector_load %arg14[%parallel_loop3A_531, %parallel_loop3A_532] {strides = array<i32>} : memref<112x192xbf16, #tpu.memory_space<vmem>>, vector<32xbf16>,
          %parallel_loop3A_534 = arith.mulf %pack3A_405, %parallel_loop3A_533 : vector<32xbf16>
          %parallel_loop3A_535 = arith.constant 16 : i32
          %parallel_loop3A_536 = arith.muli %scan3A_358, %parallel_loop3A_535 : i32
          %parallel_loop3A_537 = arith.constant 8 : i32
          %parallel_loop3A_538 = arith.addi %parallel_loop3A_536, %parallel_loop3A_537 : i32
          %parallel_loop3A_539 = arith.constant 32 : i32
          %parallel_loop3A_540 = arith.muli %parallel_loop3A_454, %parallel_loop3A_539 : i32
          %parallel_loop3A_541 = arith.index_cast %parallel_loop3A_538 : i32 to index
          %parallel_loop3A_542 = arith.index_cast %parallel_loop3A_540 : i32 to index
          %parallel_loop3A_543 = tpu.vector_load %arg14[%parallel_loop3A_541, %parallel_loop3A_542] {strides = array<i32>} : memref<112x192xbf16, #tpu.memory_space<vmem>>, vector<32xbf16>,
          %parallel_loop3A_544 = arith.mulf %pack3A_410, %parallel_loop3A_543 : vector<32xbf16>
          %parallel_loop3A_545 = arith.constant 16 : i32
          %parallel_loop3A_546 = arith.muli %scan3A_358, %parallel_loop3A_545 : i32
          %parallel_loop3A_547 = arith.constant 9 : i32
          %parallel_loop3A_548 = arith.addi %parallel_loop3A_546, %parallel_loop3A_547 : i32
          %parallel_loop3A_549 = arith.constant 32 : i32
          %parallel_loop3A_550 = arith.muli %parallel_loop3A_454, %parallel_loop3A_549 : i32
          %parallel_loop3A_551 = arith.index_cast %parallel_loop3A_548 : i32 to index
          %parallel_loop3A_552 = arith.index_cast %parallel_loop3A_550 : i32 to index
          %parallel_loop3A_553 = tpu.vector_load %arg14[%parallel_loop3A_551, %parallel_loop3A_552] {strides = array<i32>} : memref<112x192xbf16, #tpu.memory_space<vmem>>, vector<32xbf16>,
          %parallel_loop3A_554 = arith.mulf %pack3A_415, %parallel_loop3A_553 : vector<32xbf16>
          %parallel_loop3A_555 = arith.constant 16 : i32
          %parallel_loop3A_556 = arith.muli %scan3A_358, %parallel_loop3A_555 : i32
          %parallel_loop3A_557 = arith.constant 10 : i32
          %parallel_loop3A_558 = arith.addi %parallel_loop3A_556, %parallel_loop3A_557 : i32
          %parallel_loop3A_559 = arith.constant 32 : i32
          %parallel_loop3A_560 = arith.muli %parallel_loop3A_454, %parallel_loop3A_559 : i32
          %parallel_loop3A_561 = arith.index_cast %parallel_loop3A_558 : i32 to index
          %parallel_loop3A_562 = arith.index_cast %parallel_loop3A_560 : i32 to index
          %parallel_loop3A_563 = tpu.vector_load %arg14[%parallel_loop3A_561, %parallel_loop3A_562] {strides = array<i32>} : memref<112x192xbf16, #tpu.memory_space<vmem>>, vector<32xbf16>,
          %parallel_loop3A_564 = arith.mulf %pack3A_420, %parallel_loop3A_563 : vector<32xbf16>
          %parallel_loop3A_565 = arith.constant 16 : i32
          %parallel_loop3A_566 = arith.muli %scan3A_358, %parallel_loop3A_565 : i32
          %parallel_loop3A_567 = arith.constant 11 : i32
          %parallel_loop3A_568 = arith.addi %parallel_loop3A_566, %parallel_loop3A_567 : i32
          %parallel_loop3A_569 = arith.constant 32 : i32
          %parallel_loop3A_570 = arith.muli %parallel_loop3A_454, %parallel_loop3A_569 : i32
          %parallel_loop3A_571 = arith.index_cast %parallel_loop3A_568 : i32 to index
          %parallel_loop3A_572 = arith.index_cast %parallel_loop3A_570 : i32 to index
          %parallel_loop3A_573 = tpu.vector_load %arg14[%parallel_loop3A_571, %parallel_loop3A_572] {strides = array<i32>} : memref<112x192xbf16, #tpu.memory_space<vmem>>, vector<32xbf16>,
          %parallel_loop3A_574 = arith.mulf %pack3A_425, %parallel_loop3A_573 : vector<32xbf16>
          %parallel_loop3A_575 = arith.constant 16 : i32
          %parallel_loop3A_576 = arith.muli %scan3A_358, %parallel_loop3A_575 : i32
          %parallel_loop3A_577 = arith.constant 12 : i32
          %parallel_loop3A_578 = arith.addi %parallel_loop3A_576, %parallel_loop3A_577 : i32
          %parallel_loop3A_579 = arith.constant 32 : i32
          %parallel_loop3A_580 = arith.muli %parallel_loop3A_454, %parallel_loop3A_579 : i32
          %parallel_loop3A_581 = arith.index_cast %parallel_loop3A_578 : i32 to index
          %parallel_loop3A_582 = arith.index_cast %parallel_loop3A_580 : i32 to index
          %parallel_loop3A_583 = tpu.vector_load %arg14[%parallel_loop3A_581, %parallel_loop3A_582] {strides = array<i32>} : memref<112x192xbf16, #tpu.memory_space<vmem>>, vector<32xbf16>,
          %parallel_loop3A_584 = arith.mulf %pack3A_430, %parallel_loop3A_583 : vector<32xbf16>
          %parallel_loop3A_585 = arith.constant 16 : i32
          %parallel_loop3A_586 = arith.muli %scan3A_358, %parallel_loop3A_585 : i32
          %parallel_loop3A_587 = arith.constant 13 : i32
          %parallel_loop3A_588 = arith.addi %parallel_loop3A_586, %parallel_loop3A_587 : i32
          %parallel_loop3A_589 = arith.constant 32 : i32
          %parallel_loop3A_590 = arith.muli %parallel_loop3A_454, %parallel_loop3A_589 : i32
          %parallel_loop3A_591 = arith.index_cast %parallel_loop3A_588 : i32 to index
          %parallel_loop3A_592 = arith.index_cast %parallel_loop3A_590 : i32 to index
          %parallel_loop3A_593 = tpu.vector_load %arg14[%parallel_loop3A_591, %parallel_loop3A_592] {strides = array<i32>} : memref<112x192xbf16, #tpu.memory_space<vmem>>, vector<32xbf16>,
          %parallel_loop3A_594 = arith.mulf %pack3A_435, %parallel_loop3A_593 : vector<32xbf16>
          %parallel_loop3A_595 = arith.constant 16 : i32
          %parallel_loop3A_596 = arith.muli %scan3A_358, %parallel_loop3A_595 : i32
          %parallel_loop3A_597 = arith.constant 14 : i32
          %parallel_loop3A_598 = arith.addi %parallel_loop3A_596, %parallel_loop3A_597 : i32
          %parallel_loop3A_599 = arith.constant 32 : i32
          %parallel_loop3A_600 = arith.muli %parallel_loop3A_454, %parallel_loop3A_599 : i32
          %parallel_loop3A_601 = arith.index_cast %parallel_loop3A_598 : i32 to index
          %parallel_loop3A_602 = arith.index_cast %parallel_loop3A_600 : i32 to index
          %parallel_loop3A_603 = tpu.vector_load %arg14[%parallel_loop3A_601, %parallel_loop3A_602] {strides = array<i32>} : memref<112x192xbf16, #tpu.memory_space<vmem>>, vector<32xbf16>,
          %parallel_loop3A_604 = arith.mulf %pack3A_440, %parallel_loop3A_603 : vector<32xbf16>
          %parallel_loop3A_605 = arith.constant 16 : i32
          %parallel_loop3A_606 = arith.muli %scan3A_358, %parallel_loop3A_605 : i32
          %parallel_loop3A_607 = arith.constant 15 : i32
          %parallel_loop3A_608 = arith.addi %parallel_loop3A_606, %parallel_loop3A_607 : i32
          %parallel_loop3A_609 = arith.constant 32 : i32
          %parallel_loop3A_610 = arith.muli %parallel_loop3A_454, %parallel_loop3A_609 : i32
          %parallel_loop3A_611 = arith.index_cast %parallel_loop3A_608 : i32 to index
          %parallel_loop3A_612 = arith.index_cast %parallel_loop3A_610 : i32 to index
          %parallel_loop3A_613 = tpu.vector_load %arg14[%parallel_loop3A_611, %parallel_loop3A_612] {strides = array<i32>} : memref<112x192xbf16, #tpu.memory_space<vmem>>, vector<32xbf16>,
          %parallel_loop3A_614 = arith.mulf %pack3A_445, %parallel_loop3A_613 : vector<32xbf16>
          %parallel_loop3A_615 = arith.addf %parallel_loop3A_464, %parallel_loop3A_474 : vector<32xbf16>
          %parallel_loop3A_616 = arith.addf %parallel_loop3A_484, %parallel_loop3A_494 : vector<32xbf16>
          %parallel_loop3A_617 = arith.addf %parallel_loop3A_504, %parallel_loop3A_514 : vector<32xbf16>
          %parallel_loop3A_618 = arith.addf %parallel_loop3A_524, %parallel_loop3A_534 : vector<32xbf16>
          %parallel_loop3A_619 = arith.addf %parallel_loop3A_544, %parallel_loop3A_554 : vector<32xbf16>
          %parallel_loop3A_620 = arith.addf %parallel_loop3A_564, %parallel_loop3A_574 : vector<32xbf16>
          %parallel_loop3A_621 = arith.addf %parallel_loop3A_584, %parallel_loop3A_594 : vector<32xbf16>
          %parallel_loop3A_622 = arith.addf %parallel_loop3A_604, %parallel_loop3A_614 : vector<32xbf16>
          %parallel_loop3A_623 = arith.addf %parallel_loop3A_615, %parallel_loop3A_616 : vector<32xbf16>
          %parallel_loop3A_624 = arith.addf %parallel_loop3A_617, %parallel_loop3A_618 : vector<32xbf16>
          %parallel_loop3A_625 = arith.addf %parallel_loop3A_619, %parallel_loop3A_620 : vector<32xbf16>
          %parallel_loop3A_626 = arith.addf %parallel_loop3A_621, %parallel_loop3A_622 : vector<32xbf16>
          %parallel_loop3A_627 = arith.addf %parallel_loop3A_623, %parallel_loop3A_624 : vector<32xbf16>
          %parallel_loop3A_628 = arith.addf %parallel_loop3A_625, %parallel_loop3A_626 : vector<32xbf16>
          %parallel_loop3A_629 = arith.addf %parallel_loop3A_627, %parallel_loop3A_628 : vector<32xbf16>
          %parallel_loop3A_630 = tpu.unpack_subelements %parallel_loop3A_629, 0 {pack_format = #tpu.pack_format<interleaved>} : vector<32xbf16> -> vector<16xf32>
          %parallel_loop3A_631 = tpu.unpack_subelements %parallel_loop3A_629, 1 {pack_format = #tpu.pack_format<interleaved>} : vector<32xbf16> -> vector<16xf32>
          %parallel_loop3A_632 = arith.constant 32 : i32
          %parallel_loop3A_633 = arith.muli %parallel_loop3A_454, %parallel_loop3A_632 : i32
          %parallel_loop3A_634 = arith.constant 49 : i32
          %parallel_loop3A_635 = arith.muli %parallel_loop3A_633, %parallel_loop3A_634 : i32
          %parallel_loop3A_636 = vector.broadcast %parallel_loop3A_635 : i32 to vector<16xi32>
          %parallel_loop3A_637 = arith.addi %add3A_450, %parallel_loop3A_636 : vector<16xi32>
          tpu.vector_store_idx %arg16[%parallel_loop3A_637], %parallel_loop3A_630 : memref<9408xf32, #tpu.memory_space<vmem>>[vector<16xi32>], vector<16xf32>,
          %parallel_loop3A_638 = arith.constant 49 : i32
          %parallel_loop3A_639 = vector.broadcast %parallel_loop3A_638 : i32 to vector<16xi32>
          %parallel_loop3A_640 = arith.addi %parallel_loop3A_637, %parallel_loop3A_639 : vector<16xi32>
          tpu.vector_store_idx %arg16[%parallel_loop3A_640], %parallel_loop3A_631 : memref<9408xf32, #tpu.memory_space<vmem>>[vector<16xi32>], vector<16xf32>,
        } {sc.loop_unroll_factor = 3 : i64, sc.parallel_access}
      }
      %scan3A_222 = arith.constant 7 : i32
      %parallel_loop3A_223 = arith.constant 14 : i32
      %parallel_loop3A_224 = arith.constant 21 : i32
      %parallel_loop3A_225 = arith.constant 1 : i32
      scf.for %parallel_loop3A_358 = %parallel_loop3A_223 to %parallel_loop3A_224 step %parallel_loop3A_225  : i32 {
        %parallel_loop3A_359 = arith.constant 14 : i32
        %parallel_loop3A_360 = arith.subi %parallel_loop3A_358, %parallel_loop3A_359 : i32
        %parallel_loop3A_361 = arith.constant 7 : i32
        %parallel_loop3A_362 = arith.divsi %parallel_loop3A_358, %parallel_loop3A_361 : i32
        %parallel_loop3A_363 = arith.constant 0 : i32
        %parallel_loop3A_364 = arith.cmpi sgt, %parallel_loop3A_358, %parallel_loop3A_363 : i32
        %parallel_loop3A_365 = arith.extui %parallel_loop3A_364 : i1 to i32
        %parallel_loop3A_366 = arith.constant 0 : i32
        %parallel_loop3A_367 = arith.cmpi slt, %parallel_loop3A_358, %parallel_loop3A_366 : i32
        %parallel_loop3A_368 = arith.extui %parallel_loop3A_367 : i1 to i32
        %parallel_loop3A_369 = arith.subi %parallel_loop3A_365, %parallel_loop3A_368 : i32
        %parallel_loop3A_370 = arith.constant 0 : i32
        %parallel_loop3A_371 = arith.cmpi sgt, %parallel_loop3A_361, %parallel_loop3A_370 : i32
        %parallel_loop3A_372 = arith.extui %parallel_loop3A_371 : i1 to i32
        %parallel_loop3A_373 = arith.constant 0 : i32
        %parallel_loop3A_374 = arith.cmpi slt, %parallel_loop3A_361, %parallel_loop3A_373 : i32
        %parallel_loop3A_375 = arith.extui %parallel_loop3A_374 : i1 to i32
        %parallel_loop3A_376 = arith.subi %parallel_loop3A_372, %parallel_loop3A_375 : i32
        %parallel_loop3A_377 = arith.cmpi ne, %parallel_loop3A_369, %parallel_loop3A_376 : i32
        %parallel_loop3A_378 = arith.remsi %parallel_loop3A_358, %parallel_loop3A_361 : i32
        %parallel_loop3A_379 = arith.constant 0 : i32
        %parallel_loop3A_380 = arith.cmpi ne, %parallel_loop3A_378, %parallel_loop3A_379 : i32
        %parallel_loop3A_381 = arith.andi %parallel_loop3A_377, %parallel_loop3A_380 : i1
        %parallel_loop3A_382 = arith.constant 1 : i32
        %parallel_loop3A_383 = arith.subi %parallel_loop3A_362, %parallel_loop3A_382 : i32
        %parallel_loop3A_384 = arith.select %parallel_loop3A_381, %parallel_loop3A_383, %parallel_loop3A_362 : i32
        %parallel_loop3A_385 = arith.constant 7 : i32
        %parallel_loop3A_386 = arith.constant 0 : i32
        %parallel_loop3A_387 = arith.cmpi eq, %parallel_loop3A_385, %parallel_loop3A_386 : i32
        %parallel_loop3A_388 = arith.constant 1 : i32
        %parallel_loop3A_389 = arith.select %parallel_loop3A_387, %parallel_loop3A_388, %parallel_loop3A_385 : i32
        %parallel_loop3A_390 = arith.remsi %parallel_loop3A_358, %parallel_loop3A_389 : i32
        %parallel_loop3A_391 = arith.constant 0 : i32
        %parallel_loop3A_392 = arith.cmpi ne, %parallel_loop3A_390, %parallel_loop3A_391 : i32
        %parallel_loop3A_393 = arith.constant 0 : i32
        %parallel_loop3A_394 = arith.cmpi slt, %parallel_loop3A_390, %parallel_loop3A_393 : i32
        %parallel_loop3A_395 = arith.constant 0 : i32
        %parallel_loop3A_396 = arith.cmpi slt, %parallel_loop3A_389, %parallel_loop3A_395 : i32
        %parallel_loop3A_397 = arith.xori %parallel_loop3A_394, %parallel_loop3A_396 : i1
        %parallel_loop3A_398 = arith.andi %parallel_loop3A_397, %parallel_loop3A_392 : i1
        %parallel_loop3A_399 = arith.addi %parallel_loop3A_390, %parallel_loop3A_389 : i32
        %parallel_loop3A_400 = arith.select %parallel_loop3A_398, %parallel_loop3A_399, %parallel_loop3A_390 : i32
        %parallel_loop3A_401 = arith.constant 16 : i32
        %parallel_loop3A_402 = arith.muli %parallel_loop3A_384, %parallel_loop3A_401 : i32
        %parallel_loop3A_403 = arith.index_cast %parallel_loop3A_402 : i32 to index
        %parallel_loop3A_404 = tpu.vector_load %arg10[%parallel_loop3A_403] {strides = array<i32>} : memref<112xi32, #tpu.memory_space<vmem>>, vector<16xi32>,
        %parallel_loop3A_405 = arith.constant 16 : i32
        %parallel_loop3A_406 = arith.muli %parallel_loop3A_400, %parallel_loop3A_405 : i32
        %parallel_loop3A_407 = arith.index_cast %parallel_loop3A_406 : i32 to index
        %parallel_loop3A_408 = tpu.vector_load %arg12[%parallel_loop3A_407] {strides = array<i32>} : memref<112xi32, #tpu.memory_space<vmem>>, vector<16xi32>,
        %parallel_loop3A_409 = arith.addi %parallel_loop3A_404, %parallel_loop3A_408 : vector<16xi32>
        %parallel_loop3A_410 = arith.constant 16 : i32
        %parallel_loop3A_411 = arith.muli %parallel_loop3A_360, %parallel_loop3A_410 : i32
        %parallel_loop3A_412 = arith.constant 2 : i32
        %parallel_loop3A_413 = arith.index_cast %parallel_loop3A_412 : i32 to index
        %parallel_loop3A_414 = arith.index_cast %parallel_loop3A_411 : i32 to index
        %parallel_loop3A_415 = tpu.vector_load %arg8[%parallel_loop3A_413, %parallel_loop3A_414] {strides = array<i32>} : memref<7x112xi32, #tpu.memory_space<vmem>>, vector<16xi32>,
        tpu.vector_store %arg8[%parallel_loop3A_413, %parallel_loop3A_414], %parallel_loop3A_409 {strides = array<i32>} : memref<7x112xi32, #tpu.memory_space<vmem>>, vector<16xi32>,
        %parallel_loop3A_416 = arith.constant 16 : i32
        %parallel_loop3A_417 = arith.muli %parallel_loop3A_384, %parallel_loop3A_416 : i32
        %parallel_loop3A_418 = arith.index_cast %parallel_loop3A_417 : i32 to index
        %parallel_loop3A_419 = tpu.vector_load %arg11[%parallel_loop3A_418] {strides = array<i32>} : memref<112xf32, #tpu.memory_space<vmem>>, vector<16xf32>,
        %parallel_loop3A_420 = arith.constant 16 : i32
        %parallel_loop3A_421 = arith.muli %parallel_loop3A_400, %parallel_loop3A_420 : i32
        %parallel_loop3A_422 = arith.index_cast %parallel_loop3A_421 : i32 to index
        %parallel_loop3A_423 = tpu.vector_load %arg13[%parallel_loop3A_422] {strides = array<i32>} : memref<112xf32, #tpu.memory_space<vmem>>, vector<16xf32>,
        %parallel_loop3A_424 = arith.mulf %parallel_loop3A_419, %parallel_loop3A_423 : vector<16xf32>
        %parallel_loop3A_425 = arith.constant 16 : i32
        %parallel_loop3A_426 = arith.muli %parallel_loop3A_358, %parallel_loop3A_425 : i32
        %parallel_loop3A_427 = arith.index_cast %parallel_loop3A_426 : i32 to index
        %parallel_loop3A_428 = tpu.vector_load %arg9[%parallel_loop3A_427] {strides = array<i32>} : memref<784xf32, #tpu.memory_space<vmem>>, vector<16xf32>,
        tpu.vector_store %arg9[%parallel_loop3A_427], %parallel_loop3A_424 {strides = array<i32>} : memref<784xf32, #tpu.memory_space<vmem>>, vector<16xf32>,
      } {sc.loop_unroll_factor = 1 : i64, sc.parallel_access}
      %dma_start3A_226 = arith.constant 2 : i32
      %dma_start3A_227 = arith.constant 0 : i32
      %dma_start3A_228 = tpu.memref_slice %arg8[%dma_start3A_226, %dma_start3A_227] : memref<7x112xi32, #tpu.memory_space<vmem>> -> memref<1x112xi32, #tpu.memory_space<vmem>>
      %dma_start3A_229 = tpu.memref_squeeze %dma_start3A_228 : memref<1x112xi32, #tpu.memory_space<vmem>> -> memref<112xi32, #tpu.memory_space<vmem>>
      %dma_start3A_230 = arith.constant 0 : i32
      %dma_start3A_231 = arith.constant 0 : i32
      %dma_start3A_232 = tpu.memref_slice %arg2[%dma_start3A_230, %dma_start3A_231] : memref<16384x192xbf16, #tpu.memory_space<hbm>> -> memref<16384x192xbf16, #tpu.memory_space<hbm>>
      tpu.enqueue_indirect_dma source(%dma_start3A_232 : memref<16384x192xbf16, #tpu.memory_space<hbm>>) target(%arg14 : memref<112x192xbf16, #tpu.memory_space<vmem>>) offsets(%dma_start3A_229 : memref<112xi32, #tpu.memory_space<vmem>>) semaphore(%arg17 : memref<!tpu.dma_semaphore, #tpu.memory_space<semaphore_mem>>)
      %dma_wait3A_233 = arith.constant 1 : i32
      %dma_wait3A_234 = arith.constant 0 : i32
      %dma_wait3A_235 = tpu.memref_slice %arg8[%dma_wait3A_233, %dma_wait3A_234] : memref<7x112xi32, #tpu.memory_space<vmem>> -> memref<1x112xi32, #tpu.memory_space<vmem>>
      %dma_wait3A_236 = tpu.memref_squeeze %dma_wait3A_235 : memref<1x112xi32, #tpu.memory_space<vmem>> -> memref<112xi32, #tpu.memory_space<vmem>>
      %dma_wait3A_237 = arith.constant 0 : i32
      %dma_wait3A_238 = arith.constant 0 : i32
      %dma_wait3A_239 = tpu.memref_slice %arg2[%dma_wait3A_237, %dma_wait3A_238] : memref<16384x192xbf16, #tpu.memory_space<hbm>> -> memref<16384x192xbf16, #tpu.memory_space<hbm>>
      tpu.wait_indirect_dma semaphore(%arg18 : memref<!tpu.dma_semaphore, #tpu.memory_space<semaphore_mem>>) src(%dma_wait3A_239 : memref<16384x192xbf16, #tpu.memory_space<hbm>>) dst(%arg15 : memref<112x192xbf16, #tpu.memory_space<vmem>>)
      %scan3A_240 = arith.constant 0 : i32
      %scan3A_241 = arith.constant 0 : i32
      %scan3A_242 = arith.constant 7 : i32
      %scan3A_243 = arith.addi %scan3A_241, %scan3A_242 : i32
      %scan3A_244 = arith.constant 1 : i32
      scf.for %scan3A_358 = %scan3A_241 to %scan3A_243 step %scan3A_244  : i32 {
        %add3A_359 = arith.constant 7 : i32
        %add3A_360 = arith.addi %add3A_359, %scan3A_358 : i32
        %broadcast_in_dim3A_361 = arith.constant 0 : i32
        %broadcast_in_dim3A_362 = vector.broadcast %broadcast_in_dim3A_361 : i32 to vector<16xi32>
        %mul3A_363 = arith.constant 16 : i32
        %mul3A_364 = arith.muli %add3A_360, %mul3A_363 : i32
        %add3A_365 = vector.broadcast %mul3A_364 : i32 to vector<16xi32>
        %add3A_366 = arith.addi %broadcast_in_dim3A_362, %add3A_365 : vector<16xi32>
        %add3A_367 = arith.constant 0 : i32
        %add3A_368 = vector.broadcast %add3A_367 : i32 to vector<16xi32>
        %add3A_369 = arith.addi %add3A_366, %add3A_368 : vector<16xi32>
        %gather3A_370 = tpu.vector_load_idx %arg9[%add3A_369] : memref<784xf32, #tpu.memory_space<vmem>>[vector<16xi32>], vector<16xf32>,
        %pack3A = tpu.pack_subelements %gather3A_370, %gather3A_370 {pack_format = #tpu.pack_format<interleaved>, positions = array<i32: 0, 1>} : vector<16xf32>, vector<16xf32> -> vector<32xbf16>
        %add3A_371 = arith.constant 1 : i32
        %add3A_372 = vector.broadcast %add3A_371 : i32 to vector<16xi32>
        %add3A_373 = arith.addi %add3A_366, %add3A_372 : vector<16xi32>
        %gather3A_374 = tpu.vector_load_idx %arg9[%add3A_373] : memref<784xf32, #tpu.memory_space<vmem>>[vector<16xi32>], vector<16xf32>,
        %pack3A_375 = tpu.pack_subelements %gather3A_374, %gather3A_374 {pack_format = #tpu.pack_format<interleaved>, positions = array<i32: 0, 1>} : vector<16xf32>, vector<16xf32> -> vector<32xbf16>
        %add3A_376 = arith.constant 2 : i32
        %add3A_377 = vector.broadcast %add3A_376 : i32 to vector<16xi32>
        %add3A_378 = arith.addi %add3A_366, %add3A_377 : vector<16xi32>
        %gather3A_379 = tpu.vector_load_idx %arg9[%add3A_378] : memref<784xf32, #tpu.memory_space<vmem>>[vector<16xi32>], vector<16xf32>,
        %pack3A_380 = tpu.pack_subelements %gather3A_379, %gather3A_379 {pack_format = #tpu.pack_format<interleaved>, positions = array<i32: 0, 1>} : vector<16xf32>, vector<16xf32> -> vector<32xbf16>
        %add3A_381 = arith.constant 3 : i32
        %add3A_382 = vector.broadcast %add3A_381 : i32 to vector<16xi32>
        %add3A_383 = arith.addi %add3A_366, %add3A_382 : vector<16xi32>
        %gather3A_384 = tpu.vector_load_idx %arg9[%add3A_383] : memref<784xf32, #tpu.memory_space<vmem>>[vector<16xi32>], vector<16xf32>,
        %pack3A_385 = tpu.pack_subelements %gather3A_384, %gather3A_384 {pack_format = #tpu.pack_format<interleaved>, positions = array<i32: 0, 1>} : vector<16xf32>, vector<16xf32> -> vector<32xbf16>
        %add3A_386 = arith.constant 4 : i32
        %add3A_387 = vector.broadcast %add3A_386 : i32 to vector<16xi32>
        %add3A_388 = arith.addi %add3A_366, %add3A_387 : vector<16xi32>
        %gather3A_389 = tpu.vector_load_idx %arg9[%add3A_388] : memref<784xf32, #tpu.memory_space<vmem>>[vector<16xi32>], vector<16xf32>,
        %pack3A_390 = tpu.pack_subelements %gather3A_389, %gather3A_389 {pack_format = #tpu.pack_format<interleaved>, positions = array<i32: 0, 1>} : vector<16xf32>, vector<16xf32> -> vector<32xbf16>
        %add3A_391 = arith.constant 5 : i32
        %add3A_392 = vector.broadcast %add3A_391 : i32 to vector<16xi32>
        %add3A_393 = arith.addi %add3A_366, %add3A_392 : vector<16xi32>
        %gather3A_394 = tpu.vector_load_idx %arg9[%add3A_393] : memref<784xf32, #tpu.memory_space<vmem>>[vector<16xi32>], vector<16xf32>,
        %pack3A_395 = tpu.pack_subelements %gather3A_394, %gather3A_394 {pack_format = #tpu.pack_format<interleaved>, positions = array<i32: 0, 1>} : vector<16xf32>, vector<16xf32> -> vector<32xbf16>
        %add3A_396 = arith.constant 6 : i32
        %add3A_397 = vector.broadcast %add3A_396 : i32 to vector<16xi32>
        %add3A_398 = arith.addi %add3A_366, %add3A_397 : vector<16xi32>
        %gather3A_399 = tpu.vector_load_idx %arg9[%add3A_398] : memref<784xf32, #tpu.memory_space<vmem>>[vector<16xi32>], vector<16xf32>,
        %pack3A_400 = tpu.pack_subelements %gather3A_399, %gather3A_399 {pack_format = #tpu.pack_format<interleaved>, positions = array<i32: 0, 1>} : vector<16xf32>, vector<16xf32> -> vector<32xbf16>
        %add3A_401 = arith.constant 7 : i32
        %add3A_402 = vector.broadcast %add3A_401 : i32 to vector<16xi32>
        %add3A_403 = arith.addi %add3A_366, %add3A_402 : vector<16xi32>
        %gather3A_404 = tpu.vector_load_idx %arg9[%add3A_403] : memref<784xf32, #tpu.memory_space<vmem>>[vector<16xi32>], vector<16xf32>,
        %pack3A_405 = tpu.pack_subelements %gather3A_404, %gather3A_404 {pack_format = #tpu.pack_format<interleaved>, positions = array<i32: 0, 1>} : vector<16xf32>, vector<16xf32> -> vector<32xbf16>
        %add3A_406 = arith.constant 8 : i32
        %add3A_407 = vector.broadcast %add3A_406 : i32 to vector<16xi32>
        %add3A_408 = arith.addi %add3A_366, %add3A_407 : vector<16xi32>
        %gather3A_409 = tpu.vector_load_idx %arg9[%add3A_408] : memref<784xf32, #tpu.memory_space<vmem>>[vector<16xi32>], vector<16xf32>,
        %pack3A_410 = tpu.pack_subelements %gather3A_409, %gather3A_409 {pack_format = #tpu.pack_format<interleaved>, positions = array<i32: 0, 1>} : vector<16xf32>, vector<16xf32> -> vector<32xbf16>
        %add3A_411 = arith.constant 9 : i32
        %add3A_412 = vector.broadcast %add3A_411 : i32 to vector<16xi32>
        %add3A_413 = arith.addi %add3A_366, %add3A_412 : vector<16xi32>
        %gather3A_414 = tpu.vector_load_idx %arg9[%add3A_413] : memref<784xf32, #tpu.memory_space<vmem>>[vector<16xi32>], vector<16xf32>,
        %pack3A_415 = tpu.pack_subelements %gather3A_414, %gather3A_414 {pack_format = #tpu.pack_format<interleaved>, positions = array<i32: 0, 1>} : vector<16xf32>, vector<16xf32> -> vector<32xbf16>
        %add3A_416 = arith.constant 10 : i32
        %add3A_417 = vector.broadcast %add3A_416 : i32 to vector<16xi32>
        %add3A_418 = arith.addi %add3A_366, %add3A_417 : vector<16xi32>
        %gather3A_419 = tpu.vector_load_idx %arg9[%add3A_418] : memref<784xf32, #tpu.memory_space<vmem>>[vector<16xi32>], vector<16xf32>,
        %pack3A_420 = tpu.pack_subelements %gather3A_419, %gather3A_419 {pack_format = #tpu.pack_format<interleaved>, positions = array<i32: 0, 1>} : vector<16xf32>, vector<16xf32> -> vector<32xbf16>
        %add3A_421 = arith.constant 11 : i32
        %add3A_422 = vector.broadcast %add3A_421 : i32 to vector<16xi32>
        %add3A_423 = arith.addi %add3A_366, %add3A_422 : vector<16xi32>
        %gather3A_424 = tpu.vector_load_idx %arg9[%add3A_423] : memref<784xf32, #tpu.memory_space<vmem>>[vector<16xi32>], vector<16xf32>,
        %pack3A_425 = tpu.pack_subelements %gather3A_424, %gather3A_424 {pack_format = #tpu.pack_format<interleaved>, positions = array<i32: 0, 1>} : vector<16xf32>, vector<16xf32> -> vector<32xbf16>
        %add3A_426 = arith.constant 12 : i32
        %add3A_427 = vector.broadcast %add3A_426 : i32 to vector<16xi32>
        %add3A_428 = arith.addi %add3A_366, %add3A_427 : vector<16xi32>
        %gather3A_429 = tpu.vector_load_idx %arg9[%add3A_428] : memref<784xf32, #tpu.memory_space<vmem>>[vector<16xi32>], vector<16xf32>,
        %pack3A_430 = tpu.pack_subelements %gather3A_429, %gather3A_429 {pack_format = #tpu.pack_format<interleaved>, positions = array<i32: 0, 1>} : vector<16xf32>, vector<16xf32> -> vector<32xbf16>
        %add3A_431 = arith.constant 13 : i32
        %add3A_432 = vector.broadcast %add3A_431 : i32 to vector<16xi32>
        %add3A_433 = arith.addi %add3A_366, %add3A_432 : vector<16xi32>
        %gather3A_434 = tpu.vector_load_idx %arg9[%add3A_433] : memref<784xf32, #tpu.memory_space<vmem>>[vector<16xi32>], vector<16xf32>,
        %pack3A_435 = tpu.pack_subelements %gather3A_434, %gather3A_434 {pack_format = #tpu.pack_format<interleaved>, positions = array<i32: 0, 1>} : vector<16xf32>, vector<16xf32> -> vector<32xbf16>
        %add3A_436 = arith.constant 14 : i32
        %add3A_437 = vector.broadcast %add3A_436 : i32 to vector<16xi32>
        %add3A_438 = arith.addi %add3A_366, %add3A_437 : vector<16xi32>
        %gather3A_439 = tpu.vector_load_idx %arg9[%add3A_438] : memref<784xf32, #tpu.memory_space<vmem>>[vector<16xi32>], vector<16xf32>,
        %pack3A_440 = tpu.pack_subelements %gather3A_439, %gather3A_439 {pack_format = #tpu.pack_format<interleaved>, positions = array<i32: 0, 1>} : vector<16xf32>, vector<16xf32> -> vector<32xbf16>
        %add3A_441 = arith.constant 15 : i32
        %add3A_442 = vector.broadcast %add3A_441 : i32 to vector<16xi32>
        %add3A_443 = arith.addi %add3A_366, %add3A_442 : vector<16xi32>
        %gather3A_444 = tpu.vector_load_idx %arg9[%add3A_443] : memref<784xf32, #tpu.memory_space<vmem>>[vector<16xi32>], vector<16xf32>,
        %pack3A_445 = tpu.pack_subelements %gather3A_444, %gather3A_444 {pack_format = #tpu.pack_format<interleaved>, positions = array<i32: 0, 1>} : vector<16xf32>, vector<16xf32> -> vector<32xbf16>
        %mul3A_446 = arith.constant 98 : i32
        %mul3A_447 = vector.broadcast %mul3A_446 : i32 to vector<16xi32>
        %mul3A_448 = arith.muli %iota3A, %mul3A_447 : vector<16xi32>
        %add3A_449 = vector.broadcast %add3A_360 : i32 to vector<16xi32>
        %add3A_450 = arith.addi %mul3A_448, %add3A_449 : vector<16xi32>
        %parallel_loop3A_451 = arith.constant 0 : i32
        %parallel_loop3A_452 = arith.constant 6 : i32
        %parallel_loop3A_453 = arith.constant 1 : i32
        scf.for %parallel_loop3A_454 = %parallel_loop3A_451 to %parallel_loop3A_452 step %parallel_loop3A_453  : i32 {
          %parallel_loop3A_455 = arith.constant 16 : i32
          %parallel_loop3A_456 = arith.muli %scan3A_358, %parallel_loop3A_455 : i32
          %parallel_loop3A_457 = arith.constant 0 : i32
          %parallel_loop3A_458 = arith.addi %parallel_loop3A_456, %parallel_loop3A_457 : i32
          %parallel_loop3A_459 = arith.constant 32 : i32
          %parallel_loop3A_460 = arith.muli %parallel_loop3A_454, %parallel_loop3A_459 : i32
          %parallel_loop3A_461 = arith.index_cast %parallel_loop3A_458 : i32 to index
          %parallel_loop3A_462 = arith.index_cast %parallel_loop3A_460 : i32 to index
          %parallel_loop3A_463 = tpu.vector_load %arg15[%parallel_loop3A_461, %parallel_loop3A_462] {strides = array<i32>} : memref<112x192xbf16, #tpu.memory_space<vmem>>, vector<32xbf16>,
          %parallel_loop3A_464 = arith.mulf %pack3A, %parallel_loop3A_463 : vector<32xbf16>
          %parallel_loop3A_465 = arith.constant 16 : i32
          %parallel_loop3A_466 = arith.muli %scan3A_358, %parallel_loop3A_465 : i32
          %parallel_loop3A_467 = arith.constant 1 : i32
          %parallel_loop3A_468 = arith.addi %parallel_loop3A_466, %parallel_loop3A_467 : i32
          %parallel_loop3A_469 = arith.constant 32 : i32
          %parallel_loop3A_470 = arith.muli %parallel_loop3A_454, %parallel_loop3A_469 : i32
          %parallel_loop3A_471 = arith.index_cast %parallel_loop3A_468 : i32 to index
          %parallel_loop3A_472 = arith.index_cast %parallel_loop3A_470 : i32 to index
          %parallel_loop3A_473 = tpu.vector_load %arg15[%parallel_loop3A_471, %parallel_loop3A_472] {strides = array<i32>} : memref<112x192xbf16, #tpu.memory_space<vmem>>, vector<32xbf16>,
          %parallel_loop3A_474 = arith.mulf %pack3A_375, %parallel_loop3A_473 : vector<32xbf16>
          %parallel_loop3A_475 = arith.constant 16 : i32
          %parallel_loop3A_476 = arith.muli %scan3A_358, %parallel_loop3A_475 : i32
          %parallel_loop3A_477 = arith.constant 2 : i32
          %parallel_loop3A_478 = arith.addi %parallel_loop3A_476, %parallel_loop3A_477 : i32
          %parallel_loop3A_479 = arith.constant 32 : i32
          %parallel_loop3A_480 = arith.muli %parallel_loop3A_454, %parallel_loop3A_479 : i32
          %parallel_loop3A_481 = arith.index_cast %parallel_loop3A_478 : i32 to index
          %parallel_loop3A_482 = arith.index_cast %parallel_loop3A_480 : i32 to index
          %parallel_loop3A_483 = tpu.vector_load %arg15[%parallel_loop3A_481, %parallel_loop3A_482] {strides = array<i32>} : memref<112x192xbf16, #tpu.memory_space<vmem>>, vector<32xbf16>,
          %parallel_loop3A_484 = arith.mulf %pack3A_380, %parallel_loop3A_483 : vector<32xbf16>
          %parallel_loop3A_485 = arith.constant 16 : i32
          %parallel_loop3A_486 = arith.muli %scan3A_358, %parallel_loop3A_485 : i32
          %parallel_loop3A_487 = arith.constant 3 : i32
          %parallel_loop3A_488 = arith.addi %parallel_loop3A_486, %parallel_loop3A_487 : i32
          %parallel_loop3A_489 = arith.constant 32 : i32
          %parallel_loop3A_490 = arith.muli %parallel_loop3A_454, %parallel_loop3A_489 : i32
          %parallel_loop3A_491 = arith.index_cast %parallel_loop3A_488 : i32 to index
          %parallel_loop3A_492 = arith.index_cast %parallel_loop3A_490 : i32 to index
          %parallel_loop3A_493 = tpu.vector_load %arg15[%parallel_loop3A_491, %parallel_loop3A_492] {strides = array<i32>} : memref<112x192xbf16, #tpu.memory_space<vmem>>, vector<32xbf16>,
          %parallel_loop3A_494 = arith.mulf %pack3A_385, %parallel_loop3A_493 : vector<32xbf16>
          %parallel_loop3A_495 = arith.constant 16 : i32
          %parallel_loop3A_496 = arith.muli %scan3A_358, %parallel_loop3A_495 : i32
          %parallel_loop3A_497 = arith.constant 4 : i32
          %parallel_loop3A_498 = arith.addi %parallel_loop3A_496, %parallel_loop3A_497 : i32
          %parallel_loop3A_499 = arith.constant 32 : i32
          %parallel_loop3A_500 = arith.muli %parallel_loop3A_454, %parallel_loop3A_499 : i32
          %parallel_loop3A_501 = arith.index_cast %parallel_loop3A_498 : i32 to index
          %parallel_loop3A_502 = arith.index_cast %parallel_loop3A_500 : i32 to index
          %parallel_loop3A_503 = tpu.vector_load %arg15[%parallel_loop3A_501, %parallel_loop3A_502] {strides = array<i32>} : memref<112x192xbf16, #tpu.memory_space<vmem>>, vector<32xbf16>,
          %parallel_loop3A_504 = arith.mulf %pack3A_390, %parallel_loop3A_503 : vector<32xbf16>
          %parallel_loop3A_505 = arith.constant 16 : i32
          %parallel_loop3A_506 = arith.muli %scan3A_358, %parallel_loop3A_505 : i32
          %parallel_loop3A_507 = arith.constant 5 : i32
          %parallel_loop3A_508 = arith.addi %parallel_loop3A_506, %parallel_loop3A_507 : i32
          %parallel_loop3A_509 = arith.constant 32 : i32
          %parallel_loop3A_510 = arith.muli %parallel_loop3A_454, %parallel_loop3A_509 : i32
          %parallel_loop3A_511 = arith.index_cast %parallel_loop3A_508 : i32 to index
          %parallel_loop3A_512 = arith.index_cast %parallel_loop3A_510 : i32 to index
          %parallel_loop3A_513 = tpu.vector_load %arg15[%parallel_loop3A_511, %parallel_loop3A_512] {strides = array<i32>} : memref<112x192xbf16, #tpu.memory_space<vmem>>, vector<32xbf16>,
          %parallel_loop3A_514 = arith.mulf %pack3A_395, %parallel_loop3A_513 : vector<32xbf16>
          %parallel_loop3A_515 = arith.constant 16 : i32
          %parallel_loop3A_516 = arith.muli %scan3A_358, %parallel_loop3A_515 : i32
          %parallel_loop3A_517 = arith.constant 6 : i32
          %parallel_loop3A_518 = arith.addi %parallel_loop3A_516, %parallel_loop3A_517 : i32
          %parallel_loop3A_519 = arith.constant 32 : i32
          %parallel_loop3A_520 = arith.muli %parallel_loop3A_454, %parallel_loop3A_519 : i32
          %parallel_loop3A_521 = arith.index_cast %parallel_loop3A_518 : i32 to index
          %parallel_loop3A_522 = arith.index_cast %parallel_loop3A_520 : i32 to index
          %parallel_loop3A_523 = tpu.vector_load %arg15[%parallel_loop3A_521, %parallel_loop3A_522] {strides = array<i32>} : memref<112x192xbf16, #tpu.memory_space<vmem>>, vector<32xbf16>,
          %parallel_loop3A_524 = arith.mulf %pack3A_400, %parallel_loop3A_523 : vector<32xbf16>
          %parallel_loop3A_525 = arith.constant 16 : i32
          %parallel_loop3A_526 = arith.muli %scan3A_358, %parallel_loop3A_525 : i32
          %parallel_loop3A_527 = arith.constant 7 : i32
          %parallel_loop3A_528 = arith.addi %parallel_loop3A_526, %parallel_loop3A_527 : i32
          %parallel_loop3A_529 = arith.constant 32 : i32
          %parallel_loop3A_530 = arith.muli %parallel_loop3A_454, %parallel_loop3A_529 : i32
          %parallel_loop3A_531 = arith.index_cast %parallel_loop3A_528 : i32 to index
          %parallel_loop3A_532 = arith.index_cast %parallel_loop3A_530 : i32 to index
          %parallel_loop3A_533 = tpu.vector_load %arg15[%parallel_loop3A_531, %parallel_loop3A_532] {strides = array<i32>} : memref<112x192xbf16, #tpu.memory_space<vmem>>, vector<32xbf16>,
          %parallel_loop3A_534 = arith.mulf %pack3A_405, %parallel_loop3A_533 : vector<32xbf16>
          %parallel_loop3A_535 = arith.constant 16 : i32
          %parallel_loop3A_536 = arith.muli %scan3A_358, %parallel_loop3A_535 : i32
          %parallel_loop3A_537 = arith.constant 8 : i32
          %parallel_loop3A_538 = arith.addi %parallel_loop3A_536, %parallel_loop3A_537 : i32
          %parallel_loop3A_539 = arith.constant 32 : i32
          %parallel_loop3A_540 = arith.muli %parallel_loop3A_454, %parallel_loop3A_539 : i32
          %parallel_loop3A_541 = arith.index_cast %parallel_loop3A_538 : i32 to index
          %parallel_loop3A_542 = arith.index_cast %parallel_loop3A_540 : i32 to index
          %parallel_loop3A_543 = tpu.vector_load %arg15[%parallel_loop3A_541, %parallel_loop3A_542] {strides = array<i32>} : memref<112x192xbf16, #tpu.memory_space<vmem>>, vector<32xbf16>,
          %parallel_loop3A_544 = arith.mulf %pack3A_410, %parallel_loop3A_543 : vector<32xbf16>
          %parallel_loop3A_545 = arith.constant 16 : i32
          %parallel_loop3A_546 = arith.muli %scan3A_358, %parallel_loop3A_545 : i32
          %parallel_loop3A_547 = arith.constant 9 : i32
          %parallel_loop3A_548 = arith.addi %parallel_loop3A_546, %parallel_loop3A_547 : i32
          %parallel_loop3A_549 = arith.constant 32 : i32
          %parallel_loop3A_550 = arith.muli %parallel_loop3A_454, %parallel_loop3A_549 : i32
          %parallel_loop3A_551 = arith.index_cast %parallel_loop3A_548 : i32 to index
          %parallel_loop3A_552 = arith.index_cast %parallel_loop3A_550 : i32 to index
          %parallel_loop3A_553 = tpu.vector_load %arg15[%parallel_loop3A_551, %parallel_loop3A_552] {strides = array<i32>} : memref<112x192xbf16, #tpu.memory_space<vmem>>, vector<32xbf16>,
          %parallel_loop3A_554 = arith.mulf %pack3A_415, %parallel_loop3A_553 : vector<32xbf16>
          %parallel_loop3A_555 = arith.constant 16 : i32
          %parallel_loop3A_556 = arith.muli %scan3A_358, %parallel_loop3A_555 : i32
          %parallel_loop3A_557 = arith.constant 10 : i32
          %parallel_loop3A_558 = arith.addi %parallel_loop3A_556, %parallel_loop3A_557 : i32
          %parallel_loop3A_559 = arith.constant 32 : i32
          %parallel_loop3A_560 = arith.muli %parallel_loop3A_454, %parallel_loop3A_559 : i32
          %parallel_loop3A_561 = arith.index_cast %parallel_loop3A_558 : i32 to index
          %parallel_loop3A_562 = arith.index_cast %parallel_loop3A_560 : i32 to index
          %parallel_loop3A_563 = tpu.vector_load %arg15[%parallel_loop3A_561, %parallel_loop3A_562] {strides = array<i32>} : memref<112x192xbf16, #tpu.memory_space<vmem>>, vector<32xbf16>,
          %parallel_loop3A_564 = arith.mulf %pack3A_420, %parallel_loop3A_563 : vector<32xbf16>
          %parallel_loop3A_565 = arith.constant 16 : i32
          %parallel_loop3A_566 = arith.muli %scan3A_358, %parallel_loop3A_565 : i32
          %parallel_loop3A_567 = arith.constant 11 : i32
          %parallel_loop3A_568 = arith.addi %parallel_loop3A_566, %parallel_loop3A_567 : i32
          %parallel_loop3A_569 = arith.constant 32 : i32
          %parallel_loop3A_570 = arith.muli %parallel_loop3A_454, %parallel_loop3A_569 : i32
          %parallel_loop3A_571 = arith.index_cast %parallel_loop3A_568 : i32 to index
          %parallel_loop3A_572 = arith.index_cast %parallel_loop3A_570 : i32 to index
          %parallel_loop3A_573 = tpu.vector_load %arg15[%parallel_loop3A_571, %parallel_loop3A_572] {strides = array<i32>} : memref<112x192xbf16, #tpu.memory_space<vmem>>, vector<32xbf16>,
          %parallel_loop3A_574 = arith.mulf %pack3A_425, %parallel_loop3A_573 : vector<32xbf16>
          %parallel_loop3A_575 = arith.constant 16 : i32
          %parallel_loop3A_576 = arith.muli %scan3A_358, %parallel_loop3A_575 : i32
          %parallel_loop3A_577 = arith.constant 12 : i32
          %parallel_loop3A_578 = arith.addi %parallel_loop3A_576, %parallel_loop3A_577 : i32
          %parallel_loop3A_579 = arith.constant 32 : i32
          %parallel_loop3A_580 = arith.muli %parallel_loop3A_454, %parallel_loop3A_579 : i32
          %parallel_loop3A_581 = arith.index_cast %parallel_loop3A_578 : i32 to index
          %parallel_loop3A_582 = arith.index_cast %parallel_loop3A_580 : i32 to index
          %parallel_loop3A_583 = tpu.vector_load %arg15[%parallel_loop3A_581, %parallel_loop3A_582] {strides = array<i32>} : memref<112x192xbf16, #tpu.memory_space<vmem>>, vector<32xbf16>,
          %parallel_loop3A_584 = arith.mulf %pack3A_430, %parallel_loop3A_583 : vector<32xbf16>
          %parallel_loop3A_585 = arith.constant 16 : i32
          %parallel_loop3A_586 = arith.muli %scan3A_358, %parallel_loop3A_585 : i32
          %parallel_loop3A_587 = arith.constant 13 : i32
          %parallel_loop3A_588 = arith.addi %parallel_loop3A_586, %parallel_loop3A_587 : i32
          %parallel_loop3A_589 = arith.constant 32 : i32
          %parallel_loop3A_590 = arith.muli %parallel_loop3A_454, %parallel_loop3A_589 : i32
          %parallel_loop3A_591 = arith.index_cast %parallel_loop3A_588 : i32 to index
          %parallel_loop3A_592 = arith.index_cast %parallel_loop3A_590 : i32 to index
          %parallel_loop3A_593 = tpu.vector_load %arg15[%parallel_loop3A_591, %parallel_loop3A_592] {strides = array<i32>} : memref<112x192xbf16, #tpu.memory_space<vmem>>, vector<32xbf16>,
          %parallel_loop3A_594 = arith.mulf %pack3A_435, %parallel_loop3A_593 : vector<32xbf16>
          %parallel_loop3A_595 = arith.constant 16 : i32
          %parallel_loop3A_596 = arith.muli %scan3A_358, %parallel_loop3A_595 : i32
          %parallel_loop3A_597 = arith.constant 14 : i32
          %parallel_loop3A_598 = arith.addi %parallel_loop3A_596, %parallel_loop3A_597 : i32
          %parallel_loop3A_599 = arith.constant 32 : i32
          %parallel_loop3A_600 = arith.muli %parallel_loop3A_454, %parallel_loop3A_599 : i32
          %parallel_loop3A_601 = arith.index_cast %parallel_loop3A_598 : i32 to index
          %parallel_loop3A_602 = arith.index_cast %parallel_loop3A_600 : i32 to index
          %parallel_loop3A_603 = tpu.vector_load %arg15[%parallel_loop3A_601, %parallel_loop3A_602] {strides = array<i32>} : memref<112x192xbf16, #tpu.memory_space<vmem>>, vector<32xbf16>,
          %parallel_loop3A_604 = arith.mulf %pack3A_440, %parallel_loop3A_603 : vector<32xbf16>
          %parallel_loop3A_605 = arith.constant 16 : i32
          %parallel_loop3A_606 = arith.muli %scan3A_358, %parallel_loop3A_605 : i32
          %parallel_loop3A_607 = arith.constant 15 : i32
          %parallel_loop3A_608 = arith.addi %parallel_loop3A_606, %parallel_loop3A_607 : i32
          %parallel_loop3A_609 = arith.constant 32 : i32
          %parallel_loop3A_610 = arith.muli %parallel_loop3A_454, %parallel_loop3A_609 : i32
          %parallel_loop3A_611 = arith.index_cast %parallel_loop3A_608 : i32 to index
          %parallel_loop3A_612 = arith.index_cast %parallel_loop3A_610 : i32 to index
          %parallel_loop3A_613 = tpu.vector_load %arg15[%parallel_loop3A_611, %parallel_loop3A_612] {strides = array<i32>} : memref<112x192xbf16, #tpu.memory_space<vmem>>, vector<32xbf16>,
          %parallel_loop3A_614 = arith.mulf %pack3A_445, %parallel_loop3A_613 : vector<32xbf16>
          %parallel_loop3A_615 = arith.addf %parallel_loop3A_464, %parallel_loop3A_474 : vector<32xbf16>
          %parallel_loop3A_616 = arith.addf %parallel_loop3A_484, %parallel_loop3A_494 : vector<32xbf16>
          %parallel_loop3A_617 = arith.addf %parallel_loop3A_504, %parallel_loop3A_514 : vector<32xbf16>
          %parallel_loop3A_618 = arith.addf %parallel_loop3A_524, %parallel_loop3A_534 : vector<32xbf16>
          %parallel_loop3A_619 = arith.addf %parallel_loop3A_544, %parallel_loop3A_554 : vector<32xbf16>
          %parallel_loop3A_620 = arith.addf %parallel_loop3A_564, %parallel_loop3A_574 : vector<32xbf16>
          %parallel_loop3A_621 = arith.addf %parallel_loop3A_584, %parallel_loop3A_594 : vector<32xbf16>
          %parallel_loop3A_622 = arith.addf %parallel_loop3A_604, %parallel_loop3A_614 : vector<32xbf16>
          %parallel_loop3A_623 = arith.addf %parallel_loop3A_615, %parallel_loop3A_616 : vector<32xbf16>
          %parallel_loop3A_624 = arith.addf %parallel_loop3A_617, %parallel_loop3A_618 : vector<32xbf16>
          %parallel_loop3A_625 = arith.addf %parallel_loop3A_619, %parallel_loop3A_620 : vector<32xbf16>
          %parallel_loop3A_626 = arith.addf %parallel_loop3A_621, %parallel_loop3A_622 : vector<32xbf16>
          %parallel_loop3A_627 = arith.addf %parallel_loop3A_623, %parallel_loop3A_624 : vector<32xbf16>
          %parallel_loop3A_628 = arith.addf %parallel_loop3A_625, %parallel_loop3A_626 : vector<32xbf16>
          %parallel_loop3A_629 = arith.addf %parallel_loop3A_627, %parallel_loop3A_628 : vector<32xbf16>
          %parallel_loop3A_630 = tpu.unpack_subelements %parallel_loop3A_629, 0 {pack_format = #tpu.pack_format<interleaved>} : vector<32xbf16> -> vector<16xf32>
          %parallel_loop3A_631 = tpu.unpack_subelements %parallel_loop3A_629, 1 {pack_format = #tpu.pack_format<interleaved>} : vector<32xbf16> -> vector<16xf32>
          %parallel_loop3A_632 = arith.constant 32 : i32
          %parallel_loop3A_633 = arith.muli %parallel_loop3A_454, %parallel_loop3A_632 : i32
          %parallel_loop3A_634 = arith.constant 49 : i32
          %parallel_loop3A_635 = arith.muli %parallel_loop3A_633, %parallel_loop3A_634 : i32
          %parallel_loop3A_636 = vector.broadcast %parallel_loop3A_635 : i32 to vector<16xi32>
          %parallel_loop3A_637 = arith.addi %add3A_450, %parallel_loop3A_636 : vector<16xi32>
          tpu.vector_store_idx %arg16[%parallel_loop3A_637], %parallel_loop3A_630 : memref<9408xf32, #tpu.memory_space<vmem>>[vector<16xi32>], vector<16xf32>,
          %parallel_loop3A_638 = arith.constant 49 : i32
          %parallel_loop3A_639 = vector.broadcast %parallel_loop3A_638 : i32 to vector<16xi32>
          %parallel_loop3A_640 = arith.addi %parallel_loop3A_637, %parallel_loop3A_639 : vector<16xi32>
          tpu.vector_store_idx %arg16[%parallel_loop3A_640], %parallel_loop3A_631 : memref<9408xf32, #tpu.memory_space<vmem>>[vector<16xi32>], vector<16xf32>,
        } {sc.loop_unroll_factor = 3 : i64, sc.parallel_access}
      }
      %scan3A_245 = arith.constant 7 : i32
      %parallel_loop3A_246 = arith.constant 21 : i32
      %parallel_loop3A_247 = arith.constant 28 : i32
      %parallel_loop3A_248 = arith.constant 1 : i32
      scf.for %parallel_loop3A_358 = %parallel_loop3A_246 to %parallel_loop3A_247 step %parallel_loop3A_248  : i32 {
        %parallel_loop3A_359 = arith.constant 21 : i32
        %parallel_loop3A_360 = arith.subi %parallel_loop3A_358, %parallel_loop3A_359 : i32
        %parallel_loop3A_361 = arith.constant 7 : i32
        %parallel_loop3A_362 = arith.divsi %parallel_loop3A_358, %parallel_loop3A_361 : i32
        %parallel_loop3A_363 = arith.constant 0 : i32
        %parallel_loop3A_364 = arith.cmpi sgt, %parallel_loop3A_358, %parallel_loop3A_363 : i32
        %parallel_loop3A_365 = arith.extui %parallel_loop3A_364 : i1 to i32
        %parallel_loop3A_366 = arith.constant 0 : i32
        %parallel_loop3A_367 = arith.cmpi slt, %parallel_loop3A_358, %parallel_loop3A_366 : i32
        %parallel_loop3A_368 = arith.extui %parallel_loop3A_367 : i1 to i32
        %parallel_loop3A_369 = arith.subi %parallel_loop3A_365, %parallel_loop3A_368 : i32
        %parallel_loop3A_370 = arith.constant 0 : i32
        %parallel_loop3A_371 = arith.cmpi sgt, %parallel_loop3A_361, %parallel_loop3A_370 : i32
        %parallel_loop3A_372 = arith.extui %parallel_loop3A_371 : i1 to i32
        %parallel_loop3A_373 = arith.constant 0 : i32
        %parallel_loop3A_374 = arith.cmpi slt, %parallel_loop3A_361, %parallel_loop3A_373 : i32
        %parallel_loop3A_375 = arith.extui %parallel_loop3A_374 : i1 to i32
        %parallel_loop3A_376 = arith.subi %parallel_loop3A_372, %parallel_loop3A_375 : i32
        %parallel_loop3A_377 = arith.cmpi ne, %parallel_loop3A_369, %parallel_loop3A_376 : i32
        %parallel_loop3A_378 = arith.remsi %parallel_loop3A_358, %parallel_loop3A_361 : i32
        %parallel_loop3A_379 = arith.constant 0 : i32
        %parallel_loop3A_380 = arith.cmpi ne, %parallel_loop3A_378, %parallel_loop3A_379 : i32
        %parallel_loop3A_381 = arith.andi %parallel_loop3A_377, %parallel_loop3A_380 : i1
        %parallel_loop3A_382 = arith.constant 1 : i32
        %parallel_loop3A_383 = arith.subi %parallel_loop3A_362, %parallel_loop3A_382 : i32
        %parallel_loop3A_384 = arith.select %parallel_loop3A_381, %parallel_loop3A_383, %parallel_loop3A_362 : i32
        %parallel_loop3A_385 = arith.constant 7 : i32
        %parallel_loop3A_386 = arith.constant 0 : i32
        %parallel_loop3A_387 = arith.cmpi eq, %parallel_loop3A_385, %parallel_loop3A_386 : i32
        %parallel_loop3A_388 = arith.constant 1 : i32
        %parallel_loop3A_389 = arith.select %parallel_loop3A_387, %parallel_loop3A_388, %parallel_loop3A_385 : i32
        %parallel_loop3A_390 = arith.remsi %parallel_loop3A_358, %parallel_loop3A_389 : i32
        %parallel_loop3A_391 = arith.constant 0 : i32
        %parallel_loop3A_392 = arith.cmpi ne, %parallel_loop3A_390, %parallel_loop3A_391 : i32
        %parallel_loop3A_393 = arith.constant 0 : i32
        %parallel_loop3A_394 = arith.cmpi slt, %parallel_loop3A_390, %parallel_loop3A_393 : i32
        %parallel_loop3A_395 = arith.constant 0 : i32
        %parallel_loop3A_396 = arith.cmpi slt, %parallel_loop3A_389, %parallel_loop3A_395 : i32
        %parallel_loop3A_397 = arith.xori %parallel_loop3A_394, %parallel_loop3A_396 : i1
        %parallel_loop3A_398 = arith.andi %parallel_loop3A_397, %parallel_loop3A_392 : i1
        %parallel_loop3A_399 = arith.addi %parallel_loop3A_390, %parallel_loop3A_389 : i32
        %parallel_loop3A_400 = arith.select %parallel_loop3A_398, %parallel_loop3A_399, %parallel_loop3A_390 : i32
        %parallel_loop3A_401 = arith.constant 16 : i32
        %parallel_loop3A_402 = arith.muli %parallel_loop3A_384, %parallel_loop3A_401 : i32
        %parallel_loop3A_403 = arith.index_cast %parallel_loop3A_402 : i32 to index
        %parallel_loop3A_404 = tpu.vector_load %arg10[%parallel_loop3A_403] {strides = array<i32>} : memref<112xi32, #tpu.memory_space<vmem>>, vector<16xi32>,
        %parallel_loop3A_405 = arith.constant 16 : i32
        %parallel_loop3A_406 = arith.muli %parallel_loop3A_400, %parallel_loop3A_405 : i32
        %parallel_loop3A_407 = arith.index_cast %parallel_loop3A_406 : i32 to index
        %parallel_loop3A_408 = tpu.vector_load %arg12[%parallel_loop3A_407] {strides = array<i32>} : memref<112xi32, #tpu.memory_space<vmem>>, vector<16xi32>,
        %parallel_loop3A_409 = arith.addi %parallel_loop3A_404, %parallel_loop3A_408 : vector<16xi32>
        %parallel_loop3A_410 = arith.constant 16 : i32
        %parallel_loop3A_411 = arith.muli %parallel_loop3A_360, %parallel_loop3A_410 : i32
        %parallel_loop3A_412 = arith.constant 3 : i32
        %parallel_loop3A_413 = arith.index_cast %parallel_loop3A_412 : i32 to index
        %parallel_loop3A_414 = arith.index_cast %parallel_loop3A_411 : i32 to index
        %parallel_loop3A_415 = tpu.vector_load %arg8[%parallel_loop3A_413, %parallel_loop3A_414] {strides = array<i32>} : memref<7x112xi32, #tpu.memory_space<vmem>>, vector<16xi32>,
        tpu.vector_store %arg8[%parallel_loop3A_413, %parallel_loop3A_414], %parallel_loop3A_409 {strides = array<i32>} : memref<7x112xi32, #tpu.memory_space<vmem>>, vector<16xi32>,
        %parallel_loop3A_416 = arith.constant 16 : i32
        %parallel_loop3A_417 = arith.muli %parallel_loop3A_384, %parallel_loop3A_416 : i32
        %parallel_loop3A_418 = arith.index_cast %parallel_loop3A_417 : i32 to index
        %parallel_loop3A_419 = tpu.vector_load %arg11[%parallel_loop3A_418] {strides = array<i32>} : memref<112xf32, #tpu.memory_space<vmem>>, vector<16xf32>,
        %parallel_loop3A_420 = arith.constant 16 : i32
        %parallel_loop3A_421 = arith.muli %parallel_loop3A_400, %parallel_loop3A_420 : i32
        %parallel_loop3A_422 = arith.index_cast %parallel_loop3A_421 : i32 to index
        %parallel_loop3A_423 = tpu.vector_load %arg13[%parallel_loop3A_422] {strides = array<i32>} : memref<112xf32, #tpu.memory_space<vmem>>, vector<16xf32>,
        %parallel_loop3A_424 = arith.mulf %parallel_loop3A_419, %parallel_loop3A_423 : vector<16xf32>
        %parallel_loop3A_425 = arith.constant 16 : i32
        %parallel_loop3A_426 = arith.muli %parallel_loop3A_358, %parallel_loop3A_425 : i32
        %parallel_loop3A_427 = arith.index_cast %parallel_loop3A_426 : i32 to index
        %parallel_loop3A_428 = tpu.vector_load %arg9[%parallel_loop3A_427] {strides = array<i32>} : memref<784xf32, #tpu.memory_space<vmem>>, vector<16xf32>,
        tpu.vector_store %arg9[%parallel_loop3A_427], %parallel_loop3A_424 {strides = array<i32>} : memref<784xf32, #tpu.memory_space<vmem>>, vector<16xf32>,
      } {sc.loop_unroll_factor = 1 : i64, sc.parallel_access}
      %dma_start3A_249 = arith.constant 3 : i32
      %dma_start3A_250 = arith.constant 0 : i32
      %dma_start3A_251 = tpu.memref_slice %arg8[%dma_start3A_249, %dma_start3A_250] : memref<7x112xi32, #tpu.memory_space<vmem>> -> memref<1x112xi32, #tpu.memory_space<vmem>>
      %dma_start3A_252 = tpu.memref_squeeze %dma_start3A_251 : memref<1x112xi32, #tpu.memory_space<vmem>> -> memref<112xi32, #tpu.memory_space<vmem>>
      %dma_start3A_253 = arith.constant 0 : i32
      %dma_start3A_254 = arith.constant 0 : i32
      %dma_start3A_255 = tpu.memref_slice %arg2[%dma_start3A_253, %dma_start3A_254] : memref<16384x192xbf16, #tpu.memory_space<hbm>> -> memref<16384x192xbf16, #tpu.memory_space<hbm>>
      tpu.enqueue_indirect_dma source(%dma_start3A_255 : memref<16384x192xbf16, #tpu.memory_space<hbm>>) target(%arg15 : memref<112x192xbf16, #tpu.memory_space<vmem>>) offsets(%dma_start3A_252 : memref<112xi32, #tpu.memory_space<vmem>>) semaphore(%arg18 : memref<!tpu.dma_semaphore, #tpu.memory_space<semaphore_mem>>)
      %dma_wait3A_256 = arith.constant 2 : i32
      %dma_wait3A_257 = arith.constant 0 : i32
      %dma_wait3A_258 = tpu.memref_slice %arg8[%dma_wait3A_256, %dma_wait3A_257] : memref<7x112xi32, #tpu.memory_space<vmem>> -> memref<1x112xi32, #tpu.memory_space<vmem>>
      %dma_wait3A_259 = tpu.memref_squeeze %dma_wait3A_258 : memref<1x112xi32, #tpu.memory_space<vmem>> -> memref<112xi32, #tpu.memory_space<vmem>>
      %dma_wait3A_260 = arith.constant 0 : i32
      %dma_wait3A_261 = arith.constant 0 : i32
      %dma_wait3A_262 = tpu.memref_slice %arg2[%dma_wait3A_260, %dma_wait3A_261] : memref<16384x192xbf16, #tpu.memory_space<hbm>> -> memref<16384x192xbf16, #tpu.memory_space<hbm>>
      tpu.wait_indirect_dma semaphore(%arg17 : memref<!tpu.dma_semaphore, #tpu.memory_space<semaphore_mem>>) src(%dma_wait3A_262 : memref<16384x192xbf16, #tpu.memory_space<hbm>>) dst(%arg14 : memref<112x192xbf16, #tpu.memory_space<vmem>>)
      %scan3A_263 = arith.constant 0 : i32
      %scan3A_264 = arith.constant 0 : i32
      %scan3A_265 = arith.constant 7 : i32
      %scan3A_266 = arith.addi %scan3A_264, %scan3A_265 : i32
      %scan3A_267 = arith.constant 1 : i32
      scf.for %scan3A_358 = %scan3A_264 to %scan3A_266 step %scan3A_267  : i32 {
        %add3A_359 = arith.constant 14 : i32
        %add3A_360 = arith.addi %add3A_359, %scan3A_358 : i32
        %broadcast_in_dim3A_361 = arith.constant 0 : i32
        %broadcast_in_dim3A_362 = vector.broadcast %broadcast_in_dim3A_361 : i32 to vector<16xi32>
        %mul3A_363 = arith.constant 16 : i32
        %mul3A_364 = arith.muli %add3A_360, %mul3A_363 : i32
        %add3A_365 = vector.broadcast %mul3A_364 : i32 to vector<16xi32>
        %add3A_366 = arith.addi %broadcast_in_dim3A_362, %add3A_365 : vector<16xi32>
        %add3A_367 = arith.constant 0 : i32
        %add3A_368 = vector.broadcast %add3A_367 : i32 to vector<16xi32>
        %add3A_369 = arith.addi %add3A_366, %add3A_368 : vector<16xi32>
        %gather3A_370 = tpu.vector_load_idx %arg9[%add3A_369] : memref<784xf32, #tpu.memory_space<vmem>>[vector<16xi32>], vector<16xf32>,
        %pack3A = tpu.pack_subelements %gather3A_370, %gather3A_370 {pack_format = #tpu.pack_format<interleaved>, positions = array<i32: 0, 1>} : vector<16xf32>, vector<16xf32> -> vector<32xbf16>
        %add3A_371 = arith.constant 1 : i32
        %add3A_372 = vector.broadcast %add3A_371 : i32 to vector<16xi32>
        %add3A_373 = arith.addi %add3A_366, %add3A_372 : vector<16xi32>
        %gather3A_374 = tpu.vector_load_idx %arg9[%add3A_373] : memref<784xf32, #tpu.memory_space<vmem>>[vector<16xi32>], vector<16xf32>,
        %pack3A_375 = tpu.pack_subelements %gather3A_374, %gather3A_374 {pack_format = #tpu.pack_format<interleaved>, positions = array<i32: 0, 1>} : vector<16xf32>, vector<16xf32> -> vector<32xbf16>
        %add3A_376 = arith.constant 2 : i32
        %add3A_377 = vector.broadcast %add3A_376 : i32 to vector<16xi32>
        %add3A_378 = arith.addi %add3A_366, %add3A_377 : vector<16xi32>
        %gather3A_379 = tpu.vector_load_idx %arg9[%add3A_378] : memref<784xf32, #tpu.memory_space<vmem>>[vector<16xi32>], vector<16xf32>,
        %pack3A_380 = tpu.pack_subelements %gather3A_379, %gather3A_379 {pack_format = #tpu.pack_format<interleaved>, positions = array<i32: 0, 1>} : vector<16xf32>, vector<16xf32> -> vector<32xbf16>
        %add3A_381 = arith.constant 3 : i32
        %add3A_382 = vector.broadcast %add3A_381 : i32 to vector<16xi32>
        %add3A_383 = arith.addi %add3A_366, %add3A_382 : vector<16xi32>
        %gather3A_384 = tpu.vector_load_idx %arg9[%add3A_383] : memref<784xf32, #tpu.memory_space<vmem>>[vector<16xi32>], vector<16xf32>,
        %pack3A_385 = tpu.pack_subelements %gather3A_384, %gather3A_384 {pack_format = #tpu.pack_format<interleaved>, positions = array<i32: 0, 1>} : vector<16xf32>, vector<16xf32> -> vector<32xbf16>
        %add3A_386 = arith.constant 4 : i32
        %add3A_387 = vector.broadcast %add3A_386 : i32 to vector<16xi32>
        %add3A_388 = arith.addi %add3A_366, %add3A_387 : vector<16xi32>
        %gather3A_389 = tpu.vector_load_idx %arg9[%add3A_388] : memref<784xf32, #tpu.memory_space<vmem>>[vector<16xi32>], vector<16xf32>,
        %pack3A_390 = tpu.pack_subelements %gather3A_389, %gather3A_389 {pack_format = #tpu.pack_format<interleaved>, positions = array<i32: 0, 1>} : vector<16xf32>, vector<16xf32> -> vector<32xbf16>
        %add3A_391 = arith.constant 5 : i32
        %add3A_392 = vector.broadcast %add3A_391 : i32 to vector<16xi32>
        %add3A_393 = arith.addi %add3A_366, %add3A_392 : vector<16xi32>
        %gather3A_394 = tpu.vector_load_idx %arg9[%add3A_393] : memref<784xf32, #tpu.memory_space<vmem>>[vector<16xi32>], vector<16xf32>,
        %pack3A_395 = tpu.pack_subelements %gather3A_394, %gather3A_394 {pack_format = #tpu.pack_format<interleaved>, positions = array<i32: 0, 1>} : vector<16xf32>, vector<16xf32> -> vector<32xbf16>
        %add3A_396 = arith.constant 6 : i32
        %add3A_397 = vector.broadcast %add3A_396 : i32 to vector<16xi32>
        %add3A_398 = arith.addi %add3A_366, %add3A_397 : vector<16xi32>
        %gather3A_399 = tpu.vector_load_idx %arg9[%add3A_398] : memref<784xf32, #tpu.memory_space<vmem>>[vector<16xi32>], vector<16xf32>,
        %pack3A_400 = tpu.pack_subelements %gather3A_399, %gather3A_399 {pack_format = #tpu.pack_format<interleaved>, positions = array<i32: 0, 1>} : vector<16xf32>, vector<16xf32> -> vector<32xbf16>
        %add3A_401 = arith.constant 7 : i32
        %add3A_402 = vector.broadcast %add3A_401 : i32 to vector<16xi32>
        %add3A_403 = arith.addi %add3A_366, %add3A_402 : vector<16xi32>
        %gather3A_404 = tpu.vector_load_idx %arg9[%add3A_403] : memref<784xf32, #tpu.memory_space<vmem>>[vector<16xi32>], vector<16xf32>,
        %pack3A_405 = tpu.pack_subelements %gather3A_404, %gather3A_404 {pack_format = #tpu.pack_format<interleaved>, positions = array<i32: 0, 1>} : vector<16xf32>, vector<16xf32> -> vector<32xbf16>
        %add3A_406 = arith.constant 8 : i32
        %add3A_407 = vector.broadcast %add3A_406 : i32 to vector<16xi32>
        %add3A_408 = arith.addi %add3A_366, %add3A_407 : vector<16xi32>
        %gather3A_409 = tpu.vector_load_idx %arg9[%add3A_408] : memref<784xf32, #tpu.memory_space<vmem>>[vector<16xi32>], vector<16xf32>,
        %pack3A_410 = tpu.pack_subelements %gather3A_409, %gather3A_409 {pack_format = #tpu.pack_format<interleaved>, positions = array<i32: 0, 1>} : vector<16xf32>, vector<16xf32> -> vector<32xbf16>
        %add3A_411 = arith.constant 9 : i32
        %add3A_412 = vector.broadcast %add3A_411 : i32 to vector<16xi32>
        %add3A_413 = arith.addi %add3A_366, %add3A_412 : vector<16xi32>
        %gather3A_414 = tpu.vector_load_idx %arg9[%add3A_413] : memref<784xf32, #tpu.memory_space<vmem>>[vector<16xi32>], vector<16xf32>,
        %pack3A_415 = tpu.pack_subelements %gather3A_414, %gather3A_414 {pack_format = #tpu.pack_format<interleaved>, positions = array<i32: 0, 1>} : vector<16xf32>, vector<16xf32> -> vector<32xbf16>
        %add3A_416 = arith.constant 10 : i32
        %add3A_417 = vector.broadcast %add3A_416 : i32 to vector<16xi32>
        %add3A_418 = arith.addi %add3A_366, %add3A_417 : vector<16xi32>
        %gather3A_419 = tpu.vector_load_idx %arg9[%add3A_418] : memref<784xf32, #tpu.memory_space<vmem>>[vector<16xi32>], vector<16xf32>,
        %pack3A_420 = tpu.pack_subelements %gather3A_419, %gather3A_419 {pack_format = #tpu.pack_format<interleaved>, positions = array<i32: 0, 1>} : vector<16xf32>, vector<16xf32> -> vector<32xbf16>
        %add3A_421 = arith.constant 11 : i32
        %add3A_422 = vector.broadcast %add3A_421 : i32 to vector<16xi32>
        %add3A_423 = arith.addi %add3A_366, %add3A_422 : vector<16xi32>
        %gather3A_424 = tpu.vector_load_idx %arg9[%add3A_423] : memref<784xf32, #tpu.memory_space<vmem>>[vector<16xi32>], vector<16xf32>,
        %pack3A_425 = tpu.pack_subelements %gather3A_424, %gather3A_424 {pack_format = #tpu.pack_format<interleaved>, positions = array<i32: 0, 1>} : vector<16xf32>, vector<16xf32> -> vector<32xbf16>
        %add3A_426 = arith.constant 12 : i32
        %add3A_427 = vector.broadcast %add3A_426 : i32 to vector<16xi32>
        %add3A_428 = arith.addi %add3A_366, %add3A_427 : vector<16xi32>
        %gather3A_429 = tpu.vector_load_idx %arg9[%add3A_428] : memref<784xf32, #tpu.memory_space<vmem>>[vector<16xi32>], vector<16xf32>,
        %pack3A_430 = tpu.pack_subelements %gather3A_429, %gather3A_429 {pack_format = #tpu.pack_format<interleaved>, positions = array<i32: 0, 1>} : vector<16xf32>, vector<16xf32> -> vector<32xbf16>
        %add3A_431 = arith.constant 13 : i32
        %add3A_432 = vector.broadcast %add3A_431 : i32 to vector<16xi32>
        %add3A_433 = arith.addi %add3A_366, %add3A_432 : vector<16xi32>
        %gather3A_434 = tpu.vector_load_idx %arg9[%add3A_433] : memref<784xf32, #tpu.memory_space<vmem>>[vector<16xi32>], vector<16xf32>,
        %pack3A_435 = tpu.pack_subelements %gather3A_434, %gather3A_434 {pack_format = #tpu.pack_format<interleaved>, positions = array<i32: 0, 1>} : vector<16xf32>, vector<16xf32> -> vector<32xbf16>
        %add3A_436 = arith.constant 14 : i32
        %add3A_437 = vector.broadcast %add3A_436 : i32 to vector<16xi32>
        %add3A_438 = arith.addi %add3A_366, %add3A_437 : vector<16xi32>
        %gather3A_439 = tpu.vector_load_idx %arg9[%add3A_438] : memref<784xf32, #tpu.memory_space<vmem>>[vector<16xi32>], vector<16xf32>,
        %pack3A_440 = tpu.pack_subelements %gather3A_439, %gather3A_439 {pack_format = #tpu.pack_format<interleaved>, positions = array<i32: 0, 1>} : vector<16xf32>, vector<16xf32> -> vector<32xbf16>
        %add3A_441 = arith.constant 15 : i32
        %add3A_442 = vector.broadcast %add3A_441 : i32 to vector<16xi32>
        %add3A_443 = arith.addi %add3A_366, %add3A_442 : vector<16xi32>
        %gather3A_444 = tpu.vector_load_idx %arg9[%add3A_443] : memref<784xf32, #tpu.memory_space<vmem>>[vector<16xi32>], vector<16xf32>,
        %pack3A_445 = tpu.pack_subelements %gather3A_444, %gather3A_444 {pack_format = #tpu.pack_format<interleaved>, positions = array<i32: 0, 1>} : vector<16xf32>, vector<16xf32> -> vector<32xbf16>
        %mul3A_446 = arith.constant 98 : i32
        %mul3A_447 = vector.broadcast %mul3A_446 : i32 to vector<16xi32>
        %mul3A_448 = arith.muli %iota3A, %mul3A_447 : vector<16xi32>
        %add3A_449 = vector.broadcast %add3A_360 : i32 to vector<16xi32>
        %add3A_450 = arith.addi %mul3A_448, %add3A_449 : vector<16xi32>
        %parallel_loop3A_451 = arith.constant 0 : i32
        %parallel_loop3A_452 = arith.constant 6 : i32
        %parallel_loop3A_453 = arith.constant 1 : i32
        scf.for %parallel_loop3A_454 = %parallel_loop3A_451 to %parallel_loop3A_452 step %parallel_loop3A_453  : i32 {
          %parallel_loop3A_455 = arith.constant 16 : i32
          %parallel_loop3A_456 = arith.muli %scan3A_358, %parallel_loop3A_455 : i32
          %parallel_loop3A_457 = arith.constant 0 : i32
          %parallel_loop3A_458 = arith.addi %parallel_loop3A_456, %parallel_loop3A_457 : i32
          %parallel_loop3A_459 = arith.constant 32 : i32
          %parallel_loop3A_460 = arith.muli %parallel_loop3A_454, %parallel_loop3A_459 : i32
          %parallel_loop3A_461 = arith.index_cast %parallel_loop3A_458 : i32 to index
          %parallel_loop3A_462 = arith.index_cast %parallel_loop3A_460 : i32 to index
          %parallel_loop3A_463 = tpu.vector_load %arg14[%parallel_loop3A_461, %parallel_loop3A_462] {strides = array<i32>} : memref<112x192xbf16, #tpu.memory_space<vmem>>, vector<32xbf16>,
          %parallel_loop3A_464 = arith.mulf %pack3A, %parallel_loop3A_463 : vector<32xbf16>
          %parallel_loop3A_465 = arith.constant 16 : i32
          %parallel_loop3A_466 = arith.muli %scan3A_358, %parallel_loop3A_465 : i32
          %parallel_loop3A_467 = arith.constant 1 : i32
          %parallel_loop3A_468 = arith.addi %parallel_loop3A_466, %parallel_loop3A_467 : i32
          %parallel_loop3A_469 = arith.constant 32 : i32
          %parallel_loop3A_470 = arith.muli %parallel_loop3A_454, %parallel_loop3A_469 : i32
          %parallel_loop3A_471 = arith.index_cast %parallel_loop3A_468 : i32 to index
          %parallel_loop3A_472 = arith.index_cast %parallel_loop3A_470 : i32 to index
          %parallel_loop3A_473 = tpu.vector_load %arg14[%parallel_loop3A_471, %parallel_loop3A_472] {strides = array<i32>} : memref<112x192xbf16, #tpu.memory_space<vmem>>, vector<32xbf16>,
          %parallel_loop3A_474 = arith.mulf %pack3A_375, %parallel_loop3A_473 : vector<32xbf16>
          %parallel_loop3A_475 = arith.constant 16 : i32
          %parallel_loop3A_476 = arith.muli %scan3A_358, %parallel_loop3A_475 : i32
          %parallel_loop3A_477 = arith.constant 2 : i32
          %parallel_loop3A_478 = arith.addi %parallel_loop3A_476, %parallel_loop3A_477 : i32
          %parallel_loop3A_479 = arith.constant 32 : i32
          %parallel_loop3A_480 = arith.muli %parallel_loop3A_454, %parallel_loop3A_479 : i32
          %parallel_loop3A_481 = arith.index_cast %parallel_loop3A_478 : i32 to index
          %parallel_loop3A_482 = arith.index_cast %parallel_loop3A_480 : i32 to index
          %parallel_loop3A_483 = tpu.vector_load %arg14[%parallel_loop3A_481, %parallel_loop3A_482] {strides = array<i32>} : memref<112x192xbf16, #tpu.memory_space<vmem>>, vector<32xbf16>,
          %parallel_loop3A_484 = arith.mulf %pack3A_380, %parallel_loop3A_483 : vector<32xbf16>
          %parallel_loop3A_485 = arith.constant 16 : i32
          %parallel_loop3A_486 = arith.muli %scan3A_358, %parallel_loop3A_485 : i32
          %parallel_loop3A_487 = arith.constant 3 : i32
          %parallel_loop3A_488 = arith.addi %parallel_loop3A_486, %parallel_loop3A_487 : i32
          %parallel_loop3A_489 = arith.constant 32 : i32
          %parallel_loop3A_490 = arith.muli %parallel_loop3A_454, %parallel_loop3A_489 : i32
          %parallel_loop3A_491 = arith.index_cast %parallel_loop3A_488 : i32 to index
          %parallel_loop3A_492 = arith.index_cast %parallel_loop3A_490 : i32 to index
          %parallel_loop3A_493 = tpu.vector_load %arg14[%parallel_loop3A_491, %parallel_loop3A_492] {strides = array<i32>} : memref<112x192xbf16, #tpu.memory_space<vmem>>, vector<32xbf16>,
          %parallel_loop3A_494 = arith.mulf %pack3A_385, %parallel_loop3A_493 : vector<32xbf16>
          %parallel_loop3A_495 = arith.constant 16 : i32
          %parallel_loop3A_496 = arith.muli %scan3A_358, %parallel_loop3A_495 : i32
          %parallel_loop3A_497 = arith.constant 4 : i32
          %parallel_loop3A_498 = arith.addi %parallel_loop3A_496, %parallel_loop3A_497 : i32
          %parallel_loop3A_499 = arith.constant 32 : i32
          %parallel_loop3A_500 = arith.muli %parallel_loop3A_454, %parallel_loop3A_499 : i32
          %parallel_loop3A_501 = arith.index_cast %parallel_loop3A_498 : i32 to index
          %parallel_loop3A_502 = arith.index_cast %parallel_loop3A_500 : i32 to index
          %parallel_loop3A_503 = tpu.vector_load %arg14[%parallel_loop3A_501, %parallel_loop3A_502] {strides = array<i32>} : memref<112x192xbf16, #tpu.memory_space<vmem>>, vector<32xbf16>,
          %parallel_loop3A_504 = arith.mulf %pack3A_390, %parallel_loop3A_503 : vector<32xbf16>
          %parallel_loop3A_505 = arith.constant 16 : i32
          %parallel_loop3A_506 = arith.muli %scan3A_358, %parallel_loop3A_505 : i32
          %parallel_loop3A_507 = arith.constant 5 : i32
          %parallel_loop3A_508 = arith.addi %parallel_loop3A_506, %parallel_loop3A_507 : i32
          %parallel_loop3A_509 = arith.constant 32 : i32
          %parallel_loop3A_510 = arith.muli %parallel_loop3A_454, %parallel_loop3A_509 : i32
          %parallel_loop3A_511 = arith.index_cast %parallel_loop3A_508 : i32 to index
          %parallel_loop3A_512 = arith.index_cast %parallel_loop3A_510 : i32 to index
          %parallel_loop3A_513 = tpu.vector_load %arg14[%parallel_loop3A_511, %parallel_loop3A_512] {strides = array<i32>} : memref<112x192xbf16, #tpu.memory_space<vmem>>, vector<32xbf16>,
          %parallel_loop3A_514 = arith.mulf %pack3A_395, %parallel_loop3A_513 : vector<32xbf16>
          %parallel_loop3A_515 = arith.constant 16 : i32
          %parallel_loop3A_516 = arith.muli %scan3A_358, %parallel_loop3A_515 : i32
          %parallel_loop3A_517 = arith.constant 6 : i32
          %parallel_loop3A_518 = arith.addi %parallel_loop3A_516, %parallel_loop3A_517 : i32
          %parallel_loop3A_519 = arith.constant 32 : i32
          %parallel_loop3A_520 = arith.muli %parallel_loop3A_454, %parallel_loop3A_519 : i32
          %parallel_loop3A_521 = arith.index_cast %parallel_loop3A_518 : i32 to index
          %parallel_loop3A_522 = arith.index_cast %parallel_loop3A_520 : i32 to index
          %parallel_loop3A_523 = tpu.vector_load %arg14[%parallel_loop3A_521, %parallel_loop3A_522] {strides = array<i32>} : memref<112x192xbf16, #tpu.memory_space<vmem>>, vector<32xbf16>,
          %parallel_loop3A_524 = arith.mulf %pack3A_400, %parallel_loop3A_523 : vector<32xbf16>
          %parallel_loop3A_525 = arith.constant 16 : i32
          %parallel_loop3A_526 = arith.muli %scan3A_358, %parallel_loop3A_525 : i32
          %parallel_loop3A_527 = arith.constant 7 : i32
          %parallel_loop3A_528 = arith.addi %parallel_loop3A_526, %parallel_loop3A_527 : i32
          %parallel_loop3A_529 = arith.constant 32 : i32
          %parallel_loop3A_530 = arith.muli %parallel_loop3A_454, %parallel_loop3A_529 : i32
          %parallel_loop3A_531 = arith.index_cast %parallel_loop3A_528 : i32 to index
          %parallel_loop3A_532 = arith.index_cast %parallel_loop3A_530 : i32 to index
          %parallel_loop3A_533 = tpu.vector_load %arg14[%parallel_loop3A_531, %parallel_loop3A_532] {strides = array<i32>} : memref<112x192xbf16, #tpu.memory_space<vmem>>, vector<32xbf16>,
          %parallel_loop3A_534 = arith.mulf %pack3A_405, %parallel_loop3A_533 : vector<32xbf16>
          %parallel_loop3A_535 = arith.constant 16 : i32
          %parallel_loop3A_536 = arith.muli %scan3A_358, %parallel_loop3A_535 : i32
          %parallel_loop3A_537 = arith.constant 8 : i32
          %parallel_loop3A_538 = arith.addi %parallel_loop3A_536, %parallel_loop3A_537 : i32
          %parallel_loop3A_539 = arith.constant 32 : i32
          %parallel_loop3A_540 = arith.muli %parallel_loop3A_454, %parallel_loop3A_539 : i32
          %parallel_loop3A_541 = arith.index_cast %parallel_loop3A_538 : i32 to index
          %parallel_loop3A_542 = arith.index_cast %parallel_loop3A_540 : i32 to index
          %parallel_loop3A_543 = tpu.vector_load %arg14[%parallel_loop3A_541, %parallel_loop3A_542] {strides = array<i32>} : memref<112x192xbf16, #tpu.memory_space<vmem>>, vector<32xbf16>,
          %parallel_loop3A_544 = arith.mulf %pack3A_410, %parallel_loop3A_543 : vector<32xbf16>
          %parallel_loop3A_545 = arith.constant 16 : i32
          %parallel_loop3A_546 = arith.muli %scan3A_358, %parallel_loop3A_545 : i32
          %parallel_loop3A_547 = arith.constant 9 : i32
          %parallel_loop3A_548 = arith.addi %parallel_loop3A_546, %parallel_loop3A_547 : i32
          %parallel_loop3A_549 = arith.constant 32 : i32
          %parallel_loop3A_550 = arith.muli %parallel_loop3A_454, %parallel_loop3A_549 : i32
          %parallel_loop3A_551 = arith.index_cast %parallel_loop3A_548 : i32 to index
          %parallel_loop3A_552 = arith.index_cast %parallel_loop3A_550 : i32 to index
          %parallel_loop3A_553 = tpu.vector_load %arg14[%parallel_loop3A_551, %parallel_loop3A_552] {strides = array<i32>} : memref<112x192xbf16, #tpu.memory_space<vmem>>, vector<32xbf16>,
          %parallel_loop3A_554 = arith.mulf %pack3A_415, %parallel_loop3A_553 : vector<32xbf16>
          %parallel_loop3A_555 = arith.constant 16 : i32
          %parallel_loop3A_556 = arith.muli %scan3A_358, %parallel_loop3A_555 : i32
          %parallel_loop3A_557 = arith.constant 10 : i32
          %parallel_loop3A_558 = arith.addi %parallel_loop3A_556, %parallel_loop3A_557 : i32
          %parallel_loop3A_559 = arith.constant 32 : i32
          %parallel_loop3A_560 = arith.muli %parallel_loop3A_454, %parallel_loop3A_559 : i32
          %parallel_loop3A_561 = arith.index_cast %parallel_loop3A_558 : i32 to index
          %parallel_loop3A_562 = arith.index_cast %parallel_loop3A_560 : i32 to index
          %parallel_loop3A_563 = tpu.vector_load %arg14[%parallel_loop3A_561, %parallel_loop3A_562] {strides = array<i32>} : memref<112x192xbf16, #tpu.memory_space<vmem>>, vector<32xbf16>,
          %parallel_loop3A_564 = arith.mulf %pack3A_420, %parallel_loop3A_563 : vector<32xbf16>
          %parallel_loop3A_565 = arith.constant 16 : i32
          %parallel_loop3A_566 = arith.muli %scan3A_358, %parallel_loop3A_565 : i32
          %parallel_loop3A_567 = arith.constant 11 : i32
          %parallel_loop3A_568 = arith.addi %parallel_loop3A_566, %parallel_loop3A_567 : i32
          %parallel_loop3A_569 = arith.constant 32 : i32
          %parallel_loop3A_570 = arith.muli %parallel_loop3A_454, %parallel_loop3A_569 : i32
          %parallel_loop3A_571 = arith.index_cast %parallel_loop3A_568 : i32 to index
          %parallel_loop3A_572 = arith.index_cast %parallel_loop3A_570 : i32 to index
          %parallel_loop3A_573 = tpu.vector_load %arg14[%parallel_loop3A_571, %parallel_loop3A_572] {strides = array<i32>} : memref<112x192xbf16, #tpu.memory_space<vmem>>, vector<32xbf16>,
          %parallel_loop3A_574 = arith.mulf %pack3A_425, %parallel_loop3A_573 : vector<32xbf16>
          %parallel_loop3A_575 = arith.constant 16 : i32
          %parallel_loop3A_576 = arith.muli %scan3A_358, %parallel_loop3A_575 : i32
          %parallel_loop3A_577 = arith.constant 12 : i32
          %parallel_loop3A_578 = arith.addi %parallel_loop3A_576, %parallel_loop3A_577 : i32
          %parallel_loop3A_579 = arith.constant 32 : i32
          %parallel_loop3A_580 = arith.muli %parallel_loop3A_454, %parallel_loop3A_579 : i32
          %parallel_loop3A_581 = arith.index_cast %parallel_loop3A_578 : i32 to index
          %parallel_loop3A_582 = arith.index_cast %parallel_loop3A_580 : i32 to index
          %parallel_loop3A_583 = tpu.vector_load %arg14[%parallel_loop3A_581, %parallel_loop3A_582] {strides = array<i32>} : memref<112x192xbf16, #tpu.memory_space<vmem>>, vector<32xbf16>,
          %parallel_loop3A_584 = arith.mulf %pack3A_430, %parallel_loop3A_583 : vector<32xbf16>
          %parallel_loop3A_585 = arith.constant 16 : i32
          %parallel_loop3A_586 = arith.muli %scan3A_358, %parallel_loop3A_585 : i32
          %parallel_loop3A_587 = arith.constant 13 : i32
          %parallel_loop3A_588 = arith.addi %parallel_loop3A_586, %parallel_loop3A_587 : i32
          %parallel_loop3A_589 = arith.constant 32 : i32
          %parallel_loop3A_590 = arith.muli %parallel_loop3A_454, %parallel_loop3A_589 : i32
          %parallel_loop3A_591 = arith.index_cast %parallel_loop3A_588 : i32 to index
          %parallel_loop3A_592 = arith.index_cast %parallel_loop3A_590 : i32 to index
          %parallel_loop3A_593 = tpu.vector_load %arg14[%parallel_loop3A_591, %parallel_loop3A_592] {strides = array<i32>} : memref<112x192xbf16, #tpu.memory_space<vmem>>, vector<32xbf16>,
          %parallel_loop3A_594 = arith.mulf %pack3A_435, %parallel_loop3A_593 : vector<32xbf16>
          %parallel_loop3A_595 = arith.constant 16 : i32
          %parallel_loop3A_596 = arith.muli %scan3A_358, %parallel_loop3A_595 : i32
          %parallel_loop3A_597 = arith.constant 14 : i32
          %parallel_loop3A_598 = arith.addi %parallel_loop3A_596, %parallel_loop3A_597 : i32
          %parallel_loop3A_599 = arith.constant 32 : i32
          %parallel_loop3A_600 = arith.muli %parallel_loop3A_454, %parallel_loop3A_599 : i32
          %parallel_loop3A_601 = arith.index_cast %parallel_loop3A_598 : i32 to index
          %parallel_loop3A_602 = arith.index_cast %parallel_loop3A_600 : i32 to index
          %parallel_loop3A_603 = tpu.vector_load %arg14[%parallel_loop3A_601, %parallel_loop3A_602] {strides = array<i32>} : memref<112x192xbf16, #tpu.memory_space<vmem>>, vector<32xbf16>,
          %parallel_loop3A_604 = arith.mulf %pack3A_440, %parallel_loop3A_603 : vector<32xbf16>
          %parallel_loop3A_605 = arith.constant 16 : i32
          %parallel_loop3A_606 = arith.muli %scan3A_358, %parallel_loop3A_605 : i32
          %parallel_loop3A_607 = arith.constant 15 : i32
          %parallel_loop3A_608 = arith.addi %parallel_loop3A_606, %parallel_loop3A_607 : i32
          %parallel_loop3A_609 = arith.constant 32 : i32
          %parallel_loop3A_610 = arith.muli %parallel_loop3A_454, %parallel_loop3A_609 : i32
          %parallel_loop3A_611 = arith.index_cast %parallel_loop3A_608 : i32 to index
          %parallel_loop3A_612 = arith.index_cast %parallel_loop3A_610 : i32 to index
          %parallel_loop3A_613 = tpu.vector_load %arg14[%parallel_loop3A_611, %parallel_loop3A_612] {strides = array<i32>} : memref<112x192xbf16, #tpu.memory_space<vmem>>, vector<32xbf16>,
          %parallel_loop3A_614 = arith.mulf %pack3A_445, %parallel_loop3A_613 : vector<32xbf16>
          %parallel_loop3A_615 = arith.addf %parallel_loop3A_464, %parallel_loop3A_474 : vector<32xbf16>
          %parallel_loop3A_616 = arith.addf %parallel_loop3A_484, %parallel_loop3A_494 : vector<32xbf16>
          %parallel_loop3A_617 = arith.addf %parallel_loop3A_504, %parallel_loop3A_514 : vector<32xbf16>
          %parallel_loop3A_618 = arith.addf %parallel_loop3A_524, %parallel_loop3A_534 : vector<32xbf16>
          %parallel_loop3A_619 = arith.addf %parallel_loop3A_544, %parallel_loop3A_554 : vector<32xbf16>
          %parallel_loop3A_620 = arith.addf %parallel_loop3A_564, %parallel_loop3A_574 : vector<32xbf16>
          %parallel_loop3A_621 = arith.addf %parallel_loop3A_584, %parallel_loop3A_594 : vector<32xbf16>
          %parallel_loop3A_622 = arith.addf %parallel_loop3A_604, %parallel_loop3A_614 : vector<32xbf16>
          %parallel_loop3A_623 = arith.addf %parallel_loop3A_615, %parallel_loop3A_616 : vector<32xbf16>
          %parallel_loop3A_624 = arith.addf %parallel_loop3A_617, %parallel_loop3A_618 : vector<32xbf16>
          %parallel_loop3A_625 = arith.addf %parallel_loop3A_619, %parallel_loop3A_620 : vector<32xbf16>
          %parallel_loop3A_626 = arith.addf %parallel_loop3A_621, %parallel_loop3A_622 : vector<32xbf16>
          %parallel_loop3A_627 = arith.addf %parallel_loop3A_623, %parallel_loop3A_624 : vector<32xbf16>
          %parallel_loop3A_628 = arith.addf %parallel_loop3A_625, %parallel_loop3A_626 : vector<32xbf16>
          %parallel_loop3A_629 = arith.addf %parallel_loop3A_627, %parallel_loop3A_628 : vector<32xbf16>
          %parallel_loop3A_630 = tpu.unpack_subelements %parallel_loop3A_629, 0 {pack_format = #tpu.pack_format<interleaved>} : vector<32xbf16> -> vector<16xf32>
          %parallel_loop3A_631 = tpu.unpack_subelements %parallel_loop3A_629, 1 {pack_format = #tpu.pack_format<interleaved>} : vector<32xbf16> -> vector<16xf32>
          %parallel_loop3A_632 = arith.constant 32 : i32
          %parallel_loop3A_633 = arith.muli %parallel_loop3A_454, %parallel_loop3A_632 : i32
          %parallel_loop3A_634 = arith.constant 49 : i32
          %parallel_loop3A_635 = arith.muli %parallel_loop3A_633, %parallel_loop3A_634 : i32
          %parallel_loop3A_636 = vector.broadcast %parallel_loop3A_635 : i32 to vector<16xi32>
          %parallel_loop3A_637 = arith.addi %add3A_450, %parallel_loop3A_636 : vector<16xi32>
          tpu.vector_store_idx %arg16[%parallel_loop3A_637], %parallel_loop3A_630 : memref<9408xf32, #tpu.memory_space<vmem>>[vector<16xi32>], vector<16xf32>,
          %parallel_loop3A_638 = arith.constant 49 : i32
          %parallel_loop3A_639 = vector.broadcast %parallel_loop3A_638 : i32 to vector<16xi32>
          %parallel_loop3A_640 = arith.addi %parallel_loop3A_637, %parallel_loop3A_639 : vector<16xi32>
          tpu.vector_store_idx %arg16[%parallel_loop3A_640], %parallel_loop3A_631 : memref<9408xf32, #tpu.memory_space<vmem>>[vector<16xi32>], vector<16xf32>,
        } {sc.loop_unroll_factor = 3 : i64, sc.parallel_access}
      }
      %scan3A_268 = arith.constant 7 : i32
      %parallel_loop3A_269 = arith.constant 28 : i32
      %parallel_loop3A_270 = arith.constant 35 : i32
      %parallel_loop3A_271 = arith.constant 1 : i32
      scf.for %parallel_loop3A_358 = %parallel_loop3A_269 to %parallel_loop3A_270 step %parallel_loop3A_271  : i32 {
        %parallel_loop3A_359 = arith.constant 28 : i32
        %parallel_loop3A_360 = arith.subi %parallel_loop3A_358, %parallel_loop3A_359 : i32
        %parallel_loop3A_361 = arith.constant 7 : i32
        %parallel_loop3A_362 = arith.divsi %parallel_loop3A_358, %parallel_loop3A_361 : i32
        %parallel_loop3A_363 = arith.constant 0 : i32
        %parallel_loop3A_364 = arith.cmpi sgt, %parallel_loop3A_358, %parallel_loop3A_363 : i32
        %parallel_loop3A_365 = arith.extui %parallel_loop3A_364 : i1 to i32
        %parallel_loop3A_366 = arith.constant 0 : i32
        %parallel_loop3A_367 = arith.cmpi slt, %parallel_loop3A_358, %parallel_loop3A_366 : i32
        %parallel_loop3A_368 = arith.extui %parallel_loop3A_367 : i1 to i32
        %parallel_loop3A_369 = arith.subi %parallel_loop3A_365, %parallel_loop3A_368 : i32
        %parallel_loop3A_370 = arith.constant 0 : i32
        %parallel_loop3A_371 = arith.cmpi sgt, %parallel_loop3A_361, %parallel_loop3A_370 : i32
        %parallel_loop3A_372 = arith.extui %parallel_loop3A_371 : i1 to i32
        %parallel_loop3A_373 = arith.constant 0 : i32
        %parallel_loop3A_374 = arith.cmpi slt, %parallel_loop3A_361, %parallel_loop3A_373 : i32
        %parallel_loop3A_375 = arith.extui %parallel_loop3A_374 : i1 to i32
        %parallel_loop3A_376 = arith.subi %parallel_loop3A_372, %parallel_loop3A_375 : i32
        %parallel_loop3A_377 = arith.cmpi ne, %parallel_loop3A_369, %parallel_loop3A_376 : i32
        %parallel_loop3A_378 = arith.remsi %parallel_loop3A_358, %parallel_loop3A_361 : i32
        %parallel_loop3A_379 = arith.constant 0 : i32
        %parallel_loop3A_380 = arith.cmpi ne, %parallel_loop3A_378, %parallel_loop3A_379 : i32
        %parallel_loop3A_381 = arith.andi %parallel_loop3A_377, %parallel_loop3A_380 : i1
        %parallel_loop3A_382 = arith.constant 1 : i32
        %parallel_loop3A_383 = arith.subi %parallel_loop3A_362, %parallel_loop3A_382 : i32
        %parallel_loop3A_384 = arith.select %parallel_loop3A_381, %parallel_loop3A_383, %parallel_loop3A_362 : i32
        %parallel_loop3A_385 = arith.constant 7 : i32
        %parallel_loop3A_386 = arith.constant 0 : i32
        %parallel_loop3A_387 = arith.cmpi eq, %parallel_loop3A_385, %parallel_loop3A_386 : i32
        %parallel_loop3A_388 = arith.constant 1 : i32
        %parallel_loop3A_389 = arith.select %parallel_loop3A_387, %parallel_loop3A_388, %parallel_loop3A_385 : i32
        %parallel_loop3A_390 = arith.remsi %parallel_loop3A_358, %parallel_loop3A_389 : i32
        %parallel_loop3A_391 = arith.constant 0 : i32
        %parallel_loop3A_392 = arith.cmpi ne, %parallel_loop3A_390, %parallel_loop3A_391 : i32
        %parallel_loop3A_393 = arith.constant 0 : i32
        %parallel_loop3A_394 = arith.cmpi slt, %parallel_loop3A_390, %parallel_loop3A_393 : i32
        %parallel_loop3A_395 = arith.constant 0 : i32
        %parallel_loop3A_396 = arith.cmpi slt, %parallel_loop3A_389, %parallel_loop3A_395 : i32
        %parallel_loop3A_397 = arith.xori %parallel_loop3A_394, %parallel_loop3A_396 : i1
        %parallel_loop3A_398 = arith.andi %parallel_loop3A_397, %parallel_loop3A_392 : i1
        %parallel_loop3A_399 = arith.addi %parallel_loop3A_390, %parallel_loop3A_389 : i32
        %parallel_loop3A_400 = arith.select %parallel_loop3A_398, %parallel_loop3A_399, %parallel_loop3A_390 : i32
        %parallel_loop3A_401 = arith.constant 16 : i32
        %parallel_loop3A_402 = arith.muli %parallel_loop3A_384, %parallel_loop3A_401 : i32
        %parallel_loop3A_403 = arith.index_cast %parallel_loop3A_402 : i32 to index
        %parallel_loop3A_404 = tpu.vector_load %arg10[%parallel_loop3A_403] {strides = array<i32>} : memref<112xi32, #tpu.memory_space<vmem>>, vector<16xi32>,
        %parallel_loop3A_405 = arith.constant 16 : i32
        %parallel_loop3A_406 = arith.muli %parallel_loop3A_400, %parallel_loop3A_405 : i32
        %parallel_loop3A_407 = arith.index_cast %parallel_loop3A_406 : i32 to index
        %parallel_loop3A_408 = tpu.vector_load %arg12[%parallel_loop3A_407] {strides = array<i32>} : memref<112xi32, #tpu.memory_space<vmem>>, vector<16xi32>,
        %parallel_loop3A_409 = arith.addi %parallel_loop3A_404, %parallel_loop3A_408 : vector<16xi32>
        %parallel_loop3A_410 = arith.constant 16 : i32
        %parallel_loop3A_411 = arith.muli %parallel_loop3A_360, %parallel_loop3A_410 : i32
        %parallel_loop3A_412 = arith.constant 4 : i32
        %parallel_loop3A_413 = arith.index_cast %parallel_loop3A_412 : i32 to index
        %parallel_loop3A_414 = arith.index_cast %parallel_loop3A_411 : i32 to index
        %parallel_loop3A_415 = tpu.vector_load %arg8[%parallel_loop3A_413, %parallel_loop3A_414] {strides = array<i32>} : memref<7x112xi32, #tpu.memory_space<vmem>>, vector<16xi32>,
        tpu.vector_store %arg8[%parallel_loop3A_413, %parallel_loop3A_414], %parallel_loop3A_409 {strides = array<i32>} : memref<7x112xi32, #tpu.memory_space<vmem>>, vector<16xi32>,
        %parallel_loop3A_416 = arith.constant 16 : i32
        %parallel_loop3A_417 = arith.muli %parallel_loop3A_384, %parallel_loop3A_416 : i32
        %parallel_loop3A_418 = arith.index_cast %parallel_loop3A_417 : i32 to index
        %parallel_loop3A_419 = tpu.vector_load %arg11[%parallel_loop3A_418] {strides = array<i32>} : memref<112xf32, #tpu.memory_space<vmem>>, vector<16xf32>,
        %parallel_loop3A_420 = arith.constant 16 : i32
        %parallel_loop3A_421 = arith.muli %parallel_loop3A_400, %parallel_loop3A_420 : i32
        %parallel_loop3A_422 = arith.index_cast %parallel_loop3A_421 : i32 to index
        %parallel_loop3A_423 = tpu.vector_load %arg13[%parallel_loop3A_422] {strides = array<i32>} : memref<112xf32, #tpu.memory_space<vmem>>, vector<16xf32>,
        %parallel_loop3A_424 = arith.mulf %parallel_loop3A_419, %parallel_loop3A_423 : vector<16xf32>
        %parallel_loop3A_425 = arith.constant 16 : i32
        %parallel_loop3A_426 = arith.muli %parallel_loop3A_358, %parallel_loop3A_425 : i32
        %parallel_loop3A_427 = arith.index_cast %parallel_loop3A_426 : i32 to index
        %parallel_loop3A_428 = tpu.vector_load %arg9[%parallel_loop3A_427] {strides = array<i32>} : memref<784xf32, #tpu.memory_space<vmem>>, vector<16xf32>,
        tpu.vector_store %arg9[%parallel_loop3A_427], %parallel_loop3A_424 {strides = array<i32>} : memref<784xf32, #tpu.memory_space<vmem>>, vector<16xf32>,
      } {sc.loop_unroll_factor = 1 : i64, sc.parallel_access}
      %dma_start3A_272 = arith.constant 4 : i32
      %dma_start3A_273 = arith.constant 0 : i32
      %dma_start3A_274 = tpu.memref_slice %arg8[%dma_start3A_272, %dma_start3A_273] : memref<7x112xi32, #tpu.memory_space<vmem>> -> memref<1x112xi32, #tpu.memory_space<vmem>>
      %dma_start3A_275 = tpu.memref_squeeze %dma_start3A_274 : memref<1x112xi32, #tpu.memory_space<vmem>> -> memref<112xi32, #tpu.memory_space<vmem>>
      %dma_start3A_276 = arith.constant 0 : i32
      %dma_start3A_277 = arith.constant 0 : i32
      %dma_start3A_278 = tpu.memref_slice %arg2[%dma_start3A_276, %dma_start3A_277] : memref<16384x192xbf16, #tpu.memory_space<hbm>> -> memref<16384x192xbf16, #tpu.memory_space<hbm>>
      tpu.enqueue_indirect_dma source(%dma_start3A_278 : memref<16384x192xbf16, #tpu.memory_space<hbm>>) target(%arg14 : memref<112x192xbf16, #tpu.memory_space<vmem>>) offsets(%dma_start3A_275 : memref<112xi32, #tpu.memory_space<vmem>>) semaphore(%arg17 : memref<!tpu.dma_semaphore, #tpu.memory_space<semaphore_mem>>)
      %dma_wait3A_279 = arith.constant 3 : i32
      %dma_wait3A_280 = arith.constant 0 : i32
      %dma_wait3A_281 = tpu.memref_slice %arg8[%dma_wait3A_279, %dma_wait3A_280] : memref<7x112xi32, #tpu.memory_space<vmem>> -> memref<1x112xi32, #tpu.memory_space<vmem>>
      %dma_wait3A_282 = tpu.memref_squeeze %dma_wait3A_281 : memref<1x112xi32, #tpu.memory_space<vmem>> -> memref<112xi32, #tpu.memory_space<vmem>>
      %dma_wait3A_283 = arith.constant 0 : i32
      %dma_wait3A_284 = arith.constant 0 : i32
      %dma_wait3A_285 = tpu.memref_slice %arg2[%dma_wait3A_283, %dma_wait3A_284] : memref<16384x192xbf16, #tpu.memory_space<hbm>> -> memref<16384x192xbf16, #tpu.memory_space<hbm>>
      tpu.wait_indirect_dma semaphore(%arg18 : memref<!tpu.dma_semaphore, #tpu.memory_space<semaphore_mem>>) src(%dma_wait3A_285 : memref<16384x192xbf16, #tpu.memory_space<hbm>>) dst(%arg15 : memref<112x192xbf16, #tpu.memory_space<vmem>>)
      %scan3A_286 = arith.constant 0 : i32
      %scan3A_287 = arith.constant 0 : i32
      %scan3A_288 = arith.constant 7 : i32
      %scan3A_289 = arith.addi %scan3A_287, %scan3A_288 : i32
      %scan3A_290 = arith.constant 1 : i32
      scf.for %scan3A_358 = %scan3A_287 to %scan3A_289 step %scan3A_290  : i32 {
        %add3A_359 = arith.constant 21 : i32
        %add3A_360 = arith.addi %add3A_359, %scan3A_358 : i32
        %broadcast_in_dim3A_361 = arith.constant 0 : i32
        %broadcast_in_dim3A_362 = vector.broadcast %broadcast_in_dim3A_361 : i32 to vector<16xi32>
        %mul3A_363 = arith.constant 16 : i32
        %mul3A_364 = arith.muli %add3A_360, %mul3A_363 : i32
        %add3A_365 = vector.broadcast %mul3A_364 : i32 to vector<16xi32>
        %add3A_366 = arith.addi %broadcast_in_dim3A_362, %add3A_365 : vector<16xi32>
        %add3A_367 = arith.constant 0 : i32
        %add3A_368 = vector.broadcast %add3A_367 : i32 to vector<16xi32>
        %add3A_369 = arith.addi %add3A_366, %add3A_368 : vector<16xi32>
        %gather3A_370 = tpu.vector_load_idx %arg9[%add3A_369] : memref<784xf32, #tpu.memory_space<vmem>>[vector<16xi32>], vector<16xf32>,
        %pack3A = tpu.pack_subelements %gather3A_370, %gather3A_370 {pack_format = #tpu.pack_format<interleaved>, positions = array<i32: 0, 1>} : vector<16xf32>, vector<16xf32> -> vector<32xbf16>
        %add3A_371 = arith.constant 1 : i32
        %add3A_372 = vector.broadcast %add3A_371 : i32 to vector<16xi32>
        %add3A_373 = arith.addi %add3A_366, %add3A_372 : vector<16xi32>
        %gather3A_374 = tpu.vector_load_idx %arg9[%add3A_373] : memref<784xf32, #tpu.memory_space<vmem>>[vector<16xi32>], vector<16xf32>,
        %pack3A_375 = tpu.pack_subelements %gather3A_374, %gather3A_374 {pack_format = #tpu.pack_format<interleaved>, positions = array<i32: 0, 1>} : vector<16xf32>, vector<16xf32> -> vector<32xbf16>
        %add3A_376 = arith.constant 2 : i32
        %add3A_377 = vector.broadcast %add3A_376 : i32 to vector<16xi32>
        %add3A_378 = arith.addi %add3A_366, %add3A_377 : vector<16xi32>
        %gather3A_379 = tpu.vector_load_idx %arg9[%add3A_378] : memref<784xf32, #tpu.memory_space<vmem>>[vector<16xi32>], vector<16xf32>,
        %pack3A_380 = tpu.pack_subelements %gather3A_379, %gather3A_379 {pack_format = #tpu.pack_format<interleaved>, positions = array<i32: 0, 1>} : vector<16xf32>, vector<16xf32> -> vector<32xbf16>
        %add3A_381 = arith.constant 3 : i32
        %add3A_382 = vector.broadcast %add3A_381 : i32 to vector<16xi32>
        %add3A_383 = arith.addi %add3A_366, %add3A_382 : vector<16xi32>
        %gather3A_384 = tpu.vector_load_idx %arg9[%add3A_383] : memref<784xf32, #tpu.memory_space<vmem>>[vector<16xi32>], vector<16xf32>,
        %pack3A_385 = tpu.pack_subelements %gather3A_384, %gather3A_384 {pack_format = #tpu.pack_format<interleaved>, positions = array<i32: 0, 1>} : vector<16xf32>, vector<16xf32> -> vector<32xbf16>
        %add3A_386 = arith.constant 4 : i32
        %add3A_387 = vector.broadcast %add3A_386 : i32 to vector<16xi32>
        %add3A_388 = arith.addi %add3A_366, %add3A_387 : vector<16xi32>
        %gather3A_389 = tpu.vector_load_idx %arg9[%add3A_388] : memref<784xf32, #tpu.memory_space<vmem>>[vector<16xi32>], vector<16xf32>,
        %pack3A_390 = tpu.pack_subelements %gather3A_389, %gather3A_389 {pack_format = #tpu.pack_format<interleaved>, positions = array<i32: 0, 1>} : vector<16xf32>, vector<16xf32> -> vector<32xbf16>
        %add3A_391 = arith.constant 5 : i32
        %add3A_392 = vector.broadcast %add3A_391 : i32 to vector<16xi32>
        %add3A_393 = arith.addi %add3A_366, %add3A_392 : vector<16xi32>
        %gather3A_394 = tpu.vector_load_idx %arg9[%add3A_393] : memref<784xf32, #tpu.memory_space<vmem>>[vector<16xi32>], vector<16xf32>,
        %pack3A_395 = tpu.pack_subelements %gather3A_394, %gather3A_394 {pack_format = #tpu.pack_format<interleaved>, positions = array<i32: 0, 1>} : vector<16xf32>, vector<16xf32> -> vector<32xbf16>
        %add3A_396 = arith.constant 6 : i32
        %add3A_397 = vector.broadcast %add3A_396 : i32 to vector<16xi32>
        %add3A_398 = arith.addi %add3A_366, %add3A_397 : vector<16xi32>
        %gather3A_399 = tpu.vector_load_idx %arg9[%add3A_398] : memref<784xf32, #tpu.memory_space<vmem>>[vector<16xi32>], vector<16xf32>,
        %pack3A_400 = tpu.pack_subelements %gather3A_399, %gather3A_399 {pack_format = #tpu.pack_format<interleaved>, positions = array<i32: 0, 1>} : vector<16xf32>, vector<16xf32> -> vector<32xbf16>
        %add3A_401 = arith.constant 7 : i32
        %add3A_402 = vector.broadcast %add3A_401 : i32 to vector<16xi32>
        %add3A_403 = arith.addi %add3A_366, %add3A_402 : vector<16xi32>
        %gather3A_404 = tpu.vector_load_idx %arg9[%add3A_403] : memref<784xf32, #tpu.memory_space<vmem>>[vector<16xi32>], vector<16xf32>,
        %pack3A_405 = tpu.pack_subelements %gather3A_404, %gather3A_404 {pack_format = #tpu.pack_format<interleaved>, positions = array<i32: 0, 1>} : vector<16xf32>, vector<16xf32> -> vector<32xbf16>
        %add3A_406 = arith.constant 8 : i32
        %add3A_407 = vector.broadcast %add3A_406 : i32 to vector<16xi32>
        %add3A_408 = arith.addi %add3A_366, %add3A_407 : vector<16xi32>
        %gather3A_409 = tpu.vector_load_idx %arg9[%add3A_408] : memref<784xf32, #tpu.memory_space<vmem>>[vector<16xi32>], vector<16xf32>,
        %pack3A_410 = tpu.pack_subelements %gather3A_409, %gather3A_409 {pack_format = #tpu.pack_format<interleaved>, positions = array<i32: 0, 1>} : vector<16xf32>, vector<16xf32> -> vector<32xbf16>
        %add3A_411 = arith.constant 9 : i32
        %add3A_412 = vector.broadcast %add3A_411 : i32 to vector<16xi32>
        %add3A_413 = arith.addi %add3A_366, %add3A_412 : vector<16xi32>
        %gather3A_414 = tpu.vector_load_idx %arg9[%add3A_413] : memref<784xf32, #tpu.memory_space<vmem>>[vector<16xi32>], vector<16xf32>,
        %pack3A_415 = tpu.pack_subelements %gather3A_414, %gather3A_414 {pack_format = #tpu.pack_format<interleaved>, positions = array<i32: 0, 1>} : vector<16xf32>, vector<16xf32> -> vector<32xbf16>
        %add3A_416 = arith.constant 10 : i32
        %add3A_417 = vector.broadcast %add3A_416 : i32 to vector<16xi32>
        %add3A_418 = arith.addi %add3A_366, %add3A_417 : vector<16xi32>
        %gather3A_419 = tpu.vector_load_idx %arg9[%add3A_418] : memref<784xf32, #tpu.memory_space<vmem>>[vector<16xi32>], vector<16xf32>,
        %pack3A_420 = tpu.pack_subelements %gather3A_419, %gather3A_419 {pack_format = #tpu.pack_format<interleaved>, positions = array<i32: 0, 1>} : vector<16xf32>, vector<16xf32> -> vector<32xbf16>
        %add3A_421 = arith.constant 11 : i32
        %add3A_422 = vector.broadcast %add3A_421 : i32 to vector<16xi32>
        %add3A_423 = arith.addi %add3A_366, %add3A_422 : vector<16xi32>
        %gather3A_424 = tpu.vector_load_idx %arg9[%add3A_423] : memref<784xf32, #tpu.memory_space<vmem>>[vector<16xi32>], vector<16xf32>,
        %pack3A_425 = tpu.pack_subelements %gather3A_424, %gather3A_424 {pack_format = #tpu.pack_format<interleaved>, positions = array<i32: 0, 1>} : vector<16xf32>, vector<16xf32> -> vector<32xbf16>
        %add3A_426 = arith.constant 12 : i32
        %add3A_427 = vector.broadcast %add3A_426 : i32 to vector<16xi32>
        %add3A_428 = arith.addi %add3A_366, %add3A_427 : vector<16xi32>
        %gather3A_429 = tpu.vector_load_idx %arg9[%add3A_428] : memref<784xf32, #tpu.memory_space<vmem>>[vector<16xi32>], vector<16xf32>,
        %pack3A_430 = tpu.pack_subelements %gather3A_429, %gather3A_429 {pack_format = #tpu.pack_format<interleaved>, positions = array<i32: 0, 1>} : vector<16xf32>, vector<16xf32> -> vector<32xbf16>
        %add3A_431 = arith.constant 13 : i32
        %add3A_432 = vector.broadcast %add3A_431 : i32 to vector<16xi32>
        %add3A_433 = arith.addi %add3A_366, %add3A_432 : vector<16xi32>
        %gather3A_434 = tpu.vector_load_idx %arg9[%add3A_433] : memref<784xf32, #tpu.memory_space<vmem>>[vector<16xi32>], vector<16xf32>,
        %pack3A_435 = tpu.pack_subelements %gather3A_434, %gather3A_434 {pack_format = #tpu.pack_format<interleaved>, positions = array<i32: 0, 1>} : vector<16xf32>, vector<16xf32> -> vector<32xbf16>
        %add3A_436 = arith.constant 14 : i32
        %add3A_437 = vector.broadcast %add3A_436 : i32 to vector<16xi32>
        %add3A_438 = arith.addi %add3A_366, %add3A_437 : vector<16xi32>
        %gather3A_439 = tpu.vector_load_idx %arg9[%add3A_438] : memref<784xf32, #tpu.memory_space<vmem>>[vector<16xi32>], vector<16xf32>,
        %pack3A_440 = tpu.pack_subelements %gather3A_439, %gather3A_439 {pack_format = #tpu.pack_format<interleaved>, positions = array<i32: 0, 1>} : vector<16xf32>, vector<16xf32> -> vector<32xbf16>
        %add3A_441 = arith.constant 15 : i32
        %add3A_442 = vector.broadcast %add3A_441 : i32 to vector<16xi32>
        %add3A_443 = arith.addi %add3A_366, %add3A_442 : vector<16xi32>
        %gather3A_444 = tpu.vector_load_idx %arg9[%add3A_443] : memref<784xf32, #tpu.memory_space<vmem>>[vector<16xi32>], vector<16xf32>,
        %pack3A_445 = tpu.pack_subelements %gather3A_444, %gather3A_444 {pack_format = #tpu.pack_format<interleaved>, positions = array<i32: 0, 1>} : vector<16xf32>, vector<16xf32> -> vector<32xbf16>
        %mul3A_446 = arith.constant 98 : i32
        %mul3A_447 = vector.broadcast %mul3A_446 : i32 to vector<16xi32>
        %mul3A_448 = arith.muli %iota3A, %mul3A_447 : vector<16xi32>
        %add3A_449 = vector.broadcast %add3A_360 : i32 to vector<16xi32>
        %add3A_450 = arith.addi %mul3A_448, %add3A_449 : vector<16xi32>
        %parallel_loop3A_451 = arith.constant 0 : i32
        %parallel_loop3A_452 = arith.constant 6 : i32
        %parallel_loop3A_453 = arith.constant 1 : i32
        scf.for %parallel_loop3A_454 = %parallel_loop3A_451 to %parallel_loop3A_452 step %parallel_loop3A_453  : i32 {
          %parallel_loop3A_455 = arith.constant 16 : i32
          %parallel_loop3A_456 = arith.muli %scan3A_358, %parallel_loop3A_455 : i32
          %parallel_loop3A_457 = arith.constant 0 : i32
          %parallel_loop3A_458 = arith.addi %parallel_loop3A_456, %parallel_loop3A_457 : i32
          %parallel_loop3A_459 = arith.constant 32 : i32
          %parallel_loop3A_460 = arith.muli %parallel_loop3A_454, %parallel_loop3A_459 : i32
          %parallel_loop3A_461 = arith.index_cast %parallel_loop3A_458 : i32 to index
          %parallel_loop3A_462 = arith.index_cast %parallel_loop3A_460 : i32 to index
          %parallel_loop3A_463 = tpu.vector_load %arg15[%parallel_loop3A_461, %parallel_loop3A_462] {strides = array<i32>} : memref<112x192xbf16, #tpu.memory_space<vmem>>, vector<32xbf16>,
          %parallel_loop3A_464 = arith.mulf %pack3A, %parallel_loop3A_463 : vector<32xbf16>
          %parallel_loop3A_465 = arith.constant 16 : i32
          %parallel_loop3A_466 = arith.muli %scan3A_358, %parallel_loop3A_465 : i32
          %parallel_loop3A_467 = arith.constant 1 : i32
          %parallel_loop3A_468 = arith.addi %parallel_loop3A_466, %parallel_loop3A_467 : i32
          %parallel_loop3A_469 = arith.constant 32 : i32
          %parallel_loop3A_470 = arith.muli %parallel_loop3A_454, %parallel_loop3A_469 : i32
          %parallel_loop3A_471 = arith.index_cast %parallel_loop3A_468 : i32 to index
          %parallel_loop3A_472 = arith.index_cast %parallel_loop3A_470 : i32 to index
          %parallel_loop3A_473 = tpu.vector_load %arg15[%parallel_loop3A_471, %parallel_loop3A_472] {strides = array<i32>} : memref<112x192xbf16, #tpu.memory_space<vmem>>, vector<32xbf16>,
          %parallel_loop3A_474 = arith.mulf %pack3A_375, %parallel_loop3A_473 : vector<32xbf16>
          %parallel_loop3A_475 = arith.constant 16 : i32
          %parallel_loop3A_476 = arith.muli %scan3A_358, %parallel_loop3A_475 : i32
          %parallel_loop3A_477 = arith.constant 2 : i32
          %parallel_loop3A_478 = arith.addi %parallel_loop3A_476, %parallel_loop3A_477 : i32
          %parallel_loop3A_479 = arith.constant 32 : i32
          %parallel_loop3A_480 = arith.muli %parallel_loop3A_454, %parallel_loop3A_479 : i32
          %parallel_loop3A_481 = arith.index_cast %parallel_loop3A_478 : i32 to index
          %parallel_loop3A_482 = arith.index_cast %parallel_loop3A_480 : i32 to index
          %parallel_loop3A_483 = tpu.vector_load %arg15[%parallel_loop3A_481, %parallel_loop3A_482] {strides = array<i32>} : memref<112x192xbf16, #tpu.memory_space<vmem>>, vector<32xbf16>,
          %parallel_loop3A_484 = arith.mulf %pack3A_380, %parallel_loop3A_483 : vector<32xbf16>
          %parallel_loop3A_485 = arith.constant 16 : i32
          %parallel_loop3A_486 = arith.muli %scan3A_358, %parallel_loop3A_485 : i32
          %parallel_loop3A_487 = arith.constant 3 : i32
          %parallel_loop3A_488 = arith.addi %parallel_loop3A_486, %parallel_loop3A_487 : i32
          %parallel_loop3A_489 = arith.constant 32 : i32
          %parallel_loop3A_490 = arith.muli %parallel_loop3A_454, %parallel_loop3A_489 : i32
          %parallel_loop3A_491 = arith.index_cast %parallel_loop3A_488 : i32 to index
          %parallel_loop3A_492 = arith.index_cast %parallel_loop3A_490 : i32 to index
          %parallel_loop3A_493 = tpu.vector_load %arg15[%parallel_loop3A_491, %parallel_loop3A_492] {strides = array<i32>} : memref<112x192xbf16, #tpu.memory_space<vmem>>, vector<32xbf16>,
          %parallel_loop3A_494 = arith.mulf %pack3A_385, %parallel_loop3A_493 : vector<32xbf16>
          %parallel_loop3A_495 = arith.constant 16 : i32
          %parallel_loop3A_496 = arith.muli %scan3A_358, %parallel_loop3A_495 : i32
          %parallel_loop3A_497 = arith.constant 4 : i32
          %parallel_loop3A_498 = arith.addi %parallel_loop3A_496, %parallel_loop3A_497 : i32
          %parallel_loop3A_499 = arith.constant 32 : i32
          %parallel_loop3A_500 = arith.muli %parallel_loop3A_454, %parallel_loop3A_499 : i32
          %parallel_loop3A_501 = arith.index_cast %parallel_loop3A_498 : i32 to index
          %parallel_loop3A_502 = arith.index_cast %parallel_loop3A_500 : i32 to index
          %parallel_loop3A_503 = tpu.vector_load %arg15[%parallel_loop3A_501, %parallel_loop3A_502] {strides = array<i32>} : memref<112x192xbf16, #tpu.memory_space<vmem>>, vector<32xbf16>,
          %parallel_loop3A_504 = arith.mulf %pack3A_390, %parallel_loop3A_503 : vector<32xbf16>
          %parallel_loop3A_505 = arith.constant 16 : i32
          %parallel_loop3A_506 = arith.muli %scan3A_358, %parallel_loop3A_505 : i32
          %parallel_loop3A_507 = arith.constant 5 : i32
          %parallel_loop3A_508 = arith.addi %parallel_loop3A_506, %parallel_loop3A_507 : i32
          %parallel_loop3A_509 = arith.constant 32 : i32
          %parallel_loop3A_510 = arith.muli %parallel_loop3A_454, %parallel_loop3A_509 : i32
          %parallel_loop3A_511 = arith.index_cast %parallel_loop3A_508 : i32 to index
          %parallel_loop3A_512 = arith.index_cast %parallel_loop3A_510 : i32 to index
          %parallel_loop3A_513 = tpu.vector_load %arg15[%parallel_loop3A_511, %parallel_loop3A_512] {strides = array<i32>} : memref<112x192xbf16, #tpu.memory_space<vmem>>, vector<32xbf16>,
          %parallel_loop3A_514 = arith.mulf %pack3A_395, %parallel_loop3A_513 : vector<32xbf16>
          %parallel_loop3A_515 = arith.constant 16 : i32
          %parallel_loop3A_516 = arith.muli %scan3A_358, %parallel_loop3A_515 : i32
          %parallel_loop3A_517 = arith.constant 6 : i32
          %parallel_loop3A_518 = arith.addi %parallel_loop3A_516, %parallel_loop3A_517 : i32
          %parallel_loop3A_519 = arith.constant 32 : i32
          %parallel_loop3A_520 = arith.muli %parallel_loop3A_454, %parallel_loop3A_519 : i32
          %parallel_loop3A_521 = arith.index_cast %parallel_loop3A_518 : i32 to index
          %parallel_loop3A_522 = arith.index_cast %parallel_loop3A_520 : i32 to index
          %parallel_loop3A_523 = tpu.vector_load %arg15[%parallel_loop3A_521, %parallel_loop3A_522] {strides = array<i32>} : memref<112x192xbf16, #tpu.memory_space<vmem>>, vector<32xbf16>,
          %parallel_loop3A_524 = arith.mulf %pack3A_400, %parallel_loop3A_523 : vector<32xbf16>
          %parallel_loop3A_525 = arith.constant 16 : i32
          %parallel_loop3A_526 = arith.muli %scan3A_358, %parallel_loop3A_525 : i32
          %parallel_loop3A_527 = arith.constant 7 : i32
          %parallel_loop3A_528 = arith.addi %parallel_loop3A_526, %parallel_loop3A_527 : i32
          %parallel_loop3A_529 = arith.constant 32 : i32
          %parallel_loop3A_530 = arith.muli %parallel_loop3A_454, %parallel_loop3A_529 : i32
          %parallel_loop3A_531 = arith.index_cast %parallel_loop3A_528 : i32 to index
          %parallel_loop3A_532 = arith.index_cast %parallel_loop3A_530 : i32 to index
          %parallel_loop3A_533 = tpu.vector_load %arg15[%parallel_loop3A_531, %parallel_loop3A_532] {strides = array<i32>} : memref<112x192xbf16, #tpu.memory_space<vmem>>, vector<32xbf16>,
          %parallel_loop3A_534 = arith.mulf %pack3A_405, %parallel_loop3A_533 : vector<32xbf16>
          %parallel_loop3A_535 = arith.constant 16 : i32
          %parallel_loop3A_536 = arith.muli %scan3A_358, %parallel_loop3A_535 : i32
          %parallel_loop3A_537 = arith.constant 8 : i32
          %parallel_loop3A_538 = arith.addi %parallel_loop3A_536, %parallel_loop3A_537 : i32
          %parallel_loop3A_539 = arith.constant 32 : i32
          %parallel_loop3A_540 = arith.muli %parallel_loop3A_454, %parallel_loop3A_539 : i32
          %parallel_loop3A_541 = arith.index_cast %parallel_loop3A_538 : i32 to index
          %parallel_loop3A_542 = arith.index_cast %parallel_loop3A_540 : i32 to index
          %parallel_loop3A_543 = tpu.vector_load %arg15[%parallel_loop3A_541, %parallel_loop3A_542] {strides = array<i32>} : memref<112x192xbf16, #tpu.memory_space<vmem>>, vector<32xbf16>,
          %parallel_loop3A_544 = arith.mulf %pack3A_410, %parallel_loop3A_543 : vector<32xbf16>
          %parallel_loop3A_545 = arith.constant 16 : i32
          %parallel_loop3A_546 = arith.muli %scan3A_358, %parallel_loop3A_545 : i32
          %parallel_loop3A_547 = arith.constant 9 : i32
          %parallel_loop3A_548 = arith.addi %parallel_loop3A_546, %parallel_loop3A_547 : i32
          %parallel_loop3A_549 = arith.constant 32 : i32
          %parallel_loop3A_550 = arith.muli %parallel_loop3A_454, %parallel_loop3A_549 : i32
          %parallel_loop3A_551 = arith.index_cast %parallel_loop3A_548 : i32 to index
          %parallel_loop3A_552 = arith.index_cast %parallel_loop3A_550 : i32 to index
          %parallel_loop3A_553 = tpu.vector_load %arg15[%parallel_loop3A_551, %parallel_loop3A_552] {strides = array<i32>} : memref<112x192xbf16, #tpu.memory_space<vmem>>, vector<32xbf16>,
          %parallel_loop3A_554 = arith.mulf %pack3A_415, %parallel_loop3A_553 : vector<32xbf16>
          %parallel_loop3A_555 = arith.constant 16 : i32
          %parallel_loop3A_556 = arith.muli %scan3A_358, %parallel_loop3A_555 : i32
          %parallel_loop3A_557 = arith.constant 10 : i32
          %parallel_loop3A_558 = arith.addi %parallel_loop3A_556, %parallel_loop3A_557 : i32
          %parallel_loop3A_559 = arith.constant 32 : i32
          %parallel_loop3A_560 = arith.muli %parallel_loop3A_454, %parallel_loop3A_559 : i32
          %parallel_loop3A_561 = arith.index_cast %parallel_loop3A_558 : i32 to index
          %parallel_loop3A_562 = arith.index_cast %parallel_loop3A_560 : i32 to index
          %parallel_loop3A_563 = tpu.vector_load %arg15[%parallel_loop3A_561, %parallel_loop3A_562] {strides = array<i32>} : memref<112x192xbf16, #tpu.memory_space<vmem>>, vector<32xbf16>,
          %parallel_loop3A_564 = arith.mulf %pack3A_420, %parallel_loop3A_563 : vector<32xbf16>
          %parallel_loop3A_565 = arith.constant 16 : i32
          %parallel_loop3A_566 = arith.muli %scan3A_358, %parallel_loop3A_565 : i32
          %parallel_loop3A_567 = arith.constant 11 : i32
          %parallel_loop3A_568 = arith.addi %parallel_loop3A_566, %parallel_loop3A_567 : i32
          %parallel_loop3A_569 = arith.constant 32 : i32
          %parallel_loop3A_570 = arith.muli %parallel_loop3A_454, %parallel_loop3A_569 : i32
          %parallel_loop3A_571 = arith.index_cast %parallel_loop3A_568 : i32 to index
          %parallel_loop3A_572 = arith.index_cast %parallel_loop3A_570 : i32 to index
          %parallel_loop3A_573 = tpu.vector_load %arg15[%parallel_loop3A_571, %parallel_loop3A_572] {strides = array<i32>} : memref<112x192xbf16, #tpu.memory_space<vmem>>, vector<32xbf16>,
          %parallel_loop3A_574 = arith.mulf %pack3A_425, %parallel_loop3A_573 : vector<32xbf16>
          %parallel_loop3A_575 = arith.constant 16 : i32
          %parallel_loop3A_576 = arith.muli %scan3A_358, %parallel_loop3A_575 : i32
          %parallel_loop3A_577 = arith.constant 12 : i32
          %parallel_loop3A_578 = arith.addi %parallel_loop3A_576, %parallel_loop3A_577 : i32
          %parallel_loop3A_579 = arith.constant 32 : i32
          %parallel_loop3A_580 = arith.muli %parallel_loop3A_454, %parallel_loop3A_579 : i32
          %parallel_loop3A_581 = arith.index_cast %parallel_loop3A_578 : i32 to index
          %parallel_loop3A_582 = arith.index_cast %parallel_loop3A_580 : i32 to index
          %parallel_loop3A_583 = tpu.vector_load %arg15[%parallel_loop3A_581, %parallel_loop3A_582] {strides = array<i32>} : memref<112x192xbf16, #tpu.memory_space<vmem>>, vector<32xbf16>,
          %parallel_loop3A_584 = arith.mulf %pack3A_430, %parallel_loop3A_583 : vector<32xbf16>
          %parallel_loop3A_585 = arith.constant 16 : i32
          %parallel_loop3A_586 = arith.muli %scan3A_358, %parallel_loop3A_585 : i32
          %parallel_loop3A_587 = arith.constant 13 : i32
          %parallel_loop3A_588 = arith.addi %parallel_loop3A_586, %parallel_loop3A_587 : i32
          %parallel_loop3A_589 = arith.constant 32 : i32
          %parallel_loop3A_590 = arith.muli %parallel_loop3A_454, %parallel_loop3A_589 : i32
          %parallel_loop3A_591 = arith.index_cast %parallel_loop3A_588 : i32 to index
          %parallel_loop3A_592 = arith.index_cast %parallel_loop3A_590 : i32 to index
          %parallel_loop3A_593 = tpu.vector_load %arg15[%parallel_loop3A_591, %parallel_loop3A_592] {strides = array<i32>} : memref<112x192xbf16, #tpu.memory_space<vmem>>, vector<32xbf16>,
          %parallel_loop3A_594 = arith.mulf %pack3A_435, %parallel_loop3A_593 : vector<32xbf16>
          %parallel_loop3A_595 = arith.constant 16 : i32
          %parallel_loop3A_596 = arith.muli %scan3A_358, %parallel_loop3A_595 : i32
          %parallel_loop3A_597 = arith.constant 14 : i32
          %parallel_loop3A_598 = arith.addi %parallel_loop3A_596, %parallel_loop3A_597 : i32
          %parallel_loop3A_599 = arith.constant 32 : i32
          %parallel_loop3A_600 = arith.muli %parallel_loop3A_454, %parallel_loop3A_599 : i32
          %parallel_loop3A_601 = arith.index_cast %parallel_loop3A_598 : i32 to index
          %parallel_loop3A_602 = arith.index_cast %parallel_loop3A_600 : i32 to index
          %parallel_loop3A_603 = tpu.vector_load %arg15[%parallel_loop3A_601, %parallel_loop3A_602] {strides = array<i32>} : memref<112x192xbf16, #tpu.memory_space<vmem>>, vector<32xbf16>,
          %parallel_loop3A_604 = arith.mulf %pack3A_440, %parallel_loop3A_603 : vector<32xbf16>
          %parallel_loop3A_605 = arith.constant 16 : i32
          %parallel_loop3A_606 = arith.muli %scan3A_358, %parallel_loop3A_605 : i32
          %parallel_loop3A_607 = arith.constant 15 : i32
          %parallel_loop3A_608 = arith.addi %parallel_loop3A_606, %parallel_loop3A_607 : i32
          %parallel_loop3A_609 = arith.constant 32 : i32
          %parallel_loop3A_610 = arith.muli %parallel_loop3A_454, %parallel_loop3A_609 : i32
          %parallel_loop3A_611 = arith.index_cast %parallel_loop3A_608 : i32 to index
          %parallel_loop3A_612 = arith.index_cast %parallel_loop3A_610 : i32 to index
          %parallel_loop3A_613 = tpu.vector_load %arg15[%parallel_loop3A_611, %parallel_loop3A_612] {strides = array<i32>} : memref<112x192xbf16, #tpu.memory_space<vmem>>, vector<32xbf16>,
          %parallel_loop3A_614 = arith.mulf %pack3A_445, %parallel_loop3A_613 : vector<32xbf16>
          %parallel_loop3A_615 = arith.addf %parallel_loop3A_464, %parallel_loop3A_474 : vector<32xbf16>
          %parallel_loop3A_616 = arith.addf %parallel_loop3A_484, %parallel_loop3A_494 : vector<32xbf16>
          %parallel_loop3A_617 = arith.addf %parallel_loop3A_504, %parallel_loop3A_514 : vector<32xbf16>
          %parallel_loop3A_618 = arith.addf %parallel_loop3A_524, %parallel_loop3A_534 : vector<32xbf16>
          %parallel_loop3A_619 = arith.addf %parallel_loop3A_544, %parallel_loop3A_554 : vector<32xbf16>
          %parallel_loop3A_620 = arith.addf %parallel_loop3A_564, %parallel_loop3A_574 : vector<32xbf16>
          %parallel_loop3A_621 = arith.addf %parallel_loop3A_584, %parallel_loop3A_594 : vector<32xbf16>
          %parallel_loop3A_622 = arith.addf %parallel_loop3A_604, %parallel_loop3A_614 : vector<32xbf16>
          %parallel_loop3A_623 = arith.addf %parallel_loop3A_615, %parallel_loop3A_616 : vector<32xbf16>
          %parallel_loop3A_624 = arith.addf %parallel_loop3A_617, %parallel_loop3A_618 : vector<32xbf16>
          %parallel_loop3A_625 = arith.addf %parallel_loop3A_619, %parallel_loop3A_620 : vector<32xbf16>
          %parallel_loop3A_626 = arith.addf %parallel_loop3A_621, %parallel_loop3A_622 : vector<32xbf16>
          %parallel_loop3A_627 = arith.addf %parallel_loop3A_623, %parallel_loop3A_624 : vector<32xbf16>
          %parallel_loop3A_628 = arith.addf %parallel_loop3A_625, %parallel_loop3A_626 : vector<32xbf16>
          %parallel_loop3A_629 = arith.addf %parallel_loop3A_627, %parallel_loop3A_628 : vector<32xbf16>
          %parallel_loop3A_630 = tpu.unpack_subelements %parallel_loop3A_629, 0 {pack_format = #tpu.pack_format<interleaved>} : vector<32xbf16> -> vector<16xf32>
          %parallel_loop3A_631 = tpu.unpack_subelements %parallel_loop3A_629, 1 {pack_format = #tpu.pack_format<interleaved>} : vector<32xbf16> -> vector<16xf32>
          %parallel_loop3A_632 = arith.constant 32 : i32
          %parallel_loop3A_633 = arith.muli %parallel_loop3A_454, %parallel_loop3A_632 : i32
          %parallel_loop3A_634 = arith.constant 49 : i32
          %parallel_loop3A_635 = arith.muli %parallel_loop3A_633, %parallel_loop3A_634 : i32
          %parallel_loop3A_636 = vector.broadcast %parallel_loop3A_635 : i32 to vector<16xi32>
          %parallel_loop3A_637 = arith.addi %add3A_450, %parallel_loop3A_636 : vector<16xi32>
          tpu.vector_store_idx %arg16[%parallel_loop3A_637], %parallel_loop3A_630 : memref<9408xf32, #tpu.memory_space<vmem>>[vector<16xi32>], vector<16xf32>,
          %parallel_loop3A_638 = arith.constant 49 : i32
          %parallel_loop3A_639 = vector.broadcast %parallel_loop3A_638 : i32 to vector<16xi32>
          %parallel_loop3A_640 = arith.addi %parallel_loop3A_637, %parallel_loop3A_639 : vector<16xi32>
          tpu.vector_store_idx %arg16[%parallel_loop3A_640], %parallel_loop3A_631 : memref<9408xf32, #tpu.memory_space<vmem>>[vector<16xi32>], vector<16xf32>,
        } {sc.loop_unroll_factor = 3 : i64, sc.parallel_access}
      }
      %scan3A_291 = arith.constant 7 : i32
      %parallel_loop3A_292 = arith.constant 35 : i32
      %parallel_loop3A_293 = arith.constant 42 : i32
      %parallel_loop3A_294 = arith.constant 1 : i32
      scf.for %parallel_loop3A_358 = %parallel_loop3A_292 to %parallel_loop3A_293 step %parallel_loop3A_294  : i32 {
        %parallel_loop3A_359 = arith.constant 35 : i32
        %parallel_loop3A_360 = arith.subi %parallel_loop3A_358, %parallel_loop3A_359 : i32
        %parallel_loop3A_361 = arith.constant 7 : i32
        %parallel_loop3A_362 = arith.divsi %parallel_loop3A_358, %parallel_loop3A_361 : i32
        %parallel_loop3A_363 = arith.constant 0 : i32
        %parallel_loop3A_364 = arith.cmpi sgt, %parallel_loop3A_358, %parallel_loop3A_363 : i32
        %parallel_loop3A_365 = arith.extui %parallel_loop3A_364 : i1 to i32
        %parallel_loop3A_366 = arith.constant 0 : i32
        %parallel_loop3A_367 = arith.cmpi slt, %parallel_loop3A_358, %parallel_loop3A_366 : i32
        %parallel_loop3A_368 = arith.extui %parallel_loop3A_367 : i1 to i32
        %parallel_loop3A_369 = arith.subi %parallel_loop3A_365, %parallel_loop3A_368 : i32
        %parallel_loop3A_370 = arith.constant 0 : i32
        %parallel_loop3A_371 = arith.cmpi sgt, %parallel_loop3A_361, %parallel_loop3A_370 : i32
        %parallel_loop3A_372 = arith.extui %parallel_loop3A_371 : i1 to i32
        %parallel_loop3A_373 = arith.constant 0 : i32
        %parallel_loop3A_374 = arith.cmpi slt, %parallel_loop3A_361, %parallel_loop3A_373 : i32
        %parallel_loop3A_375 = arith.extui %parallel_loop3A_374 : i1 to i32
        %parallel_loop3A_376 = arith.subi %parallel_loop3A_372, %parallel_loop3A_375 : i32
        %parallel_loop3A_377 = arith.cmpi ne, %parallel_loop3A_369, %parallel_loop3A_376 : i32
        %parallel_loop3A_378 = arith.remsi %parallel_loop3A_358, %parallel_loop3A_361 : i32
        %parallel_loop3A_379 = arith.constant 0 : i32
        %parallel_loop3A_380 = arith.cmpi ne, %parallel_loop3A_378, %parallel_loop3A_379 : i32
        %parallel_loop3A_381 = arith.andi %parallel_loop3A_377, %parallel_loop3A_380 : i1
        %parallel_loop3A_382 = arith.constant 1 : i32
        %parallel_loop3A_383 = arith.subi %parallel_loop3A_362, %parallel_loop3A_382 : i32
        %parallel_loop3A_384 = arith.select %parallel_loop3A_381, %parallel_loop3A_383, %parallel_loop3A_362 : i32
        %parallel_loop3A_385 = arith.constant 7 : i32
        %parallel_loop3A_386 = arith.constant 0 : i32
        %parallel_loop3A_387 = arith.cmpi eq, %parallel_loop3A_385, %parallel_loop3A_386 : i32
        %parallel_loop3A_388 = arith.constant 1 : i32
        %parallel_loop3A_389 = arith.select %parallel_loop3A_387, %parallel_loop3A_388, %parallel_loop3A_385 : i32
        %parallel_loop3A_390 = arith.remsi %parallel_loop3A_358, %parallel_loop3A_389 : i32
        %parallel_loop3A_391 = arith.constant 0 : i32
        %parallel_loop3A_392 = arith.cmpi ne, %parallel_loop3A_390, %parallel_loop3A_391 : i32
        %parallel_loop3A_393 = arith.constant 0 : i32
        %parallel_loop3A_394 = arith.cmpi slt, %parallel_loop3A_390, %parallel_loop3A_393 : i32
        %parallel_loop3A_395 = arith.constant 0 : i32
        %parallel_loop3A_396 = arith.cmpi slt, %parallel_loop3A_389, %parallel_loop3A_395 : i32
        %parallel_loop3A_397 = arith.xori %parallel_loop3A_394, %parallel_loop3A_396 : i1
        %parallel_loop3A_398 = arith.andi %parallel_loop3A_397, %parallel_loop3A_392 : i1
        %parallel_loop3A_399 = arith.addi %parallel_loop3A_390, %parallel_loop3A_389 : i32
        %parallel_loop3A_400 = arith.select %parallel_loop3A_398, %parallel_loop3A_399, %parallel_loop3A_390 : i32
        %parallel_loop3A_401 = arith.constant 16 : i32
        %parallel_loop3A_402 = arith.muli %parallel_loop3A_384, %parallel_loop3A_401 : i32
        %parallel_loop3A_403 = arith.index_cast %parallel_loop3A_402 : i32 to index
        %parallel_loop3A_404 = tpu.vector_load %arg10[%parallel_loop3A_403] {strides = array<i32>} : memref<112xi32, #tpu.memory_space<vmem>>, vector<16xi32>,
        %parallel_loop3A_405 = arith.constant 16 : i32
        %parallel_loop3A_406 = arith.muli %parallel_loop3A_400, %parallel_loop3A_405 : i32
        %parallel_loop3A_407 = arith.index_cast %parallel_loop3A_406 : i32 to index
        %parallel_loop3A_408 = tpu.vector_load %arg12[%parallel_loop3A_407] {strides = array<i32>} : memref<112xi32, #tpu.memory_space<vmem>>, vector<16xi32>,
        %parallel_loop3A_409 = arith.addi %parallel_loop3A_404, %parallel_loop3A_408 : vector<16xi32>
        %parallel_loop3A_410 = arith.constant 16 : i32
        %parallel_loop3A_411 = arith.muli %parallel_loop3A_360, %parallel_loop3A_410 : i32
        %parallel_loop3A_412 = arith.constant 5 : i32
        %parallel_loop3A_413 = arith.index_cast %parallel_loop3A_412 : i32 to index
        %parallel_loop3A_414 = arith.index_cast %parallel_loop3A_411 : i32 to index
        %parallel_loop3A_415 = tpu.vector_load %arg8[%parallel_loop3A_413, %parallel_loop3A_414] {strides = array<i32>} : memref<7x112xi32, #tpu.memory_space<vmem>>, vector<16xi32>,
        tpu.vector_store %arg8[%parallel_loop3A_413, %parallel_loop3A_414], %parallel_loop3A_409 {strides = array<i32>} : memref<7x112xi32, #tpu.memory_space<vmem>>, vector<16xi32>,
        %parallel_loop3A_416 = arith.constant 16 : i32
        %parallel_loop3A_417 = arith.muli %parallel_loop3A_384, %parallel_loop3A_416 : i32
        %parallel_loop3A_418 = arith.index_cast %parallel_loop3A_417 : i32 to index
        %parallel_loop3A_419 = tpu.vector_load %arg11[%parallel_loop3A_418] {strides = array<i32>} : memref<112xf32, #tpu.memory_space<vmem>>, vector<16xf32>,
        %parallel_loop3A_420 = arith.constant 16 : i32
        %parallel_loop3A_421 = arith.muli %parallel_loop3A_400, %parallel_loop3A_420 : i32
        %parallel_loop3A_422 = arith.index_cast %parallel_loop3A_421 : i32 to index
        %parallel_loop3A_423 = tpu.vector_load %arg13[%parallel_loop3A_422] {strides = array<i32>} : memref<112xf32, #tpu.memory_space<vmem>>, vector<16xf32>,
        %parallel_loop3A_424 = arith.mulf %parallel_loop3A_419, %parallel_loop3A_423 : vector<16xf32>
        %parallel_loop3A_425 = arith.constant 16 : i32
        %parallel_loop3A_426 = arith.muli %parallel_loop3A_358, %parallel_loop3A_425 : i32
        %parallel_loop3A_427 = arith.index_cast %parallel_loop3A_426 : i32 to index
        %parallel_loop3A_428 = tpu.vector_load %arg9[%parallel_loop3A_427] {strides = array<i32>} : memref<784xf32, #tpu.memory_space<vmem>>, vector<16xf32>,
        tpu.vector_store %arg9[%parallel_loop3A_427], %parallel_loop3A_424 {strides = array<i32>} : memref<784xf32, #tpu.memory_space<vmem>>, vector<16xf32>,
      } {sc.loop_unroll_factor = 1 : i64, sc.parallel_access}
      %dma_start3A_295 = arith.constant 5 : i32
      %dma_start3A_296 = arith.constant 0 : i32
      %dma_start3A_297 = tpu.memref_slice %arg8[%dma_start3A_295, %dma_start3A_296] : memref<7x112xi32, #tpu.memory_space<vmem>> -> memref<1x112xi32, #tpu.memory_space<vmem>>
      %dma_start3A_298 = tpu.memref_squeeze %dma_start3A_297 : memref<1x112xi32, #tpu.memory_space<vmem>> -> memref<112xi32, #tpu.memory_space<vmem>>
      %dma_start3A_299 = arith.constant 0 : i32
      %dma_start3A_300 = arith.constant 0 : i32
      %dma_start3A_301 = tpu.memref_slice %arg2[%dma_start3A_299, %dma_start3A_300] : memref<16384x192xbf16, #tpu.memory_space<hbm>> -> memref<16384x192xbf16, #tpu.memory_space<hbm>>
      tpu.enqueue_indirect_dma source(%dma_start3A_301 : memref<16384x192xbf16, #tpu.memory_space<hbm>>) target(%arg15 : memref<112x192xbf16, #tpu.memory_space<vmem>>) offsets(%dma_start3A_298 : memref<112xi32, #tpu.memory_space<vmem>>) semaphore(%arg18 : memref<!tpu.dma_semaphore, #tpu.memory_space<semaphore_mem>>)
      %dma_wait3A_302 = arith.constant 4 : i32
      %dma_wait3A_303 = arith.constant 0 : i32
      %dma_wait3A_304 = tpu.memref_slice %arg8[%dma_wait3A_302, %dma_wait3A_303] : memref<7x112xi32, #tpu.memory_space<vmem>> -> memref<1x112xi32, #tpu.memory_space<vmem>>
      %dma_wait3A_305 = tpu.memref_squeeze %dma_wait3A_304 : memref<1x112xi32, #tpu.memory_space<vmem>> -> memref<112xi32, #tpu.memory_space<vmem>>
      %dma_wait3A_306 = arith.constant 0 : i32
      %dma_wait3A_307 = arith.constant 0 : i32
      %dma_wait3A_308 = tpu.memref_slice %arg2[%dma_wait3A_306, %dma_wait3A_307] : memref<16384x192xbf16, #tpu.memory_space<hbm>> -> memref<16384x192xbf16, #tpu.memory_space<hbm>>
      tpu.wait_indirect_dma semaphore(%arg17 : memref<!tpu.dma_semaphore, #tpu.memory_space<semaphore_mem>>) src(%dma_wait3A_308 : memref<16384x192xbf16, #tpu.memory_space<hbm>>) dst(%arg14 : memref<112x192xbf16, #tpu.memory_space<vmem>>)
      %scan3A_309 = arith.constant 0 : i32
      %scan3A_310 = arith.constant 0 : i32
      %scan3A_311 = arith.constant 7 : i32
      %scan3A_312 = arith.addi %scan3A_310, %scan3A_311 : i32
      %scan3A_313 = arith.constant 1 : i32
      scf.for %scan3A_358 = %scan3A_310 to %scan3A_312 step %scan3A_313  : i32 {
        %add3A_359 = arith.constant 28 : i32
        %add3A_360 = arith.addi %add3A_359, %scan3A_358 : i32
        %broadcast_in_dim3A_361 = arith.constant 0 : i32
        %broadcast_in_dim3A_362 = vector.broadcast %broadcast_in_dim3A_361 : i32 to vector<16xi32>
        %mul3A_363 = arith.constant 16 : i32
        %mul3A_364 = arith.muli %add3A_360, %mul3A_363 : i32
        %add3A_365 = vector.broadcast %mul3A_364 : i32 to vector<16xi32>
        %add3A_366 = arith.addi %broadcast_in_dim3A_362, %add3A_365 : vector<16xi32>
        %add3A_367 = arith.constant 0 : i32
        %add3A_368 = vector.broadcast %add3A_367 : i32 to vector<16xi32>
        %add3A_369 = arith.addi %add3A_366, %add3A_368 : vector<16xi32>
        %gather3A_370 = tpu.vector_load_idx %arg9[%add3A_369] : memref<784xf32, #tpu.memory_space<vmem>>[vector<16xi32>], vector<16xf32>,
        %pack3A = tpu.pack_subelements %gather3A_370, %gather3A_370 {pack_format = #tpu.pack_format<interleaved>, positions = array<i32: 0, 1>} : vector<16xf32>, vector<16xf32> -> vector<32xbf16>
        %add3A_371 = arith.constant 1 : i32
        %add3A_372 = vector.broadcast %add3A_371 : i32 to vector<16xi32>
        %add3A_373 = arith.addi %add3A_366, %add3A_372 : vector<16xi32>
        %gather3A_374 = tpu.vector_load_idx %arg9[%add3A_373] : memref<784xf32, #tpu.memory_space<vmem>>[vector<16xi32>], vector<16xf32>,
        %pack3A_375 = tpu.pack_subelements %gather3A_374, %gather3A_374 {pack_format = #tpu.pack_format<interleaved>, positions = array<i32: 0, 1>} : vector<16xf32>, vector<16xf32> -> vector<32xbf16>
        %add3A_376 = arith.constant 2 : i32
        %add3A_377 = vector.broadcast %add3A_376 : i32 to vector<16xi32>
        %add3A_378 = arith.addi %add3A_366, %add3A_377 : vector<16xi32>
        %gather3A_379 = tpu.vector_load_idx %arg9[%add3A_378] : memref<784xf32, #tpu.memory_space<vmem>>[vector<16xi32>], vector<16xf32>,
        %pack3A_380 = tpu.pack_subelements %gather3A_379, %gather3A_379 {pack_format = #tpu.pack_format<interleaved>, positions = array<i32: 0, 1>} : vector<16xf32>, vector<16xf32> -> vector<32xbf16>
        %add3A_381 = arith.constant 3 : i32
        %add3A_382 = vector.broadcast %add3A_381 : i32 to vector<16xi32>
        %add3A_383 = arith.addi %add3A_366, %add3A_382 : vector<16xi32>
        %gather3A_384 = tpu.vector_load_idx %arg9[%add3A_383] : memref<784xf32, #tpu.memory_space<vmem>>[vector<16xi32>], vector<16xf32>,
        %pack3A_385 = tpu.pack_subelements %gather3A_384, %gather3A_384 {pack_format = #tpu.pack_format<interleaved>, positions = array<i32: 0, 1>} : vector<16xf32>, vector<16xf32> -> vector<32xbf16>
        %add3A_386 = arith.constant 4 : i32
        %add3A_387 = vector.broadcast %add3A_386 : i32 to vector<16xi32>
        %add3A_388 = arith.addi %add3A_366, %add3A_387 : vector<16xi32>
        %gather3A_389 = tpu.vector_load_idx %arg9[%add3A_388] : memref<784xf32, #tpu.memory_space<vmem>>[vector<16xi32>], vector<16xf32>,
        %pack3A_390 = tpu.pack_subelements %gather3A_389, %gather3A_389 {pack_format = #tpu.pack_format<interleaved>, positions = array<i32: 0, 1>} : vector<16xf32>, vector<16xf32> -> vector<32xbf16>
        %add3A_391 = arith.constant 5 : i32
        %add3A_392 = vector.broadcast %add3A_391 : i32 to vector<16xi32>
        %add3A_393 = arith.addi %add3A_366, %add3A_392 : vector<16xi32>
        %gather3A_394 = tpu.vector_load_idx %arg9[%add3A_393] : memref<784xf32, #tpu.memory_space<vmem>>[vector<16xi32>], vector<16xf32>,
        %pack3A_395 = tpu.pack_subelements %gather3A_394, %gather3A_394 {pack_format = #tpu.pack_format<interleaved>, positions = array<i32: 0, 1>} : vector<16xf32>, vector<16xf32> -> vector<32xbf16>
        %add3A_396 = arith.constant 6 : i32
        %add3A_397 = vector.broadcast %add3A_396 : i32 to vector<16xi32>
        %add3A_398 = arith.addi %add3A_366, %add3A_397 : vector<16xi32>
        %gather3A_399 = tpu.vector_load_idx %arg9[%add3A_398] : memref<784xf32, #tpu.memory_space<vmem>>[vector<16xi32>], vector<16xf32>,
        %pack3A_400 = tpu.pack_subelements %gather3A_399, %gather3A_399 {pack_format = #tpu.pack_format<interleaved>, positions = array<i32: 0, 1>} : vector<16xf32>, vector<16xf32> -> vector<32xbf16>
        %add3A_401 = arith.constant 7 : i32
        %add3A_402 = vector.broadcast %add3A_401 : i32 to vector<16xi32>
        %add3A_403 = arith.addi %add3A_366, %add3A_402 : vector<16xi32>
        %gather3A_404 = tpu.vector_load_idx %arg9[%add3A_403] : memref<784xf32, #tpu.memory_space<vmem>>[vector<16xi32>], vector<16xf32>,
        %pack3A_405 = tpu.pack_subelements %gather3A_404, %gather3A_404 {pack_format = #tpu.pack_format<interleaved>, positions = array<i32: 0, 1>} : vector<16xf32>, vector<16xf32> -> vector<32xbf16>
        %add3A_406 = arith.constant 8 : i32
        %add3A_407 = vector.broadcast %add3A_406 : i32 to vector<16xi32>
        %add3A_408 = arith.addi %add3A_366, %add3A_407 : vector<16xi32>
        %gather3A_409 = tpu.vector_load_idx %arg9[%add3A_408] : memref<784xf32, #tpu.memory_space<vmem>>[vector<16xi32>], vector<16xf32>,
        %pack3A_410 = tpu.pack_subelements %gather3A_409, %gather3A_409 {pack_format = #tpu.pack_format<interleaved>, positions = array<i32: 0, 1>} : vector<16xf32>, vector<16xf32> -> vector<32xbf16>
        %add3A_411 = arith.constant 9 : i32
        %add3A_412 = vector.broadcast %add3A_411 : i32 to vector<16xi32>
        %add3A_413 = arith.addi %add3A_366, %add3A_412 : vector<16xi32>
        %gather3A_414 = tpu.vector_load_idx %arg9[%add3A_413] : memref<784xf32, #tpu.memory_space<vmem>>[vector<16xi32>], vector<16xf32>,
        %pack3A_415 = tpu.pack_subelements %gather3A_414, %gather3A_414 {pack_format = #tpu.pack_format<interleaved>, positions = array<i32: 0, 1>} : vector<16xf32>, vector<16xf32> -> vector<32xbf16>
        %add3A_416 = arith.constant 10 : i32
        %add3A_417 = vector.broadcast %add3A_416 : i32 to vector<16xi32>
        %add3A_418 = arith.addi %add3A_366, %add3A_417 : vector<16xi32>
        %gather3A_419 = tpu.vector_load_idx %arg9[%add3A_418] : memref<784xf32, #tpu.memory_space<vmem>>[vector<16xi32>], vector<16xf32>,
        %pack3A_420 = tpu.pack_subelements %gather3A_419, %gather3A_419 {pack_format = #tpu.pack_format<interleaved>, positions = array<i32: 0, 1>} : vector<16xf32>, vector<16xf32> -> vector<32xbf16>
        %add3A_421 = arith.constant 11 : i32
        %add3A_422 = vector.broadcast %add3A_421 : i32 to vector<16xi32>
        %add3A_423 = arith.addi %add3A_366, %add3A_422 : vector<16xi32>
        %gather3A_424 = tpu.vector_load_idx %arg9[%add3A_423] : memref<784xf32, #tpu.memory_space<vmem>>[vector<16xi32>], vector<16xf32>,
        %pack3A_425 = tpu.pack_subelements %gather3A_424, %gather3A_424 {pack_format = #tpu.pack_format<interleaved>, positions = array<i32: 0, 1>} : vector<16xf32>, vector<16xf32> -> vector<32xbf16>
        %add3A_426 = arith.constant 12 : i32
        %add3A_427 = vector.broadcast %add3A_426 : i32 to vector<16xi32>
        %add3A_428 = arith.addi %add3A_366, %add3A_427 : vector<16xi32>
        %gather3A_429 = tpu.vector_load_idx %arg9[%add3A_428] : memref<784xf32, #tpu.memory_space<vmem>>[vector<16xi32>], vector<16xf32>,
        %pack3A_430 = tpu.pack_subelements %gather3A_429, %gather3A_429 {pack_format = #tpu.pack_format<interleaved>, positions = array<i32: 0, 1>} : vector<16xf32>, vector<16xf32> -> vector<32xbf16>
        %add3A_431 = arith.constant 13 : i32
        %add3A_432 = vector.broadcast %add3A_431 : i32 to vector<16xi32>
        %add3A_433 = arith.addi %add3A_366, %add3A_432 : vector<16xi32>
        %gather3A_434 = tpu.vector_load_idx %arg9[%add3A_433] : memref<784xf32, #tpu.memory_space<vmem>>[vector<16xi32>], vector<16xf32>,
        %pack3A_435 = tpu.pack_subelements %gather3A_434, %gather3A_434 {pack_format = #tpu.pack_format<interleaved>, positions = array<i32: 0, 1>} : vector<16xf32>, vector<16xf32> -> vector<32xbf16>
        %add3A_436 = arith.constant 14 : i32
        %add3A_437 = vector.broadcast %add3A_436 : i32 to vector<16xi32>
        %add3A_438 = arith.addi %add3A_366, %add3A_437 : vector<16xi32>
        %gather3A_439 = tpu.vector_load_idx %arg9[%add3A_438] : memref<784xf32, #tpu.memory_space<vmem>>[vector<16xi32>], vector<16xf32>,
        %pack3A_440 = tpu.pack_subelements %gather3A_439, %gather3A_439 {pack_format = #tpu.pack_format<interleaved>, positions = array<i32: 0, 1>} : vector<16xf32>, vector<16xf32> -> vector<32xbf16>
        %add3A_441 = arith.constant 15 : i32
        %add3A_442 = vector.broadcast %add3A_441 : i32 to vector<16xi32>
        %add3A_443 = arith.addi %add3A_366, %add3A_442 : vector<16xi32>
        %gather3A_444 = tpu.vector_load_idx %arg9[%add3A_443] : memref<784xf32, #tpu.memory_space<vmem>>[vector<16xi32>], vector<16xf32>,
        %pack3A_445 = tpu.pack_subelements %gather3A_444, %gather3A_444 {pack_format = #tpu.pack_format<interleaved>, positions = array<i32: 0, 1>} : vector<16xf32>, vector<16xf32> -> vector<32xbf16>
        %mul3A_446 = arith.constant 98 : i32
        %mul3A_447 = vector.broadcast %mul3A_446 : i32 to vector<16xi32>
        %mul3A_448 = arith.muli %iota3A, %mul3A_447 : vector<16xi32>
        %add3A_449 = vector.broadcast %add3A_360 : i32 to vector<16xi32>
        %add3A_450 = arith.addi %mul3A_448, %add3A_449 : vector<16xi32>
        %parallel_loop3A_451 = arith.constant 0 : i32
        %parallel_loop3A_452 = arith.constant 6 : i32
        %parallel_loop3A_453 = arith.constant 1 : i32
        scf.for %parallel_loop3A_454 = %parallel_loop3A_451 to %parallel_loop3A_452 step %parallel_loop3A_453  : i32 {
          %parallel_loop3A_455 = arith.constant 16 : i32
          %parallel_loop3A_456 = arith.muli %scan3A_358, %parallel_loop3A_455 : i32
          %parallel_loop3A_457 = arith.constant 0 : i32
          %parallel_loop3A_458 = arith.addi %parallel_loop3A_456, %parallel_loop3A_457 : i32
          %parallel_loop3A_459 = arith.constant 32 : i32
          %parallel_loop3A_460 = arith.muli %parallel_loop3A_454, %parallel_loop3A_459 : i32
          %parallel_loop3A_461 = arith.index_cast %parallel_loop3A_458 : i32 to index
          %parallel_loop3A_462 = arith.index_cast %parallel_loop3A_460 : i32 to index
          %parallel_loop3A_463 = tpu.vector_load %arg14[%parallel_loop3A_461, %parallel_loop3A_462] {strides = array<i32>} : memref<112x192xbf16, #tpu.memory_space<vmem>>, vector<32xbf16>,
          %parallel_loop3A_464 = arith.mulf %pack3A, %parallel_loop3A_463 : vector<32xbf16>
          %parallel_loop3A_465 = arith.constant 16 : i32
          %parallel_loop3A_466 = arith.muli %scan3A_358, %parallel_loop3A_465 : i32
          %parallel_loop3A_467 = arith.constant 1 : i32
          %parallel_loop3A_468 = arith.addi %parallel_loop3A_466, %parallel_loop3A_467 : i32
          %parallel_loop3A_469 = arith.constant 32 : i32
          %parallel_loop3A_470 = arith.muli %parallel_loop3A_454, %parallel_loop3A_469 : i32
          %parallel_loop3A_471 = arith.index_cast %parallel_loop3A_468 : i32 to index
          %parallel_loop3A_472 = arith.index_cast %parallel_loop3A_470 : i32 to index
          %parallel_loop3A_473 = tpu.vector_load %arg14[%parallel_loop3A_471, %parallel_loop3A_472] {strides = array<i32>} : memref<112x192xbf16, #tpu.memory_space<vmem>>, vector<32xbf16>,
          %parallel_loop3A_474 = arith.mulf %pack3A_375, %parallel_loop3A_473 : vector<32xbf16>
          %parallel_loop3A_475 = arith.constant 16 : i32
          %parallel_loop3A_476 = arith.muli %scan3A_358, %parallel_loop3A_475 : i32
          %parallel_loop3A_477 = arith.constant 2 : i32
          %parallel_loop3A_478 = arith.addi %parallel_loop3A_476, %parallel_loop3A_477 : i32
          %parallel_loop3A_479 = arith.constant 32 : i32
          %parallel_loop3A_480 = arith.muli %parallel_loop3A_454, %parallel_loop3A_479 : i32
          %parallel_loop3A_481 = arith.index_cast %parallel_loop3A_478 : i32 to index
          %parallel_loop3A_482 = arith.index_cast %parallel_loop3A_480 : i32 to index
          %parallel_loop3A_483 = tpu.vector_load %arg14[%parallel_loop3A_481, %parallel_loop3A_482] {strides = array<i32>} : memref<112x192xbf16, #tpu.memory_space<vmem>>, vector<32xbf16>,
          %parallel_loop3A_484 = arith.mulf %pack3A_380, %parallel_loop3A_483 : vector<32xbf16>
          %parallel_loop3A_485 = arith.constant 16 : i32
          %parallel_loop3A_486 = arith.muli %scan3A_358, %parallel_loop3A_485 : i32
          %parallel_loop3A_487 = arith.constant 3 : i32
          %parallel_loop3A_488 = arith.addi %parallel_loop3A_486, %parallel_loop3A_487 : i32
          %parallel_loop3A_489 = arith.constant 32 : i32
          %parallel_loop3A_490 = arith.muli %parallel_loop3A_454, %parallel_loop3A_489 : i32
          %parallel_loop3A_491 = arith.index_cast %parallel_loop3A_488 : i32 to index
          %parallel_loop3A_492 = arith.index_cast %parallel_loop3A_490 : i32 to index
          %parallel_loop3A_493 = tpu.vector_load %arg14[%parallel_loop3A_491, %parallel_loop3A_492] {strides = array<i32>} : memref<112x192xbf16, #tpu.memory_space<vmem>>, vector<32xbf16>,
          %parallel_loop3A_494 = arith.mulf %pack3A_385, %parallel_loop3A_493 : vector<32xbf16>
          %parallel_loop3A_495 = arith.constant 16 : i32
          %parallel_loop3A_496 = arith.muli %scan3A_358, %parallel_loop3A_495 : i32
          %parallel_loop3A_497 = arith.constant 4 : i32
          %parallel_loop3A_498 = arith.addi %parallel_loop3A_496, %parallel_loop3A_497 : i32
          %parallel_loop3A_499 = arith.constant 32 : i32
          %parallel_loop3A_500 = arith.muli %parallel_loop3A_454, %parallel_loop3A_499 : i32
          %parallel_loop3A_501 = arith.index_cast %parallel_loop3A_498 : i32 to index
          %parallel_loop3A_502 = arith.index_cast %parallel_loop3A_500 : i32 to index
          %parallel_loop3A_503 = tpu.vector_load %arg14[%parallel_loop3A_501, %parallel_loop3A_502] {strides = array<i32>} : memref<112x192xbf16, #tpu.memory_space<vmem>>, vector<32xbf16>,
          %parallel_loop3A_504 = arith.mulf %pack3A_390, %parallel_loop3A_503 : vector<32xbf16>
          %parallel_loop3A_505 = arith.constant 16 : i32
          %parallel_loop3A_506 = arith.muli %scan3A_358, %parallel_loop3A_505 : i32
          %parallel_loop3A_507 = arith.constant 5 : i32
          %parallel_loop3A_508 = arith.addi %parallel_loop3A_506, %parallel_loop3A_507 : i32
          %parallel_loop3A_509 = arith.constant 32 : i32
          %parallel_loop3A_510 = arith.muli %parallel_loop3A_454, %parallel_loop3A_509 : i32
          %parallel_loop3A_511 = arith.index_cast %parallel_loop3A_508 : i32 to index
          %parallel_loop3A_512 = arith.index_cast %parallel_loop3A_510 : i32 to index
          %parallel_loop3A_513 = tpu.vector_load %arg14[%parallel_loop3A_511, %parallel_loop3A_512] {strides = array<i32>} : memref<112x192xbf16, #tpu.memory_space<vmem>>, vector<32xbf16>,
          %parallel_loop3A_514 = arith.mulf %pack3A_395, %parallel_loop3A_513 : vector<32xbf16>
          %parallel_loop3A_515 = arith.constant 16 : i32
          %parallel_loop3A_516 = arith.muli %scan3A_358, %parallel_loop3A_515 : i32
          %parallel_loop3A_517 = arith.constant 6 : i32
          %parallel_loop3A_518 = arith.addi %parallel_loop3A_516, %parallel_loop3A_517 : i32
          %parallel_loop3A_519 = arith.constant 32 : i32
          %parallel_loop3A_520 = arith.muli %parallel_loop3A_454, %parallel_loop3A_519 : i32
          %parallel_loop3A_521 = arith.index_cast %parallel_loop3A_518 : i32 to index
          %parallel_loop3A_522 = arith.index_cast %parallel_loop3A_520 : i32 to index
          %parallel_loop3A_523 = tpu.vector_load %arg14[%parallel_loop3A_521, %parallel_loop3A_522] {strides = array<i32>} : memref<112x192xbf16, #tpu.memory_space<vmem>>, vector<32xbf16>,
          %parallel_loop3A_524 = arith.mulf %pack3A_400, %parallel_loop3A_523 : vector<32xbf16>
          %parallel_loop3A_525 = arith.constant 16 : i32
          %parallel_loop3A_526 = arith.muli %scan3A_358, %parallel_loop3A_525 : i32
          %parallel_loop3A_527 = arith.constant 7 : i32
          %parallel_loop3A_528 = arith.addi %parallel_loop3A_526, %parallel_loop3A_527 : i32
          %parallel_loop3A_529 = arith.constant 32 : i32
          %parallel_loop3A_530 = arith.muli %parallel_loop3A_454, %parallel_loop3A_529 : i32
          %parallel_loop3A_531 = arith.index_cast %parallel_loop3A_528 : i32 to index
          %parallel_loop3A_532 = arith.index_cast %parallel_loop3A_530 : i32 to index
          %parallel_loop3A_533 = tpu.vector_load %arg14[%parallel_loop3A_531, %parallel_loop3A_532] {strides = array<i32>} : memref<112x192xbf16, #tpu.memory_space<vmem>>, vector<32xbf16>,
          %parallel_loop3A_534 = arith.mulf %pack3A_405, %parallel_loop3A_533 : vector<32xbf16>
          %parallel_loop3A_535 = arith.constant 16 : i32
          %parallel_loop3A_536 = arith.muli %scan3A_358, %parallel_loop3A_535 : i32
          %parallel_loop3A_537 = arith.constant 8 : i32
          %parallel_loop3A_538 = arith.addi %parallel_loop3A_536, %parallel_loop3A_537 : i32
          %parallel_loop3A_539 = arith.constant 32 : i32
          %parallel_loop3A_540 = arith.muli %parallel_loop3A_454, %parallel_loop3A_539 : i32
          %parallel_loop3A_541 = arith.index_cast %parallel_loop3A_538 : i32 to index
          %parallel_loop3A_542 = arith.index_cast %parallel_loop3A_540 : i32 to index
          %parallel_loop3A_543 = tpu.vector_load %arg14[%parallel_loop3A_541, %parallel_loop3A_542] {strides = array<i32>} : memref<112x192xbf16, #tpu.memory_space<vmem>>, vector<32xbf16>,
          %parallel_loop3A_544 = arith.mulf %pack3A_410, %parallel_loop3A_543 : vector<32xbf16>
          %parallel_loop3A_545 = arith.constant 16 : i32
          %parallel_loop3A_546 = arith.muli %scan3A_358, %parallel_loop3A_545 : i32
          %parallel_loop3A_547 = arith.constant 9 : i32
          %parallel_loop3A_548 = arith.addi %parallel_loop3A_546, %parallel_loop3A_547 : i32
          %parallel_loop3A_549 = arith.constant 32 : i32
          %parallel_loop3A_550 = arith.muli %parallel_loop3A_454, %parallel_loop3A_549 : i32
          %parallel_loop3A_551 = arith.index_cast %parallel_loop3A_548 : i32 to index
          %parallel_loop3A_552 = arith.index_cast %parallel_loop3A_550 : i32 to index
          %parallel_loop3A_553 = tpu.vector_load %arg14[%parallel_loop3A_551, %parallel_loop3A_552] {strides = array<i32>} : memref<112x192xbf16, #tpu.memory_space<vmem>>, vector<32xbf16>,
          %parallel_loop3A_554 = arith.mulf %pack3A_415, %parallel_loop3A_553 : vector<32xbf16>
          %parallel_loop3A_555 = arith.constant 16 : i32
          %parallel_loop3A_556 = arith.muli %scan3A_358, %parallel_loop3A_555 : i32
          %parallel_loop3A_557 = arith.constant 10 : i32
          %parallel_loop3A_558 = arith.addi %parallel_loop3A_556, %parallel_loop3A_557 : i32
          %parallel_loop3A_559 = arith.constant 32 : i32
          %parallel_loop3A_560 = arith.muli %parallel_loop3A_454, %parallel_loop3A_559 : i32
          %parallel_loop3A_561 = arith.index_cast %parallel_loop3A_558 : i32 to index
          %parallel_loop3A_562 = arith.index_cast %parallel_loop3A_560 : i32 to index
          %parallel_loop3A_563 = tpu.vector_load %arg14[%parallel_loop3A_561, %parallel_loop3A_562] {strides = array<i32>} : memref<112x192xbf16, #tpu.memory_space<vmem>>, vector<32xbf16>,
          %parallel_loop3A_564 = arith.mulf %pack3A_420, %parallel_loop3A_563 : vector<32xbf16>
          %parallel_loop3A_565 = arith.constant 16 : i32
          %parallel_loop3A_566 = arith.muli %scan3A_358, %parallel_loop3A_565 : i32
          %parallel_loop3A_567 = arith.constant 11 : i32
          %parallel_loop3A_568 = arith.addi %parallel_loop3A_566, %parallel_loop3A_567 : i32
          %parallel_loop3A_569 = arith.constant 32 : i32
          %parallel_loop3A_570 = arith.muli %parallel_loop3A_454, %parallel_loop3A_569 : i32
          %parallel_loop3A_571 = arith.index_cast %parallel_loop3A_568 : i32 to index
          %parallel_loop3A_572 = arith.index_cast %parallel_loop3A_570 : i32 to index
          %parallel_loop3A_573 = tpu.vector_load %arg14[%parallel_loop3A_571, %parallel_loop3A_572] {strides = array<i32>} : memref<112x192xbf16, #tpu.memory_space<vmem>>, vector<32xbf16>,
          %parallel_loop3A_574 = arith.mulf %pack3A_425, %parallel_loop3A_573 : vector<32xbf16>
          %parallel_loop3A_575 = arith.constant 16 : i32
          %parallel_loop3A_576 = arith.muli %scan3A_358, %parallel_loop3A_575 : i32
          %parallel_loop3A_577 = arith.constant 12 : i32
          %parallel_loop3A_578 = arith.addi %parallel_loop3A_576, %parallel_loop3A_577 : i32
          %parallel_loop3A_579 = arith.constant 32 : i32
          %parallel_loop3A_580 = arith.muli %parallel_loop3A_454, %parallel_loop3A_579 : i32
          %parallel_loop3A_581 = arith.index_cast %parallel_loop3A_578 : i32 to index
          %parallel_loop3A_582 = arith.index_cast %parallel_loop3A_580 : i32 to index
          %parallel_loop3A_583 = tpu.vector_load %arg14[%parallel_loop3A_581, %parallel_loop3A_582] {strides = array<i32>} : memref<112x192xbf16, #tpu.memory_space<vmem>>, vector<32xbf16>,
          %parallel_loop3A_584 = arith.mulf %pack3A_430, %parallel_loop3A_583 : vector<32xbf16>
          %parallel_loop3A_585 = arith.constant 16 : i32
          %parallel_loop3A_586 = arith.muli %scan3A_358, %parallel_loop3A_585 : i32
          %parallel_loop3A_587 = arith.constant 13 : i32
          %parallel_loop3A_588 = arith.addi %parallel_loop3A_586, %parallel_loop3A_587 : i32
          %parallel_loop3A_589 = arith.constant 32 : i32
          %parallel_loop3A_590 = arith.muli %parallel_loop3A_454, %parallel_loop3A_589 : i32
          %parallel_loop3A_591 = arith.index_cast %parallel_loop3A_588 : i32 to index
          %parallel_loop3A_592 = arith.index_cast %parallel_loop3A_590 : i32 to index
          %parallel_loop3A_593 = tpu.vector_load %arg14[%parallel_loop3A_591, %parallel_loop3A_592] {strides = array<i32>} : memref<112x192xbf16, #tpu.memory_space<vmem>>, vector<32xbf16>,
          %parallel_loop3A_594 = arith.mulf %pack3A_435, %parallel_loop3A_593 : vector<32xbf16>
          %parallel_loop3A_595 = arith.constant 16 : i32
          %parallel_loop3A_596 = arith.muli %scan3A_358, %parallel_loop3A_595 : i32
          %parallel_loop3A_597 = arith.constant 14 : i32
          %parallel_loop3A_598 = arith.addi %parallel_loop3A_596, %parallel_loop3A_597 : i32
          %parallel_loop3A_599 = arith.constant 32 : i32
          %parallel_loop3A_600 = arith.muli %parallel_loop3A_454, %parallel_loop3A_599 : i32
          %parallel_loop3A_601 = arith.index_cast %parallel_loop3A_598 : i32 to index
          %parallel_loop3A_602 = arith.index_cast %parallel_loop3A_600 : i32 to index
          %parallel_loop3A_603 = tpu.vector_load %arg14[%parallel_loop3A_601, %parallel_loop3A_602] {strides = array<i32>} : memref<112x192xbf16, #tpu.memory_space<vmem>>, vector<32xbf16>,
          %parallel_loop3A_604 = arith.mulf %pack3A_440, %parallel_loop3A_603 : vector<32xbf16>
          %parallel_loop3A_605 = arith.constant 16 : i32
          %parallel_loop3A_606 = arith.muli %scan3A_358, %parallel_loop3A_605 : i32
          %parallel_loop3A_607 = arith.constant 15 : i32
          %parallel_loop3A_608 = arith.addi %parallel_loop3A_606, %parallel_loop3A_607 : i32
          %parallel_loop3A_609 = arith.constant 32 : i32
          %parallel_loop3A_610 = arith.muli %parallel_loop3A_454, %parallel_loop3A_609 : i32
          %parallel_loop3A_611 = arith.index_cast %parallel_loop3A_608 : i32 to index
          %parallel_loop3A_612 = arith.index_cast %parallel_loop3A_610 : i32 to index
          %parallel_loop3A_613 = tpu.vector_load %arg14[%parallel_loop3A_611, %parallel_loop3A_612] {strides = array<i32>} : memref<112x192xbf16, #tpu.memory_space<vmem>>, vector<32xbf16>,
          %parallel_loop3A_614 = arith.mulf %pack3A_445, %parallel_loop3A_613 : vector<32xbf16>
          %parallel_loop3A_615 = arith.addf %parallel_loop3A_464, %parallel_loop3A_474 : vector<32xbf16>
          %parallel_loop3A_616 = arith.addf %parallel_loop3A_484, %parallel_loop3A_494 : vector<32xbf16>
          %parallel_loop3A_617 = arith.addf %parallel_loop3A_504, %parallel_loop3A_514 : vector<32xbf16>
          %parallel_loop3A_618 = arith.addf %parallel_loop3A_524, %parallel_loop3A_534 : vector<32xbf16>
          %parallel_loop3A_619 = arith.addf %parallel_loop3A_544, %parallel_loop3A_554 : vector<32xbf16>
          %parallel_loop3A_620 = arith.addf %parallel_loop3A_564, %parallel_loop3A_574 : vector<32xbf16>
          %parallel_loop3A_621 = arith.addf %parallel_loop3A_584, %parallel_loop3A_594 : vector<32xbf16>
          %parallel_loop3A_622 = arith.addf %parallel_loop3A_604, %parallel_loop3A_614 : vector<32xbf16>
          %parallel_loop3A_623 = arith.addf %parallel_loop3A_615, %parallel_loop3A_616 : vector<32xbf16>
          %parallel_loop3A_624 = arith.addf %parallel_loop3A_617, %parallel_loop3A_618 : vector<32xbf16>
          %parallel_loop3A_625 = arith.addf %parallel_loop3A_619, %parallel_loop3A_620 : vector<32xbf16>
          %parallel_loop3A_626 = arith.addf %parallel_loop3A_621, %parallel_loop3A_622 : vector<32xbf16>
          %parallel_loop3A_627 = arith.addf %parallel_loop3A_623, %parallel_loop3A_624 : vector<32xbf16>
          %parallel_loop3A_628 = arith.addf %parallel_loop3A_625, %parallel_loop3A_626 : vector<32xbf16>
          %parallel_loop3A_629 = arith.addf %parallel_loop3A_627, %parallel_loop3A_628 : vector<32xbf16>
          %parallel_loop3A_630 = tpu.unpack_subelements %parallel_loop3A_629, 0 {pack_format = #tpu.pack_format<interleaved>} : vector<32xbf16> -> vector<16xf32>
          %parallel_loop3A_631 = tpu.unpack_subelements %parallel_loop3A_629, 1 {pack_format = #tpu.pack_format<interleaved>} : vector<32xbf16> -> vector<16xf32>
          %parallel_loop3A_632 = arith.constant 32 : i32
          %parallel_loop3A_633 = arith.muli %parallel_loop3A_454, %parallel_loop3A_632 : i32
          %parallel_loop3A_634 = arith.constant 49 : i32
          %parallel_loop3A_635 = arith.muli %parallel_loop3A_633, %parallel_loop3A_634 : i32
          %parallel_loop3A_636 = vector.broadcast %parallel_loop3A_635 : i32 to vector<16xi32>
          %parallel_loop3A_637 = arith.addi %add3A_450, %parallel_loop3A_636 : vector<16xi32>
          tpu.vector_store_idx %arg16[%parallel_loop3A_637], %parallel_loop3A_630 : memref<9408xf32, #tpu.memory_space<vmem>>[vector<16xi32>], vector<16xf32>,
          %parallel_loop3A_638 = arith.constant 49 : i32
          %parallel_loop3A_639 = vector.broadcast %parallel_loop3A_638 : i32 to vector<16xi32>
          %parallel_loop3A_640 = arith.addi %parallel_loop3A_637, %parallel_loop3A_639 : vector<16xi32>
          tpu.vector_store_idx %arg16[%parallel_loop3A_640], %parallel_loop3A_631 : memref<9408xf32, #tpu.memory_space<vmem>>[vector<16xi32>], vector<16xf32>,
        } {sc.loop_unroll_factor = 3 : i64, sc.parallel_access}
      }
      %scan3A_314 = arith.constant 7 : i32
      %parallel_loop3A_315 = arith.constant 42 : i32
      %parallel_loop3A_316 = arith.constant 49 : i32
      %parallel_loop3A_317 = arith.constant 1 : i32
      scf.for %parallel_loop3A_358 = %parallel_loop3A_315 to %parallel_loop3A_316 step %parallel_loop3A_317  : i32 {
        %parallel_loop3A_359 = arith.constant 42 : i32
        %parallel_loop3A_360 = arith.subi %parallel_loop3A_358, %parallel_loop3A_359 : i32
        %parallel_loop3A_361 = arith.constant 7 : i32
        %parallel_loop3A_362 = arith.divsi %parallel_loop3A_358, %parallel_loop3A_361 : i32
        %parallel_loop3A_363 = arith.constant 0 : i32
        %parallel_loop3A_364 = arith.cmpi sgt, %parallel_loop3A_358, %parallel_loop3A_363 : i32
        %parallel_loop3A_365 = arith.extui %parallel_loop3A_364 : i1 to i32
        %parallel_loop3A_366 = arith.constant 0 : i32
        %parallel_loop3A_367 = arith.cmpi slt, %parallel_loop3A_358, %parallel_loop3A_366 : i32
        %parallel_loop3A_368 = arith.extui %parallel_loop3A_367 : i1 to i32
        %parallel_loop3A_369 = arith.subi %parallel_loop3A_365, %parallel_loop3A_368 : i32
        %parallel_loop3A_370 = arith.constant 0 : i32
        %parallel_loop3A_371 = arith.cmpi sgt, %parallel_loop3A_361, %parallel_loop3A_370 : i32
        %parallel_loop3A_372 = arith.extui %parallel_loop3A_371 : i1 to i32
        %parallel_loop3A_373 = arith.constant 0 : i32
        %parallel_loop3A_374 = arith.cmpi slt, %parallel_loop3A_361, %parallel_loop3A_373 : i32
        %parallel_loop3A_375 = arith.extui %parallel_loop3A_374 : i1 to i32
        %parallel_loop3A_376 = arith.subi %parallel_loop3A_372, %parallel_loop3A_375 : i32
        %parallel_loop3A_377 = arith.cmpi ne, %parallel_loop3A_369, %parallel_loop3A_376 : i32
        %parallel_loop3A_378 = arith.remsi %parallel_loop3A_358, %parallel_loop3A_361 : i32
        %parallel_loop3A_379 = arith.constant 0 : i32
        %parallel_loop3A_380 = arith.cmpi ne, %parallel_loop3A_378, %parallel_loop3A_379 : i32
        %parallel_loop3A_381 = arith.andi %parallel_loop3A_377, %parallel_loop3A_380 : i1
        %parallel_loop3A_382 = arith.constant 1 : i32
        %parallel_loop3A_383 = arith.subi %parallel_loop3A_362, %parallel_loop3A_382 : i32
        %parallel_loop3A_384 = arith.select %parallel_loop3A_381, %parallel_loop3A_383, %parallel_loop3A_362 : i32
        %parallel_loop3A_385 = arith.constant 7 : i32
        %parallel_loop3A_386 = arith.constant 0 : i32
        %parallel_loop3A_387 = arith.cmpi eq, %parallel_loop3A_385, %parallel_loop3A_386 : i32
        %parallel_loop3A_388 = arith.constant 1 : i32
        %parallel_loop3A_389 = arith.select %parallel_loop3A_387, %parallel_loop3A_388, %parallel_loop3A_385 : i32
        %parallel_loop3A_390 = arith.remsi %parallel_loop3A_358, %parallel_loop3A_389 : i32
        %parallel_loop3A_391 = arith.constant 0 : i32
        %parallel_loop3A_392 = arith.cmpi ne, %parallel_loop3A_390, %parallel_loop3A_391 : i32
        %parallel_loop3A_393 = arith.constant 0 : i32
        %parallel_loop3A_394 = arith.cmpi slt, %parallel_loop3A_390, %parallel_loop3A_393 : i32
        %parallel_loop3A_395 = arith.constant 0 : i32
        %parallel_loop3A_396 = arith.cmpi slt, %parallel_loop3A_389, %parallel_loop3A_395 : i32
        %parallel_loop3A_397 = arith.xori %parallel_loop3A_394, %parallel_loop3A_396 : i1
        %parallel_loop3A_398 = arith.andi %parallel_loop3A_397, %parallel_loop3A_392 : i1
        %parallel_loop3A_399 = arith.addi %parallel_loop3A_390, %parallel_loop3A_389 : i32
        %parallel_loop3A_400 = arith.select %parallel_loop3A_398, %parallel_loop3A_399, %parallel_loop3A_390 : i32
        %parallel_loop3A_401 = arith.constant 16 : i32
        %parallel_loop3A_402 = arith.muli %parallel_loop3A_384, %parallel_loop3A_401 : i32
        %parallel_loop3A_403 = arith.index_cast %parallel_loop3A_402 : i32 to index
        %parallel_loop3A_404 = tpu.vector_load %arg10[%parallel_loop3A_403] {strides = array<i32>} : memref<112xi32, #tpu.memory_space<vmem>>, vector<16xi32>,
        %parallel_loop3A_405 = arith.constant 16 : i32
        %parallel_loop3A_406 = arith.muli %parallel_loop3A_400, %parallel_loop3A_405 : i32
        %parallel_loop3A_407 = arith.index_cast %parallel_loop3A_406 : i32 to index
        %parallel_loop3A_408 = tpu.vector_load %arg12[%parallel_loop3A_407] {strides = array<i32>} : memref<112xi32, #tpu.memory_space<vmem>>, vector<16xi32>,
        %parallel_loop3A_409 = arith.addi %parallel_loop3A_404, %parallel_loop3A_408 : vector<16xi32>
        %parallel_loop3A_410 = arith.constant 16 : i32
        %parallel_loop3A_411 = arith.muli %parallel_loop3A_360, %parallel_loop3A_410 : i32
        %parallel_loop3A_412 = arith.constant 6 : i32
        %parallel_loop3A_413 = arith.index_cast %parallel_loop3A_412 : i32 to index
        %parallel_loop3A_414 = arith.index_cast %parallel_loop3A_411 : i32 to index
        %parallel_loop3A_415 = tpu.vector_load %arg8[%parallel_loop3A_413, %parallel_loop3A_414] {strides = array<i32>} : memref<7x112xi32, #tpu.memory_space<vmem>>, vector<16xi32>,
        tpu.vector_store %arg8[%parallel_loop3A_413, %parallel_loop3A_414], %parallel_loop3A_409 {strides = array<i32>} : memref<7x112xi32, #tpu.memory_space<vmem>>, vector<16xi32>,
        %parallel_loop3A_416 = arith.constant 16 : i32
        %parallel_loop3A_417 = arith.muli %parallel_loop3A_384, %parallel_loop3A_416 : i32
        %parallel_loop3A_418 = arith.index_cast %parallel_loop3A_417 : i32 to index
        %parallel_loop3A_419 = tpu.vector_load %arg11[%parallel_loop3A_418] {strides = array<i32>} : memref<112xf32, #tpu.memory_space<vmem>>, vector<16xf32>,
        %parallel_loop3A_420 = arith.constant 16 : i32
        %parallel_loop3A_421 = arith.muli %parallel_loop3A_400, %parallel_loop3A_420 : i32
        %parallel_loop3A_422 = arith.index_cast %parallel_loop3A_421 : i32 to index
        %parallel_loop3A_423 = tpu.vector_load %arg13[%parallel_loop3A_422] {strides = array<i32>} : memref<112xf32, #tpu.memory_space<vmem>>, vector<16xf32>,
        %parallel_loop3A_424 = arith.mulf %parallel_loop3A_419, %parallel_loop3A_423 : vector<16xf32>
        %parallel_loop3A_425 = arith.constant 16 : i32
        %parallel_loop3A_426 = arith.muli %parallel_loop3A_358, %parallel_loop3A_425 : i32
        %parallel_loop3A_427 = arith.index_cast %parallel_loop3A_426 : i32 to index
        %parallel_loop3A_428 = tpu.vector_load %arg9[%parallel_loop3A_427] {strides = array<i32>} : memref<784xf32, #tpu.memory_space<vmem>>, vector<16xf32>,
        tpu.vector_store %arg9[%parallel_loop3A_427], %parallel_loop3A_424 {strides = array<i32>} : memref<784xf32, #tpu.memory_space<vmem>>, vector<16xf32>,
      } {sc.loop_unroll_factor = 1 : i64, sc.parallel_access}
      %dma_start3A_318 = arith.constant 6 : i32
      %dma_start3A_319 = arith.constant 0 : i32
      %dma_start3A_320 = tpu.memref_slice %arg8[%dma_start3A_318, %dma_start3A_319] : memref<7x112xi32, #tpu.memory_space<vmem>> -> memref<1x112xi32, #tpu.memory_space<vmem>>
      %dma_start3A_321 = tpu.memref_squeeze %dma_start3A_320 : memref<1x112xi32, #tpu.memory_space<vmem>> -> memref<112xi32, #tpu.memory_space<vmem>>
      %dma_start3A_322 = arith.constant 0 : i32
      %dma_start3A_323 = arith.constant 0 : i32
      %dma_start3A_324 = tpu.memref_slice %arg2[%dma_start3A_322, %dma_start3A_323] : memref<16384x192xbf16, #tpu.memory_space<hbm>> -> memref<16384x192xbf16, #tpu.memory_space<hbm>>
      tpu.enqueue_indirect_dma source(%dma_start3A_324 : memref<16384x192xbf16, #tpu.memory_space<hbm>>) target(%arg14 : memref<112x192xbf16, #tpu.memory_space<vmem>>) offsets(%dma_start3A_321 : memref<112xi32, #tpu.memory_space<vmem>>) semaphore(%arg17 : memref<!tpu.dma_semaphore, #tpu.memory_space<semaphore_mem>>)
      %dma_wait3A_325 = arith.constant 5 : i32
      %dma_wait3A_326 = arith.constant 0 : i32
      %dma_wait3A_327 = tpu.memref_slice %arg8[%dma_wait3A_325, %dma_wait3A_326] : memref<7x112xi32, #tpu.memory_space<vmem>> -> memref<1x112xi32, #tpu.memory_space<vmem>>
      %dma_wait3A_328 = tpu.memref_squeeze %dma_wait3A_327 : memref<1x112xi32, #tpu.memory_space<vmem>> -> memref<112xi32, #tpu.memory_space<vmem>>
      %dma_wait3A_329 = arith.constant 0 : i32
      %dma_wait3A_330 = arith.constant 0 : i32
      %dma_wait3A_331 = tpu.memref_slice %arg2[%dma_wait3A_329, %dma_wait3A_330] : memref<16384x192xbf16, #tpu.memory_space<hbm>> -> memref<16384x192xbf16, #tpu.memory_space<hbm>>
      tpu.wait_indirect_dma semaphore(%arg18 : memref<!tpu.dma_semaphore, #tpu.memory_space<semaphore_mem>>) src(%dma_wait3A_331 : memref<16384x192xbf16, #tpu.memory_space<hbm>>) dst(%arg15 : memref<112x192xbf16, #tpu.memory_space<vmem>>)
      %scan3A_332 = arith.constant 0 : i32
      %scan3A_333 = arith.constant 0 : i32
      %scan3A_334 = arith.constant 7 : i32
      %scan3A_335 = arith.addi %scan3A_333, %scan3A_334 : i32
      %scan3A_336 = arith.constant 1 : i32
      scf.for %scan3A_358 = %scan3A_333 to %scan3A_335 step %scan3A_336  : i32 {
        %add3A_359 = arith.constant 35 : i32
        %add3A_360 = arith.addi %add3A_359, %scan3A_358 : i32
        %broadcast_in_dim3A_361 = arith.constant 0 : i32
        %broadcast_in_dim3A_362 = vector.broadcast %broadcast_in_dim3A_361 : i32 to vector<16xi32>
        %mul3A_363 = arith.constant 16 : i32
        %mul3A_364 = arith.muli %add3A_360, %mul3A_363 : i32
        %add3A_365 = vector.broadcast %mul3A_364 : i32 to vector<16xi32>
        %add3A_366 = arith.addi %broadcast_in_dim3A_362, %add3A_365 : vector<16xi32>
        %add3A_367 = arith.constant 0 : i32
        %add3A_368 = vector.broadcast %add3A_367 : i32 to vector<16xi32>
        %add3A_369 = arith.addi %add3A_366, %add3A_368 : vector<16xi32>
        %gather3A_370 = tpu.vector_load_idx %arg9[%add3A_369] : memref<784xf32, #tpu.memory_space<vmem>>[vector<16xi32>], vector<16xf32>,
        %pack3A = tpu.pack_subelements %gather3A_370, %gather3A_370 {pack_format = #tpu.pack_format<interleaved>, positions = array<i32: 0, 1>} : vector<16xf32>, vector<16xf32> -> vector<32xbf16>
        %add3A_371 = arith.constant 1 : i32
        %add3A_372 = vector.broadcast %add3A_371 : i32 to vector<16xi32>
        %add3A_373 = arith.addi %add3A_366, %add3A_372 : vector<16xi32>
        %gather3A_374 = tpu.vector_load_idx %arg9[%add3A_373] : memref<784xf32, #tpu.memory_space<vmem>>[vector<16xi32>], vector<16xf32>,
        %pack3A_375 = tpu.pack_subelements %gather3A_374, %gather3A_374 {pack_format = #tpu.pack_format<interleaved>, positions = array<i32: 0, 1>} : vector<16xf32>, vector<16xf32> -> vector<32xbf16>
        %add3A_376 = arith.constant 2 : i32
        %add3A_377 = vector.broadcast %add3A_376 : i32 to vector<16xi32>
        %add3A_378 = arith.addi %add3A_366, %add3A_377 : vector<16xi32>
        %gather3A_379 = tpu.vector_load_idx %arg9[%add3A_378] : memref<784xf32, #tpu.memory_space<vmem>>[vector<16xi32>], vector<16xf32>,
        %pack3A_380 = tpu.pack_subelements %gather3A_379, %gather3A_379 {pack_format = #tpu.pack_format<interleaved>, positions = array<i32: 0, 1>} : vector<16xf32>, vector<16xf32> -> vector<32xbf16>
        %add3A_381 = arith.constant 3 : i32
        %add3A_382 = vector.broadcast %add3A_381 : i32 to vector<16xi32>
        %add3A_383 = arith.addi %add3A_366, %add3A_382 : vector<16xi32>
        %gather3A_384 = tpu.vector_load_idx %arg9[%add3A_383] : memref<784xf32, #tpu.memory_space<vmem>>[vector<16xi32>], vector<16xf32>,
        %pack3A_385 = tpu.pack_subelements %gather3A_384, %gather3A_384 {pack_format = #tpu.pack_format<interleaved>, positions = array<i32: 0, 1>} : vector<16xf32>, vector<16xf32> -> vector<32xbf16>
        %add3A_386 = arith.constant 4 : i32
        %add3A_387 = vector.broadcast %add3A_386 : i32 to vector<16xi32>
        %add3A_388 = arith.addi %add3A_366, %add3A_387 : vector<16xi32>
        %gather3A_389 = tpu.vector_load_idx %arg9[%add3A_388] : memref<784xf32, #tpu.memory_space<vmem>>[vector<16xi32>], vector<16xf32>,
        %pack3A_390 = tpu.pack_subelements %gather3A_389, %gather3A_389 {pack_format = #tpu.pack_format<interleaved>, positions = array<i32: 0, 1>} : vector<16xf32>, vector<16xf32> -> vector<32xbf16>
        %add3A_391 = arith.constant 5 : i32
        %add3A_392 = vector.broadcast %add3A_391 : i32 to vector<16xi32>
        %add3A_393 = arith.addi %add3A_366, %add3A_392 : vector<16xi32>
        %gather3A_394 = tpu.vector_load_idx %arg9[%add3A_393] : memref<784xf32, #tpu.memory_space<vmem>>[vector<16xi32>], vector<16xf32>,
        %pack3A_395 = tpu.pack_subelements %gather3A_394, %gather3A_394 {pack_format = #tpu.pack_format<interleaved>, positions = array<i32: 0, 1>} : vector<16xf32>, vector<16xf32> -> vector<32xbf16>
        %add3A_396 = arith.constant 6 : i32
        %add3A_397 = vector.broadcast %add3A_396 : i32 to vector<16xi32>
        %add3A_398 = arith.addi %add3A_366, %add3A_397 : vector<16xi32>
        %gather3A_399 = tpu.vector_load_idx %arg9[%add3A_398] : memref<784xf32, #tpu.memory_space<vmem>>[vector<16xi32>], vector<16xf32>,
        %pack3A_400 = tpu.pack_subelements %gather3A_399, %gather3A_399 {pack_format = #tpu.pack_format<interleaved>, positions = array<i32: 0, 1>} : vector<16xf32>, vector<16xf32> -> vector<32xbf16>
        %add3A_401 = arith.constant 7 : i32
        %add3A_402 = vector.broadcast %add3A_401 : i32 to vector<16xi32>
        %add3A_403 = arith.addi %add3A_366, %add3A_402 : vector<16xi32>
        %gather3A_404 = tpu.vector_load_idx %arg9[%add3A_403] : memref<784xf32, #tpu.memory_space<vmem>>[vector<16xi32>], vector<16xf32>,
        %pack3A_405 = tpu.pack_subelements %gather3A_404, %gather3A_404 {pack_format = #tpu.pack_format<interleaved>, positions = array<i32: 0, 1>} : vector<16xf32>, vector<16xf32> -> vector<32xbf16>
        %add3A_406 = arith.constant 8 : i32
        %add3A_407 = vector.broadcast %add3A_406 : i32 to vector<16xi32>
        %add3A_408 = arith.addi %add3A_366, %add3A_407 : vector<16xi32>
        %gather3A_409 = tpu.vector_load_idx %arg9[%add3A_408] : memref<784xf32, #tpu.memory_space<vmem>>[vector<16xi32>], vector<16xf32>,
        %pack3A_410 = tpu.pack_subelements %gather3A_409, %gather3A_409 {pack_format = #tpu.pack_format<interleaved>, positions = array<i32: 0, 1>} : vector<16xf32>, vector<16xf32> -> vector<32xbf16>
        %add3A_411 = arith.constant 9 : i32
        %add3A_412 = vector.broadcast %add3A_411 : i32 to vector<16xi32>
        %add3A_413 = arith.addi %add3A_366, %add3A_412 : vector<16xi32>
        %gather3A_414 = tpu.vector_load_idx %arg9[%add3A_413] : memref<784xf32, #tpu.memory_space<vmem>>[vector<16xi32>], vector<16xf32>,
        %pack3A_415 = tpu.pack_subelements %gather3A_414, %gather3A_414 {pack_format = #tpu.pack_format<interleaved>, positions = array<i32: 0, 1>} : vector<16xf32>, vector<16xf32> -> vector<32xbf16>
        %add3A_416 = arith.constant 10 : i32
        %add3A_417 = vector.broadcast %add3A_416 : i32 to vector<16xi32>
        %add3A_418 = arith.addi %add3A_366, %add3A_417 : vector<16xi32>
        %gather3A_419 = tpu.vector_load_idx %arg9[%add3A_418] : memref<784xf32, #tpu.memory_space<vmem>>[vector<16xi32>], vector<16xf32>,
        %pack3A_420 = tpu.pack_subelements %gather3A_419, %gather3A_419 {pack_format = #tpu.pack_format<interleaved>, positions = array<i32: 0, 1>} : vector<16xf32>, vector<16xf32> -> vector<32xbf16>
        %add3A_421 = arith.constant 11 : i32
        %add3A_422 = vector.broadcast %add3A_421 : i32 to vector<16xi32>
        %add3A_423 = arith.addi %add3A_366, %add3A_422 : vector<16xi32>
        %gather3A_424 = tpu.vector_load_idx %arg9[%add3A_423] : memref<784xf32, #tpu.memory_space<vmem>>[vector<16xi32>], vector<16xf32>,
        %pack3A_425 = tpu.pack_subelements %gather3A_424, %gather3A_424 {pack_format = #tpu.pack_format<interleaved>, positions = array<i32: 0, 1>} : vector<16xf32>, vector<16xf32> -> vector<32xbf16>
        %add3A_426 = arith.constant 12 : i32
        %add3A_427 = vector.broadcast %add3A_426 : i32 to vector<16xi32>
        %add3A_428 = arith.addi %add3A_366, %add3A_427 : vector<16xi32>
        %gather3A_429 = tpu.vector_load_idx %arg9[%add3A_428] : memref<784xf32, #tpu.memory_space<vmem>>[vector<16xi32>], vector<16xf32>,
        %pack3A_430 = tpu.pack_subelements %gather3A_429, %gather3A_429 {pack_format = #tpu.pack_format<interleaved>, positions = array<i32: 0, 1>} : vector<16xf32>, vector<16xf32> -> vector<32xbf16>
        %add3A_431 = arith.constant 13 : i32
        %add3A_432 = vector.broadcast %add3A_431 : i32 to vector<16xi32>
        %add3A_433 = arith.addi %add3A_366, %add3A_432 : vector<16xi32>
        %gather3A_434 = tpu.vector_load_idx %arg9[%add3A_433] : memref<784xf32, #tpu.memory_space<vmem>>[vector<16xi32>], vector<16xf32>,
        %pack3A_435 = tpu.pack_subelements %gather3A_434, %gather3A_434 {pack_format = #tpu.pack_format<interleaved>, positions = array<i32: 0, 1>} : vector<16xf32>, vector<16xf32> -> vector<32xbf16>
        %add3A_436 = arith.constant 14 : i32
        %add3A_437 = vector.broadcast %add3A_436 : i32 to vector<16xi32>
        %add3A_438 = arith.addi %add3A_366, %add3A_437 : vector<16xi32>
        %gather3A_439 = tpu.vector_load_idx %arg9[%add3A_438] : memref<784xf32, #tpu.memory_space<vmem>>[vector<16xi32>], vector<16xf32>,
        %pack3A_440 = tpu.pack_subelements %gather3A_439, %gather3A_439 {pack_format = #tpu.pack_format<interleaved>, positions = array<i32: 0, 1>} : vector<16xf32>, vector<16xf32> -> vector<32xbf16>
        %add3A_441 = arith.constant 15 : i32
        %add3A_442 = vector.broadcast %add3A_441 : i32 to vector<16xi32>
        %add3A_443 = arith.addi %add3A_366, %add3A_442 : vector<16xi32>
        %gather3A_444 = tpu.vector_load_idx %arg9[%add3A_443] : memref<784xf32, #tpu.memory_space<vmem>>[vector<16xi32>], vector<16xf32>,
        %pack3A_445 = tpu.pack_subelements %gather3A_444, %gather3A_444 {pack_format = #tpu.pack_format<interleaved>, positions = array<i32: 0, 1>} : vector<16xf32>, vector<16xf32> -> vector<32xbf16>
        %mul3A_446 = arith.constant 98 : i32
        %mul3A_447 = vector.broadcast %mul3A_446 : i32 to vector<16xi32>
        %mul3A_448 = arith.muli %iota3A, %mul3A_447 : vector<16xi32>
        %add3A_449 = vector.broadcast %add3A_360 : i32 to vector<16xi32>
        %add3A_450 = arith.addi %mul3A_448, %add3A_449 : vector<16xi32>
        %parallel_loop3A_451 = arith.constant 0 : i32
        %parallel_loop3A_452 = arith.constant 6 : i32
        %parallel_loop3A_453 = arith.constant 1 : i32
        scf.for %parallel_loop3A_454 = %parallel_loop3A_451 to %parallel_loop3A_452 step %parallel_loop3A_453  : i32 {
          %parallel_loop3A_455 = arith.constant 16 : i32
          %parallel_loop3A_456 = arith.muli %scan3A_358, %parallel_loop3A_455 : i32
          %parallel_loop3A_457 = arith.constant 0 : i32
          %parallel_loop3A_458 = arith.addi %parallel_loop3A_456, %parallel_loop3A_457 : i32
          %parallel_loop3A_459 = arith.constant 32 : i32
          %parallel_loop3A_460 = arith.muli %parallel_loop3A_454, %parallel_loop3A_459 : i32
          %parallel_loop3A_461 = arith.index_cast %parallel_loop3A_458 : i32 to index
          %parallel_loop3A_462 = arith.index_cast %parallel_loop3A_460 : i32 to index
          %parallel_loop3A_463 = tpu.vector_load %arg15[%parallel_loop3A_461, %parallel_loop3A_462] {strides = array<i32>} : memref<112x192xbf16, #tpu.memory_space<vmem>>, vector<32xbf16>,
          %parallel_loop3A_464 = arith.mulf %pack3A, %parallel_loop3A_463 : vector<32xbf16>
          %parallel_loop3A_465 = arith.constant 16 : i32
          %parallel_loop3A_466 = arith.muli %scan3A_358, %parallel_loop3A_465 : i32
          %parallel_loop3A_467 = arith.constant 1 : i32
          %parallel_loop3A_468 = arith.addi %parallel_loop3A_466, %parallel_loop3A_467 : i32
          %parallel_loop3A_469 = arith.constant 32 : i32
          %parallel_loop3A_470 = arith.muli %parallel_loop3A_454, %parallel_loop3A_469 : i32
          %parallel_loop3A_471 = arith.index_cast %parallel_loop3A_468 : i32 to index
          %parallel_loop3A_472 = arith.index_cast %parallel_loop3A_470 : i32 to index
          %parallel_loop3A_473 = tpu.vector_load %arg15[%parallel_loop3A_471, %parallel_loop3A_472] {strides = array<i32>} : memref<112x192xbf16, #tpu.memory_space<vmem>>, vector<32xbf16>,
          %parallel_loop3A_474 = arith.mulf %pack3A_375, %parallel_loop3A_473 : vector<32xbf16>
          %parallel_loop3A_475 = arith.constant 16 : i32
          %parallel_loop3A_476 = arith.muli %scan3A_358, %parallel_loop3A_475 : i32
          %parallel_loop3A_477 = arith.constant 2 : i32
          %parallel_loop3A_478 = arith.addi %parallel_loop3A_476, %parallel_loop3A_477 : i32
          %parallel_loop3A_479 = arith.constant 32 : i32
          %parallel_loop3A_480 = arith.muli %parallel_loop3A_454, %parallel_loop3A_479 : i32
          %parallel_loop3A_481 = arith.index_cast %parallel_loop3A_478 : i32 to index
          %parallel_loop3A_482 = arith.index_cast %parallel_loop3A_480 : i32 to index
          %parallel_loop3A_483 = tpu.vector_load %arg15[%parallel_loop3A_481, %parallel_loop3A_482] {strides = array<i32>} : memref<112x192xbf16, #tpu.memory_space<vmem>>, vector<32xbf16>,
          %parallel_loop3A_484 = arith.mulf %pack3A_380, %parallel_loop3A_483 : vector<32xbf16>
          %parallel_loop3A_485 = arith.constant 16 : i32
          %parallel_loop3A_486 = arith.muli %scan3A_358, %parallel_loop3A_485 : i32
          %parallel_loop3A_487 = arith.constant 3 : i32
          %parallel_loop3A_488 = arith.addi %parallel_loop3A_486, %parallel_loop3A_487 : i32
          %parallel_loop3A_489 = arith.constant 32 : i32
          %parallel_loop3A_490 = arith.muli %parallel_loop3A_454, %parallel_loop3A_489 : i32
          %parallel_loop3A_491 = arith.index_cast %parallel_loop3A_488 : i32 to index
          %parallel_loop3A_492 = arith.index_cast %parallel_loop3A_490 : i32 to index
          %parallel_loop3A_493 = tpu.vector_load %arg15[%parallel_loop3A_491, %parallel_loop3A_492] {strides = array<i32>} : memref<112x192xbf16, #tpu.memory_space<vmem>>, vector<32xbf16>,
          %parallel_loop3A_494 = arith.mulf %pack3A_385, %parallel_loop3A_493 : vector<32xbf16>
          %parallel_loop3A_495 = arith.constant 16 : i32
          %parallel_loop3A_496 = arith.muli %scan3A_358, %parallel_loop3A_495 : i32
          %parallel_loop3A_497 = arith.constant 4 : i32
          %parallel_loop3A_498 = arith.addi %parallel_loop3A_496, %parallel_loop3A_497 : i32
          %parallel_loop3A_499 = arith.constant 32 : i32
          %parallel_loop3A_500 = arith.muli %parallel_loop3A_454, %parallel_loop3A_499 : i32
          %parallel_loop3A_501 = arith.index_cast %parallel_loop3A_498 : i32 to index
          %parallel_loop3A_502 = arith.index_cast %parallel_loop3A_500 : i32 to index
          %parallel_loop3A_503 = tpu.vector_load %arg15[%parallel_loop3A_501, %parallel_loop3A_502] {strides = array<i32>} : memref<112x192xbf16, #tpu.memory_space<vmem>>, vector<32xbf16>,
          %parallel_loop3A_504 = arith.mulf %pack3A_390, %parallel_loop3A_503 : vector<32xbf16>
          %parallel_loop3A_505 = arith.constant 16 : i32
          %parallel_loop3A_506 = arith.muli %scan3A_358, %parallel_loop3A_505 : i32
          %parallel_loop3A_507 = arith.constant 5 : i32
          %parallel_loop3A_508 = arith.addi %parallel_loop3A_506, %parallel_loop3A_507 : i32
          %parallel_loop3A_509 = arith.constant 32 : i32
          %parallel_loop3A_510 = arith.muli %parallel_loop3A_454, %parallel_loop3A_509 : i32
          %parallel_loop3A_511 = arith.index_cast %parallel_loop3A_508 : i32 to index
          %parallel_loop3A_512 = arith.index_cast %parallel_loop3A_510 : i32 to index
          %parallel_loop3A_513 = tpu.vector_load %arg15[%parallel_loop3A_511, %parallel_loop3A_512] {strides = array<i32>} : memref<112x192xbf16, #tpu.memory_space<vmem>>, vector<32xbf16>,
          %parallel_loop3A_514 = arith.mulf %pack3A_395, %parallel_loop3A_513 : vector<32xbf16>
          %parallel_loop3A_515 = arith.constant 16 : i32
          %parallel_loop3A_516 = arith.muli %scan3A_358, %parallel_loop3A_515 : i32
          %parallel_loop3A_517 = arith.constant 6 : i32
          %parallel_loop3A_518 = arith.addi %parallel_loop3A_516, %parallel_loop3A_517 : i32
          %parallel_loop3A_519 = arith.constant 32 : i32
          %parallel_loop3A_520 = arith.muli %parallel_loop3A_454, %parallel_loop3A_519 : i32
          %parallel_loop3A_521 = arith.index_cast %parallel_loop3A_518 : i32 to index
          %parallel_loop3A_522 = arith.index_cast %parallel_loop3A_520 : i32 to index
          %parallel_loop3A_523 = tpu.vector_load %arg15[%parallel_loop3A_521, %parallel_loop3A_522] {strides = array<i32>} : memref<112x192xbf16, #tpu.memory_space<vmem>>, vector<32xbf16>,
          %parallel_loop3A_524 = arith.mulf %pack3A_400, %parallel_loop3A_523 : vector<32xbf16>
          %parallel_loop3A_525 = arith.constant 16 : i32
          %parallel_loop3A_526 = arith.muli %scan3A_358, %parallel_loop3A_525 : i32
          %parallel_loop3A_527 = arith.constant 7 : i32
          %parallel_loop3A_528 = arith.addi %parallel_loop3A_526, %parallel_loop3A_527 : i32
          %parallel_loop3A_529 = arith.constant 32 : i32
          %parallel_loop3A_530 = arith.muli %parallel_loop3A_454, %parallel_loop3A_529 : i32
          %parallel_loop3A_531 = arith.index_cast %parallel_loop3A_528 : i32 to index
          %parallel_loop3A_532 = arith.index_cast %parallel_loop3A_530 : i32 to index
          %parallel_loop3A_533 = tpu.vector_load %arg15[%parallel_loop3A_531, %parallel_loop3A_532] {strides = array<i32>} : memref<112x192xbf16, #tpu.memory_space<vmem>>, vector<32xbf16>,
          %parallel_loop3A_534 = arith.mulf %pack3A_405, %parallel_loop3A_533 : vector<32xbf16>
          %parallel_loop3A_535 = arith.constant 16 : i32
          %parallel_loop3A_536 = arith.muli %scan3A_358, %parallel_loop3A_535 : i32
          %parallel_loop3A_537 = arith.constant 8 : i32
          %parallel_loop3A_538 = arith.addi %parallel_loop3A_536, %parallel_loop3A_537 : i32
          %parallel_loop3A_539 = arith.constant 32 : i32
          %parallel_loop3A_540 = arith.muli %parallel_loop3A_454, %parallel_loop3A_539 : i32
          %parallel_loop3A_541 = arith.index_cast %parallel_loop3A_538 : i32 to index
          %parallel_loop3A_542 = arith.index_cast %parallel_loop3A_540 : i32 to index
          %parallel_loop3A_543 = tpu.vector_load %arg15[%parallel_loop3A_541, %parallel_loop3A_542] {strides = array<i32>} : memref<112x192xbf16, #tpu.memory_space<vmem>>, vector<32xbf16>,
          %parallel_loop3A_544 = arith.mulf %pack3A_410, %parallel_loop3A_543 : vector<32xbf16>
          %parallel_loop3A_545 = arith.constant 16 : i32
          %parallel_loop3A_546 = arith.muli %scan3A_358, %parallel_loop3A_545 : i32
          %parallel_loop3A_547 = arith.constant 9 : i32
          %parallel_loop3A_548 = arith.addi %parallel_loop3A_546, %parallel_loop3A_547 : i32
          %parallel_loop3A_549 = arith.constant 32 : i32
          %parallel_loop3A_550 = arith.muli %parallel_loop3A_454, %parallel_loop3A_549 : i32
          %parallel_loop3A_551 = arith.index_cast %parallel_loop3A_548 : i32 to index
          %parallel_loop3A_552 = arith.index_cast %parallel_loop3A_550 : i32 to index
          %parallel_loop3A_553 = tpu.vector_load %arg15[%parallel_loop3A_551, %parallel_loop3A_552] {strides = array<i32>} : memref<112x192xbf16, #tpu.memory_space<vmem>>, vector<32xbf16>,
          %parallel_loop3A_554 = arith.mulf %pack3A_415, %parallel_loop3A_553 : vector<32xbf16>
          %parallel_loop3A_555 = arith.constant 16 : i32
          %parallel_loop3A_556 = arith.muli %scan3A_358, %parallel_loop3A_555 : i32
          %parallel_loop3A_557 = arith.constant 10 : i32
          %parallel_loop3A_558 = arith.addi %parallel_loop3A_556, %parallel_loop3A_557 : i32
          %parallel_loop3A_559 = arith.constant 32 : i32
          %parallel_loop3A_560 = arith.muli %parallel_loop3A_454, %parallel_loop3A_559 : i32
          %parallel_loop3A_561 = arith.index_cast %parallel_loop3A_558 : i32 to index
          %parallel_loop3A_562 = arith.index_cast %parallel_loop3A_560 : i32 to index
          %parallel_loop3A_563 = tpu.vector_load %arg15[%parallel_loop3A_561, %parallel_loop3A_562] {strides = array<i32>} : memref<112x192xbf16, #tpu.memory_space<vmem>>, vector<32xbf16>,
          %parallel_loop3A_564 = arith.mulf %pack3A_420, %parallel_loop3A_563 : vector<32xbf16>
          %parallel_loop3A_565 = arith.constant 16 : i32
          %parallel_loop3A_566 = arith.muli %scan3A_358, %parallel_loop3A_565 : i32
          %parallel_loop3A_567 = arith.constant 11 : i32
          %parallel_loop3A_568 = arith.addi %parallel_loop3A_566, %parallel_loop3A_567 : i32
          %parallel_loop3A_569 = arith.constant 32 : i32
          %parallel_loop3A_570 = arith.muli %parallel_loop3A_454, %parallel_loop3A_569 : i32
          %parallel_loop3A_571 = arith.index_cast %parallel_loop3A_568 : i32 to index
          %parallel_loop3A_572 = arith.index_cast %parallel_loop3A_570 : i32 to index
          %parallel_loop3A_573 = tpu.vector_load %arg15[%parallel_loop3A_571, %parallel_loop3A_572] {strides = array<i32>} : memref<112x192xbf16, #tpu.memory_space<vmem>>, vector<32xbf16>,
          %parallel_loop3A_574 = arith.mulf %pack3A_425, %parallel_loop3A_573 : vector<32xbf16>
          %parallel_loop3A_575 = arith.constant 16 : i32
          %parallel_loop3A_576 = arith.muli %scan3A_358, %parallel_loop3A_575 : i32
          %parallel_loop3A_577 = arith.constant 12 : i32
          %parallel_loop3A_578 = arith.addi %parallel_loop3A_576, %parallel_loop3A_577 : i32
          %parallel_loop3A_579 = arith.constant 32 : i32
          %parallel_loop3A_580 = arith.muli %parallel_loop3A_454, %parallel_loop3A_579 : i32
          %parallel_loop3A_581 = arith.index_cast %parallel_loop3A_578 : i32 to index
          %parallel_loop3A_582 = arith.index_cast %parallel_loop3A_580 : i32 to index
          %parallel_loop3A_583 = tpu.vector_load %arg15[%parallel_loop3A_581, %parallel_loop3A_582] {strides = array<i32>} : memref<112x192xbf16, #tpu.memory_space<vmem>>, vector<32xbf16>,
          %parallel_loop3A_584 = arith.mulf %pack3A_430, %parallel_loop3A_583 : vector<32xbf16>
          %parallel_loop3A_585 = arith.constant 16 : i32
          %parallel_loop3A_586 = arith.muli %scan3A_358, %parallel_loop3A_585 : i32
          %parallel_loop3A_587 = arith.constant 13 : i32
          %parallel_loop3A_588 = arith.addi %parallel_loop3A_586, %parallel_loop3A_587 : i32
          %parallel_loop3A_589 = arith.constant 32 : i32
          %parallel_loop3A_590 = arith.muli %parallel_loop3A_454, %parallel_loop3A_589 : i32
          %parallel_loop3A_591 = arith.index_cast %parallel_loop3A_588 : i32 to index
          %parallel_loop3A_592 = arith.index_cast %parallel_loop3A_590 : i32 to index
          %parallel_loop3A_593 = tpu.vector_load %arg15[%parallel_loop3A_591, %parallel_loop3A_592] {strides = array<i32>} : memref<112x192xbf16, #tpu.memory_space<vmem>>, vector<32xbf16>,
          %parallel_loop3A_594 = arith.mulf %pack3A_435, %parallel_loop3A_593 : vector<32xbf16>
          %parallel_loop3A_595 = arith.constant 16 : i32
          %parallel_loop3A_596 = arith.muli %scan3A_358, %parallel_loop3A_595 : i32
          %parallel_loop3A_597 = arith.constant 14 : i32
          %parallel_loop3A_598 = arith.addi %parallel_loop3A_596, %parallel_loop3A_597 : i32
          %parallel_loop3A_599 = arith.constant 32 : i32
          %parallel_loop3A_600 = arith.muli %parallel_loop3A_454, %parallel_loop3A_599 : i32
          %parallel_loop3A_601 = arith.index_cast %parallel_loop3A_598 : i32 to index
          %parallel_loop3A_602 = arith.index_cast %parallel_loop3A_600 : i32 to index
          %parallel_loop3A_603 = tpu.vector_load %arg15[%parallel_loop3A_601, %parallel_loop3A_602] {strides = array<i32>} : memref<112x192xbf16, #tpu.memory_space<vmem>>, vector<32xbf16>,
          %parallel_loop3A_604 = arith.mulf %pack3A_440, %parallel_loop3A_603 : vector<32xbf16>
          %parallel_loop3A_605 = arith.constant 16 : i32
          %parallel_loop3A_606 = arith.muli %scan3A_358, %parallel_loop3A_605 : i32
          %parallel_loop3A_607 = arith.constant 15 : i32
          %parallel_loop3A_608 = arith.addi %parallel_loop3A_606, %parallel_loop3A_607 : i32
          %parallel_loop3A_609 = arith.constant 32 : i32
          %parallel_loop3A_610 = arith.muli %parallel_loop3A_454, %parallel_loop3A_609 : i32
          %parallel_loop3A_611 = arith.index_cast %parallel_loop3A_608 : i32 to index
          %parallel_loop3A_612 = arith.index_cast %parallel_loop3A_610 : i32 to index
          %parallel_loop3A_613 = tpu.vector_load %arg15[%parallel_loop3A_611, %parallel_loop3A_612] {strides = array<i32>} : memref<112x192xbf16, #tpu.memory_space<vmem>>, vector<32xbf16>,
          %parallel_loop3A_614 = arith.mulf %pack3A_445, %parallel_loop3A_613 : vector<32xbf16>
          %parallel_loop3A_615 = arith.addf %parallel_loop3A_464, %parallel_loop3A_474 : vector<32xbf16>
          %parallel_loop3A_616 = arith.addf %parallel_loop3A_484, %parallel_loop3A_494 : vector<32xbf16>
          %parallel_loop3A_617 = arith.addf %parallel_loop3A_504, %parallel_loop3A_514 : vector<32xbf16>
          %parallel_loop3A_618 = arith.addf %parallel_loop3A_524, %parallel_loop3A_534 : vector<32xbf16>
          %parallel_loop3A_619 = arith.addf %parallel_loop3A_544, %parallel_loop3A_554 : vector<32xbf16>
          %parallel_loop3A_620 = arith.addf %parallel_loop3A_564, %parallel_loop3A_574 : vector<32xbf16>
          %parallel_loop3A_621 = arith.addf %parallel_loop3A_584, %parallel_loop3A_594 : vector<32xbf16>
          %parallel_loop3A_622 = arith.addf %parallel_loop3A_604, %parallel_loop3A_614 : vector<32xbf16>
          %parallel_loop3A_623 = arith.addf %parallel_loop3A_615, %parallel_loop3A_616 : vector<32xbf16>
          %parallel_loop3A_624 = arith.addf %parallel_loop3A_617, %parallel_loop3A_618 : vector<32xbf16>
          %parallel_loop3A_625 = arith.addf %parallel_loop3A_619, %parallel_loop3A_620 : vector<32xbf16>
          %parallel_loop3A_626 = arith.addf %parallel_loop3A_621, %parallel_loop3A_622 : vector<32xbf16>
          %parallel_loop3A_627 = arith.addf %parallel_loop3A_623, %parallel_loop3A_624 : vector<32xbf16>
          %parallel_loop3A_628 = arith.addf %parallel_loop3A_625, %parallel_loop3A_626 : vector<32xbf16>
          %parallel_loop3A_629 = arith.addf %parallel_loop3A_627, %parallel_loop3A_628 : vector<32xbf16>
          %parallel_loop3A_630 = tpu.unpack_subelements %parallel_loop3A_629, 0 {pack_format = #tpu.pack_format<interleaved>} : vector<32xbf16> -> vector<16xf32>
          %parallel_loop3A_631 = tpu.unpack_subelements %parallel_loop3A_629, 1 {pack_format = #tpu.pack_format<interleaved>} : vector<32xbf16> -> vector<16xf32>
          %parallel_loop3A_632 = arith.constant 32 : i32
          %parallel_loop3A_633 = arith.muli %parallel_loop3A_454, %parallel_loop3A_632 : i32
          %parallel_loop3A_634 = arith.constant 49 : i32
          %parallel_loop3A_635 = arith.muli %parallel_loop3A_633, %parallel_loop3A_634 : i32
          %parallel_loop3A_636 = vector.broadcast %parallel_loop3A_635 : i32 to vector<16xi32>
          %parallel_loop3A_637 = arith.addi %add3A_450, %parallel_loop3A_636 : vector<16xi32>
          tpu.vector_store_idx %arg16[%parallel_loop3A_637], %parallel_loop3A_630 : memref<9408xf32, #tpu.memory_space<vmem>>[vector<16xi32>], vector<16xf32>,
          %parallel_loop3A_638 = arith.constant 49 : i32
          %parallel_loop3A_639 = vector.broadcast %parallel_loop3A_638 : i32 to vector<16xi32>
          %parallel_loop3A_640 = arith.addi %parallel_loop3A_637, %parallel_loop3A_639 : vector<16xi32>
          tpu.vector_store_idx %arg16[%parallel_loop3A_640], %parallel_loop3A_631 : memref<9408xf32, #tpu.memory_space<vmem>>[vector<16xi32>], vector<16xf32>,
        } {sc.loop_unroll_factor = 3 : i64, sc.parallel_access}
      }
      %scan3A_337 = arith.constant 7 : i32
      %dma_wait3A_338 = arith.constant 6 : i32
      %dma_wait3A_339 = arith.constant 0 : i32
      %dma_wait3A_340 = tpu.memref_slice %arg8[%dma_wait3A_338, %dma_wait3A_339] : memref<7x112xi32, #tpu.memory_space<vmem>> -> memref<1x112xi32, #tpu.memory_space<vmem>>
      %dma_wait3A_341 = tpu.memref_squeeze %dma_wait3A_340 : memref<1x112xi32, #tpu.memory_space<vmem>> -> memref<112xi32, #tpu.memory_space<vmem>>
      %dma_wait3A_342 = arith.constant 0 : i32
      %dma_wait3A_343 = arith.constant 0 : i32
      %dma_wait3A_344 = tpu.memref_slice %arg2[%dma_wait3A_342, %dma_wait3A_343] : memref<16384x192xbf16, #tpu.memory_space<hbm>> -> memref<16384x192xbf16, #tpu.memory_space<hbm>>
      tpu.wait_indirect_dma semaphore(%arg17 : memref<!tpu.dma_semaphore, #tpu.memory_space<semaphore_mem>>) src(%dma_wait3A_344 : memref<16384x192xbf16, #tpu.memory_space<hbm>>) dst(%arg14 : memref<112x192xbf16, #tpu.memory_space<vmem>>)
      %scan3A_345 = arith.constant 0 : i32
      %scan3A_346 = arith.constant 0 : i32
      %scan3A_347 = arith.constant 7 : i32
      %scan3A_348 = arith.addi %scan3A_346, %scan3A_347 : i32
      %scan3A_349 = arith.constant 1 : i32
      scf.for %scan3A_358 = %scan3A_346 to %scan3A_348 step %scan3A_349  : i32 {
        %add3A_359 = arith.constant 42 : i32
        %add3A_360 = arith.addi %add3A_359, %scan3A_358 : i32
        %broadcast_in_dim3A_361 = arith.constant 0 : i32
        %broadcast_in_dim3A_362 = vector.broadcast %broadcast_in_dim3A_361 : i32 to vector<16xi32>
        %mul3A_363 = arith.constant 16 : i32
        %mul3A_364 = arith.muli %add3A_360, %mul3A_363 : i32
        %add3A_365 = vector.broadcast %mul3A_364 : i32 to vector<16xi32>
        %add3A_366 = arith.addi %broadcast_in_dim3A_362, %add3A_365 : vector<16xi32>
        %add3A_367 = arith.constant 0 : i32
        %add3A_368 = vector.broadcast %add3A_367 : i32 to vector<16xi32>
        %add3A_369 = arith.addi %add3A_366, %add3A_368 : vector<16xi32>
        %gather3A_370 = tpu.vector_load_idx %arg9[%add3A_369] : memref<784xf32, #tpu.memory_space<vmem>>[vector<16xi32>], vector<16xf32>,
        %pack3A = tpu.pack_subelements %gather3A_370, %gather3A_370 {pack_format = #tpu.pack_format<interleaved>, positions = array<i32: 0, 1>} : vector<16xf32>, vector<16xf32> -> vector<32xbf16>
        %add3A_371 = arith.constant 1 : i32
        %add3A_372 = vector.broadcast %add3A_371 : i32 to vector<16xi32>
        %add3A_373 = arith.addi %add3A_366, %add3A_372 : vector<16xi32>
        %gather3A_374 = tpu.vector_load_idx %arg9[%add3A_373] : memref<784xf32, #tpu.memory_space<vmem>>[vector<16xi32>], vector<16xf32>,
        %pack3A_375 = tpu.pack_subelements %gather3A_374, %gather3A_374 {pack_format = #tpu.pack_format<interleaved>, positions = array<i32: 0, 1>} : vector<16xf32>, vector<16xf32> -> vector<32xbf16>
        %add3A_376 = arith.constant 2 : i32
        %add3A_377 = vector.broadcast %add3A_376 : i32 to vector<16xi32>
        %add3A_378 = arith.addi %add3A_366, %add3A_377 : vector<16xi32>
        %gather3A_379 = tpu.vector_load_idx %arg9[%add3A_378] : memref<784xf32, #tpu.memory_space<vmem>>[vector<16xi32>], vector<16xf32>,
        %pack3A_380 = tpu.pack_subelements %gather3A_379, %gather3A_379 {pack_format = #tpu.pack_format<interleaved>, positions = array<i32: 0, 1>} : vector<16xf32>, vector<16xf32> -> vector<32xbf16>
        %add3A_381 = arith.constant 3 : i32
        %add3A_382 = vector.broadcast %add3A_381 : i32 to vector<16xi32>
        %add3A_383 = arith.addi %add3A_366, %add3A_382 : vector<16xi32>
        %gather3A_384 = tpu.vector_load_idx %arg9[%add3A_383] : memref<784xf32, #tpu.memory_space<vmem>>[vector<16xi32>], vector<16xf32>,
        %pack3A_385 = tpu.pack_subelements %gather3A_384, %gather3A_384 {pack_format = #tpu.pack_format<interleaved>, positions = array<i32: 0, 1>} : vector<16xf32>, vector<16xf32> -> vector<32xbf16>
        %add3A_386 = arith.constant 4 : i32
        %add3A_387 = vector.broadcast %add3A_386 : i32 to vector<16xi32>
        %add3A_388 = arith.addi %add3A_366, %add3A_387 : vector<16xi32>
        %gather3A_389 = tpu.vector_load_idx %arg9[%add3A_388] : memref<784xf32, #tpu.memory_space<vmem>>[vector<16xi32>], vector<16xf32>,
        %pack3A_390 = tpu.pack_subelements %gather3A_389, %gather3A_389 {pack_format = #tpu.pack_format<interleaved>, positions = array<i32: 0, 1>} : vector<16xf32>, vector<16xf32> -> vector<32xbf16>
        %add3A_391 = arith.constant 5 : i32
        %add3A_392 = vector.broadcast %add3A_391 : i32 to vector<16xi32>
        %add3A_393 = arith.addi %add3A_366, %add3A_392 : vector<16xi32>
        %gather3A_394 = tpu.vector_load_idx %arg9[%add3A_393] : memref<784xf32, #tpu.memory_space<vmem>>[vector<16xi32>], vector<16xf32>,
        %pack3A_395 = tpu.pack_subelements %gather3A_394, %gather3A_394 {pack_format = #tpu.pack_format<interleaved>, positions = array<i32: 0, 1>} : vector<16xf32>, vector<16xf32> -> vector<32xbf16>
        %add3A_396 = arith.constant 6 : i32
        %add3A_397 = vector.broadcast %add3A_396 : i32 to vector<16xi32>
        %add3A_398 = arith.addi %add3A_366, %add3A_397 : vector<16xi32>
        %gather3A_399 = tpu.vector_load_idx %arg9[%add3A_398] : memref<784xf32, #tpu.memory_space<vmem>>[vector<16xi32>], vector<16xf32>,
        %pack3A_400 = tpu.pack_subelements %gather3A_399, %gather3A_399 {pack_format = #tpu.pack_format<interleaved>, positions = array<i32: 0, 1>} : vector<16xf32>, vector<16xf32> -> vector<32xbf16>
        %add3A_401 = arith.constant 7 : i32
        %add3A_402 = vector.broadcast %add3A_401 : i32 to vector<16xi32>
        %add3A_403 = arith.addi %add3A_366, %add3A_402 : vector<16xi32>
        %gather3A_404 = tpu.vector_load_idx %arg9[%add3A_403] : memref<784xf32, #tpu.memory_space<vmem>>[vector<16xi32>], vector<16xf32>,
        %pack3A_405 = tpu.pack_subelements %gather3A_404, %gather3A_404 {pack_format = #tpu.pack_format<interleaved>, positions = array<i32: 0, 1>} : vector<16xf32>, vector<16xf32> -> vector<32xbf16>
        %add3A_406 = arith.constant 8 : i32
        %add3A_407 = vector.broadcast %add3A_406 : i32 to vector<16xi32>
        %add3A_408 = arith.addi %add3A_366, %add3A_407 : vector<16xi32>
        %gather3A_409 = tpu.vector_load_idx %arg9[%add3A_408] : memref<784xf32, #tpu.memory_space<vmem>>[vector<16xi32>], vector<16xf32>,
        %pack3A_410 = tpu.pack_subelements %gather3A_409, %gather3A_409 {pack_format = #tpu.pack_format<interleaved>, positions = array<i32: 0, 1>} : vector<16xf32>, vector<16xf32> -> vector<32xbf16>
        %add3A_411 = arith.constant 9 : i32
        %add3A_412 = vector.broadcast %add3A_411 : i32 to vector<16xi32>
        %add3A_413 = arith.addi %add3A_366, %add3A_412 : vector<16xi32>
        %gather3A_414 = tpu.vector_load_idx %arg9[%add3A_413] : memref<784xf32, #tpu.memory_space<vmem>>[vector<16xi32>], vector<16xf32>,
        %pack3A_415 = tpu.pack_subelements %gather3A_414, %gather3A_414 {pack_format = #tpu.pack_format<interleaved>, positions = array<i32: 0, 1>} : vector<16xf32>, vector<16xf32> -> vector<32xbf16>
        %add3A_416 = arith.constant 10 : i32
        %add3A_417 = vector.broadcast %add3A_416 : i32 to vector<16xi32>
        %add3A_418 = arith.addi %add3A_366, %add3A_417 : vector<16xi32>
        %gather3A_419 = tpu.vector_load_idx %arg9[%add3A_418] : memref<784xf32, #tpu.memory_space<vmem>>[vector<16xi32>], vector<16xf32>,
        %pack3A_420 = tpu.pack_subelements %gather3A_419, %gather3A_419 {pack_format = #tpu.pack_format<interleaved>, positions = array<i32: 0, 1>} : vector<16xf32>, vector<16xf32> -> vector<32xbf16>
        %add3A_421 = arith.constant 11 : i32
        %add3A_422 = vector.broadcast %add3A_421 : i32 to vector<16xi32>
        %add3A_423 = arith.addi %add3A_366, %add3A_422 : vector<16xi32>
        %gather3A_424 = tpu.vector_load_idx %arg9[%add3A_423] : memref<784xf32, #tpu.memory_space<vmem>>[vector<16xi32>], vector<16xf32>,
        %pack3A_425 = tpu.pack_subelements %gather3A_424, %gather3A_424 {pack_format = #tpu.pack_format<interleaved>, positions = array<i32: 0, 1>} : vector<16xf32>, vector<16xf32> -> vector<32xbf16>
        %add3A_426 = arith.constant 12 : i32
        %add3A_427 = vector.broadcast %add3A_426 : i32 to vector<16xi32>
        %add3A_428 = arith.addi %add3A_366, %add3A_427 : vector<16xi32>
        %gather3A_429 = tpu.vector_load_idx %arg9[%add3A_428] : memref<784xf32, #tpu.memory_space<vmem>>[vector<16xi32>], vector<16xf32>,
        %pack3A_430 = tpu.pack_subelements %gather3A_429, %gather3A_429 {pack_format = #tpu.pack_format<interleaved>, positions = array<i32: 0, 1>} : vector<16xf32>, vector<16xf32> -> vector<32xbf16>
        %add3A_431 = arith.constant 13 : i32
        %add3A_432 = vector.broadcast %add3A_431 : i32 to vector<16xi32>
        %add3A_433 = arith.addi %add3A_366, %add3A_432 : vector<16xi32>
        %gather3A_434 = tpu.vector_load_idx %arg9[%add3A_433] : memref<784xf32, #tpu.memory_space<vmem>>[vector<16xi32>], vector<16xf32>,
        %pack3A_435 = tpu.pack_subelements %gather3A_434, %gather3A_434 {pack_format = #tpu.pack_format<interleaved>, positions = array<i32: 0, 1>} : vector<16xf32>, vector<16xf32> -> vector<32xbf16>
        %add3A_436 = arith.constant 14 : i32
        %add3A_437 = vector.broadcast %add3A_436 : i32 to vector<16xi32>
        %add3A_438 = arith.addi %add3A_366, %add3A_437 : vector<16xi32>
        %gather3A_439 = tpu.vector_load_idx %arg9[%add3A_438] : memref<784xf32, #tpu.memory_space<vmem>>[vector<16xi32>], vector<16xf32>,
        %pack3A_440 = tpu.pack_subelements %gather3A_439, %gather3A_439 {pack_format = #tpu.pack_format<interleaved>, positions = array<i32: 0, 1>} : vector<16xf32>, vector<16xf32> -> vector<32xbf16>
        %add3A_441 = arith.constant 15 : i32
        %add3A_442 = vector.broadcast %add3A_441 : i32 to vector<16xi32>
        %add3A_443 = arith.addi %add3A_366, %add3A_442 : vector<16xi32>
        %gather3A_444 = tpu.vector_load_idx %arg9[%add3A_443] : memref<784xf32, #tpu.memory_space<vmem>>[vector<16xi32>], vector<16xf32>,
        %pack3A_445 = tpu.pack_subelements %gather3A_444, %gather3A_444 {pack_format = #tpu.pack_format<interleaved>, positions = array<i32: 0, 1>} : vector<16xf32>, vector<16xf32> -> vector<32xbf16>
        %mul3A_446 = arith.constant 98 : i32
        %mul3A_447 = vector.broadcast %mul3A_446 : i32 to vector<16xi32>
        %mul3A_448 = arith.muli %iota3A, %mul3A_447 : vector<16xi32>
        %add3A_449 = vector.broadcast %add3A_360 : i32 to vector<16xi32>
        %add3A_450 = arith.addi %mul3A_448, %add3A_449 : vector<16xi32>
        %parallel_loop3A_451 = arith.constant 0 : i32
        %parallel_loop3A_452 = arith.constant 6 : i32
        %parallel_loop3A_453 = arith.constant 1 : i32
        scf.for %parallel_loop3A_454 = %parallel_loop3A_451 to %parallel_loop3A_452 step %parallel_loop3A_453  : i32 {
          %parallel_loop3A_455 = arith.constant 16 : i32
          %parallel_loop3A_456 = arith.muli %scan3A_358, %parallel_loop3A_455 : i32
          %parallel_loop3A_457 = arith.constant 0 : i32
          %parallel_loop3A_458 = arith.addi %parallel_loop3A_456, %parallel_loop3A_457 : i32
          %parallel_loop3A_459 = arith.constant 32 : i32
          %parallel_loop3A_460 = arith.muli %parallel_loop3A_454, %parallel_loop3A_459 : i32
          %parallel_loop3A_461 = arith.index_cast %parallel_loop3A_458 : i32 to index
          %parallel_loop3A_462 = arith.index_cast %parallel_loop3A_460 : i32 to index
          %parallel_loop3A_463 = tpu.vector_load %arg14[%parallel_loop3A_461, %parallel_loop3A_462] {strides = array<i32>} : memref<112x192xbf16, #tpu.memory_space<vmem>>, vector<32xbf16>,
          %parallel_loop3A_464 = arith.mulf %pack3A, %parallel_loop3A_463 : vector<32xbf16>
          %parallel_loop3A_465 = arith.constant 16 : i32
          %parallel_loop3A_466 = arith.muli %scan3A_358, %parallel_loop3A_465 : i32
          %parallel_loop3A_467 = arith.constant 1 : i32
          %parallel_loop3A_468 = arith.addi %parallel_loop3A_466, %parallel_loop3A_467 : i32
          %parallel_loop3A_469 = arith.constant 32 : i32
          %parallel_loop3A_470 = arith.muli %parallel_loop3A_454, %parallel_loop3A_469 : i32
          %parallel_loop3A_471 = arith.index_cast %parallel_loop3A_468 : i32 to index
          %parallel_loop3A_472 = arith.index_cast %parallel_loop3A_470 : i32 to index
          %parallel_loop3A_473 = tpu.vector_load %arg14[%parallel_loop3A_471, %parallel_loop3A_472] {strides = array<i32>} : memref<112x192xbf16, #tpu.memory_space<vmem>>, vector<32xbf16>,
          %parallel_loop3A_474 = arith.mulf %pack3A_375, %parallel_loop3A_473 : vector<32xbf16>
          %parallel_loop3A_475 = arith.constant 16 : i32
          %parallel_loop3A_476 = arith.muli %scan3A_358, %parallel_loop3A_475 : i32
          %parallel_loop3A_477 = arith.constant 2 : i32
          %parallel_loop3A_478 = arith.addi %parallel_loop3A_476, %parallel_loop3A_477 : i32
          %parallel_loop3A_479 = arith.constant 32 : i32
          %parallel_loop3A_480 = arith.muli %parallel_loop3A_454, %parallel_loop3A_479 : i32
          %parallel_loop3A_481 = arith.index_cast %parallel_loop3A_478 : i32 to index
          %parallel_loop3A_482 = arith.index_cast %parallel_loop3A_480 : i32 to index
          %parallel_loop3A_483 = tpu.vector_load %arg14[%parallel_loop3A_481, %parallel_loop3A_482] {strides = array<i32>} : memref<112x192xbf16, #tpu.memory_space<vmem>>, vector<32xbf16>,
          %parallel_loop3A_484 = arith.mulf %pack3A_380, %parallel_loop3A_483 : vector<32xbf16>
          %parallel_loop3A_485 = arith.constant 16 : i32
          %parallel_loop3A_486 = arith.muli %scan3A_358, %parallel_loop3A_485 : i32
          %parallel_loop3A_487 = arith.constant 3 : i32
          %parallel_loop3A_488 = arith.addi %parallel_loop3A_486, %parallel_loop3A_487 : i32
          %parallel_loop3A_489 = arith.constant 32 : i32
          %parallel_loop3A_490 = arith.muli %parallel_loop3A_454, %parallel_loop3A_489 : i32
          %parallel_loop3A_491 = arith.index_cast %parallel_loop3A_488 : i32 to index
          %parallel_loop3A_492 = arith.index_cast %parallel_loop3A_490 : i32 to index
          %parallel_loop3A_493 = tpu.vector_load %arg14[%parallel_loop3A_491, %parallel_loop3A_492] {strides = array<i32>} : memref<112x192xbf16, #tpu.memory_space<vmem>>, vector<32xbf16>,
          %parallel_loop3A_494 = arith.mulf %pack3A_385, %parallel_loop3A_493 : vector<32xbf16>
          %parallel_loop3A_495 = arith.constant 16 : i32
          %parallel_loop3A_496 = arith.muli %scan3A_358, %parallel_loop3A_495 : i32
          %parallel_loop3A_497 = arith.constant 4 : i32
          %parallel_loop3A_498 = arith.addi %parallel_loop3A_496, %parallel_loop3A_497 : i32
          %parallel_loop3A_499 = arith.constant 32 : i32
          %parallel_loop3A_500 = arith.muli %parallel_loop3A_454, %parallel_loop3A_499 : i32
          %parallel_loop3A_501 = arith.index_cast %parallel_loop3A_498 : i32 to index
          %parallel_loop3A_502 = arith.index_cast %parallel_loop3A_500 : i32 to index
          %parallel_loop3A_503 = tpu.vector_load %arg14[%parallel_loop3A_501, %parallel_loop3A_502] {strides = array<i32>} : memref<112x192xbf16, #tpu.memory_space<vmem>>, vector<32xbf16>,
          %parallel_loop3A_504 = arith.mulf %pack3A_390, %parallel_loop3A_503 : vector<32xbf16>
          %parallel_loop3A_505 = arith.constant 16 : i32
          %parallel_loop3A_506 = arith.muli %scan3A_358, %parallel_loop3A_505 : i32
          %parallel_loop3A_507 = arith.constant 5 : i32
          %parallel_loop3A_508 = arith.addi %parallel_loop3A_506, %parallel_loop3A_507 : i32
          %parallel_loop3A_509 = arith.constant 32 : i32
          %parallel_loop3A_510 = arith.muli %parallel_loop3A_454, %parallel_loop3A_509 : i32
          %parallel_loop3A_511 = arith.index_cast %parallel_loop3A_508 : i32 to index
          %parallel_loop3A_512 = arith.index_cast %parallel_loop3A_510 : i32 to index
          %parallel_loop3A_513 = tpu.vector_load %arg14[%parallel_loop3A_511, %parallel_loop3A_512] {strides = array<i32>} : memref<112x192xbf16, #tpu.memory_space<vmem>>, vector<32xbf16>,
          %parallel_loop3A_514 = arith.mulf %pack3A_395, %parallel_loop3A_513 : vector<32xbf16>
          %parallel_loop3A_515 = arith.constant 16 : i32
          %parallel_loop3A_516 = arith.muli %scan3A_358, %parallel_loop3A_515 : i32
          %parallel_loop3A_517 = arith.constant 6 : i32
          %parallel_loop3A_518 = arith.addi %parallel_loop3A_516, %parallel_loop3A_517 : i32
          %parallel_loop3A_519 = arith.constant 32 : i32
          %parallel_loop3A_520 = arith.muli %parallel_loop3A_454, %parallel_loop3A_519 : i32
          %parallel_loop3A_521 = arith.index_cast %parallel_loop3A_518 : i32 to index
          %parallel_loop3A_522 = arith.index_cast %parallel_loop3A_520 : i32 to index
          %parallel_loop3A_523 = tpu.vector_load %arg14[%parallel_loop3A_521, %parallel_loop3A_522] {strides = array<i32>} : memref<112x192xbf16, #tpu.memory_space<vmem>>, vector<32xbf16>,
          %parallel_loop3A_524 = arith.mulf %pack3A_400, %parallel_loop3A_523 : vector<32xbf16>
          %parallel_loop3A_525 = arith.constant 16 : i32
          %parallel_loop3A_526 = arith.muli %scan3A_358, %parallel_loop3A_525 : i32
          %parallel_loop3A_527 = arith.constant 7 : i32
          %parallel_loop3A_528 = arith.addi %parallel_loop3A_526, %parallel_loop3A_527 : i32
          %parallel_loop3A_529 = arith.constant 32 : i32
          %parallel_loop3A_530 = arith.muli %parallel_loop3A_454, %parallel_loop3A_529 : i32
          %parallel_loop3A_531 = arith.index_cast %parallel_loop3A_528 : i32 to index
          %parallel_loop3A_532 = arith.index_cast %parallel_loop3A_530 : i32 to index
          %parallel_loop3A_533 = tpu.vector_load %arg14[%parallel_loop3A_531, %parallel_loop3A_532] {strides = array<i32>} : memref<112x192xbf16, #tpu.memory_space<vmem>>, vector<32xbf16>,
          %parallel_loop3A_534 = arith.mulf %pack3A_405, %parallel_loop3A_533 : vector<32xbf16>
          %parallel_loop3A_535 = arith.constant 16 : i32
          %parallel_loop3A_536 = arith.muli %scan3A_358, %parallel_loop3A_535 : i32
          %parallel_loop3A_537 = arith.constant 8 : i32
          %parallel_loop3A_538 = arith.addi %parallel_loop3A_536, %parallel_loop3A_537 : i32
          %parallel_loop3A_539 = arith.constant 32 : i32
          %parallel_loop3A_540 = arith.muli %parallel_loop3A_454, %parallel_loop3A_539 : i32
          %parallel_loop3A_541 = arith.index_cast %parallel_loop3A_538 : i32 to index
          %parallel_loop3A_542 = arith.index_cast %parallel_loop3A_540 : i32 to index
          %parallel_loop3A_543 = tpu.vector_load %arg14[%parallel_loop3A_541, %parallel_loop3A_542] {strides = array<i32>} : memref<112x192xbf16, #tpu.memory_space<vmem>>, vector<32xbf16>,
          %parallel_loop3A_544 = arith.mulf %pack3A_410, %parallel_loop3A_543 : vector<32xbf16>
          %parallel_loop3A_545 = arith.constant 16 : i32
          %parallel_loop3A_546 = arith.muli %scan3A_358, %parallel_loop3A_545 : i32
          %parallel_loop3A_547 = arith.constant 9 : i32
          %parallel_loop3A_548 = arith.addi %parallel_loop3A_546, %parallel_loop3A_547 : i32
          %parallel_loop3A_549 = arith.constant 32 : i32
          %parallel_loop3A_550 = arith.muli %parallel_loop3A_454, %parallel_loop3A_549 : i32
          %parallel_loop3A_551 = arith.index_cast %parallel_loop3A_548 : i32 to index
          %parallel_loop3A_552 = arith.index_cast %parallel_loop3A_550 : i32 to index
          %parallel_loop3A_553 = tpu.vector_load %arg14[%parallel_loop3A_551, %parallel_loop3A_552] {strides = array<i32>} : memref<112x192xbf16, #tpu.memory_space<vmem>>, vector<32xbf16>,
          %parallel_loop3A_554 = arith.mulf %pack3A_415, %parallel_loop3A_553 : vector<32xbf16>
          %parallel_loop3A_555 = arith.constant 16 : i32
          %parallel_loop3A_556 = arith.muli %scan3A_358, %parallel_loop3A_555 : i32
          %parallel_loop3A_557 = arith.constant 10 : i32
          %parallel_loop3A_558 = arith.addi %parallel_loop3A_556, %parallel_loop3A_557 : i32
          %parallel_loop3A_559 = arith.constant 32 : i32
          %parallel_loop3A_560 = arith.muli %parallel_loop3A_454, %parallel_loop3A_559 : i32
          %parallel_loop3A_561 = arith.index_cast %parallel_loop3A_558 : i32 to index
          %parallel_loop3A_562 = arith.index_cast %parallel_loop3A_560 : i32 to index
          %parallel_loop3A_563 = tpu.vector_load %arg14[%parallel_loop3A_561, %parallel_loop3A_562] {strides = array<i32>} : memref<112x192xbf16, #tpu.memory_space<vmem>>, vector<32xbf16>,
          %parallel_loop3A_564 = arith.mulf %pack3A_420, %parallel_loop3A_563 : vector<32xbf16>
          %parallel_loop3A_565 = arith.constant 16 : i32
          %parallel_loop3A_566 = arith.muli %scan3A_358, %parallel_loop3A_565 : i32
          %parallel_loop3A_567 = arith.constant 11 : i32
          %parallel_loop3A_568 = arith.addi %parallel_loop3A_566, %parallel_loop3A_567 : i32
          %parallel_loop3A_569 = arith.constant 32 : i32
          %parallel_loop3A_570 = arith.muli %parallel_loop3A_454, %parallel_loop3A_569 : i32
          %parallel_loop3A_571 = arith.index_cast %parallel_loop3A_568 : i32 to index
          %parallel_loop3A_572 = arith.index_cast %parallel_loop3A_570 : i32 to index
          %parallel_loop3A_573 = tpu.vector_load %arg14[%parallel_loop3A_571, %parallel_loop3A_572] {strides = array<i32>} : memref<112x192xbf16, #tpu.memory_space<vmem>>, vector<32xbf16>,
          %parallel_loop3A_574 = arith.mulf %pack3A_425, %parallel_loop3A_573 : vector<32xbf16>
          %parallel_loop3A_575 = arith.constant 16 : i32
          %parallel_loop3A_576 = arith.muli %scan3A_358, %parallel_loop3A_575 : i32
          %parallel_loop3A_577 = arith.constant 12 : i32
          %parallel_loop3A_578 = arith.addi %parallel_loop3A_576, %parallel_loop3A_577 : i32
          %parallel_loop3A_579 = arith.constant 32 : i32
          %parallel_loop3A_580 = arith.muli %parallel_loop3A_454, %parallel_loop3A_579 : i32
          %parallel_loop3A_581 = arith.index_cast %parallel_loop3A_578 : i32 to index
          %parallel_loop3A_582 = arith.index_cast %parallel_loop3A_580 : i32 to index
          %parallel_loop3A_583 = tpu.vector_load %arg14[%parallel_loop3A_581, %parallel_loop3A_582] {strides = array<i32>} : memref<112x192xbf16, #tpu.memory_space<vmem>>, vector<32xbf16>,
          %parallel_loop3A_584 = arith.mulf %pack3A_430, %parallel_loop3A_583 : vector<32xbf16>
          %parallel_loop3A_585 = arith.constant 16 : i32
          %parallel_loop3A_586 = arith.muli %scan3A_358, %parallel_loop3A_585 : i32
          %parallel_loop3A_587 = arith.constant 13 : i32
          %parallel_loop3A_588 = arith.addi %parallel_loop3A_586, %parallel_loop3A_587 : i32
          %parallel_loop3A_589 = arith.constant 32 : i32
          %parallel_loop3A_590 = arith.muli %parallel_loop3A_454, %parallel_loop3A_589 : i32
          %parallel_loop3A_591 = arith.index_cast %parallel_loop3A_588 : i32 to index
          %parallel_loop3A_592 = arith.index_cast %parallel_loop3A_590 : i32 to index
          %parallel_loop3A_593 = tpu.vector_load %arg14[%parallel_loop3A_591, %parallel_loop3A_592] {strides = array<i32>} : memref<112x192xbf16, #tpu.memory_space<vmem>>, vector<32xbf16>,
          %parallel_loop3A_594 = arith.mulf %pack3A_435, %parallel_loop3A_593 : vector<32xbf16>
          %parallel_loop3A_595 = arith.constant 16 : i32
          %parallel_loop3A_596 = arith.muli %scan3A_358, %parallel_loop3A_595 : i32
          %parallel_loop3A_597 = arith.constant 14 : i32
          %parallel_loop3A_598 = arith.addi %parallel_loop3A_596, %parallel_loop3A_597 : i32
          %parallel_loop3A_599 = arith.constant 32 : i32
          %parallel_loop3A_600 = arith.muli %parallel_loop3A_454, %parallel_loop3A_599 : i32
          %parallel_loop3A_601 = arith.index_cast %parallel_loop3A_598 : i32 to index
          %parallel_loop3A_602 = arith.index_cast %parallel_loop3A_600 : i32 to index
          %parallel_loop3A_603 = tpu.vector_load %arg14[%parallel_loop3A_601, %parallel_loop3A_602] {strides = array<i32>} : memref<112x192xbf16, #tpu.memory_space<vmem>>, vector<32xbf16>,
          %parallel_loop3A_604 = arith.mulf %pack3A_440, %parallel_loop3A_603 : vector<32xbf16>
          %parallel_loop3A_605 = arith.constant 16 : i32
          %parallel_loop3A_606 = arith.muli %scan3A_358, %parallel_loop3A_605 : i32
          %parallel_loop3A_607 = arith.constant 15 : i32
          %parallel_loop3A_608 = arith.addi %parallel_loop3A_606, %parallel_loop3A_607 : i32
          %parallel_loop3A_609 = arith.constant 32 : i32
          %parallel_loop3A_610 = arith.muli %parallel_loop3A_454, %parallel_loop3A_609 : i32
          %parallel_loop3A_611 = arith.index_cast %parallel_loop3A_608 : i32 to index
          %parallel_loop3A_612 = arith.index_cast %parallel_loop3A_610 : i32 to index
          %parallel_loop3A_613 = tpu.vector_load %arg14[%parallel_loop3A_611, %parallel_loop3A_612] {strides = array<i32>} : memref<112x192xbf16, #tpu.memory_space<vmem>>, vector<32xbf16>,
          %parallel_loop3A_614 = arith.mulf %pack3A_445, %parallel_loop3A_613 : vector<32xbf16>
          %parallel_loop3A_615 = arith.addf %parallel_loop3A_464, %parallel_loop3A_474 : vector<32xbf16>
          %parallel_loop3A_616 = arith.addf %parallel_loop3A_484, %parallel_loop3A_494 : vector<32xbf16>
          %parallel_loop3A_617 = arith.addf %parallel_loop3A_504, %parallel_loop3A_514 : vector<32xbf16>
          %parallel_loop3A_618 = arith.addf %parallel_loop3A_524, %parallel_loop3A_534 : vector<32xbf16>
          %parallel_loop3A_619 = arith.addf %parallel_loop3A_544, %parallel_loop3A_554 : vector<32xbf16>
          %parallel_loop3A_620 = arith.addf %parallel_loop3A_564, %parallel_loop3A_574 : vector<32xbf16>
          %parallel_loop3A_621 = arith.addf %parallel_loop3A_584, %parallel_loop3A_594 : vector<32xbf16>
          %parallel_loop3A_622 = arith.addf %parallel_loop3A_604, %parallel_loop3A_614 : vector<32xbf16>
          %parallel_loop3A_623 = arith.addf %parallel_loop3A_615, %parallel_loop3A_616 : vector<32xbf16>
          %parallel_loop3A_624 = arith.addf %parallel_loop3A_617, %parallel_loop3A_618 : vector<32xbf16>
          %parallel_loop3A_625 = arith.addf %parallel_loop3A_619, %parallel_loop3A_620 : vector<32xbf16>
          %parallel_loop3A_626 = arith.addf %parallel_loop3A_621, %parallel_loop3A_622 : vector<32xbf16>
          %parallel_loop3A_627 = arith.addf %parallel_loop3A_623, %parallel_loop3A_624 : vector<32xbf16>
          %parallel_loop3A_628 = arith.addf %parallel_loop3A_625, %parallel_loop3A_626 : vector<32xbf16>
          %parallel_loop3A_629 = arith.addf %parallel_loop3A_627, %parallel_loop3A_628 : vector<32xbf16>
          %parallel_loop3A_630 = tpu.unpack_subelements %parallel_loop3A_629, 0 {pack_format = #tpu.pack_format<interleaved>} : vector<32xbf16> -> vector<16xf32>
          %parallel_loop3A_631 = tpu.unpack_subelements %parallel_loop3A_629, 1 {pack_format = #tpu.pack_format<interleaved>} : vector<32xbf16> -> vector<16xf32>
          %parallel_loop3A_632 = arith.constant 32 : i32
          %parallel_loop3A_633 = arith.muli %parallel_loop3A_454, %parallel_loop3A_632 : i32
          %parallel_loop3A_634 = arith.constant 49 : i32
          %parallel_loop3A_635 = arith.muli %parallel_loop3A_633, %parallel_loop3A_634 : i32
          %parallel_loop3A_636 = vector.broadcast %parallel_loop3A_635 : i32 to vector<16xi32>
          %parallel_loop3A_637 = arith.addi %add3A_450, %parallel_loop3A_636 : vector<16xi32>
          tpu.vector_store_idx %arg16[%parallel_loop3A_637], %parallel_loop3A_630 : memref<9408xf32, #tpu.memory_space<vmem>>[vector<16xi32>], vector<16xf32>,
          %parallel_loop3A_638 = arith.constant 49 : i32
          %parallel_loop3A_639 = vector.broadcast %parallel_loop3A_638 : i32 to vector<16xi32>
          %parallel_loop3A_640 = arith.addi %parallel_loop3A_637, %parallel_loop3A_639 : vector<16xi32>
          tpu.vector_store_idx %arg16[%parallel_loop3A_640], %parallel_loop3A_631 : memref<9408xf32, #tpu.memory_space<vmem>>[vector<16xi32>], vector<16xf32>,
        } {sc.loop_unroll_factor = 3 : i64, sc.parallel_access}
      }
      %scan3A_350 = arith.constant 7 : i32
      %add3A_351 = arith.addi %mul3A_2, %scan3A_160 : i32
      %dma_start3A_352 = arith.constant 0 : i32
      %dma_start3A_353 = tpu.memref_slice %arg4[%add3A_351, %dma_start3A_352] : memref<1024x9408xf32, #tpu.memory_space<hbm>> -> memref<1x9408xf32, #tpu.memory_space<hbm>>
      %dma_start3A_354 = tpu.memref_squeeze %dma_start3A_353 : memref<1x9408xf32, #tpu.memory_space<hbm>> -> memref<9408xf32, #tpu.memory_space<hbm>>
      %dma_start3A_355 = arith.constant 0 : i32
      %dma_start3A_356 = tpu.memref_slice %arg4[%add3A_351, %dma_start3A_355] : memref<1024x9408xf32, #tpu.memory_space<hbm>> -> memref<1x9408xf32, #tpu.memory_space<hbm>>
      %dma_start3A_357 = tpu.memref_squeeze %dma_start3A_356 : memref<1x9408xf32, #tpu.memory_space<hbm>> -> memref<9408xf32, #tpu.memory_space<hbm>>
      tpu.enqueue_dma source(%arg16 : memref<9408xf32, #tpu.memory_space<vmem>>) target(%dma_start3A_357 : memref<9408xf32, #tpu.memory_space<hbm>>) target_semaphore(%arg19 : memref<!tpu.dma_semaphore, #tpu.memory_space<semaphore_mem>>)
    }
    %scan3A_150 = arith.constant 32 : i32
    %add3A_151 = arith.constant 32 : i32
    %add3A_152 = arith.addi %mul3A_2, %add3A_151 : i32
    %sub3A_153 = arith.constant 1 : i32
    %sub3A_154 = arith.subi %add3A_152, %sub3A_153 : i32
    %dma_wait3A = arith.constant 0 : i32
    %dma_wait3A_155 = tpu.memref_slice %arg4[%sub3A_154, %dma_wait3A] : memref<1024x9408xf32, #tpu.memory_space<hbm>> -> memref<1x9408xf32, #tpu.memory_space<hbm>>
    %dma_wait3A_156 = tpu.memref_squeeze %dma_wait3A_155 : memref<1x9408xf32, #tpu.memory_space<hbm>> -> memref<9408xf32, #tpu.memory_space<hbm>>
    %dma_wait3A_157 = arith.constant 0 : i32
    %dma_wait3A_158 = tpu.memref_slice %arg4[%sub3A_154, %dma_wait3A_157] : memref<1024x9408xf32, #tpu.memory_space<hbm>> -> memref<1x9408xf32, #tpu.memory_space<hbm>>
    %dma_wait3A_159 = tpu.memref_squeeze %dma_wait3A_158 : memref<1x9408xf32, #tpu.memory_space<hbm>> -> memref<9408xf32, #tpu.memory_space<hbm>>
    tpu.wait_dma2 semaphore(%arg19 : memref<!tpu.dma_semaphore, #tpu.memory_space<semaphore_mem>>) src(%arg16 : memref<9408xf32, #tpu.memory_space<vmem>>) dst(%dma_wait3A_159 : memref<9408xf32, #tpu.memory_space<hbm>>)
    return
  }
}

</mosaic_0001>

<sc_bundles>
// kernel: kernel.3.cloned.1.call-start
scs
__scs_entry_jumppad:
0x0: {  	(pc) =	sbr.rel $0x88, $3  }
0x1: {  	(tag) =	ssettag $0x0;
	lr =	simm.s32 $0x1  }
0x2: {  	[smem:$0x3F9F] =	sst lr;
	_ =	strace $0xD0000000  }
0x3: {  	_ = 	snop  }
0x4: {  	_ = 	snop  }
0x5: {  	_ = 	snop  }
0x6: {  	_ = 	snop  }
0x7: {  	_ = 	snop  }
__scs_overlays_trampoline_lowered:
0x8: {  	[smem:$0x3FAE] =	sst s0  }
0x9: {  	[smem:$0x3FAF] =	sst s1  }
0xa: {  	[smem:$0x3FB0] =	sst s2  }
0xb: {  	[smem:$0x3FB1] =	sst s3  }
0xc: {  	[smem:$0x3FB2] =	sst s4  }
0xd: {  	[smem:$0x3FB3] =	sst s5  }
0xe: {  	[smem:$0x3FB4] =	sst s6  }
0xf: {  	[smem:$0x3FB5] =	sst s7  }
0x10: {  	[smem:$0x3FB6] =	sst s8  }
0x11: {  	[smem:$0x3FB7] =	sst s9;
	s0 =	simm.s32 @!p0 $0x0  }
0x12: {  	s1 =	sld [smem:$0x3F9D];
	s0 =	simm.s32 @p0 $0x1  }
0x13: {  	[smem:$0x3FB8] =	sst s0;
	s0 =	simm.s32 @!p1 $0x0  }
0x14: {  	s2 =	sld [smem:$0x3F9C];
	s0 =	simm.s32 @p1 $0x1  }
0x15: {  	[smem:$0x3FB9] =	sst s0;
	s0 =	simm.s32 @!p2 $0x0  }
0x16: {  	s3 =	sld [smem:$0x3FDB];
	s0 =	simm.s32 @p2 $0x1  }
0x17: {  	s4 =	simm.s32 $0x1BF5;
	[smem:$0x3FBB] =	sst s0  }
0x18: {  	s0 =	sld [smem:$0x3F9E];
	_ =	swait.ge [sflag:s4], $0x0  }
0x19: {  	s7 =	sld [smem:$0x3F9F]  }
0x1a: {  	s8 =	sadd.s32 $0xFFFFE003, lr  }
0x1b: {  	s9 =	sadd.s32 $0xFFFFFEF7, lr;
	s5 =	simm.s32 $0xFFFFFFFF;
	p2 =	slt.u32 s8, $0xFFFFF086  }
0x1c: {  	p1 =	slt.u32 s9, $0xF7A;
	s5 =	simm.s32 @!p2 $0x0  }
0x1d: {  	s5 =	simm.s32 @p1 $0x1;
	p0 =	seq.s32 s7, s2  }
0x1e: {  	s7 =	smul.u32 @!p0 $0xF7A, s2;
	p2 =	seq.s32 @!p0 s5, $0x0  }
0x1f: {  	s9 =	smul.u32 $0xF7A, s1;
	s8 =	simm.s32 @!p0 $0x1BF5;
	p2 =	por !p2, p0  }
0x20: {  	[sflag:s8] =	ssyncset.s32 @!p0 $0xFFFFF086;
	s6 =	sadd.s32 @!p0 s3, s7;
	s7 =	simm.s32 @!p0 $0x108  }
0x21: {  	s3 =	sadd.s32 s3, s9;
	s6 =	sadd.s32 @!p0 $0x88, s6;
	s7 =	simm.s32 @p2 $0x1082  }
0x22: {  	[simem:s7], [sflag:s8] =	dma.local @!p0 [hbm:s6], $0xF7A  }
0x23: {  	s9 =	sor.u32 $0xD0000000, s2;
	s6 =	simm.s32 $0x108;
	_ =	swait.ge @!p0 [sflag:s8], $0x0  }
0x24: {  	s3 =	sadd.s32 $0x88, s3;
	s6 =	simm.s32 @!p1 $0x1082;
	[sflag:s4] =	ssyncset.s32 $0xFFFFF086  }
0x25: {  	[simem:s6], [sflag:s4] =	dma.local [hbm:s3], $0xF7A  }
0x26: {  	[smem:$0x3F9F] =	sst s1;
	(tag) =	ssettag s2;
	_ =	strace s9  }
0x27: {  	s1 =	sld [smem:$0x3FAF]  }
0x28: {  	s2 =	sld [smem:$0x3FB0]  }
0x29: {  	s4 =	sld [smem:$0x3FB2]  }
0x2a: {  	p0 =	seq.s32 s5, $0x0;
	s5 =	sld [smem:$0x3FB3]  }
0x2b: {  	s6 =	sld [smem:$0x3FB4]  }
0x2c: {  	s7 =	sld [smem:$0x3FB5]  }
0x2d: {  	s3 =	simm.s32 $0x108;
	s8 =	sld [smem:$0x3FB6]  }
0x2e: {  	s3 =	simm.s32 @!p0 $0x1082;
	s9 =	sld [smem:$0x3FB7]  }
0x2f: {  	lr =	sadd.s32 s0, s3;
	s0 =	sld [smem:$0x3FAE]  }
0x30: {  	s3 =	sld [smem:$0x3FB1]  }
0x31: {  	[smem:$0x3FBA] =	sst s10  }
0x32: {  	s10 =	sld [smem:$0x3FB8];
	_ =	sdelay $0x3  }
0x33: {  	p0 =	seq.s32 s10, $0x1;
	s10 =	sld [smem:$0x3FBA];
	_ =	sdelay $0x3  }
0x34: {  	[smem:$0x3FBA] =	sst s10  }
0x35: {  	s10 =	sld [smem:$0x3FB9];
	_ =	sdelay $0x3  }
0x36: {  	p1 =	seq.s32 s10, $0x1;
	s10 =	sld [smem:$0x3FBA];
	_ =	sdelay $0x3  }
0x37: {  	[smem:$0x3FBA] =	sst s10  }
0x38: {  	s10 =	sld [smem:$0x3FBB]  }
0x39: {  	_ = 	snop;
	(pc) =	sbr.ind lr, $3  }
0x3a: {  	_ = 	snop  }
0x3b: {  	_ = 	snop  }
0x3c: {  	p2 =	seq.s32 s10, $0x1;
	s10 =	sld [smem:$0x3FBA]  }
0x3d: {  	_ =	shalt  }
0x3e: {  	_ =	shalt  }
0x3f: {  	_ =	shalt  }
0x40: {  	_ =	shalt  }
0x41: {  	_ =	shalt  }
0x42: {  	_ =	shalt  }
0x43: {  	_ =	shalt  }
0x44: {  	_ =	shalt  }
0x45: {  	_ =	shalt  }
0x46: {  	_ =	shalt  }
0x47: {  	_ =	shalt  }
0x48: {  	_ =	shalt  }
0x49: {  	_ =	shalt  }
0x4a: {  	_ =	shalt  }
0x4b: {  	_ =	shalt  }
0x4c: {  	_ =	shalt  }
0x4d: {  	_ =	shalt  }
0x4e: {  	_ =	shalt  }
0x4f: {  	_ =	shalt  }
0x50: {  	_ =	shalt  }
0x51: {  	_ =	shalt  }
0x52: {  	_ =	shalt  }
0x53: {  	_ =	shalt  }
0x54: {  	_ =	shalt  }
0x55: {  	_ =	shalt  }
0x56: {  	_ =	shalt  }
0x57: {  	_ =	shalt  }
0x58: {  	_ =	shalt  }
0x59: {  	_ =	shalt  }
0x5a: {  	_ =	shalt  }
0x5b: {  	_ =	shalt  }
0x5c: {  	_ =	shalt  }
0x5d: {  	_ =	shalt  }
0x5e: {  	_ =	shalt  }
0x5f: {  	_ =	shalt  }
0x60: {  	_ =	shalt  }
0x61: {  	_ =	shalt  }
0x62: {  	_ =	shalt  }
0x63: {  	_ =	shalt  }
0x64: {  	_ =	shalt  }
0x65: {  	_ =	shalt  }
0x66: {  	_ =	shalt  }
0x67: {  	_ =	shalt  }
0x68: {  	_ =	shalt  }
0x69: {  	_ =	shalt  }
0x6a: {  	_ =	shalt  }
0x6b: {  	_ =	shalt  }
0x6c: {  	_ =	shalt  }
0x6d: {  	_ =	shalt  }
0x6e: {  	_ =	shalt  }
0x6f: {  	_ =	shalt  }
0x70: {  	_ =	shalt  }
0x71: {  	_ =	shalt  }
0x72: {  	_ =	shalt  }
0x73: {  	_ =	shalt  }
0x74: {  	_ =	shalt  }
0x75: {  	_ =	shalt  }
0x76: {  	_ =	shalt  }
0x77: {  	_ =	shalt  }
0x78: {  	_ =	shalt  }
0x79: {  	_ =	shalt  }
0x7a: {  	_ =	shalt  }
0x7b: {  	_ =	shalt  }
0x7c: {  	_ =	shalt  }
0x7d: {  	_ =	shalt  }
0x7e: {  	_ =	shalt  }
0x7f: {  	_ =	shalt  }
0x80: {  	_ =	shalt  }
0x81: {  	_ =	shalt  }
0x82: {  	_ =	shalt  }
0x83: {  	_ =	shalt  }
0x84: {  	_ =	shalt  }
0x85: {  	_ =	shalt  }
0x86: {  	_ =	shalt  }
0x87: {  	_ =	shalt  }
.Lfunc_end0:
.L_simem_size_0:
called_computation.2_lowered:
.L_overlay_start_0:
0x88: {  	s2 =	sld [smem:$0x3FD9]  }
0x89: {  	s3 =	sld [smem:$0x3FFE];
	_ =	sdelay $0x1  }
0x8a: {  	s1 =	srdreg.scid  }
0x8b: {  	s0 =	sand.u32 $0x1, s1  }
0x8c: {  	s17 =	sshll.u32 s0, $0xA;
	s2 =	sadd.s32 s3, s2  }
0x8d: {  	s2 =	sadd.s32 s2, s17  }
0x8e: {  	[smem:$0x3FC6] =	sst s2  }
0x8f: {  	_ = 	snop  }
0x90: {  	s2 =	sld [smem:$0x3FD0];
	(tm) =	ssettm $0x1  }
0x91: {  	s18 =	sld [smem:$0x3FFB];
	_ =	sdelay $0x3  }
0x92: {  	_ =	strace s18  }
0x93: {  	s3 =	sld [smem:$0x3FFC];
	_ =	sdelay $0x3  }
0x94: {  	_ =	strace s3  }
0x95: {  	s3 =	sld [smem:$0x3FFD];
	_ =	sdelay $0x3  }
0x96: {  	_ =	strace s3  }
0x97: {  	_ =	strace $0x8FFFFFFF  }
0x98: {  	s19 =	sld [smem:$0x3FDB];
	_ =	sdelay $0x1  }
0x99: {  	s4 =	simm.s32 $_scs_section_size  }
0x9a: {  	s5 =	simm.s32 $_size__tile_overlayer_lowered;
	s6 =	simm.s32 $_tile_overlayer_lowered  }
0x9b: {  	s22 =	simm.s32 $0x1BFF;
	s21 =	sshll.u32 s6, $0x1;
	s3 =	sadd.s32 s4, s19  }
0x9c: {  	s7 =	simm.s32 $0x0;
	s20 =	sshll.u32 s5, $0x1;
	s5 =	sadd.s32 s21, s3  }
0x9d: {  	[timem:s7], [sflag:s22] =	dma.local [hbm:s5], s20  }
0x9e: {  	_ =	swait.ge [sflag:s22], s20  }
0x9f: {  	s4 =	ssub.s32 $0x0, s20;
	[sflag:s22] =	ssyncset.done $0x0  }
0xa0: {  	[sflag:s22] =	ssyncadd.s32 s4;
	_ =	sdelay $0x1  }
0xa1: {  	s23 =	simm.s32 $0x1B8B  }
0xa2: {  	_ =	swait.ge [sflag:s23], $0x1  }
0xa3: {  	[sflag:s23] =	ssyncset.done $0x0  }
0xa4: {  	s25 =	simm.s32 $0x1B8E;
	s24 =	sld [smem:$0x3FFE];
	[sflag:s23] =	ssyncadd.s32 $0xFFFFFFFF  }
0xa5: {  	s26 =	simm.s32 $execute0_lowered;
	[smem:$0x3FD2] =	sst s25  }
0xa6: {  	s5 =	sshll.u32 s26, $0x1;
	_ =	strace $0x80000046;
	[dreg:$0x1] =	wrdreg $0xFFFFFFFF  }
0xa7: {  	s28 =	simm.s32 $_size_execute0_lowered;
	s3 =	sadd.s32 s3, s5;
	[dreg:$0x0] =	wrdreg $0x0  }
0xa8: {  	s5 =	sshll.u32 s28, $0x1;
	[dreg:$0x2] =	wrdreg s3  }
0xa9: {  	[dreg:$0x3] =	wrdreg s5  }
0xaa: {  	[dreg:$0x4] =	wrdreg $0xC0  }
0xab: {  	_ =	task [dreg:s7], $0x5FFFF  }
0xac: {  	[dreg:$0x1] =	wrdreg $0xFFFFFFFF  }
0xad: {  	[dreg:$0x0] =	wrdreg $0x60  }
0xae: {  	[dreg:$0x2] =	wrdreg s24  }
0xaf: {  	[dreg:$0x3] =	wrdreg s2  }
0xb0: {  	[dreg:$0x4] =	wrdreg $0x9  }
0xb1: {  	_ =	task.clear_ibuf [dreg:s7], $0x5FFFF;
	_ =	strace $0x90000046  }
0xb2: {  	s29 =	simm.s32 $0x9;
	_ =	strace $0x80000048  }
0xb3: {  	_ =	swait.ge [sflag:s29], $0x1  }
0xb4: {  	[sflag:s29] =	ssyncadd.s32 $0xFFFFFFFF  }
0xb5: {  	_ =	strace $0x90000048  }
0xb6: {  	_ =	sfence  }
0xb7: {  	s30 =	sld [smem:$0x0];
	_ =	sdelay $0x2  }
0xb8: {  	s31 =	sshll.u32 s1, $0xD;
	s1 =	sshrl.u32 s1, $0x2  }
0xb9: {  	s3 =	sand.u32 $0x4000, s31;
	s1 =	sadd.s32 s1, s30  }
0xba: {  	s0 =	sor.u32 s3, s0;
	s1 =	sshll.u32 s1, $0x11  }
0xbb: {  	s0 =	sor.u32 s1, s0  }
0xbc: {  	s0 =	sadd.s32 $0x8F2B, s0  }
0xbd: {  	[sflag:s0] =	ssyncadd.remote.s32 $0x1  }
0xbe: {  	_ =	sfence.sel $0xFFFF  }
0xbf: {  	[dreg:$0x0] =	wrdreg $0xFFFFFFFF;
	(pc) =	sbr.abs _section_cstart, $3  }
0xc0: {  	[dreg:$0x1] =	wrdreg $0xFFFFFFFF  }
0xc1: {  	_ =	task.clear_ibuf [dreg:s7], $0x2FFFF;
	_ =	strace $0x9FFFFFFF  }
0xc2: {  	(tm) =	ssettm $0x7FFFFFFF  }
0xc3: {  	_ =	shalt  }
tec
execute0_lowered:
.L_overlay_start_1:
0x0: {  	(tag) =	ssettag $0x1  }
0x1: {  	s0 =	rddreg [dreg:$0x0];
	s1 =	srdreg.scid  }
0x2: {  	s2 =	stileid.u32;
	s3 =	simm.s32 $0x0;
	v1 =	vimm.f32 $7.500000000e-01;
	vm0 =	vcmask $0x1710;
	s9 =	simm.s32 $0xA0  }
0x3: {  	vm1 =	vcmask $0x700;
	vm2 =	vcmask $0x1F00;
	vm3 =	vcmask $0x300;
	s11 =	simm.s32 $0x70;
	s13 =	simm.s32 $0x920;
	s14 =	simm.s32 $0x1B0  }
0x4: {  	s15 =	simm.s32 $0x3320;
	s16 =	simm.s32 $0x1;
	s17 =	simm.s32 $0x450;
	vm0 =	vmor vm1, vm0;
	vm1 =	vcmask $0x2720;
	v0 =	vsel vm2, $0x3E800000, v1  }
0x5: {  	s18 =	simm.s32 $0x5D20;
	s19 =	simm.s32 $0x220;
	s20 =	simm.s32 $0x2;
	vm2 =	vcmask $0xB08;
	vm0 =	vmor vm0, vm1;
	vm1 =	vcmask $0x3730  }
0x6: {  	s21 =	simm.s32 $0x290;
	s1 =	sand.u32 $0x1, s1;
	s4 =	sshll.u32 s2, $0x1;
	vm0 =	vmor vm0, vm1;
	vm1 =	vmor vm3, vm2;
	vm2 =	vcmask $0x1310  }
0x7: {  	s22 =	simm.s32 $0x300;
	s5 =	sor.u32 s1, s4;
	s1 =	ssub.s32 $0x2, s1;
	vm3 =	vcmask $0xF00;
	vm1 =	vmor vm1, vm2;
	vm2 =	vcmask $0x1B18  }
0x8: {  	s23 =	simm.s32 $0x370;
	s6 =	smul.u32 $0x14, s5;
	s7 =	sshrl.u32 s1, $0x1;
	v2 =	vsel vm3, $0x3E800000, v1;
	vm1 =	vmor vm1, vm2;
	vm2 =	vcmask $0x2320  }
0x9: {  	s24 =	simm.s32 $0x3E0;
	[smem:$0x7FF] =	sst s3;
	s1 =	ssub.s32 s1, s7;
	v1 =	vlaneseq.u32;
	vm1 =	vmor vm1, vm2;
	vm2 =	vcmask $0x2B28  }
0xa: {  	s4 =	sadd.s32 $0x1000, s0;
	s0 =	sadd.s32 s6, s0;
	s31 =	smax.u32 s1, $0x1;
	v1 =	vmul.u32 $0x62, v1;
	vm1 =	vmor vm1, vm2;
	vm2 =	vcmask $0x3330  }
0xb: {  	_ =	strace $0x80000047;
	vm3 =	vcmask $0x2F20;
	s0 =	sadd.s32 $0xC00, s0;
	[dreg:$0x4] =	wrdreg s31;
	vm1 =	vmor vm1, vm2;
	vm2 =	vcmask $0x3B38  }
0xc: {  	s2 =	simm.s32 $0x0;
	s5 =	sshll.u32 s5, $0x5;
	v2 =	vsel vm3, $0x3E800000, v2;
	[dreg:$0x3] =	wrdreg s0;
	v3 =	vadd.s32 $0x31, v1;
	vm1 =	vmor vm1, vm2  }
.LBB2_1:
0xd: {  	[dreg:$0x5] =	wrdreg s2  }
0xe: {  	s0 =	rddreg [dreg:$0x3];
	s31 =	simm.s32 $0x4  }
0xf: {  	[tilespmem:s3], [sflag:$0x4] =	stream.linear.gather [hbm4b:s0+s3], $0xA0, $0x38;
	[tilespmem:$0x81E0] =	vst v63  }
0x10: {  	_ =	swait.ge [sflag:s31], $0xA0  }
0x11: {  	[sflag:s31] =	ssyncset.done $0x0  }
0x12: {  	[sflag:s31] =	ssyncadd.s32 $0xFFFFFF60  }
0x13: {  	v4 =	vld [tilespmem:$0x20]  }
0x14: {  	v5 =	vld [tilespmem:$0x40]  }
0x15: {  	v6 =	vld [tilespmem:$0x60]  }
0x16: {  	v7 =	vld [tilespmem:$0x80]  }
0x17: {  	v8 =	vld [tilespmem:$0x0]  }
0x18: {  	v9 =	vld [tilespmem:$0x30]  }
0x19: {  	v11 =	vld [tilespmem:$0x70]  }
0x1a: {  	v10 =	vld [tilespmem:$0x50]  }
0x1b: {  	v12 =	vld [tilespmem:$0x90];
	v4 =	vmul.f32 $1.250000000e-01, v4;
	v6 =	vmul.f32 $1.250000000e-01, v6  }
0x1c: {  	v5 =	vmul.f32 $1.250000000e-01, v5;
	v7 =	vmul.f32 $1.250000000e-01, v7  }
0x1d: {  	v8 =	vtrunc.f32 v8;
	v9 =	vmul.f32 $1.250000000e-01, v9;
	v4 =	vadd.f32 $-5.000000000e-01, v4  }
0x1e: {  	v11 =	vmul.f32 $1.250000000e-01, v11;
	v6 =	vadd.f32 $-5.000000000e-01, v6;
	v5 =	vadd.f32 $-5.000000000e-01, v5  }
0x1f: {  	v10 =	vmul.f32 $1.250000000e-01, v10;
	v7 =	vadd.f32 $-5.000000000e-01, v7;
	v59 =	vadd.f32 $-5.000000000e-01, v9  }
0x20: {  	v12 =	vmul.f32 $1.250000000e-01, v12;
	v60 =	vadd.f32 $-5.000000000e-01, v11;
	v6 =	vsub.f32 v6, v4;
	[tilespmem:$0xA0] =	vst v4;
	v4 =	vld [tilespmem:$0x10]  }
0x21: {  	v61 =	vadd.f32 $-5.000000000e-01, v10;
	v7 =	vsub.f32 v7, v5;
	[tilespmem:$0xC0] =	vst v5;
	v5 =	vcvt.f32.s32 v8  }
0x22: {  	v62 =	vadd.f32 $-5.000000000e-01, v12;
	[tilespmem:$0xB0] =	vst v59  }
0x23: {  	v63 =	vsub.f32 v60, v59;
	[tilespmem:$0xD0] =	vst v61;
	v7 =	vmul.f32 $1.428571490e-01, v7;
	v5 =	vshll.u32 v5, $0xC  }
0x24: {  	v6 =	vmul.f32 $1.428571490e-01, v6;
	[tilespmem:$0x120] =	vst v5;
	v5 =	vsub.f32 v62, v61  }
0x25: {  	[tilespmem:$0x100] =	vst v7;
	v7 =	vmul.f32 $1.428571490e-01, v63;
	v4 =	vtrunc.f32 v4  }
0x26: {  	[tilespmem:$0xE0] =	vst v6;
	v5 =	vmul.f32 $1.428571490e-01, v5;
	v4 =	vcvt.f32.s32 v4  }
0x27: {  	[tilespmem:$0xF0] =	vst v7  }
0x28: {  	[tilespmem:$0x110] =	vst v5;
	v4 =	vshll.u32 v4, $0xC  }
0x29: {  	s28 =	simm.s32 $0x0;
	[tilespmem:$0x130] =	vst v4  }
.LBB2_2:
0x2a: {  	v4 =	vmov s28  }
0x2b: {  	v5 =	vor.u32 $0x60, v4;
	_ =	sdelay $0x1  }
0x2c: {  	v6 =	vor.u32 $0x20, v4;
	_ =	sdelay $0x2  }
0x2d: {  	s0 =	simm.s32 $0x0;
	v8 =	vld.idx.msk [tilespmem:v5+s9+$0x0], $0xffff  }
0x2e: {  	s31 =	scvt.s32.f32 s0  }
0x2f: {  	v7 =	vld.idx.msk [tilespmem:v6+s9+$0x0], $0xffff  }
0x30: {  	v5 =	vadd.f32 s31, v0;
	_ =	sdelay $0x1  }
0x31: {  	v5 =	vmul.f32 v5, v8;
	_ =	sdelay $0x1  }
0x32: {  	s10 =	simm.s32 $0x1;
	v5 =	vadd.f32 v5, v7  }
0x33: {  	s6 =	scvt.s32.f32 s10  }
0x34: {  	v6 =	vmax.f32 v5, $0.0e+00  }
0x35: {  	v9 =	vadd.f32 s6, v0;
	v6 =	vmin.f32 v6, $6.300000000e+01  }
0x36: {  	s12 =	simm.s32 $0x2;
	v10 =	vtrunc.f32 v6  }
0x37: {  	s1 =	scvt.s32.f32 s12;
	v9 =	vmul.f32 v9, v8;
	v10 =	vcvt.f32.s32 v10;
	_ =	sdelay $0x1  }
0x38: {  	v13 =	vadd.f32 s1, v0;
	v9 =	vadd.f32 v9, v7;
	v11 =	vcvt.s32.f32 v10  }
0x39: {  	v12 =	vor.u32 $0x40, v4  }
0x3a: {  	s25 =	simm.s32 $0x120;
	v13 =	vmul.f32 v13, v8;
	v14 =	vsub.f32 v6, v11;
	v11 =	vmax.f32 v9, $0.0e+00  }
0x3b: {  	vm3 =	vle.f32 v5, $6.400000000e+01;
	v15 =	vadd.s32 $0x1, v10;
	v6 =	vld.idx.msk [tilespmem:v4+s25+$0x0], $0xffff;
	v16 =	vmin.f32 v11, $6.300000000e+01  }
0x3c: {  	vm2 =	vlt.s32 v15, $0x3F;
	v17 =	vsub.f32 $1.000000000e+00, v14;
	v11 =	vtrunc.f32 v16  }
0x3d: {  	s26 =	simm.s32 $0x3;
	v15 =	vnsel vm2, $0x3F, v15;
	vm2 =	vge.f32 v5, $-1.000000000e+00;
	v11 =	vcvt.f32.s32 v11  }
0x3e: {  	s0 =	scvt.s32.f32 s26;
	v10 =	vsel vm0, v10, v15;
	vm2 =	vmand vm2, vm3;
	v14 =	vsel vm0, v17, v14  }
0x3f: {  	v10 =	vshll.u32 v10, $0x6;
	v14 =	vmul.f32 $2.500000000e-01, v14;
	v15 =	vcvt.s32.f32 v11  }
0x40: {  	s30 =	simm.s32 $0x760;
	v5 =	vld.idx.msk [tilespmem:v12+s9+$0x0], $0xffff;
	v17 =	vadd.f32 s0, v0;
	v12 =	vadd.s32 v6, v10;
	v10 =	vadd.f32 v13, v7  }
0x41: {  	s29 =	simm.s32 $0x7D0;
	v4 =	vld.idx.msk [tilespmem:v4+s9+$0x0], $0xffff;
	[tilespmem:s30+$0x0] =	vst v12;
	v12 =	vnsel vm2, $0x0, v14;
	v13 =	vsub.f32 v16, v15  }
0x42: {  	s7 =	simm.s32 $0x4;
	v15 =	vmax.f32 v10, $0.0e+00;
	v14 =	vadd.s32 $0x1, v11;
	[tilespmem:s29+$0x0] =	vst v12;
	v12 =	vmul.f32 v17, v8  }
.LBB2_3:
0x43: {  	p0 =	sne.s32 s7, $0x6;
	v15 =	vmin.f32 v15, $6.300000000e+01;
	vm2 =	vlt.s32 v14, $0x3F;
	v16 =	vsub.f32 $1.000000000e+00, v13  }
0x44: {  	vm3 =	vge.f32 v9, $-1.000000000e+00;
	v17 =	vtrunc.f32 v15;
	v14 =	vnsel vm2, $0x3F, v14  }
0x45: {  	v14 =	vsel vm0, v11, v14;
	v11 =	vcvt.f32.s32 v17;
	v13 =	vsel vm0, v16, v13  }
.Ltmp0:
0x46: {  	s8 =	scvt.s32.f32 s7;
	vm2 =	vle.f32 v9, $6.400000000e+01;
	v9 =	vmovc v10;
	v14 =	vshll.u32 v14, $0x6;
	v13 =	vmul.f32 $2.500000000e-01, v13;
	(pc) =	sbr.rel @p0 .LBB2_3-.Ltmp0, $4  }
0x47: {  	s30 =	sadd.s32 $0x10, s30;
	vm2 =	vmand vm3, vm2;
	v16 =	vcvt.s32.f32 v11;
	v14 =	vadd.s32 v6, v14  }
0x48: {  	s29 =	sadd.s32 $0x10, s29;
	v10 =	vadd.f32 v12, v7;
	v17 =	vadd.f32 s8, v0;
	[tilespmem:s30+$0x0] =	vst v14;
	v12 =	vnsel vm2, $0x0, v13  }
0x49: {  	v13 =	vsub.f32 v15, v16;
	[tilespmem:s29+$0x0] =	vst v12  }
0x4a: {  	s7 =	sadd.s32 $0x1, s7;
	v14 =	vadd.s32 $0x1, v11;
	v12 =	vmul.f32 v17, v8;
	v15 =	vmax.f32 v10, $0.0e+00  }
0x4b: {  	v8 =	vmin.f32 v15, $6.300000000e+01;
	vm2 =	vlt.s32 v14, $0x3F;
	v15 =	vsub.f32 $1.000000000e+00, v13  }
0x4c: {  	vm3 =	vle.f32 v9, $6.400000000e+01;
	v17 =	vadd.f32 s31, v2;
	v16 =	vtrunc.f32 v8  }
0x4d: {  	v18 =	vadd.f32 s6, v2;
	v59 =	vadd.f32 s1, v2;
	v16 =	vcvt.f32.s32 v16  }
0x4e: {  	v14 =	vnsel vm2, $0x3F, v14;
	vm2 =	vge.f32 v9, $-1.000000000e+00;
	v7 =	vadd.f32 v12, v7  }
0x4f: {  	v11 =	vsel vm0, v11, v14;
	v13 =	vsel vm0, v15, v13;
	v9 =	vcvt.s32.f32 v16  }
0x50: {  	vm2 =	vmand vm2, vm3;
	vm3 =	vle.f32 v10, $6.400000000e+01;
	v18 =	vmul.f32 v18, v5  }
0x51: {  	v12 =	vmul.f32 $2.500000000e-01, v13;
	v8 =	vsub.f32 v8, v9;
	v9 =	vmax.f32 v7, $0.0e+00  }
0x52: {  	v11 =	vshll.u32 v11, $0x6;
	v13 =	vadd.s32 $0x1, v16;
	v9 =	vmin.f32 v9, $6.300000000e+01  }
0x53: {  	v12 =	vnsel vm2, $0x0, v12;
	vm2 =	vlt.s32 v13, $0x3F;
	v15 =	vtrunc.f32 v9  }
0x54: {  	v13 =	vnsel vm2, $0x3F, v13;
	v14 =	vsub.f32 $1.000000000e+00, v8;
	v15 =	vcvt.f32.s32 v15  }
0x55: {  	v11 =	vadd.s32 v6, v11;
	vm2 =	vge.f32 v10, $-1.000000000e+00;
	v13 =	vsel vm0, v16, v13  }
0x56: {  	v8 =	vsel vm0, v14, v8;
	v14 =	vmul.f32 v17, v5;
	v10 =	vcvt.s32.f32 v15  }
0x57: {  	vm2 =	vmand vm2, vm3;
	vm3 =	vge.f32 v7, $-1.000000000e+00;
	v8 =	vmul.f32 $2.500000000e-01, v8  }
0x58: {  	v13 =	vshll.u32 v13, $0x6;
	v14 =	vadd.f32 v14, v4;
	v9 =	vsub.f32 v9, v10  }
0x59: {  	v13 =	vadd.s32 v6, v13;
	v10 =	vadd.s32 $0x1, v15;
	v8 =	vnsel vm2, $0x0, v8  }
0x5a: {  	vm2 =	vlt.s32 v10, $0x3F;
	v57 =	vmax.f32 v14, $0.0e+00;
	v56 =	vsub.f32 $1.000000000e+00, v9  }
0x5b: {  	v10 =	vnsel vm2, $0x3F, v10;
	v17 =	vmin.f32 v57, $6.300000000e+01;
	vm2 =	vle.f32 v7, $6.400000000e+01  }
0x5c: {  	v10 =	vsel vm0, v15, v10;
	v15 =	vtrunc.f32 v17;
	v9 =	vsel vm0, v56, v9  }
0x5d: {  	v15 =	vcvt.f32.s32 v15;
	v7 =	vshll.u32 v10, $0x6;
	v10 =	vadd.f32 v18, v4  }
0x5e: {  	vm2 =	vmand vm3, vm2;
	vm3 =	vge.f32 v14, $-1.000000000e+00;
	v9 =	vmul.f32 $2.500000000e-01, v9  }
0x5f: {  	v58 =	vadd.s32 v6, v7;
	v6 =	vcvt.s32.f32 v15;
	v7 =	vmax.f32 v10, $0.0e+00  }
0x60: {  	v9 =	vnsel vm2, $0x0, v9;
	vm2 =	vle.f32 v14, $6.400000000e+01;
	v19 =	vmin.f32 v7, $6.300000000e+01  }
0x61: {  	v7 =	vmul.f32 v59, v5;
	v17 =	vsub.f32 v17, v6;
	v6 =	vtrunc.f32 v19  }
0x62: {  	v62 =	vadd.f32 s0, v2;
	vm5 =	vmand vm3, vm2;
	v6 =	vcvt.f32.s32 v6  }
0x63: {  	s26 =	sadd.s32 $0x10, s30;
	vm2 =	vle.f32 v10, $6.400000000e+01;
	vm3 =	vge.f32 v10, $-1.000000000e+00;
	v10 =	vadd.f32 v7, v4  }
0x64: {  	s30 =	sadd.s32 $0x10, s29;
	v63 =	vmul.f32 v62, v5;
	[tilespmem:s26+$0x0] =	vst v11;
	v60 =	vadd.s32 $0x1, v15;
	v61 =	vcvt.s32.f32 v6  }
0x65: {  	s1 =	sadd.s32 $0x10, s26;
	[tilespmem:s30+$0x0] =	vst v12;
	vm2 =	vmand vm3, vm2;
	vm3 =	vle.f32 v10, $6.400000000e+01;
	v11 =	vmax.f32 v10, $0.0e+00  }
0x66: {  	s31 =	sadd.s32 $0x10, s30;
	[tilespmem:s1+$0x0] =	vst v13;
	vm4 =	vge.f32 v10, $-1.000000000e+00;
	v10 =	vmin.f32 v11, $6.300000000e+01;
	v12 =	vsub.f32 v19, v61  }
0x67: {  	[tilespmem:s31+$0x0] =	vst v8;
	vm6 =	vlt.s32 v60, $0x3F;
	v14 =	vsub.f32 $1.000000000e+00, v17;
	v8 =	vtrunc.f32 v10  }
0x68: {  	s1 =	sadd.s32 $0x10, s1;
	vm5 =	vmmov vm5;
	v8 =	vcvt.f32.s32 v8;
	v13 =	vsub.f32 $1.000000000e+00, v12  }
0x69: {  	s0 =	sadd.s32 $0x10, s31;
	[tilespmem:s1+$0x0] =	vst v58;
	v7 =	vadd.s32 $0x1, v6;
	v14 =	vsel vm1, v14, v17;
	v11 =	vnsel vm6, $0x3F, v60  }
0x6a: {  	s1 =	simm.s32 $0x840;
	[tilespmem:s0+$0x0] =	vst v9;
	v15 =	vsel vm1, v15, v11;
	v11 =	vadd.s32 $0x1, v8;
	v9 =	vsel vm1, v13, v12  }
0x6b: {  	s6 =	simm.s32 $0x8B0;
	s7 =	simm.s32 $0x4;
	s0 =	simm.s32 $0x8C0;
	[tilespmem:s1+$0x0] =	vst v15;
	v13 =	vnsel vm5, $0x0, v14;
	v12 =	vadd.f32 v63, v4;
	v14 =	vcvt.s32.f32 v8  }
.LBB2_5:
0x6c: {  	s8 =	scvt.s32.f32 s7;
	[tilespmem:s6+$0x0] =	vst v13;
	s6 =	smov.u32 s7  }
0x6d: {  	s1 =	sadd.s32 $0x10, s1;
	vm5 =	vmmov vm2;
	vm2 =	vmand vm4, vm3;
	s25 =	sadd.s32 $0x1, s7;
	s6 =	smov.u32 s0  }
0x6e: {  	p0 =	sne.s32 s7, $0x6;
	vm3 =	vle.f32 v12, $6.400000000e+01;
	v13 =	vmax.f32 v12, $0.0e+00;
	v14 =	vsub.f32 v10, v14  }
.Ltmp1:
0x6f: {  	vm4 =	vge.f32 v12, $-1.000000000e+00;
	v15 =	vadd.f32 s8, v2;
	v10 =	vmin.f32 v13, $6.300000000e+01;
	(pc) =	sbr.rel @p0 .LBB2_5-.Ltmp1, $4  }
0x70: {  	vm6 =	vlt.s32 v7, $0x3F;
	v12 =	vtrunc.f32 v10;
	v16 =	vsub.f32 $1.000000000e+00, v14  }
0x71: {  	v15 =	vmul.f32 v15, v5;
	v17 =	vcvt.f32.s32 v12;
	v12 =	vnsel vm6, $0x3F, v7;
	v7 =	vmovc v11  }
0x72: {  	v13 =	vnsel vm5, $0x0, v9;
	v18 =	vsel vm1, v6, v12;
	v9 =	vsel vm1, v16, v14;
	v6 =	vmovc v8  }
0x73: {  	s0 =	sadd.s32 $0x10, s0;
	s7 =	smov.u32 s25;
	v12 =	vadd.f32 v15, v4;
	v14 =	vcvt.s32.f32 v17;
	v11 =	vadd.s32 $0x1, v17;
	v8 =	vmovc v17;
	[tilespmem:s1+$0x0] =	vst v18  }
0x74: {  	_ = 	snop  }
0x75: {  	v4 =	vmax.f32 v12, $0.0e+00  }
0x76: {  	v4 =	vmin.f32 v4, $6.300000000e+01  }
0x77: {  	v61 =	vtrunc.f32 v4  }
0x78: {  	vm5 =	vlt.s32 v7, $0x3F;
	v5 =	vsub.f32 v10, v14;
	v10 =	vcvt.f32.s32 v61  }
0x79: {  	vm3 =	vmand vm4, vm3;
	vm2 =	vmmov vm2;
	v7 =	vnsel vm5, $0x3F, v7  }
0x7a: {  	vm14 =	vle.f32 v12, $6.400000000e+01;
	vm6 =	vge.f32 v12, $-1.000000000e+00;
	v62 =	vcvt.s32.f32 v10  }
0x7b: {  	[tilespmem:s6+$0x0] =	vst v13;
	s1 =	sadd.s32 $0x10, s1;
	v6 =	vsel vm1, v6, v7;
	v7 =	vnsel vm2, $0x0, v9;
	vm2 =	vlt.s32 v11, $0x3F  }
0x7c: {  	v14 =	vsub.f32 $1.000000000e+00, v5;
	[tilespmem:s1+$0x0] =	vst v6;
	v6 =	vnsel vm2, $0x3F, v11;
	v4 =	vsub.f32 v4, v62  }
0x7d: {  	vm3 =	vmmov vm3;
	v6 =	vsel vm1, v8, v6;
	v63 =	vadd.s32 $0x1, v10  }
0x7e: {  	s1 =	sadd.s32 $0x10, s1;
	[tilespmem:s0+$0x0] =	vst v7;
	v5 =	vsel vm1, v14, v5;
	vm2 =	vlt.s32 v63, $0x3F;
	v7 =	vsub.f32 $1.000000000e+00, v4  }
0x7f: {  	s31 =	sadd.s32 $0x10, s0;
	vm15 =	vmand vm6, vm14;
	[tilespmem:s1+$0x0] =	vst v6;
	v5 =	vnsel vm3, $0x0, v5;
	v6 =	vnsel vm2, $0x3F, v63  }
0x80: {  	s1 =	sadd.s32 $0x10, s1;
	[tilespmem:s31+$0x0] =	vst v5;
	vm2 =	vmmov vm15;
	v5 =	vsel vm1, v10, v6;
	v4 =	vsel vm1, v7, v4  }
0x81: {  	s0 =	sadd.s32 $0x10, s31;
	[tilespmem:s1+$0x0] =	vst v5;
	v4 =	vnsel vm2, $0x0, v4  }
0x82: {  	[tilespmem:s0+$0x0] =	vst v4  }
0x83: {  	s0 =	simm.s32 $0x0;
	v4 =	vld [tilespmem:$0x760]  }
0x84: {  	v5 =	vld [tilespmem:s0+$0x840];
	_ =	sdelay $0x3  }
0x85: {  	v7 =	vld [tilespmem:$0x760]  }
0x86: {  	s1 =	simm.s32 $0x10;
	v5 =	vadd.s32 v4, v5;
	v4 =	vld [tilespmem:s0+$0x8B0]  }
0x87: {  	v6 =	vld [tilespmem:s1+$0x840];
	[tilespmem:s0+$0x140] =	vst v5  }
0x88: {  	v5 =	vld [tilespmem:$0x7D0];
	_ =	sdelay $0x1  }
0x89: {  	s6 =	simm.s32 $0x80  }
.LBB2_7:
0x8a: {  	v8 =	vld [tilespmem:$0x760];
	v9 =	vmov v4;
	p0 =	sne.s32 s6, $0x180  }
.Ltmp2:
0x8b: {  	s7 =	sshra.s32 s6, $0x2;
	s6 =	sadd.s32 $0x40, s6;
	v7 =	vadd.s32 v7, v6;
	v4 =	vld [tilespmem:s1+$0x8B0];
	(pc) =	sbr.rel @p0 .LBB2_7-.Ltmp2, $4  }
0x8c: {  	v6 =	vld [tilespmem:s7+$0x840];
	[tilespmem:s1+$0x140] =	vst v7;
	v9 =	vmul.f32 v9, v5  }
0x8d: {  	v5 =	vld [tilespmem:$0x7D0]  }
0x8e: {  	[tilespmem:s0+$0x450] =	vst v9;
	s0 =	smov.u32 s1;
	s1 =	smov.u32 s7  }
0x8f: {  	v7 =	vmov v8  }
0x90: {  	_ = 	snop  }
0x91: {  	v6 =	vadd.s32 v7, v6  }
0x92: {  	v7 =	vld [tilespmem:s1+$0x8B0];
	[tilespmem:s1+$0x140] =	vst v6  }
0x93: {  	v6 =	vld [tilespmem:$0x7D0];
	_ =	sdelay $0x3  }
0x94: {  	v4 =	vmul.f32 v4, v5  }
0x95: {  	v5 =	vmul.f32 v7, v6  }
0x96: {  	[tilespmem:s0+$0x450] =	vst v4  }
0x97: {  	s31 =	simm.s32 $0x140;
	[tilespmem:s1+$0x450] =	vst v5  }
0x98: {  	[tilespmem:s13], [sflag:$0x1] =	stream.indirect.gather [hbm4b:s4+s11], $0x60, s31, s11, $0xb8;
	[tilespmem:$0x81E0] =	vst v63  }
0x99: {  	s0 =	simm.s32 $0x0;
	v4 =	vld [tilespmem:$0x770]  }
0x9a: {  	v5 =	vld [tilespmem:s0+$0x840];
	_ =	sdelay $0x3  }
0x9b: {  	v7 =	vld [tilespmem:$0x770]  }
0x9c: {  	s1 =	simm.s32 $0x10;
	v5 =	vadd.s32 v4, v5;
	v4 =	vld [tilespmem:s0+$0x8B0]  }
0x9d: {  	v6 =	vld [tilespmem:s1+$0x840];
	[tilespmem:s0+$0x1B0] =	vst v5  }
0x9e: {  	v5 =	vld [tilespmem:$0x7E0];
	_ =	sdelay $0x1  }
0x9f: {  	s6 =	simm.s32 $0x80  }
.LBB2_9:
0xa0: {  	v8 =	vld [tilespmem:$0x770];
	v9 =	vmov v4;
	p0 =	sne.s32 s6, $0x180  }
.Ltmp3:
0xa1: {  	s7 =	sshra.s32 s6, $0x2;
	s6 =	sadd.s32 $0x40, s6;
	v7 =	vadd.s32 v7, v6;
	v4 =	vld [tilespmem:s1+$0x8B0];
	(pc) =	sbr.rel @p0 .LBB2_9-.Ltmp3, $4  }
0xa2: {  	v6 =	vld [tilespmem:s7+$0x840];
	[tilespmem:s1+$0x1B0] =	vst v7;
	v9 =	vmul.f32 v9, v5  }
0xa3: {  	v5 =	vld [tilespmem:$0x7E0]  }
0xa4: {  	[tilespmem:s0+$0x4C0] =	vst v9;
	s0 =	smov.u32 s1;
	s1 =	smov.u32 s7  }
0xa5: {  	v7 =	vmov v8  }
0xa6: {  	_ = 	snop  }
0xa7: {  	v6 =	vadd.s32 v7, v6  }
0xa8: {  	v63 =	vld [tilespmem:s1+$0x8B0];
	[tilespmem:s1+$0x1B0] =	vst v6  }
0xa9: {  	v6 =	vld [tilespmem:$0x7E0];
	_ =	sdelay $0x3  }
0xaa: {  	v4 =	vmul.f32 v4, v5  }
0xab: {  	v5 =	vmul.f32 v63, v6  }
0xac: {  	p0 =	seq.s32 s28, $0x0;
	[tilespmem:s0+$0x4C0] =	vst v4  }
0xad: {  	s0 =	simm.s32 @!p0 $0x3;
	[tilespmem:s1+$0x4C0] =	vst v5  }
0xae: {  	[tilespmem:s15], [sflag:$0x2] =	stream.indirect.gather [hbm4b:s4+s11], $0x60, s14, s11, $0xb8;
	[tilespmem:$0x81E0] =	vst v63  }
0xaf: {  	_ =	swait.ge @!p0 [sflag:s0], $0x24C0  }
0xb0: {  	[sflag:s0] =	ssyncset.done @!p0 $0x0  }
0xb1: {  	[sflag:s0] =	ssyncadd.s32 @!p0 $0xFFFFDB40  }
0xb2: {  	_ =	swait.ge [sflag:s16], $0x2A00  }
0xb3: {  	s29 =	simm.s32 $0x0;
	[sflag:s16] =	ssyncset.done $0x0  }
0xb4: {  	s30 =	simm.s32 $0xC20;
	s31 =	simm.s32 $0x0;
	[sflag:s16] =	ssyncadd.s32 $0xFFFFD600  }
.LBB2_11:
0xb5: {  	v22 =	vld [tilespmem:s30+$0xFFFFFD20]  }
0xb6: {  	v23 =	vld [tilespmem:s30+$0xFFFFFD80]  }
0xb7: {  	v24 =	vld [tilespmem:s30+$0xFFFFFDE0]  }
0xb8: {  	v25 =	vld [tilespmem:s30+$0xFFFFFE40]  }
0xb9: {  	v26 =	vld [tilespmem:s30+$0xFFFFFEA0]  }
0xba: {  	v27 =	vld [tilespmem:s30+$0xFFFFFF00]  }
0xbb: {  	v28 =	vld [tilespmem:s30+$0xFFFFFF60]  }
0xbc: {  	v29 =	vld [tilespmem:s30+$0xFFFFFFC0]  }
0xbd: {  	v30 =	vld [tilespmem:s30+$0x20]  }
0xbe: {  	v31 =	vld [tilespmem:s30+$0x80]  }
0xbf: {  	v32 =	vld [tilespmem:s30+$0xE0]  }
0xc0: {  	v33 =	vld [tilespmem:s30+$0x140]  }
0xc1: {  	v34 =	vld [tilespmem:s30+$0x1A0]  }
0xc2: {  	v35 =	vld [tilespmem:s30+$0x200]  }
0xc3: {  	s0 =	sshll.u32 s31, $0x4;
	v36 =	vld [tilespmem:s30+$0x260]  }
0xc4: {  	v37 =	vld [tilespmem:s30+$0x2C0];
	v4 =	vmov s0  }
0xc5: {  	v38 =	vld [tilespmem:s30+$0xFFFFFD60];
	v5 =	vor.u32 $0x1, v4  }
0xc6: {  	v39 =	vld [tilespmem:s30+$0xFFFFFDC0];
	v6 =	vor.u32 $0x2, v4  }
0xc7: {  	v40 =	vld [tilespmem:s30+$0xFFFFFE20];
	v7 =	vor.u32 $0x3, v4  }
0xc8: {  	v41 =	vld [tilespmem:s30+$0xFFFFFE80];
	v8 =	vor.u32 $0x4, v4  }
0xc9: {  	v10 =	vor.u32 $0x5, v4;
	v9 =	vld.idx.msk [tilespmem:v4+s17+$0x0], $0xffff  }
0xca: {  	v11 =	vor.u32 $0x6, v4;
	v5 =	vld.idx.msk [tilespmem:v5+s17+$0x0], $0xffff  }
0xcb: {  	v12 =	vor.u32 $0x7, v4;
	v6 =	vld.idx.msk [tilespmem:v6+s17+$0x0], $0xffff  }
0xcc: {  	v13 =	vor.u32 $0x8, v4;
	v7 =	vld.idx.msk [tilespmem:v7+s17+$0x0], $0xffff  }
0xcd: {  	v14 =	vor.u32 $0x9, v4;
	v8 =	vld.idx.msk [tilespmem:v8+s17+$0x0], $0xffff  }
0xce: {  	v15 =	vor.u32 $0xA, v4;
	v16 =	vor.u32 $0xB, v4;
	v17 =	vor.u32 $0xC, v4;
	v10 =	vld.idx.msk [tilespmem:v10+s17+$0x0], $0xffff  }
0xcf: {  	v18 =	vor.u32 $0xD, v4;
	v19 =	vor.u32 $0xE, v4;
	v4 =	vor.u32 $0xF, v4;
	v11 =	vld.idx.msk [tilespmem:v11+s17+$0x0], $0xffff  }
0xd0: {  	v12 =	vld.idx.msk [tilespmem:v12+s17+$0x0], $0xffff  }
0xd1: {  	v13 =	vld.idx.msk [tilespmem:v13+s17+$0x0], $0xffff  }
0xd2: {  	v14 =	vld.idx.msk [tilespmem:v14+s17+$0x0], $0xffff  }
0xd3: {  	v15 =	vld.idx.msk [tilespmem:v15+s17+$0x0], $0xffff  }
0xd4: {  	v21 =	vld.idx.msk [tilespmem:v4+s17+$0x0], $0xffff;
	v4 =	vpack.i.f32.bf16 v9, v9;
	v5 =	vpack.i.f32.bf16 v5, v5  }
0xd5: {  	v16 =	vld.idx.msk [tilespmem:v16+s17+$0x0], $0xffff;
	v6 =	vpack.i.f32.bf16 v6, v6;
	v7 =	vpack.i.f32.bf16 v7, v7;
	v8 =	vpack.i.f32.bf16 v8, v8  }
0xd6: {  	v20 =	vld.idx.msk [tilespmem:v17+s17+$0x0], $0xffff;
	v9 =	vpack.i.f32.bf16 v10, v10;
	v10 =	vpack.i.f32.bf16 v11, v11;
	v11 =	vpack.i.f32.bf16 v12, v12  }
0xd7: {  	v18 =	vld.idx.msk [tilespmem:v18+s17+$0x0], $0xffff;
	v12 =	vpack.i.f32.bf16 v13, v13;
	v22 =	vmul.bf16 v22, v4;
	v23 =	vmul.bf16 v23, v5  }
0xd8: {  	v19 =	vld.idx.msk [tilespmem:v19+s17+$0x0], $0xffff;
	v13 =	vpack.i.f32.bf16 v14, v14;
	v24 =	vmul.bf16 v24, v6;
	v25 =	vmul.bf16 v25, v7  }
0xd9: {  	v42 =	vld [tilespmem:s30+$0xFFFFFEE0];
	v14 =	vpack.i.f32.bf16 v15, v15;
	v26 =	vmul.bf16 v26, v8;
	v27 =	vmul.bf16 v27, v9  }
0xda: {  	v43 =	vld [tilespmem:s30+$0xFFFFFF40];
	v17 =	vpack.i.f32.bf16 v16, v16;
	v28 =	vmul.bf16 v28, v10;
	v29 =	vmul.bf16 v29, v11  }
0xdb: {  	v44 =	vld [tilespmem:s30+$0xFFFFFFA0];
	v15 =	vpack.i.f32.bf16 v20, v20;
	v30 =	vmul.bf16 v30, v12;
	v31 =	vmul.bf16 v31, v13  }
0xdc: {  	v49 =	vld [tilespmem:s30+$0xFFFFFE90];
	v16 =	vpack.i.f32.bf16 v18, v18;
	v32 =	vmul.bf16 v32, v14;
	v33 =	vmul.bf16 v33, v17  }
0xdd: {  	v45 =	vld [tilespmem:s30+$0x60];
	v18 =	vpack.i.f32.bf16 v19, v19;
	v34 =	vmul.bf16 v34, v15;
	v35 =	vmul.bf16 v35, v16  }
0xde: {  	v53 =	vld [tilespmem:s30+$0x1E0];
	v36 =	vmul.bf16 v36, v18;
	v50 =	vmul.bf16 v39, v6  }
0xdf: {  	v57 =	vld [tilespmem:s30+$0x2A0];
	v52 =	vmul.bf16 v40, v7;
	v54 =	vmul.bf16 v41, v8  }
0xe0: {  	v58 =	vld [tilespmem:s30+$0xFFFFFD10];
	v20 =	vadd.s32 s31, v1;
	v56 =	vmul.bf16 v42, v9;
	v60 =	vmul.bf16 v44, v11  }
0xe1: {  	v48 =	vld [tilespmem:s30+$0xFFFFFE30];
	v40 =	vmul.bf16 v49, v8;
	v22 =	vadd.bf16 v23, v22;
	v25 =	vadd.bf16 v25, v24  }
0xe2: {  	v23 =	vld [tilespmem:s30+$0x0];
	v26 =	vadd.bf16 v27, v26;
	v28 =	vadd.bf16 v29, v28;
	v24 =	vmul.bf16 v38, v5  }
0xe3: {  	v27 =	vld [tilespmem:s30+$0xC0];
	v30 =	vadd.bf16 v31, v30;
	v31 =	vadd.bf16 v33, v32;
	v19 =	vpack.i.f32.bf16 v21, v21  }
0xe4: {  	v29 =	vld [tilespmem:s30+$0x120];
	v34 =	vadd.bf16 v35, v34;
	v37 =	vmul.bf16 v37, v19;
	v25 =	vadd.bf16 v25, v22  }
0xe5: {  	v33 =	vld [tilespmem:s30+$0x180];
	v32 =	vmul.bf16 v58, v4;
	v28 =	vadd.bf16 v28, v26;
	v30 =	vadd.bf16 v31, v30  }
0xe6: {  	s25 =	simm.s32 $0xC40;
	v59 =	vld [tilespmem:s30+$0xFFFFFD70];
	v21 =	vadd.s32 s31, v3;
	v26 =	vadd.bf16 v52, v50;
	v51 =	vadd.bf16 v37, v36  }
0xe7: {  	v55 =	vld [tilespmem:s30+$0x240];
	v22 =	vadd.s32 s29, v20;
	v61 =	vadd.s32 s25, v21;
	v35 =	vmul.bf16 v57, v19  }
0xe8: {  	v46 =	vld [tilespmem:s30+$0xFFFFFEF0];
	v57 =	vmul.bf16 v48, v7;
	v23 =	vmul.bf16 v23, v12;
	v31 =	vadd.bf16 v51, v34  }
0xe9: {  	v58 =	vld [tilespmem:s30+$0xD0];
	v25 =	vadd.bf16 v28, v25;
	v27 =	vmul.bf16 v27, v14;
	v29 =	vmul.bf16 v29, v17  }
0xea: {  	v52 =	vld [tilespmem:s30+$0xFFFFFFB0];
	v33 =	vmul.bf16 v33, v15;
	v28 =	vadd.bf16 v31, v30;
	v31 =	vmul.bf16 v43, v10  }
0xeb: {  	v34 =	vadd.bf16 v56, v54;
	v54 =	vmul.bf16 v59, v5;
	v30 =	vadd.s32 s25, v20  }
0xec: {  	v51 =	vld [tilespmem:s30+$0xFFFFFF50];
	v63 =	vadd.bf16 v28, v25;
	v28 =	vmul.bf16 v45, v13;
	v31 =	vadd.bf16 v60, v31  }
0xed: {  	v62 =	vld [tilespmem:s30+$0xFFFFFDD0];
	v59 =	vmul.bf16 v46, v9;
	v27 =	vadd.bf16 v29, v27;
	v29 =	vmul.bf16 v55, v18  }
0xee: {  	v55 =	vld [tilespmem:s30+$0x70];
	v45 =	vadd.bf16 v28, v23;
	v28 =	vadd.bf16 v31, v34;
	v31 =	vmul.bf16 v53, v16  }
0xef: {  	v36 =	vmul.bf16 v58, v14;
	v37 =	vmul.bf16 v52, v11;
	v40 =	vadd.bf16 v59, v40;
	v53 =	vld [tilespmem:s30+$0x10]  }
0xf0: {  	v29 =	vadd.bf16 v35, v29;
	v60 =	vld [tilespmem:s30+$0x130];
	v50 =	vunpack.i.l.bf16.f32 v63;
	v31 =	vadd.bf16 v31, v33  }
0xf1: {  	p0 =	por $0x1, $0x1;
	v35 =	vadd.bf16 v54, v32;
	v34 =	vmul.bf16 v51, v10;
	[tilespmem:v30+s18+$0x0] =	vst.idx.msk $0xffff, v50;
	v30 =	vunpack.i.u.bf16.f32 v63  }
.Ltmp4:
0xf2: {  	s26 =	simm.s32 $0x620;
	v56 =	vadd.bf16 v27, v45;
	v27 =	vmul.bf16 v62, v6;
	v29 =	vadd.bf16 v29, v31;
	v31 =	vld [tilespmem:s30+$0x190];
	(pc) =	sbr.rel @!p0 .LBB2_13-.Ltmp4, $4  }
0xf3: {  	v32 =	vld [tilespmem:s30+$0x1F0];
	v25 =	vadd.s32 s26, v20;
	v23 =	vadd.s32 s26, v21;
	[tilespmem:v61+s18+$0x0] =	vst.idx.msk $0xffff, v30;
	v63 =	vadd.bf16 v37, v34  }
0xf4: {  	v62 =	vmul.bf16 v55, v13;
	v33 =	vld [tilespmem:s30+$0x250];
	v30 =	vadd.bf16 v57, v27;
	v61 =	vmul.bf16 v53, v12  }
0xf5: {  	v34 =	vld [tilespmem:s30+$0x2B0];
	v39 =	vmul.bf16 v60, v17;
	v38 =	vadd.bf16 v63, v40;
	v29 =	vadd.bf16 v29, v56  }
0xf6: {  	s6 =	simm.s32 $0x0;
	s1 =	sadd.s32 $0x30, s30;
	s0 =	simm.s32 $0x0;
	v37 =	vld [tilespmem:s30+$0xFFFFFD00];
	v27 =	vadd.s32 s29, v21;
	v30 =	vadd.bf16 v30, v35;
	v35 =	vadd.bf16 v62, v61  }
.LBB2_12:
0xf7: {  	v40 =	vld [tilespmem:s1+$0xFFFFFD20];
	v31 =	vmul.bf16 v31, v15;
	s7 =	smov.u32 s6  }
0xf8: {  	v41 =	vld [tilespmem:s1+$0xFFFFFD80];
	v32 =	vmul.bf16 v32, v16;
	v36 =	vadd.bf16 v39, v36;
	v30 =	vadd.bf16 v38, v30  }
0xf9: {  	v38 =	vld [tilespmem:s1+$0xFFFFFDE0];
	v33 =	vmul.bf16 v33, v18  }
0xfa: {  	v39 =	vld [tilespmem:s1+$0xFFFFFE40];
	v34 =	vmul.bf16 v34, v19;
	v31 =	vadd.bf16 v32, v31;
	v32 =	vadd.bf16 v36, v35  }
0xfb: {  	v35 =	vld [tilespmem:s1+$0xFFFFFEA0];
	v36 =	vmul.bf16 v37, v4  }
0xfc: {  	v37 =	vld [tilespmem:s1+$0xFFFFFF00];
	v33 =	vadd.bf16 v34, v33  }
0xfd: {  	v34 =	vld [tilespmem:s1+$0xFFFFFF60];
	v24 =	vadd.bf16 v24, v36  }
0xfe: {  	v36 =	vld [tilespmem:s1+$0xFFFFFFC0];
	v31 =	vadd.bf16 v33, v31  }
0xff: {  	v33 =	vld [tilespmem:s1+$0x20];
	v24 =	vadd.bf16 v26, v24  }
0x100: {  	v26 =	vld [tilespmem:s1+$0x80];
	v31 =	vadd.bf16 v31, v32  }
0x101: {  	v32 =	vld [tilespmem:s1+$0xE0];
	v24 =	vadd.bf16 v28, v24  }
0x102: {  	v28 =	vld [tilespmem:s1+$0x140];
	v30 =	vadd.bf16 v31, v30  }
0x103: {  	v31 =	vmul.bf16 v40, v4;
	v40 =	vmul.bf16 v41, v5;
	v41 =	vld [tilespmem:s1+$0x1A0];
	v24 =	vadd.bf16 v29, v24  }
0x104: {  	v29 =	vmul.bf16 v38, v6;
	v38 =	vmul.bf16 v39, v7;
	v39 =	vld [tilespmem:s1+$0x200];
	v42 =	vunpack.i.u.bf16.f32 v30  }
0x105: {  	v35 =	vmul.bf16 v35, v8;
	v37 =	vmul.bf16 v37, v9;
	v43 =	vld [tilespmem:s1+$0x260];
	v44 =	vunpack.i.u.bf16.f32 v24  }
0x106: {  	v34 =	vmul.bf16 v34, v10;
	v36 =	vmul.bf16 v36, v11;
	v24 =	vunpack.i.l.bf16.f32 v24;
	v45 =	vld [tilespmem:s1+$0x2C0]  }
0x107: {  	s7 =	sadd.s32 $0x3, s6;
	v33 =	vmul.bf16 v33, v12;
	v26 =	vmul.bf16 v26, v13;
	v46 =	vld [tilespmem:s1+$0xFFFFFD60];
	[tilespmem:v22+s18+$0x0] =	vst.idx.msk $0xffff, v24;
	v22 =	vunpack.i.l.bf16.f32 v30  }
0x108: {  	p0 =	slt.u32 s7, s6;
	v32 =	vmul.bf16 v32, v14;
	v28 =	vmul.bf16 v28, v17;
	v30 =	vld [tilespmem:s1+$0xFFFFFDC0];
	[tilespmem:v27+s18+$0x0] =	vst.idx.msk $0xffff, v44  }
0x109: {  	v41 =	vmul.bf16 v41, v15;
	v27 =	vld [tilespmem:s1+$0xFFFFFE20];
	v39 =	vmul.bf16 v39, v16;
	[tilespmem:v25+s18+$0x0] =	vst.idx.msk $0xffff, v22  }
0x10a: {  	v31 =	vadd.bf16 v40, v31;
	v29 =	vadd.bf16 v38, v29;
	v22 =	vld [tilespmem:s1+$0xFFFFFE80];
	v25 =	vmul.bf16 v43, v18  }
0x10b: {  	v35 =	vadd.bf16 v37, v35;
	v34 =	vadd.bf16 v36, v34;
	v38 =	vld [tilespmem:s1+$0xFFFFFEE0];
	v40 =	vmul.bf16 v45, v19  }
0x10c: {  	v26 =	vadd.bf16 v26, v33;
	v28 =	vadd.bf16 v28, v32;
	v24 =	vmul.bf16 v46, v5;
	v36 =	vld [tilespmem:s1+$0xFFFFFF40]  }
0x10d: {  	v33 =	vadd.bf16 v39, v41;
	v30 =	vmul.bf16 v30, v6;
	v32 =	vld [tilespmem:s1+$0xFFFFFFA0];
	v25 =	vadd.bf16 v40, v25  }
0x10e: {  	v29 =	vadd.bf16 v29, v31;
	v31 =	vadd.bf16 v34, v35;
	v27 =	vmul.bf16 v27, v7;
	v37 =	vld [tilespmem:s1+$0x0]  }
0x10f: {  	s0 =	sadd.s32 $0x1260, s0;
	v28 =	vadd.bf16 v28, v26;
	v34 =	vmul.bf16 v22, v8;
	v35 =	vld [tilespmem:s1+$0x60];
	v25 =	vadd.bf16 v25, v33  }
0x110: {  	s8 =	sadd.s32 $0xC40, s0;
	s6 =	sadd.s32 $0x620, s0;
	v22 =	vadd.s32 s0, v20;
	v33 =	vmul.bf16 v38, v9;
	v38 =	vld [tilespmem:s1+$0xC0];
	v26 =	vadd.bf16 v27, v30;
	[tilespmem:v23+s18+$0x0] =	vst.idx.msk $0xffff, v42  }
0x111: {  	v23 =	vadd.bf16 v31, v29;
	v27 =	vld [tilespmem:s1+$0x120];
	v25 =	vadd.bf16 v25, v28;
	v28 =	vadd.s32 s8, v20  }
0x112: {  	v29 =	vmul.bf16 v36, v10;
	v30 =	vmul.bf16 v32, v11;
	v31 =	vld [tilespmem:s1+$0x180];
	v32 =	vadd.s32 s8, v21  }
0x113: {  	v33 =	vadd.bf16 v33, v34;
	v36 =	vmul.bf16 v37, v12;
	v37 =	vld [tilespmem:s1+$0x1E0];
	v34 =	vadd.bf16 v25, v23  }
0x114: {  	v25 =	vadd.s32 s6, v20;
	v35 =	vmul.bf16 v35, v13;
	v39 =	vld [tilespmem:s1+$0x240];
	v29 =	vadd.bf16 v30, v29  }
0x115: {  	v23 =	vadd.s32 s6, v21;
	v30 =	vmul.bf16 v38, v14;
	v38 =	vld [tilespmem:s1+$0x2A0];
	v40 =	vunpack.i.l.bf16.f32 v34  }
0x116: {  	v34 =	vunpack.i.u.bf16.f32 v34;
	v41 =	vmul.bf16 v27, v17;
	v35 =	vadd.bf16 v35, v36;
	v36 =	vld [tilespmem:s1+$0xFFFFFD10];
	[tilespmem:v28+s18+$0x0] =	vst.idx.msk $0xffff, v40  }
0x117: {  	v28 =	vadd.bf16 v29, v33;
	v27 =	vadd.s32 s0, v21;
	v31 =	vmul.bf16 v31, v15;
	v29 =	vld [tilespmem:s1+$0xFFFFFD70];
	[tilespmem:v32+s18+$0x0] =	vst.idx.msk $0xffff, v34  }
0x118: {  	v32 =	vmul.bf16 v37, v16;
	v30 =	vadd.bf16 v41, v30;
	v33 =	vld [tilespmem:s1+$0xFFFFFDD0]  }
0x119: {  	v34 =	vmul.bf16 v39, v18;
	v37 =	vld [tilespmem:s1+$0xFFFFFE30]  }
0x11a: {  	v38 =	vmul.bf16 v38, v19;
	v31 =	vadd.bf16 v32, v31;
	v30 =	vadd.bf16 v30, v35;
	v32 =	vld [tilespmem:s1+$0xFFFFFE90]  }
0x11b: {  	v35 =	vmul.bf16 v36, v4;
	v36 =	vld [tilespmem:s1+$0xFFFFFEF0]  }
0x11c: {  	v34 =	vadd.bf16 v38, v34;
	v29 =	vmul.bf16 v29, v5;
	v38 =	vld [tilespmem:s1+$0xFFFFFF50]  }
0x11d: {  	v33 =	vmul.bf16 v33, v6;
	v39 =	vld [tilespmem:s1+$0xFFFFFFB0]  }
0x11e: {  	v31 =	vadd.bf16 v34, v31;
	v34 =	vmul.bf16 v37, v7;
	v37 =	vld [tilespmem:s1+$0x10];
	v35 =	vadd.bf16 v29, v35  }
0x11f: {  	v32 =	vmul.bf16 v32, v8;
	v40 =	vld [tilespmem:s1+$0x70]  }
0x120: {  	v29 =	vadd.bf16 v31, v30;
	v30 =	vmul.bf16 v36, v9;
	v36 =	vld [tilespmem:s1+$0xD0];
	v33 =	vadd.bf16 v34, v33  }
0x121: {  	v34 =	vmul.bf16 v38, v10;
	v38 =	vld [tilespmem:s1+$0x130]  }
.Ltmp5:
0x122: {  	v39 =	vmul.bf16 v39, v11;
	v31 =	vld [tilespmem:s1+$0x190];
	v41 =	vadd.bf16 v30, v32;
	v30 =	vadd.bf16 v33, v35;
	(pc) =	sbr.rel @p0 .LBB2_12-.Ltmp5, $4  }
0x123: {  	v35 =	vmul.bf16 v37, v12;
	v32 =	vld [tilespmem:s1+$0x1F0]  }
0x124: {  	v40 =	vmul.bf16 v40, v13;
	v33 =	vld [tilespmem:s1+$0x250];
	v42 =	vadd.bf16 v39, v34  }
0x125: {  	v36 =	vmul.bf16 v36, v14;
	v34 =	vld [tilespmem:s1+$0x2B0]  }
0x126: {  	s6 =	smov.u32 s7;
	v37 =	vld [tilespmem:s1+$0xFFFFFD00];
	v39 =	vmul.bf16 v38, v17;
	v35 =	vadd.bf16 v40, v35;
	v38 =	vadd.bf16 v42, v41;
	s1 =	sadd.s32 $0x30, s1  }
.LBB2_13:
0x127: {  	_ =	sdelay $0x1  }
0x128: {  	v5 =	vmul.bf16 v31, v15;
	v6 =	vmul.bf16 v32, v16  }
0x129: {  	v7 =	vmul.bf16 v33, v18;
	v8 =	vmul.bf16 v34, v19  }
0x12a: {  	v9 =	vadd.bf16 v39, v36;
	v4 =	vmul.bf16 v37, v4  }
0x12b: {  	v5 =	vadd.bf16 v6, v5;
	v59 =	vadd.bf16 v8, v7  }
0x12c: {  	v4 =	vadd.bf16 v24, v4  }
0x12d: {  	v60 =	vadd.bf16 v9, v35;
	v5 =	vadd.bf16 v59, v5  }
0x12e: {  	v4 =	vadd.bf16 v26, v4  }
0x12f: {  	v61 =	vadd.bf16 v38, v30;
	v5 =	vadd.bf16 v5, v60  }
0x130: {  	v4 =	vadd.bf16 v28, v4  }
0x131: {  	s31 =	sadd.s32 $0x1, s31;
	v5 =	vadd.bf16 v5, v61  }
0x132: {  	p0 =	sne.s32 s31, $0x7;
	v4 =	vadd.bf16 v29, v4  }
.Ltmp6:
0x133: {  	v63 =	vunpack.i.l.bf16.f32 v5;
	(pc) =	sbr.rel @p0 .LBB2_11-.Ltmp6, $4  }
0x134: {  	v62 =	vunpack.i.l.bf16.f32 v4;
	[tilespmem:v25+s18+$0x0] =	vst.idx.msk $0xffff, v63  }
0x135: {  	v4 =	vunpack.i.u.bf16.f32 v4;
	[tilespmem:v22+s18+$0x0] =	vst.idx.msk $0xffff, v62  }
0x136: {  	[tilespmem:v27+s18+$0x0] =	vst.idx.msk $0xffff, v4;
	v4 =	vunpack.i.u.bf16.f32 v5  }
0x137: {  	s30 =	sadd.s32 $0x600, s30;
	[tilespmem:v23+s18+$0x0] =	vst.idx.msk $0xffff, v4  }
0x138: {  	s0 =	simm.s32 $0xE  }
0x139: {  	s0 =	smul.u32 $0x25, s0;
	_ =	sdelay $0x1  }
0x13a: {  	s0 =	sshrl.u32 s0, $0x8  }
0x13b: {  	s1 =	ssub.s32 $0xE, s0  }
0x13c: {  	s1 =	sand.u32 $0xFE, s1  }
0x13d: {  	s6 =	simm.s32 $0xF;
	s1 =	sshrl.u32 s1, $0x1  }
0x13e: {  	s6 =	smul.u32 $0x25, s6;
	s0 =	sadd.s32 s0, s1  }
0x13f: {  	s1 =	sshrl.u32 s0, $0x2  }
0x140: {  	s6 =	sshrl.u32 s6, $0x8;
	s1 =	smul.u32 $0x7, s1  }
0x141: {  	s8 =	simm.s32 $0x10;
	s7 =	ssub.s32 $0xF, s6  }
0x142: {  	s7 =	sand.u32 $0xFE, s7;
	s0 =	sshll.u32 s0, $0x2;
	s1 =	ssub.s32 $0xE, s1  }
0x143: {  	s7 =	sshrl.u32 s7, $0x1;
	s0 =	sand.u32 $0xF0, s0;
	s1 =	sshll.u32 s1, $0x4  }
0x144: {  	s8 =	smul.u32 $0x25, s8;
	s6 =	sadd.s32 s6, s7;
	v4 =	vld [tilespmem:s0+$0x760];
	s1 =	sand.u32 $0xF0, s1  }
0x145: {  	s7 =	sshrl.u32 s6, $0x2;
	v5 =	vld [tilespmem:s1+$0x840]  }
0x146: {  	s26 =	simm.s32 $0x11;
	s8 =	sshrl.u32 s8, $0x8;
	s7 =	smul.u32 $0x7, s7  }
0x147: {  	s12 =	smul.u32 $0x25, s26;
	s25 =	ssub.s32 $0x10, s8  }
0x148: {  	s25 =	sand.u32 $0xFE, s25;
	s6 =	sshll.u32 s6, $0x2;
	s7 =	ssub.s32 $0xF, s7  }
0x149: {  	s25 =	sshrl.u32 s25, $0x1;
	s29 =	sand.u32 $0xF0, s6;
	s10 =	sshll.u32 s7, $0x4  }
0x14a: {  	s2 =	simm.s32 $0x220;
	s8 =	sadd.s32 s8, s25;
	v6 =	vld [tilespmem:s29+$0x760];
	s25 =	sand.u32 $0xF0, s10;
	v4 =	vadd.s32 v4, v5  }
0x14b: {  	s7 =	sshrl.u32 s12, $0x8;
	s10 =	sshrl.u32 s8, $0x2;
	v5 =	vld [tilespmem:s25+$0x840];
	[tilespmem:s2+$0x0] =	vst v4  }
0x14c: {  	s6 =	simm.s32 $0x12;
	s30 =	ssub.s32 $0x11, s7;
	s12 =	smul.u32 $0x7, s10;
	v7 =	vld [tilespmem:s0+$0x7D0]  }
0x14d: {  	s31 =	smul.u32 $0x25, s6;
	s2 =	sand.u32 $0xFE, s30;
	v8 =	vld [tilespmem:s1+$0x8B0]  }
0x14e: {  	s8 =	sshll.u32 s8, $0x2;
	s26 =	ssub.s32 $0x10, s12;
	s1 =	sshrl.u32 s2, $0x1  }
0x14f: {  	s10 =	sshll.u32 s26, $0x4;
	s30 =	simm.s32 $0x230;
	s2 =	sadd.s32 s7, s1  }
0x150: {  	s1 =	sand.u32 $0xF0, s8;
	s8 =	sshrl.u32 s31, $0x8;
	s12 =	sshrl.u32 s2, $0x2  }
0x151: {  	s7 =	sand.u32 $0xF0, s10;
	s31 =	ssub.s32 $0x12, s8;
	v4 =	vadd.s32 v6, v5;
	v5 =	vld [tilespmem:s1+$0x760];
	s26 =	smul.u32 $0x7, s12  }
0x152: {  	s0 =	simm.s32 $0x530;
	s2 =	sshll.u32 s2, $0x2;
	s31 =	sand.u32 $0xFE, s31;
	[tilespmem:s30+$0x0] =	vst v4;
	v8 =	vmul.f32 v8, v7;
	v7 =	vld [tilespmem:s7+$0x840]  }
0x153: {  	s30 =	simm.s32 $0x13;
	v4 =	vld [tilespmem:s29+$0x7D0];
	s29 =	simm.s32 $0x240;
	s10 =	ssub.s32 $0x11, s26  }
0x154: {  	v6 =	vld [tilespmem:s25+$0x8B0];
	s26 =	sshrl.u32 s31, $0x1;
	s31 =	sand.u32 $0xF0, s2;
	s25 =	sshll.u32 s10, $0x4;
	[tilespmem:s0+$0x0] =	vst v8  }
.LBB2_15:
0x155: {  	s2 =	smul.u32 $0x25, s30  }
0x156: {  	s10 =	sadd.s32 s8, s26;
	s26 =	smov.u32 s7;
	s7 =	sand.u32 $0xF0, s25  }
0x157: {  	v8 =	vadd.s32 v5, v7;
	v5 =	vld [tilespmem:s31+$0x760];
	s25 =	smov.u32 s6;
	s6 =	smov.u32 s30;
	p0 =	sne.s32 s30, $0x14  }
.Ltmp7:
0x158: {  	s30 =	sadd.s32 $0x1, s30;
	s12 =	sshrl.u32 s10, $0x2;
	v7 =	vld [tilespmem:s7+$0x840];
	[tilespmem:s29+$0x0] =	vst v8;
	(pc) =	sbr.rel @p0 .LBB2_15-.Ltmp7, $4  }
0x159: {  	s8 =	sshrl.u32 s2, $0x8;
	s2 =	smul.u32 $0x7, s12;
	v8 =	vmul.f32 v6, v4;
	v4 =	vld [tilespmem:s1+$0x7D0];
	s1 =	smov.u32 s31  }
0x15a: {  	s0 =	sadd.s32 $0x10, s0;
	s29 =	sadd.s32 $0x10, s29;
	s12 =	ssub.s32 s6, s8;
	v6 =	vld [tilespmem:s26+$0x8B0]  }
0x15b: {  	s10 =	sshll.u32 s10, $0x2;
	s12 =	sand.u32 $0xFE, s12;
	s2 =	ssub.s32 s25, s2;
	[tilespmem:s0+$0x0] =	vst v8  }
0x15c: {  	s31 =	sand.u32 $0xF0, s10;
	s26 =	sshrl.u32 s12, $0x1;
	s25 =	sshll.u32 s2, $0x4  }
0x15d: {  	s2 =	sadd.s32 s8, s26  }
0x15e: {  	s8 =	sshrl.u32 s2, $0x2  }
0x15f: {  	s8 =	smul.u32 $0x7, s8;
	_ =	sdelay $0x1  }
0x160: {  	v8 =	vld [tilespmem:s31+$0x760];
	s10 =	sand.u32 $0xF0, s25;
	s2 =	sshll.u32 s2, $0x2;
	s6 =	ssub.s32 s6, s8  }
0x161: {  	v9 =	vld [tilespmem:s10+$0x840];
	s2 =	sand.u32 $0xF0, s2;
	s6 =	sshll.u32 s6, $0x4  }
0x162: {  	v10 =	vld [tilespmem:s2+$0x760];
	s6 =	sand.u32 $0xF0, s6  }
0x163: {  	v11 =	vld [tilespmem:s6+$0x840]  }
0x164: {  	v5 =	vadd.s32 v5, v7  }
0x165: {  	[tilespmem:s29+$0x0] =	vst v5  }
0x166: {  	s26 =	sadd.s32 $0x10, s29;
	v5 =	vld [tilespmem:s1+$0x7D0];
	v59 =	vadd.s32 v8, v9  }
0x167: {  	v60 =	vld [tilespmem:s7+$0x8B0];
	[tilespmem:s26+$0x0] =	vst v59  }
0x168: {  	s1 =	sadd.s32 $0x10, s26;
	v7 =	vld [tilespmem:s31+$0x7D0];
	v61 =	vadd.s32 v10, v11  }
0x169: {  	v62 =	vld [tilespmem:s10+$0x8B0];
	[tilespmem:s1+$0x0] =	vst v61  }
0x16a: {  	v9 =	vld [tilespmem:s2+$0x7D0]  }
0x16b: {  	v63 =	vld [tilespmem:s6+$0x8B0];
	_ =	sdelay $0x1  }
0x16c: {  	v4 =	vmul.f32 v6, v4  }
0x16d: {  	s0 =	sadd.s32 $0x10, s0;
	v5 =	vmul.f32 v60, v5  }
0x16e: {  	[tilespmem:s0+$0x0] =	vst v4;
	s0 =	sadd.s32 $0x10, s0;
	v4 =	vmul.f32 v62, v7  }
0x16f: {  	[tilespmem:s0+$0x0] =	vst v5;
	s0 =	sadd.s32 $0x10, s0;
	v5 =	vmul.f32 v63, v9  }
0x170: {  	[tilespmem:s0+$0x0] =	vst v4;
	s0 =	sadd.s32 $0x10, s0  }
0x171: {  	[tilespmem:s0+$0x0] =	vst v5  }
0x172: {  	[tilespmem:s13], [sflag:$0x1] =	stream.indirect.gather [hbm4b:s4+s11], $0x60, s19, s11, $0xb8;
	[tilespmem:$0x81E0] =	vst v63  }
0x173: {  	_ =	swait.ge [sflag:s20], $0x2A00  }
0x174: {  	s30 =	simm.s32 $0x3620;
	[sflag:s20] =	ssyncset.done $0x0  }
0x175: {  	s29 =	simm.s32 $0x0;
	s31 =	simm.s32 $0x0;
	[sflag:s20] =	ssyncadd.s32 $0xFFFFD600  }
.LBB2_17:
0x176: {  	v22 =	vld [tilespmem:s30+$0xFFFFFD20]  }
0x177: {  	v23 =	vld [tilespmem:s30+$0xFFFFFD80]  }
0x178: {  	v24 =	vld [tilespmem:s30+$0xFFFFFDE0]  }
0x179: {  	v25 =	vld [tilespmem:s30+$0xFFFFFE40]  }
0x17a: {  	v26 =	vld [tilespmem:s30+$0xFFFFFEA0]  }
0x17b: {  	v27 =	vld [tilespmem:s30+$0xFFFFFF00]  }
0x17c: {  	v28 =	vld [tilespmem:s30+$0xFFFFFF60]  }
0x17d: {  	v29 =	vld [tilespmem:s30+$0xFFFFFFC0]  }
0x17e: {  	v30 =	vld [tilespmem:s30+$0x20]  }
0x17f: {  	v31 =	vld [tilespmem:s30+$0x80]  }
0x180: {  	v32 =	vld [tilespmem:s30+$0xE0]  }
0x181: {  	v33 =	vld [tilespmem:s30+$0x140]  }
0x182: {  	v34 =	vld [tilespmem:s30+$0x1A0]  }
0x183: {  	s0 =	sadd.s32 $0x7, s31;
	v35 =	vld [tilespmem:s30+$0x200]  }
0x184: {  	v36 =	vld [tilespmem:s30+$0x260];
	s1 =	sshll.u32 s0, $0x4  }
0x185: {  	v37 =	vld [tilespmem:s30+$0x2C0];
	v4 =	vmov s1  }
0x186: {  	v38 =	vld [tilespmem:s30+$0xFFFFFD60];
	v5 =	vor.u32 $0x1, v4  }
0x187: {  	v39 =	vld [tilespmem:s30+$0xFFFFFDC0];
	v6 =	vor.u32 $0x2, v4  }
0x188: {  	v40 =	vld [tilespmem:s30+$0xFFFFFE20];
	v7 =	vor.u32 $0x3, v4  }
0x189: {  	v41 =	vld [tilespmem:s30+$0xFFFFFE80];
	v8 =	vor.u32 $0x4, v4  }
0x18a: {  	v10 =	vor.u32 $0x5, v4;
	v9 =	vld.idx.msk [tilespmem:v4+s17+$0x0], $0xffff  }
0x18b: {  	v11 =	vor.u32 $0x6, v4;
	v5 =	vld.idx.msk [tilespmem:v5+s17+$0x0], $0xffff  }
0x18c: {  	v12 =	vor.u32 $0x7, v4;
	v6 =	vld.idx.msk [tilespmem:v6+s17+$0x0], $0xffff  }
0x18d: {  	v13 =	vor.u32 $0x8, v4;
	v7 =	vld.idx.msk [tilespmem:v7+s17+$0x0], $0xffff  }
0x18e: {  	v14 =	vor.u32 $0x9, v4;
	v8 =	vld.idx.msk [tilespmem:v8+s17+$0x0], $0xffff  }
0x18f: {  	v15 =	vor.u32 $0xA, v4;
	v16 =	vor.u32 $0xB, v4;
	v17 =	vor.u32 $0xC, v4;
	v10 =	vld.idx.msk [tilespmem:v10+s17+$0x0], $0xffff  }
0x190: {  	v18 =	vor.u32 $0xD, v4;
	v19 =	vor.u32 $0xE, v4;
	v4 =	vor.u32 $0xF, v4;
	v11 =	vld.idx.msk [tilespmem:v11+s17+$0x0], $0xffff  }
0x191: {  	v12 =	vld.idx.msk [tilespmem:v12+s17+$0x0], $0xffff  }
0x192: {  	v13 =	vld.idx.msk [tilespmem:v13+s17+$0x0], $0xffff  }
0x193: {  	v14 =	vld.idx.msk [tilespmem:v14+s17+$0x0], $0xffff  }
0x194: {  	v15 =	vld.idx.msk [tilespmem:v15+s17+$0x0], $0xffff  }
0x195: {  	v21 =	vld.idx.msk [tilespmem:v4+s17+$0x0], $0xffff;
	v4 =	vpack.i.f32.bf16 v9, v9;
	v5 =	vpack.i.f32.bf16 v5, v5  }
0x196: {  	v16 =	vld.idx.msk [tilespmem:v16+s17+$0x0], $0xffff;
	v6 =	vpack.i.f32.bf16 v6, v6;
	v7 =	vpack.i.f32.bf16 v7, v7;
	v8 =	vpack.i.f32.bf16 v8, v8  }
0x197: {  	v20 =	vld.idx.msk [tilespmem:v17+s17+$0x0], $0xffff;
	v9 =	vpack.i.f32.bf16 v10, v10;
	v10 =	vpack.i.f32.bf16 v11, v11;
	v11 =	vpack.i.f32.bf16 v12, v12  }
0x198: {  	v18 =	vld.idx.msk [tilespmem:v18+s17+$0x0], $0xffff;
	v12 =	vpack.i.f32.bf16 v13, v13;
	v22 =	vmul.bf16 v22, v4;
	v23 =	vmul.bf16 v23, v5  }
0x199: {  	v19 =	vld.idx.msk [tilespmem:v19+s17+$0x0], $0xffff;
	v13 =	vpack.i.f32.bf16 v14, v14;
	v24 =	vmul.bf16 v24, v6;
	v25 =	vmul.bf16 v25, v7  }
0x19a: {  	v42 =	vld [tilespmem:s30+$0xFFFFFEE0];
	v14 =	vpack.i.f32.bf16 v15, v15;
	v26 =	vmul.bf16 v26, v8;
	v27 =	vmul.bf16 v27, v9  }
0x19b: {  	v43 =	vld [tilespmem:s30+$0xFFFFFF40];
	v17 =	vpack.i.f32.bf16 v16, v16;
	v28 =	vmul.bf16 v28, v10;
	v29 =	vmul.bf16 v29, v11  }
0x19c: {  	v44 =	vld [tilespmem:s30+$0xFFFFFFA0];
	v15 =	vpack.i.f32.bf16 v20, v20;
	v30 =	vmul.bf16 v30, v12;
	v31 =	vmul.bf16 v31, v13  }
0x19d: {  	v49 =	vld [tilespmem:s30+$0xFFFFFE90];
	v16 =	vpack.i.f32.bf16 v18, v18;
	v32 =	vmul.bf16 v32, v14;
	v33 =	vmul.bf16 v33, v17  }
0x19e: {  	v45 =	vld [tilespmem:s30+$0x60];
	v18 =	vpack.i.f32.bf16 v19, v19;
	v34 =	vmul.bf16 v34, v15;
	v35 =	vmul.bf16 v35, v16  }
0x19f: {  	v53 =	vld [tilespmem:s30+$0x1E0];
	v36 =	vmul.bf16 v36, v18;
	v50 =	vmul.bf16 v39, v6  }
0x1a0: {  	v57 =	vld [tilespmem:s30+$0x2A0];
	v52 =	vmul.bf16 v40, v7;
	v54 =	vmul.bf16 v41, v8  }
0x1a1: {  	v58 =	vld [tilespmem:s30+$0xFFFFFD10];
	v20 =	vadd.s32 s0, v1;
	v56 =	vmul.bf16 v42, v9;
	v60 =	vmul.bf16 v44, v11  }
0x1a2: {  	v48 =	vld [tilespmem:s30+$0xFFFFFE30];
	v40 =	vmul.bf16 v49, v8;
	v22 =	vadd.bf16 v23, v22;
	v25 =	vadd.bf16 v25, v24  }
0x1a3: {  	v23 =	vld [tilespmem:s30+$0x0];
	v26 =	vadd.bf16 v27, v26;
	v28 =	vadd.bf16 v29, v28;
	v24 =	vmul.bf16 v38, v5  }
0x1a4: {  	v27 =	vld [tilespmem:s30+$0xC0];
	v30 =	vadd.bf16 v31, v30;
	v31 =	vadd.bf16 v33, v32;
	v19 =	vpack.i.f32.bf16 v21, v21  }
0x1a5: {  	v29 =	vld [tilespmem:s30+$0x120];
	v34 =	vadd.bf16 v35, v34;
	v37 =	vmul.bf16 v37, v19;
	v25 =	vadd.bf16 v25, v22  }
0x1a6: {  	v33 =	vld [tilespmem:s30+$0x180];
	v32 =	vmul.bf16 v58, v4;
	v28 =	vadd.bf16 v28, v26;
	v30 =	vadd.bf16 v31, v30  }
0x1a7: {  	s25 =	simm.s32 $0xC40;
	v59 =	vld [tilespmem:s30+$0xFFFFFD70];
	v21 =	vadd.s32 s0, v3;
	v26 =	vadd.bf16 v52, v50;
	v51 =	vadd.bf16 v37, v36  }
0x1a8: {  	v55 =	vld [tilespmem:s30+$0x240];
	v22 =	vadd.s32 s29, v20;
	v61 =	vadd.s32 s25, v21;
	v35 =	vmul.bf16 v57, v19  }
0x1a9: {  	v46 =	vld [tilespmem:s30+$0xFFFFFEF0];
	v57 =	vmul.bf16 v48, v7;
	v23 =	vmul.bf16 v23, v12;
	v31 =	vadd.bf16 v51, v34  }
0x1aa: {  	v58 =	vld [tilespmem:s30+$0xD0];
	v25 =	vadd.bf16 v28, v25;
	v27 =	vmul.bf16 v27, v14;
	v29 =	vmul.bf16 v29, v17  }
0x1ab: {  	v52 =	vld [tilespmem:s30+$0xFFFFFFB0];
	v33 =	vmul.bf16 v33, v15;
	v28 =	vadd.bf16 v31, v30;
	v31 =	vmul.bf16 v43, v10  }
0x1ac: {  	v34 =	vadd.bf16 v56, v54;
	v54 =	vmul.bf16 v59, v5;
	v30 =	vadd.s32 s25, v20  }
0x1ad: {  	v51 =	vld [tilespmem:s30+$0xFFFFFF50];
	v63 =	vadd.bf16 v28, v25;
	v28 =	vmul.bf16 v45, v13;
	v31 =	vadd.bf16 v60, v31  }
0x1ae: {  	v62 =	vld [tilespmem:s30+$0xFFFFFDD0];
	v59 =	vmul.bf16 v46, v9;
	v27 =	vadd.bf16 v29, v27;
	v29 =	vmul.bf16 v55, v18  }
0x1af: {  	v55 =	vld [tilespmem:s30+$0x70];
	v45 =	vadd.bf16 v28, v23;
	v28 =	vadd.bf16 v31, v34;
	v31 =	vmul.bf16 v53, v16  }
0x1b0: {  	v36 =	vmul.bf16 v58, v14;
	v37 =	vmul.bf16 v52, v11;
	v40 =	vadd.bf16 v59, v40;
	v53 =	vld [tilespmem:s30+$0x10]  }
0x1b1: {  	v29 =	vadd.bf16 v35, v29;
	v60 =	vld [tilespmem:s30+$0x130];
	v50 =	vunpack.i.l.bf16.f32 v63;
	v31 =	vadd.bf16 v31, v33  }
0x1b2: {  	p0 =	por $0x1, $0x1;
	v35 =	vadd.bf16 v54, v32;
	v34 =	vmul.bf16 v51, v10;
	[tilespmem:v30+s18+$0x0] =	vst.idx.msk $0xffff, v50;
	v30 =	vunpack.i.u.bf16.f32 v63  }
.Ltmp8:
0x1b3: {  	s26 =	simm.s32 $0x620;
	v56 =	vadd.bf16 v27, v45;
	v27 =	vmul.bf16 v62, v6;
	v29 =	vadd.bf16 v29, v31;
	v31 =	vld [tilespmem:s30+$0x190];
	(pc) =	sbr.rel @!p0 .LBB2_19-.Ltmp8, $4  }
0x1b4: {  	v32 =	vld [tilespmem:s30+$0x1F0];
	v25 =	vadd.s32 s26, v20;
	v23 =	vadd.s32 s26, v21;
	[tilespmem:v61+s18+$0x0] =	vst.idx.msk $0xffff, v30;
	v63 =	vadd.bf16 v37, v34  }
0x1b5: {  	v62 =	vmul.bf16 v55, v13;
	v33 =	vld [tilespmem:s30+$0x250];
	v30 =	vadd.bf16 v57, v27;
	v61 =	vmul.bf16 v53, v12  }
0x1b6: {  	v34 =	vld [tilespmem:s30+$0x2B0];
	v39 =	vmul.bf16 v60, v17;
	v38 =	vadd.bf16 v63, v40;
	v29 =	vadd.bf16 v29, v56  }
0x1b7: {  	s7 =	simm.s32 $0x0;
	s1 =	sadd.s32 $0x30, s30;
	s0 =	simm.s32 $0x0;
	v37 =	vld [tilespmem:s30+$0xFFFFFD00];
	v27 =	vadd.s32 s29, v21;
	v30 =	vadd.bf16 v30, v35;
	v35 =	vadd.bf16 v62, v61  }
.LBB2_18:
0x1b8: {  	v40 =	vld [tilespmem:s1+$0xFFFFFD20];
	v31 =	vmul.bf16 v31, v15;
	s2 =	smov.u32 s7  }
0x1b9: {  	v41 =	vld [tilespmem:s1+$0xFFFFFD80];
	v32 =	vmul.bf16 v32, v16;
	v36 =	vadd.bf16 v39, v36;
	v30 =	vadd.bf16 v38, v30  }
0x1ba: {  	v38 =	vld [tilespmem:s1+$0xFFFFFDE0];
	v33 =	vmul.bf16 v33, v18  }
0x1bb: {  	v39 =	vld [tilespmem:s1+$0xFFFFFE40];
	v34 =	vmul.bf16 v34, v19;
	v31 =	vadd.bf16 v32, v31;
	v32 =	vadd.bf16 v36, v35  }
0x1bc: {  	v35 =	vld [tilespmem:s1+$0xFFFFFEA0];
	v36 =	vmul.bf16 v37, v4  }
0x1bd: {  	v37 =	vld [tilespmem:s1+$0xFFFFFF00];
	v33 =	vadd.bf16 v34, v33  }
0x1be: {  	v34 =	vld [tilespmem:s1+$0xFFFFFF60];
	v24 =	vadd.bf16 v24, v36  }
0x1bf: {  	v36 =	vld [tilespmem:s1+$0xFFFFFFC0];
	v31 =	vadd.bf16 v33, v31  }
0x1c0: {  	v33 =	vld [tilespmem:s1+$0x20];
	v24 =	vadd.bf16 v26, v24  }
0x1c1: {  	v26 =	vld [tilespmem:s1+$0x80];
	v31 =	vadd.bf16 v31, v32  }
0x1c2: {  	v32 =	vld [tilespmem:s1+$0xE0];
	v24 =	vadd.bf16 v28, v24  }
0x1c3: {  	v28 =	vld [tilespmem:s1+$0x140];
	v30 =	vadd.bf16 v31, v30  }
0x1c4: {  	v31 =	vmul.bf16 v40, v4;
	v40 =	vmul.bf16 v41, v5;
	v41 =	vld [tilespmem:s1+$0x1A0];
	v24 =	vadd.bf16 v29, v24  }
0x1c5: {  	v29 =	vmul.bf16 v38, v6;
	v38 =	vmul.bf16 v39, v7;
	v39 =	vld [tilespmem:s1+$0x200];
	v42 =	vunpack.i.u.bf16.f32 v30  }
0x1c6: {  	v35 =	vmul.bf16 v35, v8;
	v37 =	vmul.bf16 v37, v9;
	v43 =	vld [tilespmem:s1+$0x260];
	v44 =	vunpack.i.u.bf16.f32 v24  }
0x1c7: {  	v34 =	vmul.bf16 v34, v10;
	v36 =	vmul.bf16 v36, v11;
	v24 =	vunpack.i.l.bf16.f32 v24;
	v45 =	vld [tilespmem:s1+$0x2C0]  }
0x1c8: {  	s6 =	sadd.s32 $0x3, s7;
	v33 =	vmul.bf16 v33, v12;
	v26 =	vmul.bf16 v26, v13;
	v46 =	vld [tilespmem:s1+$0xFFFFFD60];
	[tilespmem:v22+s18+$0x0] =	vst.idx.msk $0xffff, v24;
	v22 =	vunpack.i.l.bf16.f32 v30  }
0x1c9: {  	p0 =	slt.u32 s6, s7;
	v32 =	vmul.bf16 v32, v14;
	v28 =	vmul.bf16 v28, v17;
	v30 =	vld [tilespmem:s1+$0xFFFFFDC0];
	[tilespmem:v27+s18+$0x0] =	vst.idx.msk $0xffff, v44  }
0x1ca: {  	v41 =	vmul.bf16 v41, v15;
	v27 =	vld [tilespmem:s1+$0xFFFFFE20];
	v39 =	vmul.bf16 v39, v16;
	[tilespmem:v25+s18+$0x0] =	vst.idx.msk $0xffff, v22  }
0x1cb: {  	v31 =	vadd.bf16 v40, v31;
	v29 =	vadd.bf16 v38, v29;
	v22 =	vld [tilespmem:s1+$0xFFFFFE80];
	v25 =	vmul.bf16 v43, v18  }
0x1cc: {  	v35 =	vadd.bf16 v37, v35;
	v34 =	vadd.bf16 v36, v34;
	v38 =	vld [tilespmem:s1+$0xFFFFFEE0];
	v40 =	vmul.bf16 v45, v19  }
0x1cd: {  	v26 =	vadd.bf16 v26, v33;
	v28 =	vadd.bf16 v28, v32;
	v24 =	vmul.bf16 v46, v5;
	v36 =	vld [tilespmem:s1+$0xFFFFFF40]  }
0x1ce: {  	v33 =	vadd.bf16 v39, v41;
	v30 =	vmul.bf16 v30, v6;
	v32 =	vld [tilespmem:s1+$0xFFFFFFA0];
	v25 =	vadd.bf16 v40, v25  }
0x1cf: {  	v29 =	vadd.bf16 v29, v31;
	v31 =	vadd.bf16 v34, v35;
	v27 =	vmul.bf16 v27, v7;
	v37 =	vld [tilespmem:s1+$0x0]  }
0x1d0: {  	s0 =	sadd.s32 $0x1260, s0;
	v28 =	vadd.bf16 v28, v26;
	v34 =	vmul.bf16 v22, v8;
	v35 =	vld [tilespmem:s1+$0x60];
	v25 =	vadd.bf16 v25, v33  }
0x1d1: {  	s2 =	sadd.s32 $0x620, s0;
	s7 =	sadd.s32 $0xC40, s0;
	v22 =	vadd.s32 s0, v20;
	v33 =	vmul.bf16 v38, v9;
	v38 =	vld [tilespmem:s1+$0xC0];
	v26 =	vadd.bf16 v27, v30;
	[tilespmem:v23+s18+$0x0] =	vst.idx.msk $0xffff, v42  }
0x1d2: {  	v23 =	vadd.bf16 v31, v29;
	v27 =	vld [tilespmem:s1+$0x120];
	v25 =	vadd.bf16 v25, v28;
	v28 =	vadd.s32 s7, v20  }
0x1d3: {  	v29 =	vmul.bf16 v36, v10;
	v30 =	vmul.bf16 v32, v11;
	v31 =	vld [tilespmem:s1+$0x180];
	v32 =	vadd.s32 s7, v21  }
0x1d4: {  	v33 =	vadd.bf16 v33, v34;
	v36 =	vmul.bf16 v37, v12;
	v37 =	vld [tilespmem:s1+$0x1E0];
	v34 =	vadd.bf16 v25, v23  }
0x1d5: {  	v25 =	vadd.s32 s2, v20;
	v35 =	vmul.bf16 v35, v13;
	v39 =	vld [tilespmem:s1+$0x240];
	v29 =	vadd.bf16 v30, v29  }
0x1d6: {  	v23 =	vadd.s32 s2, v21;
	v30 =	vmul.bf16 v38, v14;
	v38 =	vld [tilespmem:s1+$0x2A0];
	v40 =	vunpack.i.l.bf16.f32 v34  }
0x1d7: {  	v34 =	vunpack.i.u.bf16.f32 v34;
	v41 =	vmul.bf16 v27, v17;
	v35 =	vadd.bf16 v35, v36;
	v36 =	vld [tilespmem:s1+$0xFFFFFD10];
	[tilespmem:v28+s18+$0x0] =	vst.idx.msk $0xffff, v40  }
0x1d8: {  	v28 =	vadd.bf16 v29, v33;
	v27 =	vadd.s32 s0, v21;
	v31 =	vmul.bf16 v31, v15;
	v29 =	vld [tilespmem:s1+$0xFFFFFD70];
	[tilespmem:v32+s18+$0x0] =	vst.idx.msk $0xffff, v34  }
0x1d9: {  	v32 =	vmul.bf16 v37, v16;
	v30 =	vadd.bf16 v41, v30;
	v33 =	vld [tilespmem:s1+$0xFFFFFDD0]  }
0x1da: {  	v34 =	vmul.bf16 v39, v18;
	v37 =	vld [tilespmem:s1+$0xFFFFFE30]  }
0x1db: {  	v38 =	vmul.bf16 v38, v19;
	v31 =	vadd.bf16 v32, v31;
	v30 =	vadd.bf16 v30, v35;
	v32 =	vld [tilespmem:s1+$0xFFFFFE90]  }
0x1dc: {  	v35 =	vmul.bf16 v36, v4;
	v36 =	vld [tilespmem:s1+$0xFFFFFEF0]  }
0x1dd: {  	v34 =	vadd.bf16 v38, v34;
	v29 =	vmul.bf16 v29, v5;
	v38 =	vld [tilespmem:s1+$0xFFFFFF50]  }
0x1de: {  	v33 =	vmul.bf16 v33, v6;
	v39 =	vld [tilespmem:s1+$0xFFFFFFB0]  }
0x1df: {  	v31 =	vadd.bf16 v34, v31;
	v34 =	vmul.bf16 v37, v7;
	v37 =	vld [tilespmem:s1+$0x10];
	v35 =	vadd.bf16 v29, v35  }
0x1e0: {  	v32 =	vmul.bf16 v32, v8;
	v40 =	vld [tilespmem:s1+$0x70]  }
0x1e1: {  	v29 =	vadd.bf16 v31, v30;
	v30 =	vmul.bf16 v36, v9;
	v36 =	vld [tilespmem:s1+$0xD0];
	v33 =	vadd.bf16 v34, v33  }
0x1e2: {  	v34 =	vmul.bf16 v38, v10;
	v38 =	vld [tilespmem:s1+$0x130]  }
.Ltmp9:
0x1e3: {  	v39 =	vmul.bf16 v39, v11;
	v31 =	vld [tilespmem:s1+$0x190];
	v41 =	vadd.bf16 v30, v32;
	v30 =	vadd.bf16 v33, v35;
	(pc) =	sbr.rel @p0 .LBB2_18-.Ltmp9, $4  }
0x1e4: {  	v35 =	vmul.bf16 v37, v12;
	v32 =	vld [tilespmem:s1+$0x1F0]  }
0x1e5: {  	v40 =	vmul.bf16 v40, v13;
	v33 =	vld [tilespmem:s1+$0x250];
	v42 =	vadd.bf16 v39, v34  }
0x1e6: {  	v36 =	vmul.bf16 v36, v14;
	v34 =	vld [tilespmem:s1+$0x2B0]  }
0x1e7: {  	s7 =	smov.u32 s6;
	v37 =	vld [tilespmem:s1+$0xFFFFFD00];
	v39 =	vmul.bf16 v38, v17;
	v35 =	vadd.bf16 v40, v35;
	v38 =	vadd.bf16 v42, v41;
	s1 =	sadd.s32 $0x30, s1  }
.LBB2_19:
0x1e8: {  	_ =	sdelay $0x1  }
0x1e9: {  	v5 =	vmul.bf16 v31, v15;
	v6 =	vmul.bf16 v32, v16  }
0x1ea: {  	v7 =	vmul.bf16 v33, v18;
	v8 =	vmul.bf16 v34, v19  }
0x1eb: {  	v9 =	vadd.bf16 v39, v36;
	v4 =	vmul.bf16 v37, v4  }
0x1ec: {  	v5 =	vadd.bf16 v6, v5;
	v59 =	vadd.bf16 v8, v7  }
0x1ed: {  	v4 =	vadd.bf16 v24, v4  }
0x1ee: {  	v60 =	vadd.bf16 v9, v35;
	v5 =	vadd.bf16 v59, v5  }
0x1ef: {  	v4 =	vadd.bf16 v26, v4  }
0x1f0: {  	v61 =	vadd.bf16 v38, v30;
	v5 =	vadd.bf16 v5, v60  }
0x1f1: {  	v4 =	vadd.bf16 v28, v4  }
0x1f2: {  	s31 =	sadd.s32 $0x1, s31;
	v5 =	vadd.bf16 v5, v61  }
0x1f3: {  	p0 =	sne.s32 s31, $0x7;
	v4 =	vadd.bf16 v29, v4  }
.Ltmp10:
0x1f4: {  	v63 =	vunpack.i.l.bf16.f32 v5;
	(pc) =	sbr.rel @p0 .LBB2_17-.Ltmp10, $4  }
0x1f5: {  	v62 =	vunpack.i.l.bf16.f32 v4;
	[tilespmem:v25+s18+$0x0] =	vst.idx.msk $0xffff, v63  }
0x1f6: {  	v4 =	vunpack.i.u.bf16.f32 v4;
	[tilespmem:v22+s18+$0x0] =	vst.idx.msk $0xffff, v62  }
0x1f7: {  	[tilespmem:v27+s18+$0x0] =	vst.idx.msk $0xffff, v4;
	v4 =	vunpack.i.u.bf16.f32 v5  }
0x1f8: {  	s30 =	sadd.s32 $0x600, s30;
	[tilespmem:v23+s18+$0x0] =	vst.idx.msk $0xffff, v4  }
0x1f9: {  	s0 =	simm.s32 $0x15  }
0x1fa: {  	s0 =	smul.u32 $0x25, s0;
	_ =	sdelay $0x1  }
0x1fb: {  	s0 =	sshrl.u32 s0, $0x8  }
0x1fc: {  	s1 =	ssub.s32 $0x15, s0  }
0x1fd: {  	s1 =	sand.u32 $0xFE, s1  }
0x1fe: {  	s2 =	simm.s32 $0x16;
	s1 =	sshrl.u32 s1, $0x1  }
0x1ff: {  	s2 =	smul.u32 $0x25, s2;
	s0 =	sadd.s32 s0, s1  }
0x200: {  	s1 =	sshrl.u32 s0, $0x2  }
0x201: {  	s2 =	sshrl.u32 s2, $0x8;
	s1 =	smul.u32 $0x7, s1  }
0x202: {  	s7 =	simm.s32 $0x17;
	s6 =	ssub.s32 $0x16, s2  }
0x203: {  	s6 =	sand.u32 $0xFE, s6;
	s0 =	sshll.u32 s0, $0x2;
	s1 =	ssub.s32 $0x15, s1  }
0x204: {  	s6 =	sshrl.u32 s6, $0x1;
	s0 =	sand.u32 $0xF0, s0;
	s1 =	sshll.u32 s1, $0x4  }
0x205: {  	s7 =	smul.u32 $0x25, s7;
	s2 =	sadd.s32 s2, s6;
	v4 =	vld [tilespmem:s0+$0x760];
	s1 =	sand.u32 $0xF0, s1  }
0x206: {  	s6 =	sshrl.u32 s2, $0x2;
	v5 =	vld [tilespmem:s1+$0x840]  }
0x207: {  	s10 =	simm.s32 $0x18;
	s7 =	sshrl.u32 s7, $0x8;
	s6 =	smul.u32 $0x7, s6  }
0x208: {  	s10 =	smul.u32 $0x25, s10;
	s8 =	ssub.s32 $0x17, s7  }
0x209: {  	s8 =	sand.u32 $0xFE, s8;
	s2 =	sshll.u32 s2, $0x2;
	s6 =	ssub.s32 $0x16, s6  }
0x20a: {  	s8 =	sshrl.u32 s8, $0x1;
	s2 =	sand.u32 $0xF0, s2;
	s6 =	sshll.u32 s6, $0x4  }
0x20b: {  	s12 =	simm.s32 $0x290;
	s7 =	sadd.s32 s7, s8;
	v6 =	vld [tilespmem:s2+$0x760];
	s25 =	sand.u32 $0xF0, s6;
	v4 =	vadd.s32 v4, v5  }
0x20c: {  	s8 =	sshrl.u32 s10, $0x8;
	s26 =	sshrl.u32 s7, $0x2;
	v5 =	vld [tilespmem:s25+$0x840];
	[tilespmem:s12+$0x0] =	vst v4  }
0x20d: {  	s10 =	smul.u32 $0x7, s26;
	s26 =	ssub.s32 $0x18, s8;
	v7 =	vld [tilespmem:s0+$0x7D0]  }
0x20e: {  	s30 =	simm.s32 $0x1A;
	s7 =	sshll.u32 s7, $0x2;
	s26 =	sand.u32 $0xFE, s26;
	v8 =	vld [tilespmem:s1+$0x8B0]  }
0x20f: {  	s10 =	ssub.s32 $0x17, s10;
	s6 =	simm.s32 $0x19;
	s1 =	sshrl.u32 s26, $0x1  }
0x210: {  	s12 =	simm.s32 $0x2A0;
	s26 =	smul.u32 $0x25, s6;
	s31 =	sadd.s32 s8, s1  }
0x211: {  	s1 =	sand.u32 $0xF0, s7;
	s8 =	sshll.u32 s10, $0x4;
	s10 =	sshrl.u32 s31, $0x2  }
0x212: {  	s7 =	sand.u32 $0xF0, s8;
	s8 =	sshrl.u32 s26, $0x8;
	v4 =	vadd.s32 v6, v5;
	v5 =	vld [tilespmem:s1+$0x760];
	s10 =	smul.u32 $0x7, s10  }
0x213: {  	s29 =	simm.s32 $0x2B0;
	s0 =	simm.s32 $0x5A0;
	s26 =	ssub.s32 $0x19, s8;
	[tilespmem:s12+$0x0] =	vst v4;
	v8 =	vmul.f32 v8, v7;
	v7 =	vld [tilespmem:s7+$0x840]  }
0x214: {  	s12 =	sshll.u32 s31, $0x2;
	v4 =	vld [tilespmem:s2+$0x7D0];
	s2 =	sand.u32 $0xFE, s26;
	s10 =	ssub.s32 $0x18, s10  }
0x215: {  	v6 =	vld [tilespmem:s25+$0x8B0];
	s31 =	sand.u32 $0xF0, s12;
	s26 =	sshrl.u32 s2, $0x1;
	s25 =	sshll.u32 s10, $0x4;
	[tilespmem:s0+$0x0] =	vst v8  }
.LBB2_21:
0x216: {  	s2 =	smul.u32 $0x25, s30  }
0x217: {  	s10 =	sadd.s32 s8, s26;
	s12 =	smov.u32 s7;
	s7 =	sand.u32 $0xF0, s25  }
0x218: {  	v8 =	vadd.s32 v5, v7;
	v5 =	vld [tilespmem:s31+$0x760];
	s25 =	smov.u32 s6;
	s6 =	smov.u32 s30;
	p0 =	sne.s32 s30, $0x1B  }
.Ltmp11:
0x219: {  	s30 =	sadd.s32 $0x1, s30;
	s26 =	sshrl.u32 s10, $0x2;
	v7 =	vld [tilespmem:s7+$0x840];
	[tilespmem:s29+$0x0] =	vst v8;
	(pc) =	sbr.rel @p0 .LBB2_21-.Ltmp11, $4  }
0x21a: {  	s8 =	sshrl.u32 s2, $0x8;
	s2 =	smul.u32 $0x7, s26;
	v8 =	vmul.f32 v6, v4;
	v4 =	vld [tilespmem:s1+$0x7D0];
	s1 =	smov.u32 s31  }
0x21b: {  	s0 =	sadd.s32 $0x10, s0;
	s29 =	sadd.s32 $0x10, s29;
	s26 =	ssub.s32 s6, s8;
	v6 =	vld [tilespmem:s12+$0x8B0]  }
0x21c: {  	s10 =	sshll.u32 s10, $0x2;
	s12 =	sand.u32 $0xFE, s26;
	s2 =	ssub.s32 s25, s2;
	[tilespmem:s0+$0x0] =	vst v8  }
0x21d: {  	s31 =	sand.u32 $0xF0, s10;
	s26 =	sshrl.u32 s12, $0x1;
	s25 =	sshll.u32 s2, $0x4  }
0x21e: {  	s2 =	sadd.s32 s8, s26  }
0x21f: {  	s8 =	sshrl.u32 s2, $0x2  }
0x220: {  	s8 =	smul.u32 $0x7, s8;
	_ =	sdelay $0x1  }
0x221: {  	v8 =	vld [tilespmem:s31+$0x760];
	s10 =	sand.u32 $0xF0, s25;
	s2 =	sshll.u32 s2, $0x2;
	s6 =	ssub.s32 s6, s8  }
0x222: {  	v9 =	vld [tilespmem:s10+$0x840];
	s2 =	sand.u32 $0xF0, s2;
	s6 =	sshll.u32 s6, $0x4  }
0x223: {  	v10 =	vld [tilespmem:s2+$0x760];
	s6 =	sand.u32 $0xF0, s6  }
0x224: {  	v11 =	vld [tilespmem:s6+$0x840]  }
0x225: {  	v5 =	vadd.s32 v5, v7  }
0x226: {  	[tilespmem:s29+$0x0] =	vst v5  }
0x227: {  	s26 =	sadd.s32 $0x10, s29;
	v5 =	vld [tilespmem:s1+$0x7D0];
	v59 =	vadd.s32 v8, v9  }
0x228: {  	v60 =	vld [tilespmem:s7+$0x8B0];
	[tilespmem:s26+$0x0] =	vst v59  }
0x229: {  	s1 =	sadd.s32 $0x10, s26;
	v7 =	vld [tilespmem:s31+$0x7D0];
	v61 =	vadd.s32 v10, v11  }
0x22a: {  	v62 =	vld [tilespmem:s10+$0x8B0];
	[tilespmem:s1+$0x0] =	vst v61  }
0x22b: {  	v9 =	vld [tilespmem:s2+$0x7D0]  }
0x22c: {  	v63 =	vld [tilespmem:s6+$0x8B0];
	_ =	sdelay $0x1  }
0x22d: {  	v4 =	vmul.f32 v6, v4  }
0x22e: {  	s0 =	sadd.s32 $0x10, s0;
	v5 =	vmul.f32 v60, v5  }
0x22f: {  	[tilespmem:s0+$0x0] =	vst v4;
	s0 =	sadd.s32 $0x10, s0;
	v4 =	vmul.f32 v62, v7  }
0x230: {  	[tilespmem:s0+$0x0] =	vst v5;
	s0 =	sadd.s32 $0x10, s0;
	v5 =	vmul.f32 v63, v9  }
0x231: {  	[tilespmem:s0+$0x0] =	vst v4;
	s0 =	sadd.s32 $0x10, s0  }
0x232: {  	[tilespmem:s0+$0x0] =	vst v5  }
0x233: {  	[tilespmem:s15], [sflag:$0x2] =	stream.indirect.gather [hbm4b:s4+s11], $0x60, s21, s11, $0xb8;
	[tilespmem:$0x81E0] =	vst v63  }
0x234: {  	_ =	swait.ge [sflag:s16], $0x2A00  }
0x235: {  	s30 =	simm.s32 $0xC20;
	[sflag:s16] =	ssyncset.done $0x0  }
0x236: {  	s29 =	simm.s32 $0x0;
	s31 =	simm.s32 $0x0;
	[sflag:s16] =	ssyncadd.s32 $0xFFFFD600  }
.LBB2_23:
0x237: {  	v22 =	vld [tilespmem:s30+$0xFFFFFD20]  }
0x238: {  	v23 =	vld [tilespmem:s30+$0xFFFFFD80]  }
0x239: {  	v24 =	vld [tilespmem:s30+$0xFFFFFDE0]  }
0x23a: {  	v25 =	vld [tilespmem:s30+$0xFFFFFE40]  }
0x23b: {  	v26 =	vld [tilespmem:s30+$0xFFFFFEA0]  }
0x23c: {  	v27 =	vld [tilespmem:s30+$0xFFFFFF00]  }
0x23d: {  	v28 =	vld [tilespmem:s30+$0xFFFFFF60]  }
0x23e: {  	v29 =	vld [tilespmem:s30+$0xFFFFFFC0]  }
0x23f: {  	v30 =	vld [tilespmem:s30+$0x20]  }
0x240: {  	v31 =	vld [tilespmem:s30+$0x80]  }
0x241: {  	v32 =	vld [tilespmem:s30+$0xE0]  }
0x242: {  	v33 =	vld [tilespmem:s30+$0x140]  }
0x243: {  	v34 =	vld [tilespmem:s30+$0x1A0]  }
0x244: {  	s0 =	sadd.s32 $0xE, s31;
	v35 =	vld [tilespmem:s30+$0x200]  }
0x245: {  	v36 =	vld [tilespmem:s30+$0x260];
	s1 =	sshll.u32 s0, $0x4  }
0x246: {  	v37 =	vld [tilespmem:s30+$0x2C0];
	v4 =	vmov s1  }
0x247: {  	v38 =	vld [tilespmem:s30+$0xFFFFFD60];
	v5 =	vor.u32 $0x1, v4  }
0x248: {  	v39 =	vld [tilespmem:s30+$0xFFFFFDC0];
	v6 =	vor.u32 $0x2, v4  }
0x249: {  	v40 =	vld [tilespmem:s30+$0xFFFFFE20];
	v7 =	vor.u32 $0x3, v4  }
0x24a: {  	v41 =	vld [tilespmem:s30+$0xFFFFFE80];
	v8 =	vor.u32 $0x4, v4  }
0x24b: {  	v10 =	vor.u32 $0x5, v4;
	v9 =	vld.idx.msk [tilespmem:v4+s17+$0x0], $0xffff  }
0x24c: {  	v11 =	vor.u32 $0x6, v4;
	v5 =	vld.idx.msk [tilespmem:v5+s17+$0x0], $0xffff  }
0x24d: {  	v12 =	vor.u32 $0x7, v4;
	v6 =	vld.idx.msk [tilespmem:v6+s17+$0x0], $0xffff  }
0x24e: {  	v13 =	vor.u32 $0x8, v4;
	v7 =	vld.idx.msk [tilespmem:v7+s17+$0x0], $0xffff  }
0x24f: {  	v14 =	vor.u32 $0x9, v4;
	v8 =	vld.idx.msk [tilespmem:v8+s17+$0x0], $0xffff  }
0x250: {  	v15 =	vor.u32 $0xA, v4;
	v16 =	vor.u32 $0xB, v4;
	v17 =	vor.u32 $0xC, v4;
	v10 =	vld.idx.msk [tilespmem:v10+s17+$0x0], $0xffff  }
0x251: {  	v18 =	vor.u32 $0xD, v4;
	v19 =	vor.u32 $0xE, v4;
	v4 =	vor.u32 $0xF, v4;
	v11 =	vld.idx.msk [tilespmem:v11+s17+$0x0], $0xffff  }
0x252: {  	v12 =	vld.idx.msk [tilespmem:v12+s17+$0x0], $0xffff  }
0x253: {  	v13 =	vld.idx.msk [tilespmem:v13+s17+$0x0], $0xffff  }
0x254: {  	v14 =	vld.idx.msk [tilespmem:v14+s17+$0x0], $0xffff  }
0x255: {  	v15 =	vld.idx.msk [tilespmem:v15+s17+$0x0], $0xffff  }
0x256: {  	v21 =	vld.idx.msk [tilespmem:v4+s17+$0x0], $0xffff;
	v4 =	vpack.i.f32.bf16 v9, v9;
	v5 =	vpack.i.f32.bf16 v5, v5  }
0x257: {  	v16 =	vld.idx.msk [tilespmem:v16+s17+$0x0], $0xffff;
	v6 =	vpack.i.f32.bf16 v6, v6;
	v7 =	vpack.i.f32.bf16 v7, v7;
	v8 =	vpack.i.f32.bf16 v8, v8  }
0x258: {  	v20 =	vld.idx.msk [tilespmem:v17+s17+$0x0], $0xffff;
	v9 =	vpack.i.f32.bf16 v10, v10;
	v10 =	vpack.i.f32.bf16 v11, v11;
	v11 =	vpack.i.f32.bf16 v12, v12  }
0x259: {  	v18 =	vld.idx.msk [tilespmem:v18+s17+$0x0], $0xffff;
	v12 =	vpack.i.f32.bf16 v13, v13;
	v22 =	vmul.bf16 v22, v4;
	v23 =	vmul.bf16 v23, v5  }
0x25a: {  	v19 =	vld.idx.msk [tilespmem:v19+s17+$0x0], $0xffff;
	v13 =	vpack.i.f32.bf16 v14, v14;
	v24 =	vmul.bf16 v24, v6;
	v25 =	vmul.bf16 v25, v7  }
0x25b: {  	v42 =	vld [tilespmem:s30+$0xFFFFFEE0];
	v14 =	vpack.i.f32.bf16 v15, v15;
	v26 =	vmul.bf16 v26, v8;
	v27 =	vmul.bf16 v27, v9  }
0x25c: {  	v43 =	vld [tilespmem:s30+$0xFFFFFF40];
	v17 =	vpack.i.f32.bf16 v16, v16;
	v28 =	vmul.bf16 v28, v10;
	v29 =	vmul.bf16 v29, v11  }
0x25d: {  	v44 =	vld [tilespmem:s30+$0xFFFFFFA0];
	v15 =	vpack.i.f32.bf16 v20, v20;
	v30 =	vmul.bf16 v30, v12;
	v31 =	vmul.bf16 v31, v13  }
0x25e: {  	v49 =	vld [tilespmem:s30+$0xFFFFFE90];
	v16 =	vpack.i.f32.bf16 v18, v18;
	v32 =	vmul.bf16 v32, v14;
	v33 =	vmul.bf16 v33, v17  }
0x25f: {  	v45 =	vld [tilespmem:s30+$0x60];
	v18 =	vpack.i.f32.bf16 v19, v19;
	v34 =	vmul.bf16 v34, v15;
	v35 =	vmul.bf16 v35, v16  }
0x260: {  	v53 =	vld [tilespmem:s30+$0x1E0];
	v36 =	vmul.bf16 v36, v18;
	v50 =	vmul.bf16 v39, v6  }
0x261: {  	v57 =	vld [tilespmem:s30+$0x2A0];
	v52 =	vmul.bf16 v40, v7;
	v54 =	vmul.bf16 v41, v8  }
0x262: {  	v58 =	vld [tilespmem:s30+$0xFFFFFD10];
	v20 =	vadd.s32 s0, v1;
	v56 =	vmul.bf16 v42, v9;
	v60 =	vmul.bf16 v44, v11  }
0x263: {  	v48 =	vld [tilespmem:s30+$0xFFFFFE30];
	v40 =	vmul.bf16 v49, v8;
	v22 =	vadd.bf16 v23, v22;
	v25 =	vadd.bf16 v25, v24  }
0x264: {  	v23 =	vld [tilespmem:s30+$0x0];
	v26 =	vadd.bf16 v27, v26;
	v28 =	vadd.bf16 v29, v28;
	v24 =	vmul.bf16 v38, v5  }
0x265: {  	v27 =	vld [tilespmem:s30+$0xC0];
	v30 =	vadd.bf16 v31, v30;
	v31 =	vadd.bf16 v33, v32;
	v19 =	vpack.i.f32.bf16 v21, v21  }
0x266: {  	v29 =	vld [tilespmem:s30+$0x120];
	v34 =	vadd.bf16 v35, v34;
	v37 =	vmul.bf16 v37, v19;
	v25 =	vadd.bf16 v25, v22  }
0x267: {  	v33 =	vld [tilespmem:s30+$0x180];
	v32 =	vmul.bf16 v58, v4;
	v28 =	vadd.bf16 v28, v26;
	v30 =	vadd.bf16 v31, v30  }
0x268: {  	s25 =	simm.s32 $0xC40;
	v59 =	vld [tilespmem:s30+$0xFFFFFD70];
	v21 =	vadd.s32 s0, v3;
	v26 =	vadd.bf16 v52, v50;
	v51 =	vadd.bf16 v37, v36  }
0x269: {  	v55 =	vld [tilespmem:s30+$0x240];
	v22 =	vadd.s32 s29, v20;
	v61 =	vadd.s32 s25, v21;
	v35 =	vmul.bf16 v57, v19  }
0x26a: {  	v46 =	vld [tilespmem:s30+$0xFFFFFEF0];
	v57 =	vmul.bf16 v48, v7;
	v23 =	vmul.bf16 v23, v12;
	v31 =	vadd.bf16 v51, v34  }
0x26b: {  	v58 =	vld [tilespmem:s30+$0xD0];
	v25 =	vadd.bf16 v28, v25;
	v27 =	vmul.bf16 v27, v14;
	v29 =	vmul.bf16 v29, v17  }
0x26c: {  	v52 =	vld [tilespmem:s30+$0xFFFFFFB0];
	v33 =	vmul.bf16 v33, v15;
	v28 =	vadd.bf16 v31, v30;
	v31 =	vmul.bf16 v43, v10  }
0x26d: {  	v34 =	vadd.bf16 v56, v54;
	v54 =	vmul.bf16 v59, v5;
	v30 =	vadd.s32 s25, v20  }
0x26e: {  	v51 =	vld [tilespmem:s30+$0xFFFFFF50];
	v63 =	vadd.bf16 v28, v25;
	v28 =	vmul.bf16 v45, v13;
	v31 =	vadd.bf16 v60, v31  }
0x26f: {  	v62 =	vld [tilespmem:s30+$0xFFFFFDD0];
	v59 =	vmul.bf16 v46, v9;
	v27 =	vadd.bf16 v29, v27;
	v29 =	vmul.bf16 v55, v18  }
0x270: {  	v55 =	vld [tilespmem:s30+$0x70];
	v45 =	vadd.bf16 v28, v23;
	v28 =	vadd.bf16 v31, v34;
	v31 =	vmul.bf16 v53, v16  }
0x271: {  	v36 =	vmul.bf16 v58, v14;
	v37 =	vmul.bf16 v52, v11;
	v40 =	vadd.bf16 v59, v40;
	v53 =	vld [tilespmem:s30+$0x10]  }
0x272: {  	v29 =	vadd.bf16 v35, v29;
	v60 =	vld [tilespmem:s30+$0x130];
	v50 =	vunpack.i.l.bf16.f32 v63;
	v31 =	vadd.bf16 v31, v33  }
0x273: {  	p0 =	por $0x1, $0x1;
	v35 =	vadd.bf16 v54, v32;
	v34 =	vmul.bf16 v51, v10;
	[tilespmem:v30+s18+$0x0] =	vst.idx.msk $0xffff, v50;
	v30 =	vunpack.i.u.bf16.f32 v63  }
.Ltmp12:
0x274: {  	s26 =	simm.s32 $0x620;
	v56 =	vadd.bf16 v27, v45;
	v27 =	vmul.bf16 v62, v6;
	v29 =	vadd.bf16 v29, v31;
	v31 =	vld [tilespmem:s30+$0x190];
	(pc) =	sbr.rel @!p0 .LBB2_25-.Ltmp12, $4  }
0x275: {  	v32 =	vld [tilespmem:s30+$0x1F0];
	v25 =	vadd.s32 s26, v20;
	v23 =	vadd.s32 s26, v21;
	[tilespmem:v61+s18+$0x0] =	vst.idx.msk $0xffff, v30;
	v63 =	vadd.bf16 v37, v34  }
0x276: {  	v62 =	vmul.bf16 v55, v13;
	v33 =	vld [tilespmem:s30+$0x250];
	v30 =	vadd.bf16 v57, v27;
	v61 =	vmul.bf16 v53, v12  }
0x277: {  	v34 =	vld [tilespmem:s30+$0x2B0];
	v39 =	vmul.bf16 v60, v17;
	v38 =	vadd.bf16 v63, v40;
	v29 =	vadd.bf16 v29, v56  }
0x278: {  	s7 =	simm.s32 $0x0;
	s1 =	sadd.s32 $0x30, s30;
	s0 =	simm.s32 $0x0;
	v37 =	vld [tilespmem:s30+$0xFFFFFD00];
	v27 =	vadd.s32 s29, v21;
	v30 =	vadd.bf16 v30, v35;
	v35 =	vadd.bf16 v62, v61  }
.LBB2_24:
0x279: {  	v40 =	vld [tilespmem:s1+$0xFFFFFD20];
	v31 =	vmul.bf16 v31, v15;
	s2 =	smov.u32 s7  }
0x27a: {  	v41 =	vld [tilespmem:s1+$0xFFFFFD80];
	v32 =	vmul.bf16 v32, v16;
	v36 =	vadd.bf16 v39, v36;
	v30 =	vadd.bf16 v38, v30  }
0x27b: {  	v38 =	vld [tilespmem:s1+$0xFFFFFDE0];
	v33 =	vmul.bf16 v33, v18  }
0x27c: {  	v39 =	vld [tilespmem:s1+$0xFFFFFE40];
	v34 =	vmul.bf16 v34, v19;
	v31 =	vadd.bf16 v32, v31;
	v32 =	vadd.bf16 v36, v35  }
0x27d: {  	v35 =	vld [tilespmem:s1+$0xFFFFFEA0];
	v36 =	vmul.bf16 v37, v4  }
0x27e: {  	v37 =	vld [tilespmem:s1+$0xFFFFFF00];
	v33 =	vadd.bf16 v34, v33  }
0x27f: {  	v34 =	vld [tilespmem:s1+$0xFFFFFF60];
	v24 =	vadd.bf16 v24, v36  }
0x280: {  	v36 =	vld [tilespmem:s1+$0xFFFFFFC0];
	v31 =	vadd.bf16 v33, v31  }
0x281: {  	v33 =	vld [tilespmem:s1+$0x20];
	v24 =	vadd.bf16 v26, v24  }
0x282: {  	v26 =	vld [tilespmem:s1+$0x80];
	v31 =	vadd.bf16 v31, v32  }
0x283: {  	v32 =	vld [tilespmem:s1+$0xE0];
	v24 =	vadd.bf16 v28, v24  }
0x284: {  	v28 =	vld [tilespmem:s1+$0x140];
	v30 =	vadd.bf16 v31, v30  }
0x285: {  	v31 =	vmul.bf16 v40, v4;
	v40 =	vmul.bf16 v41, v5;
	v41 =	vld [tilespmem:s1+$0x1A0];
	v24 =	vadd.bf16 v29, v24  }
0x286: {  	v29 =	vmul.bf16 v38, v6;
	v38 =	vmul.bf16 v39, v7;
	v39 =	vld [tilespmem:s1+$0x200];
	v42 =	vunpack.i.u.bf16.f32 v30  }
0x287: {  	v35 =	vmul.bf16 v35, v8;
	v37 =	vmul.bf16 v37, v9;
	v43 =	vld [tilespmem:s1+$0x260];
	v44 =	vunpack.i.u.bf16.f32 v24  }
0x288: {  	v34 =	vmul.bf16 v34, v10;
	v36 =	vmul.bf16 v36, v11;
	v24 =	vunpack.i.l.bf16.f32 v24;
	v45 =	vld [tilespmem:s1+$0x2C0]  }
0x289: {  	s6 =	sadd.s32 $0x3, s7;
	v33 =	vmul.bf16 v33, v12;
	v26 =	vmul.bf16 v26, v13;
	v46 =	vld [tilespmem:s1+$0xFFFFFD60];
	[tilespmem:v22+s18+$0x0] =	vst.idx.msk $0xffff, v24;
	v22 =	vunpack.i.l.bf16.f32 v30  }
0x28a: {  	p0 =	slt.u32 s6, s7;
	v32 =	vmul.bf16 v32, v14;
	v28 =	vmul.bf16 v28, v17;
	v30 =	vld [tilespmem:s1+$0xFFFFFDC0];
	[tilespmem:v27+s18+$0x0] =	vst.idx.msk $0xffff, v44  }
0x28b: {  	v41 =	vmul.bf16 v41, v15;
	v27 =	vld [tilespmem:s1+$0xFFFFFE20];
	v39 =	vmul.bf16 v39, v16;
	[tilespmem:v25+s18+$0x0] =	vst.idx.msk $0xffff, v22  }
0x28c: {  	v31 =	vadd.bf16 v40, v31;
	v29 =	vadd.bf16 v38, v29;
	v22 =	vld [tilespmem:s1+$0xFFFFFE80];
	v25 =	vmul.bf16 v43, v18  }
0x28d: {  	v35 =	vadd.bf16 v37, v35;
	v34 =	vadd.bf16 v36, v34;
	v38 =	vld [tilespmem:s1+$0xFFFFFEE0];
	v40 =	vmul.bf16 v45, v19  }
0x28e: {  	v26 =	vadd.bf16 v26, v33;
	v28 =	vadd.bf16 v28, v32;
	v24 =	vmul.bf16 v46, v5;
	v36 =	vld [tilespmem:s1+$0xFFFFFF40]  }
0x28f: {  	v33 =	vadd.bf16 v39, v41;
	v30 =	vmul.bf16 v30, v6;
	v32 =	vld [tilespmem:s1+$0xFFFFFFA0];
	v25 =	vadd.bf16 v40, v25  }
0x290: {  	v29 =	vadd.bf16 v29, v31;
	v31 =	vadd.bf16 v34, v35;
	v27 =	vmul.bf16 v27, v7;
	v37 =	vld [tilespmem:s1+$0x0]  }
0x291: {  	s0 =	sadd.s32 $0x1260, s0;
	v28 =	vadd.bf16 v28, v26;
	v34 =	vmul.bf16 v22, v8;
	v35 =	vld [tilespmem:s1+$0x60];
	v25 =	vadd.bf16 v25, v33  }
0x292: {  	s2 =	sadd.s32 $0x620, s0;
	s7 =	sadd.s32 $0xC40, s0;
	v22 =	vadd.s32 s0, v20;
	v33 =	vmul.bf16 v38, v9;
	v38 =	vld [tilespmem:s1+$0xC0];
	v26 =	vadd.bf16 v27, v30;
	[tilespmem:v23+s18+$0x0] =	vst.idx.msk $0xffff, v42  }
0x293: {  	v23 =	vadd.bf16 v31, v29;
	v27 =	vld [tilespmem:s1+$0x120];
	v25 =	vadd.bf16 v25, v28;
	v28 =	vadd.s32 s7, v20  }
0x294: {  	v29 =	vmul.bf16 v36, v10;
	v30 =	vmul.bf16 v32, v11;
	v31 =	vld [tilespmem:s1+$0x180];
	v32 =	vadd.s32 s7, v21  }
0x295: {  	v33 =	vadd.bf16 v33, v34;
	v36 =	vmul.bf16 v37, v12;
	v37 =	vld [tilespmem:s1+$0x1E0];
	v34 =	vadd.bf16 v25, v23  }
0x296: {  	v25 =	vadd.s32 s2, v20;
	v35 =	vmul.bf16 v35, v13;
	v39 =	vld [tilespmem:s1+$0x240];
	v29 =	vadd.bf16 v30, v29  }
0x297: {  	v23 =	vadd.s32 s2, v21;
	v30 =	vmul.bf16 v38, v14;
	v38 =	vld [tilespmem:s1+$0x2A0];
	v40 =	vunpack.i.l.bf16.f32 v34  }
0x298: {  	v34 =	vunpack.i.u.bf16.f32 v34;
	v41 =	vmul.bf16 v27, v17;
	v35 =	vadd.bf16 v35, v36;
	v36 =	vld [tilespmem:s1+$0xFFFFFD10];
	[tilespmem:v28+s18+$0x0] =	vst.idx.msk $0xffff, v40  }
0x299: {  	v28 =	vadd.bf16 v29, v33;
	v27 =	vadd.s32 s0, v21;
	v31 =	vmul.bf16 v31, v15;
	v29 =	vld [tilespmem:s1+$0xFFFFFD70];
	[tilespmem:v32+s18+$0x0] =	vst.idx.msk $0xffff, v34  }
0x29a: {  	v32 =	vmul.bf16 v37, v16;
	v30 =	vadd.bf16 v41, v30;
	v33 =	vld [tilespmem:s1+$0xFFFFFDD0]  }
0x29b: {  	v34 =	vmul.bf16 v39, v18;
	v37 =	vld [tilespmem:s1+$0xFFFFFE30]  }
0x29c: {  	v38 =	vmul.bf16 v38, v19;
	v31 =	vadd.bf16 v32, v31;
	v30 =	vadd.bf16 v30, v35;
	v32 =	vld [tilespmem:s1+$0xFFFFFE90]  }
0x29d: {  	v35 =	vmul.bf16 v36, v4;
	v36 =	vld [tilespmem:s1+$0xFFFFFEF0]  }
0x29e: {  	v34 =	vadd.bf16 v38, v34;
	v29 =	vmul.bf16 v29, v5;
	v38 =	vld [tilespmem:s1+$0xFFFFFF50]  }
0x29f: {  	v33 =	vmul.bf16 v33, v6;
	v39 =	vld [tilespmem:s1+$0xFFFFFFB0]  }
0x2a0: {  	v31 =	vadd.bf16 v34, v31;
	v34 =	vmul.bf16 v37, v7;
	v37 =	vld [tilespmem:s1+$0x10];
	v35 =	vadd.bf16 v29, v35  }
0x2a1: {  	v32 =	vmul.bf16 v32, v8;
	v40 =	vld [tilespmem:s1+$0x70]  }
0x2a2: {  	v29 =	vadd.bf16 v31, v30;
	v30 =	vmul.bf16 v36, v9;
	v36 =	vld [tilespmem:s1+$0xD0];
	v33 =	vadd.bf16 v34, v33  }
0x2a3: {  	v34 =	vmul.bf16 v38, v10;
	v38 =	vld [tilespmem:s1+$0x130]  }
.Ltmp13:
0x2a4: {  	v39 =	vmul.bf16 v39, v11;
	v31 =	vld [tilespmem:s1+$0x190];
	v41 =	vadd.bf16 v30, v32;
	v30 =	vadd.bf16 v33, v35;
	(pc) =	sbr.rel @p0 .LBB2_24-.Ltmp13, $4  }
0x2a5: {  	v35 =	vmul.bf16 v37, v12;
	v32 =	vld [tilespmem:s1+$0x1F0]  }
0x2a6: {  	v40 =	vmul.bf16 v40, v13;
	v33 =	vld [tilespmem:s1+$0x250];
	v42 =	vadd.bf16 v39, v34  }
0x2a7: {  	v36 =	vmul.bf16 v36, v14;
	v34 =	vld [tilespmem:s1+$0x2B0]  }
0x2a8: {  	s7 =	smov.u32 s6;
	v37 =	vld [tilespmem:s1+$0xFFFFFD00];
	v39 =	vmul.bf16 v38, v17;
	v35 =	vadd.bf16 v40, v35;
	v38 =	vadd.bf16 v42, v41;
	s1 =	sadd.s32 $0x30, s1  }
.LBB2_25:
0x2a9: {  	_ =	sdelay $0x1  }
0x2aa: {  	v5 =	vmul.bf16 v31, v15;
	v6 =	vmul.bf16 v32, v16  }
0x2ab: {  	v7 =	vmul.bf16 v33, v18;
	v8 =	vmul.bf16 v34, v19  }
0x2ac: {  	v9 =	vadd.bf16 v39, v36;
	v4 =	vmul.bf16 v37, v4  }
0x2ad: {  	v5 =	vadd.bf16 v6, v5;
	v59 =	vadd.bf16 v8, v7  }
0x2ae: {  	v4 =	vadd.bf16 v24, v4  }
0x2af: {  	v60 =	vadd.bf16 v9, v35;
	v5 =	vadd.bf16 v59, v5  }
0x2b0: {  	v4 =	vadd.bf16 v26, v4  }
0x2b1: {  	v61 =	vadd.bf16 v38, v30;
	v5 =	vadd.bf16 v5, v60  }
0x2b2: {  	v4 =	vadd.bf16 v28, v4  }
0x2b3: {  	s31 =	sadd.s32 $0x1, s31;
	v5 =	vadd.bf16 v5, v61  }
0x2b4: {  	p0 =	sne.s32 s31, $0x7;
	v4 =	vadd.bf16 v29, v4  }
.Ltmp14:
0x2b5: {  	v63 =	vunpack.i.l.bf16.f32 v5;
	(pc) =	sbr.rel @p0 .LBB2_23-.Ltmp14, $4  }
0x2b6: {  	v62 =	vunpack.i.l.bf16.f32 v4;
	[tilespmem:v25+s18+$0x0] =	vst.idx.msk $0xffff, v63  }
0x2b7: {  	v4 =	vunpack.i.u.bf16.f32 v4;
	[tilespmem:v22+s18+$0x0] =	vst.idx.msk $0xffff, v62  }
0x2b8: {  	[tilespmem:v27+s18+$0x0] =	vst.idx.msk $0xffff, v4;
	v4 =	vunpack.i.u.bf16.f32 v5  }
0x2b9: {  	s30 =	sadd.s32 $0x600, s30;
	[tilespmem:v23+s18+$0x0] =	vst.idx.msk $0xffff, v4  }
0x2ba: {  	s0 =	simm.s32 $0x1C  }
0x2bb: {  	s0 =	smul.u32 $0x25, s0;
	_ =	sdelay $0x1  }
0x2bc: {  	s0 =	sshrl.u32 s0, $0x8  }
0x2bd: {  	s1 =	ssub.s32 $0x1C, s0  }
0x2be: {  	s1 =	sand.u32 $0xFE, s1  }
0x2bf: {  	s2 =	simm.s32 $0x1D;
	s1 =	sshrl.u32 s1, $0x1  }
0x2c0: {  	s2 =	smul.u32 $0x25, s2;
	s0 =	sadd.s32 s0, s1  }
0x2c1: {  	s1 =	sshrl.u32 s0, $0x2  }
0x2c2: {  	s2 =	sshrl.u32 s2, $0x8;
	s1 =	smul.u32 $0x7, s1  }
0x2c3: {  	s7 =	simm.s32 $0x1E;
	s6 =	ssub.s32 $0x1D, s2  }
0x2c4: {  	s6 =	sand.u32 $0xFE, s6;
	s0 =	sshll.u32 s0, $0x2;
	s1 =	ssub.s32 $0x1C, s1  }
0x2c5: {  	s6 =	sshrl.u32 s6, $0x1;
	s0 =	sand.u32 $0xF0, s0;
	s1 =	sshll.u32 s1, $0x4  }
0x2c6: {  	s7 =	smul.u32 $0x25, s7;
	s2 =	sadd.s32 s2, s6;
	v4 =	vld [tilespmem:s0+$0x760];
	s1 =	sand.u32 $0xF0, s1  }
0x2c7: {  	s6 =	sshrl.u32 s2, $0x2;
	v5 =	vld [tilespmem:s1+$0x840]  }
0x2c8: {  	s10 =	simm.s32 $0x1F;
	s7 =	sshrl.u32 s7, $0x8;
	s6 =	smul.u32 $0x7, s6  }
0x2c9: {  	s10 =	smul.u32 $0x25, s10;
	s8 =	ssub.s32 $0x1E, s7  }
0x2ca: {  	s8 =	sand.u32 $0xFE, s8;
	s2 =	sshll.u32 s2, $0x2;
	s6 =	ssub.s32 $0x1D, s6  }
0x2cb: {  	s8 =	sshrl.u32 s8, $0x1;
	s2 =	sand.u32 $0xF0, s2;
	s6 =	sshll.u32 s6, $0x4  }
0x2cc: {  	s12 =	simm.s32 $0x300;
	s7 =	sadd.s32 s7, s8;
	v6 =	vld [tilespmem:s2+$0x760];
	s25 =	sand.u32 $0xF0, s6;
	v4 =	vadd.s32 v4, v5  }
0x2cd: {  	s8 =	sshrl.u32 s10, $0x8;
	s26 =	sshrl.u32 s7, $0x2;
	v5 =	vld [tilespmem:s25+$0x840];
	[tilespmem:s12+$0x0] =	vst v4  }
0x2ce: {  	s10 =	smul.u32 $0x7, s26;
	s26 =	ssub.s32 $0x1F, s8;
	v7 =	vld [tilespmem:s0+$0x7D0]  }
0x2cf: {  	s30 =	simm.s32 $0x21;
	s7 =	sshll.u32 s7, $0x2;
	s26 =	sand.u32 $0xFE, s26;
	v8 =	vld [tilespmem:s1+$0x8B0]  }
0x2d0: {  	s10 =	ssub.s32 $0x1E, s10;
	s6 =	simm.s32 $0x20;
	s1 =	sshrl.u32 s26, $0x1  }
0x2d1: {  	s12 =	simm.s32 $0x310;
	s26 =	smul.u32 $0x25, s6;
	s31 =	sadd.s32 s8, s1  }
0x2d2: {  	s1 =	sand.u32 $0xF0, s7;
	s8 =	sshll.u32 s10, $0x4;
	s10 =	sshrl.u32 s31, $0x2  }
0x2d3: {  	s7 =	sand.u32 $0xF0, s8;
	s8 =	sshrl.u32 s26, $0x8;
	v4 =	vadd.s32 v6, v5;
	v5 =	vld [tilespmem:s1+$0x760];
	s10 =	smul.u32 $0x7, s10  }
0x2d4: {  	s29 =	simm.s32 $0x320;
	s0 =	simm.s32 $0x610;
	s26 =	ssub.s32 $0x20, s8;
	[tilespmem:s12+$0x0] =	vst v4;
	v8 =	vmul.f32 v8, v7;
	v7 =	vld [tilespmem:s7+$0x840]  }
0x2d5: {  	s12 =	sshll.u32 s31, $0x2;
	v4 =	vld [tilespmem:s2+$0x7D0];
	s2 =	sand.u32 $0xFE, s26;
	s10 =	ssub.s32 $0x1F, s10  }
0x2d6: {  	v6 =	vld [tilespmem:s25+$0x8B0];
	s31 =	sand.u32 $0xF0, s12;
	s26 =	sshrl.u32 s2, $0x1;
	s25 =	sshll.u32 s10, $0x4;
	[tilespmem:s0+$0x0] =	vst v8  }
.LBB2_27:
0x2d7: {  	s2 =	smul.u32 $0x25, s30  }
0x2d8: {  	s10 =	sadd.s32 s8, s26;
	s12 =	smov.u32 s7;
	s7 =	sand.u32 $0xF0, s25  }
0x2d9: {  	v8 =	vadd.s32 v5, v7;
	v5 =	vld [tilespmem:s31+$0x760];
	s25 =	smov.u32 s6;
	s6 =	smov.u32 s30;
	p0 =	sne.s32 s30, $0x22  }
.Ltmp15:
0x2da: {  	s30 =	sadd.s32 $0x1, s30;
	s26 =	sshrl.u32 s10, $0x2;
	v7 =	vld [tilespmem:s7+$0x840];
	[tilespmem:s29+$0x0] =	vst v8;
	(pc) =	sbr.rel @p0 .LBB2_27-.Ltmp15, $4  }
0x2db: {  	s8 =	sshrl.u32 s2, $0x8;
	s2 =	smul.u32 $0x7, s26;
	v8 =	vmul.f32 v6, v4;
	v4 =	vld [tilespmem:s1+$0x7D0];
	s1 =	smov.u32 s31  }
0x2dc: {  	s0 =	sadd.s32 $0x10, s0;
	s29 =	sadd.s32 $0x10, s29;
	s26 =	ssub.s32 s6, s8;
	v6 =	vld [tilespmem:s12+$0x8B0]  }
0x2dd: {  	s10 =	sshll.u32 s10, $0x2;
	s12 =	sand.u32 $0xFE, s26;
	s2 =	ssub.s32 s25, s2;
	[tilespmem:s0+$0x0] =	vst v8  }
0x2de: {  	s31 =	sand.u32 $0xF0, s10;
	s26 =	sshrl.u32 s12, $0x1;
	s25 =	sshll.u32 s2, $0x4  }
0x2df: {  	s2 =	sadd.s32 s8, s26  }
0x2e0: {  	s8 =	sshrl.u32 s2, $0x2  }
0x2e1: {  	s8 =	smul.u32 $0x7, s8;
	_ =	sdelay $0x1  }
0x2e2: {  	v8 =	vld [tilespmem:s31+$0x760];
	s10 =	sand.u32 $0xF0, s25;
	s2 =	sshll.u32 s2, $0x2;
	s6 =	ssub.s32 s6, s8  }
0x2e3: {  	v9 =	vld [tilespmem:s10+$0x840];
	s2 =	sand.u32 $0xF0, s2;
	s6 =	sshll.u32 s6, $0x4  }
0x2e4: {  	v10 =	vld [tilespmem:s2+$0x760];
	s6 =	sand.u32 $0xF0, s6  }
0x2e5: {  	v11 =	vld [tilespmem:s6+$0x840]  }
0x2e6: {  	v5 =	vadd.s32 v5, v7  }
0x2e7: {  	[tilespmem:s29+$0x0] =	vst v5  }
0x2e8: {  	s26 =	sadd.s32 $0x10, s29;
	v5 =	vld [tilespmem:s1+$0x7D0];
	v59 =	vadd.s32 v8, v9  }
0x2e9: {  	v60 =	vld [tilespmem:s7+$0x8B0];
	[tilespmem:s26+$0x0] =	vst v59  }
0x2ea: {  	s1 =	sadd.s32 $0x10, s26;
	v7 =	vld [tilespmem:s31+$0x7D0];
	v61 =	vadd.s32 v10, v11  }
0x2eb: {  	v62 =	vld [tilespmem:s10+$0x8B0];
	[tilespmem:s1+$0x0] =	vst v61  }
0x2ec: {  	v9 =	vld [tilespmem:s2+$0x7D0]  }
0x2ed: {  	v63 =	vld [tilespmem:s6+$0x8B0];
	_ =	sdelay $0x1  }
0x2ee: {  	v4 =	vmul.f32 v6, v4  }
0x2ef: {  	s0 =	sadd.s32 $0x10, s0;
	v5 =	vmul.f32 v60, v5  }
0x2f0: {  	[tilespmem:s0+$0x0] =	vst v4;
	s0 =	sadd.s32 $0x10, s0;
	v4 =	vmul.f32 v62, v7  }
0x2f1: {  	[tilespmem:s0+$0x0] =	vst v5;
	s0 =	sadd.s32 $0x10, s0;
	v5 =	vmul.f32 v63, v9  }
0x2f2: {  	[tilespmem:s0+$0x0] =	vst v4;
	s0 =	sadd.s32 $0x10, s0  }
0x2f3: {  	[tilespmem:s0+$0x0] =	vst v5  }
0x2f4: {  	[tilespmem:s13], [sflag:$0x1] =	stream.indirect.gather [hbm4b:s4+s11], $0x60, s22, s11, $0xb8;
	[tilespmem:$0x81E0] =	vst v63  }
0x2f5: {  	_ =	swait.ge [sflag:s20], $0x2A00  }
0x2f6: {  	s30 =	simm.s32 $0x3620;
	[sflag:s20] =	ssyncset.done $0x0  }
0x2f7: {  	s29 =	simm.s32 $0x0;
	s31 =	simm.s32 $0x0;
	[sflag:s20] =	ssyncadd.s32 $0xFFFFD600  }
.LBB2_29:
0x2f8: {  	v22 =	vld [tilespmem:s30+$0xFFFFFD20]  }
0x2f9: {  	v23 =	vld [tilespmem:s30+$0xFFFFFD80]  }
0x2fa: {  	v24 =	vld [tilespmem:s30+$0xFFFFFDE0]  }
0x2fb: {  	v25 =	vld [tilespmem:s30+$0xFFFFFE40]  }
0x2fc: {  	v26 =	vld [tilespmem:s30+$0xFFFFFEA0]  }
0x2fd: {  	v27 =	vld [tilespmem:s30+$0xFFFFFF00]  }
0x2fe: {  	v28 =	vld [tilespmem:s30+$0xFFFFFF60]  }
0x2ff: {  	v29 =	vld [tilespmem:s30+$0xFFFFFFC0]  }
0x300: {  	v30 =	vld [tilespmem:s30+$0x20]  }
0x301: {  	v31 =	vld [tilespmem:s30+$0x80]  }
0x302: {  	v32 =	vld [tilespmem:s30+$0xE0]  }
0x303: {  	v33 =	vld [tilespmem:s30+$0x140]  }
0x304: {  	v34 =	vld [tilespmem:s30+$0x1A0]  }
0x305: {  	s0 =	sadd.s32 $0x15, s31;
	v35 =	vld [tilespmem:s30+$0x200]  }
0x306: {  	v36 =	vld [tilespmem:s30+$0x260];
	s1 =	sshll.u32 s0, $0x4  }
0x307: {  	v37 =	vld [tilespmem:s30+$0x2C0];
	v4 =	vmov s1  }
0x308: {  	v38 =	vld [tilespmem:s30+$0xFFFFFD60];
	v5 =	vor.u32 $0x1, v4  }
0x309: {  	v39 =	vld [tilespmem:s30+$0xFFFFFDC0];
	v6 =	vor.u32 $0x2, v4  }
0x30a: {  	v40 =	vld [tilespmem:s30+$0xFFFFFE20];
	v7 =	vor.u32 $0x3, v4  }
0x30b: {  	v41 =	vld [tilespmem:s30+$0xFFFFFE80];
	v8 =	vor.u32 $0x4, v4  }
0x30c: {  	v10 =	vor.u32 $0x5, v4;
	v9 =	vld.idx.msk [tilespmem:v4+s17+$0x0], $0xffff  }
0x30d: {  	v11 =	vor.u32 $0x6, v4;
	v5 =	vld.idx.msk [tilespmem:v5+s17+$0x0], $0xffff  }
0x30e: {  	v12 =	vor.u32 $0x7, v4;
	v6 =	vld.idx.msk [tilespmem:v6+s17+$0x0], $0xffff  }
0x30f: {  	v13 =	vor.u32 $0x8, v4;
	v7 =	vld.idx.msk [tilespmem:v7+s17+$0x0], $0xffff  }
0x310: {  	v14 =	vor.u32 $0x9, v4;
	v8 =	vld.idx.msk [tilespmem:v8+s17+$0x0], $0xffff  }
0x311: {  	v15 =	vor.u32 $0xA, v4;
	v16 =	vor.u32 $0xB, v4;
	v17 =	vor.u32 $0xC, v4;
	v10 =	vld.idx.msk [tilespmem:v10+s17+$0x0], $0xffff  }
0x312: {  	v18 =	vor.u32 $0xD, v4;
	v19 =	vor.u32 $0xE, v4;
	v4 =	vor.u32 $0xF, v4;
	v11 =	vld.idx.msk [tilespmem:v11+s17+$0x0], $0xffff  }
0x313: {  	v12 =	vld.idx.msk [tilespmem:v12+s17+$0x0], $0xffff  }
0x314: {  	v13 =	vld.idx.msk [tilespmem:v13+s17+$0x0], $0xffff  }
0x315: {  	v14 =	vld.idx.msk [tilespmem:v14+s17+$0x0], $0xffff  }
0x316: {  	v15 =	vld.idx.msk [tilespmem:v15+s17+$0x0], $0xffff  }
0x317: {  	v21 =	vld.idx.msk [tilespmem:v4+s17+$0x0], $0xffff;
	v4 =	vpack.i.f32.bf16 v9, v9;
	v5 =	vpack.i.f32.bf16 v5, v5  }
0x318: {  	v16 =	vld.idx.msk [tilespmem:v16+s17+$0x0], $0xffff;
	v6 =	vpack.i.f32.bf16 v6, v6;
	v7 =	vpack.i.f32.bf16 v7, v7;
	v8 =	vpack.i.f32.bf16 v8, v8  }
0x319: {  	v20 =	vld.idx.msk [tilespmem:v17+s17+$0x0], $0xffff;
	v9 =	vpack.i.f32.bf16 v10, v10;
	v10 =	vpack.i.f32.bf16 v11, v11;
	v11 =	vpack.i.f32.bf16 v12, v12  }
0x31a: {  	v18 =	vld.idx.msk [tilespmem:v18+s17+$0x0], $0xffff;
	v12 =	vpack.i.f32.bf16 v13, v13;
	v22 =	vmul.bf16 v22, v4;
	v23 =	vmul.bf16 v23, v5  }
0x31b: {  	v19 =	vld.idx.msk [tilespmem:v19+s17+$0x0], $0xffff;
	v13 =	vpack.i.f32.bf16 v14, v14;
	v24 =	vmul.bf16 v24, v6;
	v25 =	vmul.bf16 v25, v7  }
0x31c: {  	v42 =	vld [tilespmem:s30+$0xFFFFFEE0];
	v14 =	vpack.i.f32.bf16 v15, v15;
	v26 =	vmul.bf16 v26, v8;
	v27 =	vmul.bf16 v27, v9  }
0x31d: {  	v43 =	vld [tilespmem:s30+$0xFFFFFF40];
	v17 =	vpack.i.f32.bf16 v16, v16;
	v28 =	vmul.bf16 v28, v10;
	v29 =	vmul.bf16 v29, v11  }
0x31e: {  	v44 =	vld [tilespmem:s30+$0xFFFFFFA0];
	v15 =	vpack.i.f32.bf16 v20, v20;
	v30 =	vmul.bf16 v30, v12;
	v31 =	vmul.bf16 v31, v13  }
0x31f: {  	v49 =	vld [tilespmem:s30+$0xFFFFFE90];
	v16 =	vpack.i.f32.bf16 v18, v18;
	v32 =	vmul.bf16 v32, v14;
	v33 =	vmul.bf16 v33, v17  }
0x320: {  	v45 =	vld [tilespmem:s30+$0x60];
	v18 =	vpack.i.f32.bf16 v19, v19;
	v34 =	vmul.bf16 v34, v15;
	v35 =	vmul.bf16 v35, v16  }
0x321: {  	v53 =	vld [tilespmem:s30+$0x1E0];
	v36 =	vmul.bf16 v36, v18;
	v50 =	vmul.bf16 v39, v6  }
0x322: {  	v57 =	vld [tilespmem:s30+$0x2A0];
	v52 =	vmul.bf16 v40, v7;
	v54 =	vmul.bf16 v41, v8  }
0x323: {  	v58 =	vld [tilespmem:s30+$0xFFFFFD10];
	v20 =	vadd.s32 s0, v1;
	v56 =	vmul.bf16 v42, v9;
	v60 =	vmul.bf16 v44, v11  }
0x324: {  	v48 =	vld [tilespmem:s30+$0xFFFFFE30];
	v40 =	vmul.bf16 v49, v8;
	v22 =	vadd.bf16 v23, v22;
	v25 =	vadd.bf16 v25, v24  }
0x325: {  	v23 =	vld [tilespmem:s30+$0x0];
	v26 =	vadd.bf16 v27, v26;
	v28 =	vadd.bf16 v29, v28;
	v24 =	vmul.bf16 v38, v5  }
0x326: {  	v27 =	vld [tilespmem:s30+$0xC0];
	v30 =	vadd.bf16 v31, v30;
	v31 =	vadd.bf16 v33, v32;
	v19 =	vpack.i.f32.bf16 v21, v21  }
0x327: {  	v29 =	vld [tilespmem:s30+$0x120];
	v34 =	vadd.bf16 v35, v34;
	v37 =	vmul.bf16 v37, v19;
	v25 =	vadd.bf16 v25, v22  }
0x328: {  	v33 =	vld [tilespmem:s30+$0x180];
	v32 =	vmul.bf16 v58, v4;
	v28 =	vadd.bf16 v28, v26;
	v30 =	vadd.bf16 v31, v30  }
0x329: {  	s25 =	simm.s32 $0xC40;
	v59 =	vld [tilespmem:s30+$0xFFFFFD70];
	v21 =	vadd.s32 s0, v3;
	v26 =	vadd.bf16 v52, v50;
	v51 =	vadd.bf16 v37, v36  }
0x32a: {  	v55 =	vld [tilespmem:s30+$0x240];
	v22 =	vadd.s32 s29, v20;
	v61 =	vadd.s32 s25, v21;
	v35 =	vmul.bf16 v57, v19  }
0x32b: {  	v46 =	vld [tilespmem:s30+$0xFFFFFEF0];
	v57 =	vmul.bf16 v48, v7;
	v23 =	vmul.bf16 v23, v12;
	v31 =	vadd.bf16 v51, v34  }
0x32c: {  	v58 =	vld [tilespmem:s30+$0xD0];
	v25 =	vadd.bf16 v28, v25;
	v27 =	vmul.bf16 v27, v14;
	v29 =	vmul.bf16 v29, v17  }
0x32d: {  	v52 =	vld [tilespmem:s30+$0xFFFFFFB0];
	v33 =	vmul.bf16 v33, v15;
	v28 =	vadd.bf16 v31, v30;
	v31 =	vmul.bf16 v43, v10  }
0x32e: {  	v34 =	vadd.bf16 v56, v54;
	v54 =	vmul.bf16 v59, v5;
	v30 =	vadd.s32 s25, v20  }
0x32f: {  	v51 =	vld [tilespmem:s30+$0xFFFFFF50];
	v63 =	vadd.bf16 v28, v25;
	v28 =	vmul.bf16 v45, v13;
	v31 =	vadd.bf16 v60, v31  }
0x330: {  	v62 =	vld [tilespmem:s30+$0xFFFFFDD0];
	v59 =	vmul.bf16 v46, v9;
	v27 =	vadd.bf16 v29, v27;
	v29 =	vmul.bf16 v55, v18  }
0x331: {  	v55 =	vld [tilespmem:s30+$0x70];
	v45 =	vadd.bf16 v28, v23;
	v28 =	vadd.bf16 v31, v34;
	v31 =	vmul.bf16 v53, v16  }
0x332: {  	v36 =	vmul.bf16 v58, v14;
	v37 =	vmul.bf16 v52, v11;
	v40 =	vadd.bf16 v59, v40;
	v53 =	vld [tilespmem:s30+$0x10]  }
0x333: {  	v29 =	vadd.bf16 v35, v29;
	v60 =	vld [tilespmem:s30+$0x130];
	v50 =	vunpack.i.l.bf16.f32 v63;
	v31 =	vadd.bf16 v31, v33  }
0x334: {  	p0 =	por $0x1, $0x1;
	v35 =	vadd.bf16 v54, v32;
	v34 =	vmul.bf16 v51, v10;
	[tilespmem:v30+s18+$0x0] =	vst.idx.msk $0xffff, v50;
	v30 =	vunpack.i.u.bf16.f32 v63  }
.Ltmp16:
0x335: {  	s26 =	simm.s32 $0x620;
	v56 =	vadd.bf16 v27, v45;
	v27 =	vmul.bf16 v62, v6;
	v29 =	vadd.bf16 v29, v31;
	v31 =	vld [tilespmem:s30+$0x190];
	(pc) =	sbr.rel @!p0 .LBB2_31-.Ltmp16, $4  }
0x336: {  	v32 =	vld [tilespmem:s30+$0x1F0];
	v25 =	vadd.s32 s26, v20;
	v23 =	vadd.s32 s26, v21;
	[tilespmem:v61+s18+$0x0] =	vst.idx.msk $0xffff, v30;
	v63 =	vadd.bf16 v37, v34  }
0x337: {  	v62 =	vmul.bf16 v55, v13;
	v33 =	vld [tilespmem:s30+$0x250];
	v30 =	vadd.bf16 v57, v27;
	v61 =	vmul.bf16 v53, v12  }
0x338: {  	v34 =	vld [tilespmem:s30+$0x2B0];
	v39 =	vmul.bf16 v60, v17;
	v38 =	vadd.bf16 v63, v40;
	v29 =	vadd.bf16 v29, v56  }
0x339: {  	s7 =	simm.s32 $0x0;
	s1 =	sadd.s32 $0x30, s30;
	s0 =	simm.s32 $0x0;
	v37 =	vld [tilespmem:s30+$0xFFFFFD00];
	v27 =	vadd.s32 s29, v21;
	v30 =	vadd.bf16 v30, v35;
	v35 =	vadd.bf16 v62, v61  }
.LBB2_30:
0x33a: {  	v40 =	vld [tilespmem:s1+$0xFFFFFD20];
	v31 =	vmul.bf16 v31, v15;
	s2 =	smov.u32 s7  }
0x33b: {  	v41 =	vld [tilespmem:s1+$0xFFFFFD80];
	v32 =	vmul.bf16 v32, v16;
	v36 =	vadd.bf16 v39, v36;
	v30 =	vadd.bf16 v38, v30  }
0x33c: {  	v38 =	vld [tilespmem:s1+$0xFFFFFDE0];
	v33 =	vmul.bf16 v33, v18  }
0x33d: {  	v39 =	vld [tilespmem:s1+$0xFFFFFE40];
	v34 =	vmul.bf16 v34, v19;
	v31 =	vadd.bf16 v32, v31;
	v32 =	vadd.bf16 v36, v35  }
0x33e: {  	v35 =	vld [tilespmem:s1+$0xFFFFFEA0];
	v36 =	vmul.bf16 v37, v4  }
0x33f: {  	v37 =	vld [tilespmem:s1+$0xFFFFFF00];
	v33 =	vadd.bf16 v34, v33  }
0x340: {  	v34 =	vld [tilespmem:s1+$0xFFFFFF60];
	v24 =	vadd.bf16 v24, v36  }
0x341: {  	v36 =	vld [tilespmem:s1+$0xFFFFFFC0];
	v31 =	vadd.bf16 v33, v31  }
0x342: {  	v33 =	vld [tilespmem:s1+$0x20];
	v24 =	vadd.bf16 v26, v24  }
0x343: {  	v26 =	vld [tilespmem:s1+$0x80];
	v31 =	vadd.bf16 v31, v32  }
0x344: {  	v32 =	vld [tilespmem:s1+$0xE0];
	v24 =	vadd.bf16 v28, v24  }
0x345: {  	v28 =	vld [tilespmem:s1+$0x140];
	v30 =	vadd.bf16 v31, v30  }
0x346: {  	v31 =	vmul.bf16 v40, v4;
	v40 =	vmul.bf16 v41, v5;
	v41 =	vld [tilespmem:s1+$0x1A0];
	v24 =	vadd.bf16 v29, v24  }
0x347: {  	v29 =	vmul.bf16 v38, v6;
	v38 =	vmul.bf16 v39, v7;
	v39 =	vld [tilespmem:s1+$0x200];
	v42 =	vunpack.i.u.bf16.f32 v30  }
0x348: {  	v35 =	vmul.bf16 v35, v8;
	v37 =	vmul.bf16 v37, v9;
	v43 =	vld [tilespmem:s1+$0x260];
	v44 =	vunpack.i.u.bf16.f32 v24  }
0x349: {  	v34 =	vmul.bf16 v34, v10;
	v36 =	vmul.bf16 v36, v11;
	v24 =	vunpack.i.l.bf16.f32 v24;
	v45 =	vld [tilespmem:s1+$0x2C0]  }
0x34a: {  	s6 =	sadd.s32 $0x3, s7;
	v33 =	vmul.bf16 v33, v12;
	v26 =	vmul.bf16 v26, v13;
	v46 =	vld [tilespmem:s1+$0xFFFFFD60];
	[tilespmem:v22+s18+$0x0] =	vst.idx.msk $0xffff, v24;
	v22 =	vunpack.i.l.bf16.f32 v30  }
0x34b: {  	p0 =	slt.u32 s6, s7;
	v32 =	vmul.bf16 v32, v14;
	v28 =	vmul.bf16 v28, v17;
	v30 =	vld [tilespmem:s1+$0xFFFFFDC0];
	[tilespmem:v27+s18+$0x0] =	vst.idx.msk $0xffff, v44  }
0x34c: {  	v41 =	vmul.bf16 v41, v15;
	v27 =	vld [tilespmem:s1+$0xFFFFFE20];
	v39 =	vmul.bf16 v39, v16;
	[tilespmem:v25+s18+$0x0] =	vst.idx.msk $0xffff, v22  }
0x34d: {  	v31 =	vadd.bf16 v40, v31;
	v29 =	vadd.bf16 v38, v29;
	v22 =	vld [tilespmem:s1+$0xFFFFFE80];
	v25 =	vmul.bf16 v43, v18  }
0x34e: {  	v35 =	vadd.bf16 v37, v35;
	v34 =	vadd.bf16 v36, v34;
	v38 =	vld [tilespmem:s1+$0xFFFFFEE0];
	v40 =	vmul.bf16 v45, v19  }
0x34f: {  	v26 =	vadd.bf16 v26, v33;
	v28 =	vadd.bf16 v28, v32;
	v24 =	vmul.bf16 v46, v5;
	v36 =	vld [tilespmem:s1+$0xFFFFFF40]  }
0x350: {  	v33 =	vadd.bf16 v39, v41;
	v30 =	vmul.bf16 v30, v6;
	v32 =	vld [tilespmem:s1+$0xFFFFFFA0];
	v25 =	vadd.bf16 v40, v25  }
0x351: {  	v29 =	vadd.bf16 v29, v31;
	v31 =	vadd.bf16 v34, v35;
	v27 =	vmul.bf16 v27, v7;
	v37 =	vld [tilespmem:s1+$0x0]  }
0x352: {  	s0 =	sadd.s32 $0x1260, s0;
	v28 =	vadd.bf16 v28, v26;
	v34 =	vmul.bf16 v22, v8;
	v35 =	vld [tilespmem:s1+$0x60];
	v25 =	vadd.bf16 v25, v33  }
0x353: {  	s2 =	sadd.s32 $0x620, s0;
	s7 =	sadd.s32 $0xC40, s0;
	v22 =	vadd.s32 s0, v20;
	v33 =	vmul.bf16 v38, v9;
	v38 =	vld [tilespmem:s1+$0xC0];
	v26 =	vadd.bf16 v27, v30;
	[tilespmem:v23+s18+$0x0] =	vst.idx.msk $0xffff, v42  }
0x354: {  	v23 =	vadd.bf16 v31, v29;
	v27 =	vld [tilespmem:s1+$0x120];
	v25 =	vadd.bf16 v25, v28;
	v28 =	vadd.s32 s7, v20  }
0x355: {  	v29 =	vmul.bf16 v36, v10;
	v30 =	vmul.bf16 v32, v11;
	v31 =	vld [tilespmem:s1+$0x180];
	v32 =	vadd.s32 s7, v21  }
0x356: {  	v33 =	vadd.bf16 v33, v34;
	v36 =	vmul.bf16 v37, v12;
	v37 =	vld [tilespmem:s1+$0x1E0];
	v34 =	vadd.bf16 v25, v23  }
0x357: {  	v25 =	vadd.s32 s2, v20;
	v35 =	vmul.bf16 v35, v13;
	v39 =	vld [tilespmem:s1+$0x240];
	v29 =	vadd.bf16 v30, v29  }
0x358: {  	v23 =	vadd.s32 s2, v21;
	v30 =	vmul.bf16 v38, v14;
	v38 =	vld [tilespmem:s1+$0x2A0];
	v40 =	vunpack.i.l.bf16.f32 v34  }
0x359: {  	v34 =	vunpack.i.u.bf16.f32 v34;
	v41 =	vmul.bf16 v27, v17;
	v35 =	vadd.bf16 v35, v36;
	v36 =	vld [tilespmem:s1+$0xFFFFFD10];
	[tilespmem:v28+s18+$0x0] =	vst.idx.msk $0xffff, v40  }
0x35a: {  	v28 =	vadd.bf16 v29, v33;
	v27 =	vadd.s32 s0, v21;
	v31 =	vmul.bf16 v31, v15;
	v29 =	vld [tilespmem:s1+$0xFFFFFD70];
	[tilespmem:v32+s18+$0x0] =	vst.idx.msk $0xffff, v34  }
0x35b: {  	v32 =	vmul.bf16 v37, v16;
	v30 =	vadd.bf16 v41, v30;
	v33 =	vld [tilespmem:s1+$0xFFFFFDD0]  }
0x35c: {  	v34 =	vmul.bf16 v39, v18;
	v37 =	vld [tilespmem:s1+$0xFFFFFE30]  }
0x35d: {  	v38 =	vmul.bf16 v38, v19;
	v31 =	vadd.bf16 v32, v31;
	v30 =	vadd.bf16 v30, v35;
	v32 =	vld [tilespmem:s1+$0xFFFFFE90]  }
0x35e: {  	v35 =	vmul.bf16 v36, v4;
	v36 =	vld [tilespmem:s1+$0xFFFFFEF0]  }
0x35f: {  	v34 =	vadd.bf16 v38, v34;
	v29 =	vmul.bf16 v29, v5;
	v38 =	vld [tilespmem:s1+$0xFFFFFF50]  }
0x360: {  	v33 =	vmul.bf16 v33, v6;
	v39 =	vld [tilespmem:s1+$0xFFFFFFB0]  }
0x361: {  	v31 =	vadd.bf16 v34, v31;
	v34 =	vmul.bf16 v37, v7;
	v37 =	vld [tilespmem:s1+$0x10];
	v35 =	vadd.bf16 v29, v35  }
0x362: {  	v32 =	vmul.bf16 v32, v8;
	v40 =	vld [tilespmem:s1+$0x70]  }
0x363: {  	v29 =	vadd.bf16 v31, v30;
	v30 =	vmul.bf16 v36, v9;
	v36 =	vld [tilespmem:s1+$0xD0];
	v33 =	vadd.bf16 v34, v33  }
0x364: {  	v34 =	vmul.bf16 v38, v10;
	v38 =	vld [tilespmem:s1+$0x130]  }
.Ltmp17:
0x365: {  	v39 =	vmul.bf16 v39, v11;
	v31 =	vld [tilespmem:s1+$0x190];
	v41 =	vadd.bf16 v30, v32;
	v30 =	vadd.bf16 v33, v35;
	(pc) =	sbr.rel @p0 .LBB2_30-.Ltmp17, $4  }
0x366: {  	v35 =	vmul.bf16 v37, v12;
	v32 =	vld [tilespmem:s1+$0x1F0]  }
0x367: {  	v40 =	vmul.bf16 v40, v13;
	v33 =	vld [tilespmem:s1+$0x250];
	v42 =	vadd.bf16 v39, v34  }
0x368: {  	v36 =	vmul.bf16 v36, v14;
	v34 =	vld [tilespmem:s1+$0x2B0]  }
0x369: {  	s7 =	smov.u32 s6;
	v37 =	vld [tilespmem:s1+$0xFFFFFD00];
	v39 =	vmul.bf16 v38, v17;
	v35 =	vadd.bf16 v40, v35;
	v38 =	vadd.bf16 v42, v41;
	s1 =	sadd.s32 $0x30, s1  }
.LBB2_31:
0x36a: {  	_ =	sdelay $0x1  }
0x36b: {  	v5 =	vmul.bf16 v31, v15;
	v6 =	vmul.bf16 v32, v16  }
0x36c: {  	v7 =	vmul.bf16 v33, v18;
	v8 =	vmul.bf16 v34, v19  }
0x36d: {  	v9 =	vadd.bf16 v39, v36;
	v4 =	vmul.bf16 v37, v4  }
0x36e: {  	v5 =	vadd.bf16 v6, v5;
	v59 =	vadd.bf16 v8, v7  }
0x36f: {  	v4 =	vadd.bf16 v24, v4  }
0x370: {  	v60 =	vadd.bf16 v9, v35;
	v5 =	vadd.bf16 v59, v5  }
0x371: {  	v4 =	vadd.bf16 v26, v4  }
0x372: {  	v61 =	vadd.bf16 v38, v30;
	v5 =	vadd.bf16 v5, v60  }
0x373: {  	v4 =	vadd.bf16 v28, v4  }
0x374: {  	s31 =	sadd.s32 $0x1, s31;
	v5 =	vadd.bf16 v5, v61  }
0x375: {  	p0 =	sne.s32 s31, $0x7;
	v4 =	vadd.bf16 v29, v4  }
.Ltmp18:
0x376: {  	v63 =	vunpack.i.l.bf16.f32 v5;
	(pc) =	sbr.rel @p0 .LBB2_29-.Ltmp18, $4  }
0x377: {  	v62 =	vunpack.i.l.bf16.f32 v4;
	[tilespmem:v25+s18+$0x0] =	vst.idx.msk $0xffff, v63  }
0x378: {  	v4 =	vunpack.i.u.bf16.f32 v4;
	[tilespmem:v22+s18+$0x0] =	vst.idx.msk $0xffff, v62  }
0x379: {  	[tilespmem:v27+s18+$0x0] =	vst.idx.msk $0xffff, v4;
	v4 =	vunpack.i.u.bf16.f32 v5  }
0x37a: {  	s30 =	sadd.s32 $0x600, s30;
	[tilespmem:v23+s18+$0x0] =	vst.idx.msk $0xffff, v4  }
0x37b: {  	s0 =	simm.s32 $0x23  }
0x37c: {  	s0 =	smul.u32 $0x25, s0;
	_ =	sdelay $0x1  }
0x37d: {  	s0 =	sshrl.u32 s0, $0x8  }
0x37e: {  	s1 =	ssub.s32 $0x23, s0  }
0x37f: {  	s1 =	sand.u32 $0xFE, s1  }
0x380: {  	s2 =	simm.s32 $0x24;
	s1 =	sshrl.u32 s1, $0x1  }
0x381: {  	s2 =	smul.u32 $0x25, s2;
	s0 =	sadd.s32 s0, s1  }
0x382: {  	s1 =	sshrl.u32 s0, $0x2  }
0x383: {  	s2 =	sshrl.u32 s2, $0x8;
	s1 =	smul.u32 $0x7, s1  }
0x384: {  	s7 =	simm.s32 $0x25;
	s6 =	ssub.s32 $0x24, s2  }
0x385: {  	s6 =	sand.u32 $0xFE, s6;
	s0 =	sshll.u32 s0, $0x2;
	s1 =	ssub.s32 $0x23, s1  }
0x386: {  	s6 =	sshrl.u32 s6, $0x1;
	s0 =	sand.u32 $0xF0, s0;
	s1 =	sshll.u32 s1, $0x4  }
0x387: {  	s7 =	smul.u32 $0x25, s7;
	s2 =	sadd.s32 s2, s6;
	v4 =	vld [tilespmem:s0+$0x760];
	s1 =	sand.u32 $0xF0, s1  }
0x388: {  	s6 =	sshrl.u32 s2, $0x2;
	v5 =	vld [tilespmem:s1+$0x840]  }
0x389: {  	s10 =	simm.s32 $0x26;
	s7 =	sshrl.u32 s7, $0x8;
	s6 =	smul.u32 $0x7, s6  }
0x38a: {  	s10 =	smul.u32 $0x25, s10;
	s8 =	ssub.s32 $0x25, s7  }
0x38b: {  	s8 =	sand.u32 $0xFE, s8;
	s2 =	sshll.u32 s2, $0x2;
	s6 =	ssub.s32 $0x24, s6  }
0x38c: {  	s8 =	sshrl.u32 s8, $0x1;
	s2 =	sand.u32 $0xF0, s2;
	s6 =	sshll.u32 s6, $0x4  }
0x38d: {  	s12 =	simm.s32 $0x370;
	s7 =	sadd.s32 s7, s8;
	v6 =	vld [tilespmem:s2+$0x760];
	s25 =	sand.u32 $0xF0, s6;
	v4 =	vadd.s32 v4, v5  }
0x38e: {  	s8 =	sshrl.u32 s10, $0x8;
	s26 =	sshrl.u32 s7, $0x2;
	v5 =	vld [tilespmem:s25+$0x840];
	[tilespmem:s12+$0x0] =	vst v4  }
0x38f: {  	s10 =	smul.u32 $0x7, s26;
	s26 =	ssub.s32 $0x26, s8;
	v7 =	vld [tilespmem:s0+$0x7D0]  }
0x390: {  	s30 =	simm.s32 $0x28;
	s7 =	sshll.u32 s7, $0x2;
	s26 =	sand.u32 $0xFE, s26;
	v8 =	vld [tilespmem:s1+$0x8B0]  }
0x391: {  	s10 =	ssub.s32 $0x25, s10;
	s6 =	simm.s32 $0x27;
	s1 =	sshrl.u32 s26, $0x1  }
0x392: {  	s12 =	simm.s32 $0x380;
	s26 =	smul.u32 $0x25, s6;
	s31 =	sadd.s32 s8, s1  }
0x393: {  	s1 =	sand.u32 $0xF0, s7;
	s8 =	sshll.u32 s10, $0x4;
	s10 =	sshrl.u32 s31, $0x2  }
0x394: {  	s7 =	sand.u32 $0xF0, s8;
	s8 =	sshrl.u32 s26, $0x8;
	v4 =	vadd.s32 v6, v5;
	v5 =	vld [tilespmem:s1+$0x760];
	s10 =	smul.u32 $0x7, s10  }
0x395: {  	s29 =	simm.s32 $0x390;
	s0 =	simm.s32 $0x680;
	s26 =	ssub.s32 $0x27, s8;
	[tilespmem:s12+$0x0] =	vst v4;
	v8 =	vmul.f32 v8, v7;
	v7 =	vld [tilespmem:s7+$0x840]  }
0x396: {  	s12 =	sshll.u32 s31, $0x2;
	v4 =	vld [tilespmem:s2+$0x7D0];
	s2 =	sand.u32 $0xFE, s26;
	s10 =	ssub.s32 $0x26, s10  }
0x397: {  	v6 =	vld [tilespmem:s25+$0x8B0];
	s31 =	sand.u32 $0xF0, s12;
	s26 =	sshrl.u32 s2, $0x1;
	s25 =	sshll.u32 s10, $0x4;
	[tilespmem:s0+$0x0] =	vst v8  }
.LBB2_33:
0x398: {  	s2 =	smul.u32 $0x25, s30  }
0x399: {  	s10 =	sadd.s32 s8, s26;
	s12 =	smov.u32 s7;
	s7 =	sand.u32 $0xF0, s25  }
0x39a: {  	v8 =	vadd.s32 v5, v7;
	v5 =	vld [tilespmem:s31+$0x760];
	s25 =	smov.u32 s6;
	s6 =	smov.u32 s30;
	p0 =	sne.s32 s30, $0x29  }
.Ltmp19:
0x39b: {  	s30 =	sadd.s32 $0x1, s30;
	s26 =	sshrl.u32 s10, $0x2;
	v7 =	vld [tilespmem:s7+$0x840];
	[tilespmem:s29+$0x0] =	vst v8;
	(pc) =	sbr.rel @p0 .LBB2_33-.Ltmp19, $4  }
0x39c: {  	s8 =	sshrl.u32 s2, $0x8;
	s2 =	smul.u32 $0x7, s26;
	v8 =	vmul.f32 v6, v4;
	v4 =	vld [tilespmem:s1+$0x7D0];
	s1 =	smov.u32 s31  }
0x39d: {  	s0 =	sadd.s32 $0x10, s0;
	s29 =	sadd.s32 $0x10, s29;
	s26 =	ssub.s32 s6, s8;
	v6 =	vld [tilespmem:s12+$0x8B0]  }
0x39e: {  	s10 =	sshll.u32 s10, $0x2;
	s12 =	sand.u32 $0xFE, s26;
	s2 =	ssub.s32 s25, s2;
	[tilespmem:s0+$0x0] =	vst v8  }
0x39f: {  	s31 =	sand.u32 $0xF0, s10;
	s26 =	sshrl.u32 s12, $0x1;
	s25 =	sshll.u32 s2, $0x4  }
0x3a0: {  	s2 =	sadd.s32 s8, s26  }
0x3a1: {  	s8 =	sshrl.u32 s2, $0x2  }
0x3a2: {  	s8 =	smul.u32 $0x7, s8;
	_ =	sdelay $0x1  }
0x3a3: {  	v8 =	vld [tilespmem:s31+$0x760];
	s10 =	sand.u32 $0xF0, s25;
	s2 =	sshll.u32 s2, $0x2;
	s6 =	ssub.s32 s6, s8  }
0x3a4: {  	v9 =	vld [tilespmem:s10+$0x840];
	s2 =	sand.u32 $0xF0, s2;
	s6 =	sshll.u32 s6, $0x4  }
0x3a5: {  	v10 =	vld [tilespmem:s2+$0x760];
	s6 =	sand.u32 $0xF0, s6  }
0x3a6: {  	v11 =	vld [tilespmem:s6+$0x840]  }
0x3a7: {  	v5 =	vadd.s32 v5, v7  }
0x3a8: {  	[tilespmem:s29+$0x0] =	vst v5  }
0x3a9: {  	s26 =	sadd.s32 $0x10, s29;
	v5 =	vld [tilespmem:s1+$0x7D0];
	v59 =	vadd.s32 v8, v9  }
0x3aa: {  	v60 =	vld [tilespmem:s7+$0x8B0];
	[tilespmem:s26+$0x0] =	vst v59  }
0x3ab: {  	s1 =	sadd.s32 $0x10, s26;
	v7 =	vld [tilespmem:s31+$0x7D0];
	v61 =	vadd.s32 v10, v11  }
0x3ac: {  	v62 =	vld [tilespmem:s10+$0x8B0];
	[tilespmem:s1+$0x0] =	vst v61  }
0x3ad: {  	v9 =	vld [tilespmem:s2+$0x7D0]  }
0x3ae: {  	v63 =	vld [tilespmem:s6+$0x8B0];
	_ =	sdelay $0x1  }
0x3af: {  	v4 =	vmul.f32 v6, v4  }
0x3b0: {  	s0 =	sadd.s32 $0x10, s0;
	v5 =	vmul.f32 v60, v5  }
0x3b1: {  	[tilespmem:s0+$0x0] =	vst v4;
	s0 =	sadd.s32 $0x10, s0;
	v4 =	vmul.f32 v62, v7  }
0x3b2: {  	[tilespmem:s0+$0x0] =	vst v5;
	s0 =	sadd.s32 $0x10, s0;
	v5 =	vmul.f32 v63, v9  }
0x3b3: {  	[tilespmem:s0+$0x0] =	vst v4;
	s0 =	sadd.s32 $0x10, s0  }
0x3b4: {  	[tilespmem:s0+$0x0] =	vst v5  }
0x3b5: {  	[tilespmem:s15], [sflag:$0x2] =	stream.indirect.gather [hbm4b:s4+s11], $0x60, s23, s11, $0xb8;
	[tilespmem:$0x81E0] =	vst v63  }
0x3b6: {  	_ =	swait.ge [sflag:s16], $0x2A00  }
0x3b7: {  	s30 =	simm.s32 $0xC20;
	[sflag:s16] =	ssyncset.done $0x0  }
0x3b8: {  	s29 =	simm.s32 $0x0;
	s31 =	simm.s32 $0x0;
	[sflag:s16] =	ssyncadd.s32 $0xFFFFD600  }
.LBB2_35:
0x3b9: {  	v22 =	vld [tilespmem:s30+$0xFFFFFD20]  }
0x3ba: {  	v23 =	vld [tilespmem:s30+$0xFFFFFD80]  }
0x3bb: {  	v24 =	vld [tilespmem:s30+$0xFFFFFDE0]  }
0x3bc: {  	v25 =	vld [tilespmem:s30+$0xFFFFFE40]  }
0x3bd: {  	v26 =	vld [tilespmem:s30+$0xFFFFFEA0]  }
0x3be: {  	v27 =	vld [tilespmem:s30+$0xFFFFFF00]  }
0x3bf: {  	v28 =	vld [tilespmem:s30+$0xFFFFFF60]  }
0x3c0: {  	v29 =	vld [tilespmem:s30+$0xFFFFFFC0]  }
0x3c1: {  	v30 =	vld [tilespmem:s30+$0x20]  }
0x3c2: {  	v31 =	vld [tilespmem:s30+$0x80]  }
0x3c3: {  	v32 =	vld [tilespmem:s30+$0xE0]  }
0x3c4: {  	v33 =	vld [tilespmem:s30+$0x140]  }
0x3c5: {  	v34 =	vld [tilespmem:s30+$0x1A0]  }
0x3c6: {  	s0 =	sadd.s32 $0x1C, s31;
	v35 =	vld [tilespmem:s30+$0x200]  }
0x3c7: {  	v36 =	vld [tilespmem:s30+$0x260];
	s1 =	sshll.u32 s0, $0x4  }
0x3c8: {  	v37 =	vld [tilespmem:s30+$0x2C0];
	v4 =	vmov s1  }
0x3c9: {  	v38 =	vld [tilespmem:s30+$0xFFFFFD60];
	v5 =	vor.u32 $0x1, v4  }
0x3ca: {  	v39 =	vld [tilespmem:s30+$0xFFFFFDC0];
	v6 =	vor.u32 $0x2, v4  }
0x3cb: {  	v40 =	vld [tilespmem:s30+$0xFFFFFE20];
	v7 =	vor.u32 $0x3, v4  }
0x3cc: {  	v41 =	vld [tilespmem:s30+$0xFFFFFE80];
	v8 =	vor.u32 $0x4, v4  }
0x3cd: {  	v10 =	vor.u32 $0x5, v4;
	v9 =	vld.idx.msk [tilespmem:v4+s17+$0x0], $0xffff  }
0x3ce: {  	v11 =	vor.u32 $0x6, v4;
	v5 =	vld.idx.msk [tilespmem:v5+s17+$0x0], $0xffff  }
0x3cf: {  	v12 =	vor.u32 $0x7, v4;
	v6 =	vld.idx.msk [tilespmem:v6+s17+$0x0], $0xffff  }
0x3d0: {  	v13 =	vor.u32 $0x8, v4;
	v7 =	vld.idx.msk [tilespmem:v7+s17+$0x0], $0xffff  }
0x3d1: {  	v14 =	vor.u32 $0x9, v4;
	v8 =	vld.idx.msk [tilespmem:v8+s17+$0x0], $0xffff  }
0x3d2: {  	v15 =	vor.u32 $0xA, v4;
	v16 =	vor.u32 $0xB, v4;
	v17 =	vor.u32 $0xC, v4;
	v10 =	vld.idx.msk [tilespmem:v10+s17+$0x0], $0xffff  }
0x3d3: {  	v18 =	vor.u32 $0xD, v4;
	v19 =	vor.u32 $0xE, v4;
	v4 =	vor.u32 $0xF, v4;
	v11 =	vld.idx.msk [tilespmem:v11+s17+$0x0], $0xffff  }
0x3d4: {  	v12 =	vld.idx.msk [tilespmem:v12+s17+$0x0], $0xffff  }
0x3d5: {  	v13 =	vld.idx.msk [tilespmem:v13+s17+$0x0], $0xffff  }
0x3d6: {  	v14 =	vld.idx.msk [tilespmem:v14+s17+$0x0], $0xffff  }
0x3d7: {  	v15 =	vld.idx.msk [tilespmem:v15+s17+$0x0], $0xffff  }
0x3d8: {  	v21 =	vld.idx.msk [tilespmem:v4+s17+$0x0], $0xffff;
	v4 =	vpack.i.f32.bf16 v9, v9;
	v5 =	vpack.i.f32.bf16 v5, v5  }
0x3d9: {  	v16 =	vld.idx.msk [tilespmem:v16+s17+$0x0], $0xffff;
	v6 =	vpack.i.f32.bf16 v6, v6;
	v7 =	vpack.i.f32.bf16 v7, v7;
	v8 =	vpack.i.f32.bf16 v8, v8  }
0x3da: {  	v20 =	vld.idx.msk [tilespmem:v17+s17+$0x0], $0xffff;
	v9 =	vpack.i.f32.bf16 v10, v10;
	v10 =	vpack.i.f32.bf16 v11, v11;
	v11 =	vpack.i.f32.bf16 v12, v12  }
0x3db: {  	v18 =	vld.idx.msk [tilespmem:v18+s17+$0x0], $0xffff;
	v12 =	vpack.i.f32.bf16 v13, v13;
	v22 =	vmul.bf16 v22, v4;
	v23 =	vmul.bf16 v23, v5  }
0x3dc: {  	v19 =	vld.idx.msk [tilespmem:v19+s17+$0x0], $0xffff;
	v13 =	vpack.i.f32.bf16 v14, v14;
	v24 =	vmul.bf16 v24, v6;
	v25 =	vmul.bf16 v25, v7  }
0x3dd: {  	v42 =	vld [tilespmem:s30+$0xFFFFFEE0];
	v14 =	vpack.i.f32.bf16 v15, v15;
	v26 =	vmul.bf16 v26, v8;
	v27 =	vmul.bf16 v27, v9  }
0x3de: {  	v43 =	vld [tilespmem:s30+$0xFFFFFF40];
	v17 =	vpack.i.f32.bf16 v16, v16;
	v28 =	vmul.bf16 v28, v10;
	v29 =	vmul.bf16 v29, v11  }
0x3df: {  	v44 =	vld [tilespmem:s30+$0xFFFFFFA0];
	v15 =	vpack.i.f32.bf16 v20, v20;
	v30 =	vmul.bf16 v30, v12;
	v31 =	vmul.bf16 v31, v13  }
0x3e0: {  	v49 =	vld [tilespmem:s30+$0xFFFFFE90];
	v16 =	vpack.i.f32.bf16 v18, v18;
	v32 =	vmul.bf16 v32, v14;
	v33 =	vmul.bf16 v33, v17  }
0x3e1: {  	v45 =	vld [tilespmem:s30+$0x60];
	v18 =	vpack.i.f32.bf16 v19, v19;
	v34 =	vmul.bf16 v34, v15;
	v35 =	vmul.bf16 v35, v16  }
0x3e2: {  	v53 =	vld [tilespmem:s30+$0x1E0];
	v36 =	vmul.bf16 v36, v18;
	v50 =	vmul.bf16 v39, v6  }
0x3e3: {  	v57 =	vld [tilespmem:s30+$0x2A0];
	v52 =	vmul.bf16 v40, v7;
	v54 =	vmul.bf16 v41, v8  }
0x3e4: {  	v58 =	vld [tilespmem:s30+$0xFFFFFD10];
	v20 =	vadd.s32 s0, v1;
	v56 =	vmul.bf16 v42, v9;
	v60 =	vmul.bf16 v44, v11  }
0x3e5: {  	v48 =	vld [tilespmem:s30+$0xFFFFFE30];
	v40 =	vmul.bf16 v49, v8;
	v22 =	vadd.bf16 v23, v22;
	v25 =	vadd.bf16 v25, v24  }
0x3e6: {  	v23 =	vld [tilespmem:s30+$0x0];
	v26 =	vadd.bf16 v27, v26;
	v28 =	vadd.bf16 v29, v28;
	v24 =	vmul.bf16 v38, v5  }
0x3e7: {  	v27 =	vld [tilespmem:s30+$0xC0];
	v30 =	vadd.bf16 v31, v30;
	v31 =	vadd.bf16 v33, v32;
	v19 =	vpack.i.f32.bf16 v21, v21  }
0x3e8: {  	v29 =	vld [tilespmem:s30+$0x120];
	v34 =	vadd.bf16 v35, v34;
	v37 =	vmul.bf16 v37, v19;
	v25 =	vadd.bf16 v25, v22  }
0x3e9: {  	v33 =	vld [tilespmem:s30+$0x180];
	v32 =	vmul.bf16 v58, v4;
	v28 =	vadd.bf16 v28, v26;
	v30 =	vadd.bf16 v31, v30  }
0x3ea: {  	s25 =	simm.s32 $0xC40;
	v59 =	vld [tilespmem:s30+$0xFFFFFD70];
	v21 =	vadd.s32 s0, v3;
	v26 =	vadd.bf16 v52, v50;
	v51 =	vadd.bf16 v37, v36  }
0x3eb: {  	v55 =	vld [tilespmem:s30+$0x240];
	v22 =	vadd.s32 s29, v20;
	v61 =	vadd.s32 s25, v21;
	v35 =	vmul.bf16 v57, v19  }
0x3ec: {  	v46 =	vld [tilespmem:s30+$0xFFFFFEF0];
	v57 =	vmul.bf16 v48, v7;
	v23 =	vmul.bf16 v23, v12;
	v31 =	vadd.bf16 v51, v34  }
0x3ed: {  	v58 =	vld [tilespmem:s30+$0xD0];
	v25 =	vadd.bf16 v28, v25;
	v27 =	vmul.bf16 v27, v14;
	v29 =	vmul.bf16 v29, v17  }
0x3ee: {  	v52 =	vld [tilespmem:s30+$0xFFFFFFB0];
	v33 =	vmul.bf16 v33, v15;
	v28 =	vadd.bf16 v31, v30;
	v31 =	vmul.bf16 v43, v10  }
0x3ef: {  	v34 =	vadd.bf16 v56, v54;
	v54 =	vmul.bf16 v59, v5;
	v30 =	vadd.s32 s25, v20  }
0x3f0: {  	v51 =	vld [tilespmem:s30+$0xFFFFFF50];
	v63 =	vadd.bf16 v28, v25;
	v28 =	vmul.bf16 v45, v13;
	v31 =	vadd.bf16 v60, v31  }
0x3f1: {  	v62 =	vld [tilespmem:s30+$0xFFFFFDD0];
	v59 =	vmul.bf16 v46, v9;
	v27 =	vadd.bf16 v29, v27;
	v29 =	vmul.bf16 v55, v18  }
0x3f2: {  	v55 =	vld [tilespmem:s30+$0x70];
	v45 =	vadd.bf16 v28, v23;
	v28 =	vadd.bf16 v31, v34;
	v31 =	vmul.bf16 v53, v16  }
0x3f3: {  	v36 =	vmul.bf16 v58, v14;
	v37 =	vmul.bf16 v52, v11;
	v40 =	vadd.bf16 v59, v40;
	v53 =	vld [tilespmem:s30+$0x10]  }
0x3f4: {  	v29 =	vadd.bf16 v35, v29;
	v60 =	vld [tilespmem:s30+$0x130];
	v50 =	vunpack.i.l.bf16.f32 v63;
	v31 =	vadd.bf16 v31, v33  }
0x3f5: {  	p0 =	por $0x1, $0x1;
	v35 =	vadd.bf16 v54, v32;
	v34 =	vmul.bf16 v51, v10;
	[tilespmem:v30+s18+$0x0] =	vst.idx.msk $0xffff, v50;
	v30 =	vunpack.i.u.bf16.f32 v63  }
.Ltmp20:
0x3f6: {  	s26 =	simm.s32 $0x620;
	v56 =	vadd.bf16 v27, v45;
	v27 =	vmul.bf16 v62, v6;
	v29 =	vadd.bf16 v29, v31;
	v31 =	vld [tilespmem:s30+$0x190];
	(pc) =	sbr.rel @!p0 .LBB2_37-.Ltmp20, $4  }
0x3f7: {  	v32 =	vld [tilespmem:s30+$0x1F0];
	v25 =	vadd.s32 s26, v20;
	v23 =	vadd.s32 s26, v21;
	[tilespmem:v61+s18+$0x0] =	vst.idx.msk $0xffff, v30;
	v63 =	vadd.bf16 v37, v34  }
0x3f8: {  	v62 =	vmul.bf16 v55, v13;
	v33 =	vld [tilespmem:s30+$0x250];
	v30 =	vadd.bf16 v57, v27;
	v61 =	vmul.bf16 v53, v12  }
0x3f9: {  	v34 =	vld [tilespmem:s30+$0x2B0];
	v39 =	vmul.bf16 v60, v17;
	v38 =	vadd.bf16 v63, v40;
	v29 =	vadd.bf16 v29, v56  }
0x3fa: {  	s7 =	simm.s32 $0x0;
	s1 =	sadd.s32 $0x30, s30;
	s0 =	simm.s32 $0x0;
	v37 =	vld [tilespmem:s30+$0xFFFFFD00];
	v27 =	vadd.s32 s29, v21;
	v30 =	vadd.bf16 v30, v35;
	v35 =	vadd.bf16 v62, v61  }
.LBB2_36:
0x3fb: {  	v40 =	vld [tilespmem:s1+$0xFFFFFD20];
	v31 =	vmul.bf16 v31, v15;
	s2 =	smov.u32 s7  }
0x3fc: {  	v41 =	vld [tilespmem:s1+$0xFFFFFD80];
	v32 =	vmul.bf16 v32, v16;
	v36 =	vadd.bf16 v39, v36;
	v30 =	vadd.bf16 v38, v30  }
0x3fd: {  	v38 =	vld [tilespmem:s1+$0xFFFFFDE0];
	v33 =	vmul.bf16 v33, v18  }
0x3fe: {  	v39 =	vld [tilespmem:s1+$0xFFFFFE40];
	v34 =	vmul.bf16 v34, v19;
	v31 =	vadd.bf16 v32, v31;
	v32 =	vadd.bf16 v36, v35  }
0x3ff: {  	v35 =	vld [tilespmem:s1+$0xFFFFFEA0];
	v36 =	vmul.bf16 v37, v4  }
0x400: {  	v37 =	vld [tilespmem:s1+$0xFFFFFF00];
	v33 =	vadd.bf16 v34, v33  }
0x401: {  	v34 =	vld [tilespmem:s1+$0xFFFFFF60];
	v24 =	vadd.bf16 v24, v36  }
0x402: {  	v36 =	vld [tilespmem:s1+$0xFFFFFFC0];
	v31 =	vadd.bf16 v33, v31  }
0x403: {  	v33 =	vld [tilespmem:s1+$0x20];
	v24 =	vadd.bf16 v26, v24  }
0x404: {  	v26 =	vld [tilespmem:s1+$0x80];
	v31 =	vadd.bf16 v31, v32  }
0x405: {  	v32 =	vld [tilespmem:s1+$0xE0];
	v24 =	vadd.bf16 v28, v24  }
0x406: {  	v28 =	vld [tilespmem:s1+$0x140];
	v30 =	vadd.bf16 v31, v30  }
0x407: {  	v31 =	vmul.bf16 v40, v4;
	v40 =	vmul.bf16 v41, v5;
	v41 =	vld [tilespmem:s1+$0x1A0];
	v24 =	vadd.bf16 v29, v24  }
0x408: {  	v29 =	vmul.bf16 v38, v6;
	v38 =	vmul.bf16 v39, v7;
	v39 =	vld [tilespmem:s1+$0x200];
	v42 =	vunpack.i.u.bf16.f32 v30  }
0x409: {  	v35 =	vmul.bf16 v35, v8;
	v37 =	vmul.bf16 v37, v9;
	v43 =	vld [tilespmem:s1+$0x260];
	v44 =	vunpack.i.u.bf16.f32 v24  }
0x40a: {  	v34 =	vmul.bf16 v34, v10;
	v36 =	vmul.bf16 v36, v11;
	v24 =	vunpack.i.l.bf16.f32 v24;
	v45 =	vld [tilespmem:s1+$0x2C0]  }
0x40b: {  	s6 =	sadd.s32 $0x3, s7;
	v33 =	vmul.bf16 v33, v12;
	v26 =	vmul.bf16 v26, v13;
	v46 =	vld [tilespmem:s1+$0xFFFFFD60];
	[tilespmem:v22+s18+$0x0] =	vst.idx.msk $0xffff, v24;
	v22 =	vunpack.i.l.bf16.f32 v30  }
0x40c: {  	p0 =	slt.u32 s6, s7;
	v32 =	vmul.bf16 v32, v14;
	v28 =	vmul.bf16 v28, v17;
	v30 =	vld [tilespmem:s1+$0xFFFFFDC0];
	[tilespmem:v27+s18+$0x0] =	vst.idx.msk $0xffff, v44  }
0x40d: {  	v41 =	vmul.bf16 v41, v15;
	v27 =	vld [tilespmem:s1+$0xFFFFFE20];
	v39 =	vmul.bf16 v39, v16;
	[tilespmem:v25+s18+$0x0] =	vst.idx.msk $0xffff, v22  }
0x40e: {  	v31 =	vadd.bf16 v40, v31;
	v29 =	vadd.bf16 v38, v29;
	v22 =	vld [tilespmem:s1+$0xFFFFFE80];
	v25 =	vmul.bf16 v43, v18  }
0x40f: {  	v35 =	vadd.bf16 v37, v35;
	v34 =	vadd.bf16 v36, v34;
	v38 =	vld [tilespmem:s1+$0xFFFFFEE0];
	v40 =	vmul.bf16 v45, v19  }
0x410: {  	v26 =	vadd.bf16 v26, v33;
	v28 =	vadd.bf16 v28, v32;
	v24 =	vmul.bf16 v46, v5;
	v36 =	vld [tilespmem:s1+$0xFFFFFF40]  }
0x411: {  	v33 =	vadd.bf16 v39, v41;
	v30 =	vmul.bf16 v30, v6;
	v32 =	vld [tilespmem:s1+$0xFFFFFFA0];
	v25 =	vadd.bf16 v40, v25  }
0x412: {  	v29 =	vadd.bf16 v29, v31;
	v31 =	vadd.bf16 v34, v35;
	v27 =	vmul.bf16 v27, v7;
	v37 =	vld [tilespmem:s1+$0x0]  }
0x413: {  	s0 =	sadd.s32 $0x1260, s0;
	v28 =	vadd.bf16 v28, v26;
	v34 =	vmul.bf16 v22, v8;
	v35 =	vld [tilespmem:s1+$0x60];
	v25 =	vadd.bf16 v25, v33  }
0x414: {  	s2 =	sadd.s32 $0x620, s0;
	s7 =	sadd.s32 $0xC40, s0;
	v22 =	vadd.s32 s0, v20;
	v33 =	vmul.bf16 v38, v9;
	v38 =	vld [tilespmem:s1+$0xC0];
	v26 =	vadd.bf16 v27, v30;
	[tilespmem:v23+s18+$0x0] =	vst.idx.msk $0xffff, v42  }
0x415: {  	v23 =	vadd.bf16 v31, v29;
	v27 =	vld [tilespmem:s1+$0x120];
	v25 =	vadd.bf16 v25, v28;
	v28 =	vadd.s32 s7, v20  }
0x416: {  	v29 =	vmul.bf16 v36, v10;
	v30 =	vmul.bf16 v32, v11;
	v31 =	vld [tilespmem:s1+$0x180];
	v32 =	vadd.s32 s7, v21  }
0x417: {  	v33 =	vadd.bf16 v33, v34;
	v36 =	vmul.bf16 v37, v12;
	v37 =	vld [tilespmem:s1+$0x1E0];
	v34 =	vadd.bf16 v25, v23  }
0x418: {  	v25 =	vadd.s32 s2, v20;
	v35 =	vmul.bf16 v35, v13;
	v39 =	vld [tilespmem:s1+$0x240];
	v29 =	vadd.bf16 v30, v29  }
0x419: {  	v23 =	vadd.s32 s2, v21;
	v30 =	vmul.bf16 v38, v14;
	v38 =	vld [tilespmem:s1+$0x2A0];
	v40 =	vunpack.i.l.bf16.f32 v34  }
0x41a: {  	v34 =	vunpack.i.u.bf16.f32 v34;
	v41 =	vmul.bf16 v27, v17;
	v35 =	vadd.bf16 v35, v36;
	v36 =	vld [tilespmem:s1+$0xFFFFFD10];
	[tilespmem:v28+s18+$0x0] =	vst.idx.msk $0xffff, v40  }
0x41b: {  	v28 =	vadd.bf16 v29, v33;
	v27 =	vadd.s32 s0, v21;
	v31 =	vmul.bf16 v31, v15;
	v29 =	vld [tilespmem:s1+$0xFFFFFD70];
	[tilespmem:v32+s18+$0x0] =	vst.idx.msk $0xffff, v34  }
0x41c: {  	v32 =	vmul.bf16 v37, v16;
	v30 =	vadd.bf16 v41, v30;
	v33 =	vld [tilespmem:s1+$0xFFFFFDD0]  }
0x41d: {  	v34 =	vmul.bf16 v39, v18;
	v37 =	vld [tilespmem:s1+$0xFFFFFE30]  }
0x41e: {  	v38 =	vmul.bf16 v38, v19;
	v31 =	vadd.bf16 v32, v31;
	v30 =	vadd.bf16 v30, v35;
	v32 =	vld [tilespmem:s1+$0xFFFFFE90]  }
0x41f: {  	v35 =	vmul.bf16 v36, v4;
	v36 =	vld [tilespmem:s1+$0xFFFFFEF0]  }
0x420: {  	v34 =	vadd.bf16 v38, v34;
	v29 =	vmul.bf16 v29, v5;
	v38 =	vld [tilespmem:s1+$0xFFFFFF50]  }
0x421: {  	v33 =	vmul.bf16 v33, v6;
	v39 =	vld [tilespmem:s1+$0xFFFFFFB0]  }
0x422: {  	v31 =	vadd.bf16 v34, v31;
	v34 =	vmul.bf16 v37, v7;
	v37 =	vld [tilespmem:s1+$0x10];
	v35 =	vadd.bf16 v29, v35  }
0x423: {  	v32 =	vmul.bf16 v32, v8;
	v40 =	vld [tilespmem:s1+$0x70]  }
0x424: {  	v29 =	vadd.bf16 v31, v30;
	v30 =	vmul.bf16 v36, v9;
	v36 =	vld [tilespmem:s1+$0xD0];
	v33 =	vadd.bf16 v34, v33  }
0x425: {  	v34 =	vmul.bf16 v38, v10;
	v38 =	vld [tilespmem:s1+$0x130]  }
.Ltmp21:
0x426: {  	v39 =	vmul.bf16 v39, v11;
	v31 =	vld [tilespmem:s1+$0x190];
	v41 =	vadd.bf16 v30, v32;
	v30 =	vadd.bf16 v33, v35;
	(pc) =	sbr.rel @p0 .LBB2_36-.Ltmp21, $4  }
0x427: {  	v35 =	vmul.bf16 v37, v12;
	v32 =	vld [tilespmem:s1+$0x1F0]  }
0x428: {  	v40 =	vmul.bf16 v40, v13;
	v33 =	vld [tilespmem:s1+$0x250];
	v42 =	vadd.bf16 v39, v34  }
0x429: {  	v36 =	vmul.bf16 v36, v14;
	v34 =	vld [tilespmem:s1+$0x2B0]  }
0x42a: {  	s7 =	smov.u32 s6;
	v37 =	vld [tilespmem:s1+$0xFFFFFD00];
	v39 =	vmul.bf16 v38, v17;
	v35 =	vadd.bf16 v40, v35;
	v38 =	vadd.bf16 v42, v41;
	s1 =	sadd.s32 $0x30, s1  }
.LBB2_37:
0x42b: {  	_ =	sdelay $0x1  }
0x42c: {  	v5 =	vmul.bf16 v31, v15;
	v6 =	vmul.bf16 v32, v16  }
0x42d: {  	v7 =	vmul.bf16 v33, v18;
	v8 =	vmul.bf16 v34, v19  }
0x42e: {  	v9 =	vadd.bf16 v39, v36;
	v4 =	vmul.bf16 v37, v4  }
0x42f: {  	v5 =	vadd.bf16 v6, v5;
	v59 =	vadd.bf16 v8, v7  }
0x430: {  	v4 =	vadd.bf16 v24, v4  }
0x431: {  	v60 =	vadd.bf16 v9, v35;
	v5 =	vadd.bf16 v59, v5  }
0x432: {  	v4 =	vadd.bf16 v26, v4  }
0x433: {  	v61 =	vadd.bf16 v38, v30;
	v5 =	vadd.bf16 v5, v60  }
0x434: {  	v4 =	vadd.bf16 v28, v4  }
0x435: {  	s31 =	sadd.s32 $0x1, s31;
	v5 =	vadd.bf16 v5, v61  }
0x436: {  	p0 =	sne.s32 s31, $0x7;
	v4 =	vadd.bf16 v29, v4  }
.Ltmp22:
0x437: {  	v63 =	vunpack.i.l.bf16.f32 v5;
	(pc) =	sbr.rel @p0 .LBB2_35-.Ltmp22, $4  }
0x438: {  	v62 =	vunpack.i.l.bf16.f32 v4;
	[tilespmem:v25+s18+$0x0] =	vst.idx.msk $0xffff, v63  }
0x439: {  	v4 =	vunpack.i.u.bf16.f32 v4;
	[tilespmem:v22+s18+$0x0] =	vst.idx.msk $0xffff, v62  }
0x43a: {  	[tilespmem:v27+s18+$0x0] =	vst.idx.msk $0xffff, v4;
	v4 =	vunpack.i.u.bf16.f32 v5  }
0x43b: {  	s30 =	sadd.s32 $0x600, s30;
	[tilespmem:v23+s18+$0x0] =	vst.idx.msk $0xffff, v4  }
0x43c: {  	s0 =	simm.s32 $0x2A  }
0x43d: {  	s0 =	smul.u32 $0x25, s0;
	_ =	sdelay $0x1  }
0x43e: {  	s0 =	sshrl.u32 s0, $0x8  }
0x43f: {  	s1 =	ssub.s32 $0x2A, s0  }
0x440: {  	s1 =	sand.u32 $0xFE, s1  }
0x441: {  	s2 =	simm.s32 $0x2B;
	s1 =	sshrl.u32 s1, $0x1  }
0x442: {  	s2 =	smul.u32 $0x25, s2;
	s0 =	sadd.s32 s0, s1  }
0x443: {  	s1 =	sshrl.u32 s0, $0x2  }
0x444: {  	s2 =	sshrl.u32 s2, $0x8;
	s1 =	smul.u32 $0x7, s1  }
0x445: {  	s7 =	simm.s32 $0x2C;
	s6 =	ssub.s32 $0x2B, s2  }
0x446: {  	s6 =	sand.u32 $0xFE, s6;
	s0 =	sshll.u32 s0, $0x2;
	s1 =	ssub.s32 $0x2A, s1  }
0x447: {  	s6 =	sshrl.u32 s6, $0x1;
	s0 =	sand.u32 $0xF0, s0;
	s1 =	sshll.u32 s1, $0x4  }
0x448: {  	s7 =	smul.u32 $0x25, s7;
	s2 =	sadd.s32 s2, s6;
	v4 =	vld [tilespmem:s0+$0x760];
	s1 =	sand.u32 $0xF0, s1  }
0x449: {  	s6 =	sshrl.u32 s2, $0x2;
	v5 =	vld [tilespmem:s1+$0x840]  }
0x44a: {  	s10 =	simm.s32 $0x2D;
	s7 =	sshrl.u32 s7, $0x8;
	s6 =	smul.u32 $0x7, s6  }
0x44b: {  	s10 =	smul.u32 $0x25, s10;
	s8 =	ssub.s32 $0x2C, s7  }
0x44c: {  	s8 =	sand.u32 $0xFE, s8;
	s2 =	sshll.u32 s2, $0x2;
	s6 =	ssub.s32 $0x2B, s6  }
0x44d: {  	s8 =	sshrl.u32 s8, $0x1;
	s2 =	sand.u32 $0xF0, s2;
	s6 =	sshll.u32 s6, $0x4  }
0x44e: {  	s12 =	simm.s32 $0x3E0;
	s7 =	sadd.s32 s7, s8;
	v6 =	vld [tilespmem:s2+$0x760];
	s25 =	sand.u32 $0xF0, s6;
	v4 =	vadd.s32 v4, v5  }
0x44f: {  	s8 =	sshrl.u32 s10, $0x8;
	s26 =	sshrl.u32 s7, $0x2;
	v5 =	vld [tilespmem:s25+$0x840];
	[tilespmem:s12+$0x0] =	vst v4  }
0x450: {  	s10 =	smul.u32 $0x7, s26;
	s26 =	ssub.s32 $0x2D, s8;
	v7 =	vld [tilespmem:s0+$0x7D0]  }
0x451: {  	s30 =	simm.s32 $0x2F;
	s7 =	sshll.u32 s7, $0x2;
	s26 =	sand.u32 $0xFE, s26;
	v8 =	vld [tilespmem:s1+$0x8B0]  }
0x452: {  	s10 =	ssub.s32 $0x2C, s10;
	s6 =	simm.s32 $0x2E;
	s1 =	sshrl.u32 s26, $0x1  }
0x453: {  	s12 =	simm.s32 $0x3F0;
	s26 =	smul.u32 $0x25, s6;
	s31 =	sadd.s32 s8, s1  }
0x454: {  	s1 =	sand.u32 $0xF0, s7;
	s8 =	sshll.u32 s10, $0x4;
	s10 =	sshrl.u32 s31, $0x2  }
0x455: {  	s7 =	sand.u32 $0xF0, s8;
	s8 =	sshrl.u32 s26, $0x8;
	v4 =	vadd.s32 v6, v5;
	v5 =	vld [tilespmem:s1+$0x760];
	s10 =	smul.u32 $0x7, s10  }
0x456: {  	s29 =	simm.s32 $0x400;
	s0 =	simm.s32 $0x6F0;
	s26 =	ssub.s32 $0x2E, s8;
	[tilespmem:s12+$0x0] =	vst v4;
	v8 =	vmul.f32 v8, v7;
	v7 =	vld [tilespmem:s7+$0x840]  }
0x457: {  	s12 =	sshll.u32 s31, $0x2;
	v4 =	vld [tilespmem:s2+$0x7D0];
	s2 =	sand.u32 $0xFE, s26;
	s10 =	ssub.s32 $0x2D, s10  }
0x458: {  	v6 =	vld [tilespmem:s25+$0x8B0];
	s31 =	sand.u32 $0xF0, s12;
	s26 =	sshrl.u32 s2, $0x1;
	s25 =	sshll.u32 s10, $0x4;
	[tilespmem:s0+$0x0] =	vst v8  }
.LBB2_39:
0x459: {  	s2 =	smul.u32 $0x25, s30  }
0x45a: {  	s10 =	sadd.s32 s8, s26;
	s12 =	smov.u32 s7;
	s7 =	sand.u32 $0xF0, s25  }
0x45b: {  	v8 =	vadd.s32 v5, v7;
	v5 =	vld [tilespmem:s31+$0x760];
	s25 =	smov.u32 s6;
	s6 =	smov.u32 s30;
	p0 =	sne.s32 s30, $0x30  }
.Ltmp23:
0x45c: {  	s30 =	sadd.s32 $0x1, s30;
	s26 =	sshrl.u32 s10, $0x2;
	v7 =	vld [tilespmem:s7+$0x840];
	[tilespmem:s29+$0x0] =	vst v8;
	(pc) =	sbr.rel @p0 .LBB2_39-.Ltmp23, $4  }
0x45d: {  	s8 =	sshrl.u32 s2, $0x8;
	s2 =	smul.u32 $0x7, s26;
	v8 =	vmul.f32 v6, v4;
	v4 =	vld [tilespmem:s1+$0x7D0];
	s1 =	smov.u32 s31  }
0x45e: {  	s0 =	sadd.s32 $0x10, s0;
	s29 =	sadd.s32 $0x10, s29;
	s26 =	ssub.s32 s6, s8;
	v6 =	vld [tilespmem:s12+$0x8B0]  }
0x45f: {  	s10 =	sshll.u32 s10, $0x2;
	s12 =	sand.u32 $0xFE, s26;
	s2 =	ssub.s32 s25, s2;
	[tilespmem:s0+$0x0] =	vst v8  }
0x460: {  	s31 =	sand.u32 $0xF0, s10;
	s26 =	sshrl.u32 s12, $0x1;
	s25 =	sshll.u32 s2, $0x4  }
0x461: {  	s2 =	sadd.s32 s8, s26  }
0x462: {  	s8 =	sshrl.u32 s2, $0x2  }
0x463: {  	s8 =	smul.u32 $0x7, s8;
	_ =	sdelay $0x1  }
0x464: {  	v8 =	vld [tilespmem:s31+$0x760];
	s10 =	sand.u32 $0xF0, s25;
	s2 =	sshll.u32 s2, $0x2;
	s6 =	ssub.s32 s6, s8  }
0x465: {  	v9 =	vld [tilespmem:s10+$0x840];
	s2 =	sand.u32 $0xF0, s2;
	s6 =	sshll.u32 s6, $0x4  }
0x466: {  	v10 =	vld [tilespmem:s2+$0x760];
	s6 =	sand.u32 $0xF0, s6  }
0x467: {  	v11 =	vld [tilespmem:s6+$0x840]  }
0x468: {  	v5 =	vadd.s32 v5, v7  }
0x469: {  	[tilespmem:s29+$0x0] =	vst v5  }
0x46a: {  	s26 =	sadd.s32 $0x10, s29;
	v5 =	vld [tilespmem:s1+$0x7D0];
	v59 =	vadd.s32 v8, v9  }
0x46b: {  	v60 =	vld [tilespmem:s7+$0x8B0];
	[tilespmem:s26+$0x0] =	vst v59  }
0x46c: {  	s1 =	sadd.s32 $0x10, s26;
	v7 =	vld [tilespmem:s31+$0x7D0];
	v61 =	vadd.s32 v10, v11  }
0x46d: {  	v62 =	vld [tilespmem:s10+$0x8B0];
	[tilespmem:s1+$0x0] =	vst v61  }
0x46e: {  	v9 =	vld [tilespmem:s2+$0x7D0]  }
0x46f: {  	v63 =	vld [tilespmem:s6+$0x8B0];
	_ =	sdelay $0x1  }
0x470: {  	v4 =	vmul.f32 v6, v4  }
0x471: {  	s0 =	sadd.s32 $0x10, s0;
	v5 =	vmul.f32 v60, v5  }
0x472: {  	[tilespmem:s0+$0x0] =	vst v4;
	s0 =	sadd.s32 $0x10, s0;
	v4 =	vmul.f32 v62, v7  }
0x473: {  	[tilespmem:s0+$0x0] =	vst v5;
	s0 =	sadd.s32 $0x10, s0;
	v5 =	vmul.f32 v63, v9  }
0x474: {  	[tilespmem:s0+$0x0] =	vst v4;
	s0 =	sadd.s32 $0x10, s0  }
0x475: {  	[tilespmem:s0+$0x0] =	vst v5  }
0x476: {  	[tilespmem:s13], [sflag:$0x1] =	stream.indirect.gather [hbm4b:s4+s11], $0x60, s24, s11, $0xb8;
	[tilespmem:$0x81E0] =	vst v63  }
0x477: {  	_ =	swait.ge [sflag:s20], $0x2A00  }
0x478: {  	s30 =	simm.s32 $0x3620;
	[sflag:s20] =	ssyncset.done $0x0  }
0x479: {  	s29 =	simm.s32 $0x0;
	s31 =	simm.s32 $0x0;
	[sflag:s20] =	ssyncadd.s32 $0xFFFFD600  }
.LBB2_41:
0x47a: {  	v22 =	vld [tilespmem:s30+$0xFFFFFD20]  }
0x47b: {  	v23 =	vld [tilespmem:s30+$0xFFFFFD80]  }
0x47c: {  	v24 =	vld [tilespmem:s30+$0xFFFFFDE0]  }
0x47d: {  	v25 =	vld [tilespmem:s30+$0xFFFFFE40]  }
0x47e: {  	v26 =	vld [tilespmem:s30+$0xFFFFFEA0]  }
0x47f: {  	v27 =	vld [tilespmem:s30+$0xFFFFFF00]  }
0x480: {  	v28 =	vld [tilespmem:s30+$0xFFFFFF60]  }
0x481: {  	v29 =	vld [tilespmem:s30+$0xFFFFFFC0]  }
0x482: {  	v30 =	vld [tilespmem:s30+$0x20]  }
0x483: {  	v31 =	vld [tilespmem:s30+$0x80]  }
0x484: {  	v32 =	vld [tilespmem:s30+$0xE0]  }
0x485: {  	v33 =	vld [tilespmem:s30+$0x140]  }
0x486: {  	v34 =	vld [tilespmem:s30+$0x1A0]  }
0x487: {  	s0 =	sadd.s32 $0x23, s31;
	v35 =	vld [tilespmem:s30+$0x200]  }
0x488: {  	v36 =	vld [tilespmem:s30+$0x260];
	s1 =	sshll.u32 s0, $0x4  }
0x489: {  	v37 =	vld [tilespmem:s30+$0x2C0];
	v4 =	vmov s1  }
0x48a: {  	v38 =	vld [tilespmem:s30+$0xFFFFFD60];
	v5 =	vor.u32 $0x1, v4  }
0x48b: {  	v39 =	vld [tilespmem:s30+$0xFFFFFDC0];
	v6 =	vor.u32 $0x2, v4  }
0x48c: {  	v40 =	vld [tilespmem:s30+$0xFFFFFE20];
	v7 =	vor.u32 $0x3, v4  }
0x48d: {  	v41 =	vld [tilespmem:s30+$0xFFFFFE80];
	v8 =	vor.u32 $0x4, v4  }
0x48e: {  	v10 =	vor.u32 $0x5, v4;
	v9 =	vld.idx.msk [tilespmem:v4+s17+$0x0], $0xffff  }
0x48f: {  	v11 =	vor.u32 $0x6, v4;
	v5 =	vld.idx.msk [tilespmem:v5+s17+$0x0], $0xffff  }
0x490: {  	v12 =	vor.u32 $0x7, v4;
	v6 =	vld.idx.msk [tilespmem:v6+s17+$0x0], $0xffff  }
0x491: {  	v13 =	vor.u32 $0x8, v4;
	v7 =	vld.idx.msk [tilespmem:v7+s17+$0x0], $0xffff  }
0x492: {  	v14 =	vor.u32 $0x9, v4;
	v8 =	vld.idx.msk [tilespmem:v8+s17+$0x0], $0xffff  }
0x493: {  	v15 =	vor.u32 $0xA, v4;
	v16 =	vor.u32 $0xB, v4;
	v17 =	vor.u32 $0xC, v4;
	v10 =	vld.idx.msk [tilespmem:v10+s17+$0x0], $0xffff  }
0x494: {  	v18 =	vor.u32 $0xD, v4;
	v19 =	vor.u32 $0xE, v4;
	v4 =	vor.u32 $0xF, v4;
	v11 =	vld.idx.msk [tilespmem:v11+s17+$0x0], $0xffff  }
0x495: {  	v12 =	vld.idx.msk [tilespmem:v12+s17+$0x0], $0xffff  }
0x496: {  	v13 =	vld.idx.msk [tilespmem:v13+s17+$0x0], $0xffff  }
0x497: {  	v14 =	vld.idx.msk [tilespmem:v14+s17+$0x0], $0xffff  }
0x498: {  	v15 =	vld.idx.msk [tilespmem:v15+s17+$0x0], $0xffff  }
0x499: {  	v21 =	vld.idx.msk [tilespmem:v4+s17+$0x0], $0xffff;
	v4 =	vpack.i.f32.bf16 v9, v9;
	v5 =	vpack.i.f32.bf16 v5, v5  }
0x49a: {  	v16 =	vld.idx.msk [tilespmem:v16+s17+$0x0], $0xffff;
	v6 =	vpack.i.f32.bf16 v6, v6;
	v7 =	vpack.i.f32.bf16 v7, v7;
	v8 =	vpack.i.f32.bf16 v8, v8  }
0x49b: {  	v20 =	vld.idx.msk [tilespmem:v17+s17+$0x0], $0xffff;
	v9 =	vpack.i.f32.bf16 v10, v10;
	v10 =	vpack.i.f32.bf16 v11, v11;
	v11 =	vpack.i.f32.bf16 v12, v12  }
0x49c: {  	v18 =	vld.idx.msk [tilespmem:v18+s17+$0x0], $0xffff;
	v12 =	vpack.i.f32.bf16 v13, v13;
	v22 =	vmul.bf16 v22, v4;
	v23 =	vmul.bf16 v23, v5  }
0x49d: {  	v19 =	vld.idx.msk [tilespmem:v19+s17+$0x0], $0xffff;
	v13 =	vpack.i.f32.bf16 v14, v14;
	v24 =	vmul.bf16 v24, v6;
	v25 =	vmul.bf16 v25, v7  }
0x49e: {  	v42 =	vld [tilespmem:s30+$0xFFFFFEE0];
	v14 =	vpack.i.f32.bf16 v15, v15;
	v26 =	vmul.bf16 v26, v8;
	v27 =	vmul.bf16 v27, v9  }
0x49f: {  	v43 =	vld [tilespmem:s30+$0xFFFFFF40];
	v17 =	vpack.i.f32.bf16 v16, v16;
	v28 =	vmul.bf16 v28, v10;
	v29 =	vmul.bf16 v29, v11  }
0x4a0: {  	v44 =	vld [tilespmem:s30+$0xFFFFFFA0];
	v15 =	vpack.i.f32.bf16 v20, v20;
	v30 =	vmul.bf16 v30, v12;
	v31 =	vmul.bf16 v31, v13  }
0x4a1: {  	v49 =	vld [tilespmem:s30+$0xFFFFFE90];
	v16 =	vpack.i.f32.bf16 v18, v18;
	v32 =	vmul.bf16 v32, v14;
	v33 =	vmul.bf16 v33, v17  }
0x4a2: {  	v45 =	vld [tilespmem:s30+$0x60];
	v18 =	vpack.i.f32.bf16 v19, v19;
	v34 =	vmul.bf16 v34, v15;
	v35 =	vmul.bf16 v35, v16  }
0x4a3: {  	v53 =	vld [tilespmem:s30+$0x1E0];
	v36 =	vmul.bf16 v36, v18;
	v50 =	vmul.bf16 v39, v6  }
0x4a4: {  	v57 =	vld [tilespmem:s30+$0x2A0];
	v52 =	vmul.bf16 v40, v7;
	v54 =	vmul.bf16 v41, v8  }
0x4a5: {  	v58 =	vld [tilespmem:s30+$0xFFFFFD10];
	v20 =	vadd.s32 s0, v1;
	v56 =	vmul.bf16 v42, v9;
	v60 =	vmul.bf16 v44, v11  }
0x4a6: {  	v48 =	vld [tilespmem:s30+$0xFFFFFE30];
	v40 =	vmul.bf16 v49, v8;
	v22 =	vadd.bf16 v23, v22;
	v25 =	vadd.bf16 v25, v24  }
0x4a7: {  	v23 =	vld [tilespmem:s30+$0x0];
	v26 =	vadd.bf16 v27, v26;
	v28 =	vadd.bf16 v29, v28;
	v24 =	vmul.bf16 v38, v5  }
0x4a8: {  	v27 =	vld [tilespmem:s30+$0xC0];
	v30 =	vadd.bf16 v31, v30;
	v31 =	vadd.bf16 v33, v32;
	v19 =	vpack.i.f32.bf16 v21, v21  }
0x4a9: {  	v29 =	vld [tilespmem:s30+$0x120];
	v34 =	vadd.bf16 v35, v34;
	v37 =	vmul.bf16 v37, v19;
	v25 =	vadd.bf16 v25, v22  }
0x4aa: {  	v33 =	vld [tilespmem:s30+$0x180];
	v32 =	vmul.bf16 v58, v4;
	v28 =	vadd.bf16 v28, v26;
	v30 =	vadd.bf16 v31, v30  }
0x4ab: {  	s25 =	simm.s32 $0xC40;
	v59 =	vld [tilespmem:s30+$0xFFFFFD70];
	v21 =	vadd.s32 s0, v3;
	v26 =	vadd.bf16 v52, v50;
	v51 =	vadd.bf16 v37, v36  }
0x4ac: {  	v55 =	vld [tilespmem:s30+$0x240];
	v22 =	vadd.s32 s29, v20;
	v61 =	vadd.s32 s25, v21;
	v35 =	vmul.bf16 v57, v19  }
0x4ad: {  	v46 =	vld [tilespmem:s30+$0xFFFFFEF0];
	v57 =	vmul.bf16 v48, v7;
	v23 =	vmul.bf16 v23, v12;
	v31 =	vadd.bf16 v51, v34  }
0x4ae: {  	v58 =	vld [tilespmem:s30+$0xD0];
	v25 =	vadd.bf16 v28, v25;
	v27 =	vmul.bf16 v27, v14;
	v29 =	vmul.bf16 v29, v17  }
0x4af: {  	v52 =	vld [tilespmem:s30+$0xFFFFFFB0];
	v33 =	vmul.bf16 v33, v15;
	v28 =	vadd.bf16 v31, v30;
	v31 =	vmul.bf16 v43, v10  }
0x4b0: {  	v34 =	vadd.bf16 v56, v54;
	v54 =	vmul.bf16 v59, v5;
	v30 =	vadd.s32 s25, v20  }
0x4b1: {  	v51 =	vld [tilespmem:s30+$0xFFFFFF50];
	v63 =	vadd.bf16 v28, v25;
	v28 =	vmul.bf16 v45, v13;
	v31 =	vadd.bf16 v60, v31  }
0x4b2: {  	v62 =	vld [tilespmem:s30+$0xFFFFFDD0];
	v59 =	vmul.bf16 v46, v9;
	v27 =	vadd.bf16 v29, v27;
	v29 =	vmul.bf16 v55, v18  }
0x4b3: {  	v55 =	vld [tilespmem:s30+$0x70];
	v45 =	vadd.bf16 v28, v23;
	v28 =	vadd.bf16 v31, v34;
	v31 =	vmul.bf16 v53, v16  }
0x4b4: {  	v36 =	vmul.bf16 v58, v14;
	v37 =	vmul.bf16 v52, v11;
	v40 =	vadd.bf16 v59, v40;
	v53 =	vld [tilespmem:s30+$0x10]  }
0x4b5: {  	v29 =	vadd.bf16 v35, v29;
	v60 =	vld [tilespmem:s30+$0x130];
	v50 =	vunpack.i.l.bf16.f32 v63;
	v31 =	vadd.bf16 v31, v33  }
0x4b6: {  	p0 =	por $0x1, $0x1;
	v35 =	vadd.bf16 v54, v32;
	v34 =	vmul.bf16 v51, v10;
	[tilespmem:v30+s18+$0x0] =	vst.idx.msk $0xffff, v50;
	v30 =	vunpack.i.u.bf16.f32 v63  }
.Ltmp24:
0x4b7: {  	s26 =	simm.s32 $0x620;
	v56 =	vadd.bf16 v27, v45;
	v27 =	vmul.bf16 v62, v6;
	v29 =	vadd.bf16 v29, v31;
	v31 =	vld [tilespmem:s30+$0x190];
	(pc) =	sbr.rel @!p0 .LBB2_43-.Ltmp24, $4  }
0x4b8: {  	v32 =	vld [tilespmem:s30+$0x1F0];
	v25 =	vadd.s32 s26, v20;
	v23 =	vadd.s32 s26, v21;
	[tilespmem:v61+s18+$0x0] =	vst.idx.msk $0xffff, v30;
	v63 =	vadd.bf16 v37, v34  }
0x4b9: {  	v62 =	vmul.bf16 v55, v13;
	v33 =	vld [tilespmem:s30+$0x250];
	v30 =	vadd.bf16 v57, v27;
	v61 =	vmul.bf16 v53, v12  }
0x4ba: {  	v34 =	vld [tilespmem:s30+$0x2B0];
	v39 =	vmul.bf16 v60, v17;
	v38 =	vadd.bf16 v63, v40;
	v29 =	vadd.bf16 v29, v56  }
0x4bb: {  	s7 =	simm.s32 $0x0;
	s1 =	sadd.s32 $0x30, s30;
	s0 =	simm.s32 $0x0;
	v37 =	vld [tilespmem:s30+$0xFFFFFD00];
	v27 =	vadd.s32 s29, v21;
	v30 =	vadd.bf16 v30, v35;
	v35 =	vadd.bf16 v62, v61  }
.LBB2_42:
0x4bc: {  	v40 =	vld [tilespmem:s1+$0xFFFFFD20];
	v31 =	vmul.bf16 v31, v15;
	s2 =	smov.u32 s7  }
0x4bd: {  	v41 =	vld [tilespmem:s1+$0xFFFFFD80];
	v32 =	vmul.bf16 v32, v16;
	v36 =	vadd.bf16 v39, v36;
	v30 =	vadd.bf16 v38, v30  }
0x4be: {  	v38 =	vld [tilespmem:s1+$0xFFFFFDE0];
	v33 =	vmul.bf16 v33, v18  }
0x4bf: {  	v39 =	vld [tilespmem:s1+$0xFFFFFE40];
	v34 =	vmul.bf16 v34, v19;
	v31 =	vadd.bf16 v32, v31;
	v32 =	vadd.bf16 v36, v35  }
0x4c0: {  	v35 =	vld [tilespmem:s1+$0xFFFFFEA0];
	v36 =	vmul.bf16 v37, v4  }
0x4c1: {  	v37 =	vld [tilespmem:s1+$0xFFFFFF00];
	v33 =	vadd.bf16 v34, v33  }
0x4c2: {  	v34 =	vld [tilespmem:s1+$0xFFFFFF60];
	v24 =	vadd.bf16 v24, v36  }
0x4c3: {  	v36 =	vld [tilespmem:s1+$0xFFFFFFC0];
	v31 =	vadd.bf16 v33, v31  }
0x4c4: {  	v33 =	vld [tilespmem:s1+$0x20];
	v24 =	vadd.bf16 v26, v24  }
0x4c5: {  	v26 =	vld [tilespmem:s1+$0x80];
	v31 =	vadd.bf16 v31, v32  }
0x4c6: {  	v32 =	vld [tilespmem:s1+$0xE0];
	v24 =	vadd.bf16 v28, v24  }
0x4c7: {  	v28 =	vld [tilespmem:s1+$0x140];
	v30 =	vadd.bf16 v31, v30  }
0x4c8: {  	v31 =	vmul.bf16 v40, v4;
	v40 =	vmul.bf16 v41, v5;
	v41 =	vld [tilespmem:s1+$0x1A0];
	v24 =	vadd.bf16 v29, v24  }
0x4c9: {  	v29 =	vmul.bf16 v38, v6;
	v38 =	vmul.bf16 v39, v7;
	v39 =	vld [tilespmem:s1+$0x200];
	v42 =	vunpack.i.u.bf16.f32 v30  }
0x4ca: {  	v35 =	vmul.bf16 v35, v8;
	v37 =	vmul.bf16 v37, v9;
	v43 =	vld [tilespmem:s1+$0x260];
	v44 =	vunpack.i.u.bf16.f32 v24  }
0x4cb: {  	v34 =	vmul.bf16 v34, v10;
	v36 =	vmul.bf16 v36, v11;
	v24 =	vunpack.i.l.bf16.f32 v24;
	v45 =	vld [tilespmem:s1+$0x2C0]  }
0x4cc: {  	s6 =	sadd.s32 $0x3, s7;
	v33 =	vmul.bf16 v33, v12;
	v26 =	vmul.bf16 v26, v13;
	v46 =	vld [tilespmem:s1+$0xFFFFFD60];
	[tilespmem:v22+s18+$0x0] =	vst.idx.msk $0xffff, v24;
	v22 =	vunpack.i.l.bf16.f32 v30  }
0x4cd: {  	p0 =	slt.u32 s6, s7;
	v32 =	vmul.bf16 v32, v14;
	v28 =	vmul.bf16 v28, v17;
	v30 =	vld [tilespmem:s1+$0xFFFFFDC0];
	[tilespmem:v27+s18+$0x0] =	vst.idx.msk $0xffff, v44  }
0x4ce: {  	v41 =	vmul.bf16 v41, v15;
	v27 =	vld [tilespmem:s1+$0xFFFFFE20];
	v39 =	vmul.bf16 v39, v16;
	[tilespmem:v25+s18+$0x0] =	vst.idx.msk $0xffff, v22  }
0x4cf: {  	v31 =	vadd.bf16 v40, v31;
	v29 =	vadd.bf16 v38, v29;
	v22 =	vld [tilespmem:s1+$0xFFFFFE80];
	v25 =	vmul.bf16 v43, v18  }
0x4d0: {  	v35 =	vadd.bf16 v37, v35;
	v34 =	vadd.bf16 v36, v34;
	v38 =	vld [tilespmem:s1+$0xFFFFFEE0];
	v40 =	vmul.bf16 v45, v19  }
0x4d1: {  	v26 =	vadd.bf16 v26, v33;
	v28 =	vadd.bf16 v28, v32;
	v24 =	vmul.bf16 v46, v5;
	v36 =	vld [tilespmem:s1+$0xFFFFFF40]  }
0x4d2: {  	v33 =	vadd.bf16 v39, v41;
	v30 =	vmul.bf16 v30, v6;
	v32 =	vld [tilespmem:s1+$0xFFFFFFA0];
	v25 =	vadd.bf16 v40, v25  }
0x4d3: {  	v29 =	vadd.bf16 v29, v31;
	v31 =	vadd.bf16 v34, v35;
	v27 =	vmul.bf16 v27, v7;
	v37 =	vld [tilespmem:s1+$0x0]  }
0x4d4: {  	s0 =	sadd.s32 $0x1260, s0;
	v28 =	vadd.bf16 v28, v26;
	v34 =	vmul.bf16 v22, v8;
	v35 =	vld [tilespmem:s1+$0x60];
	v25 =	vadd.bf16 v25, v33  }
0x4d5: {  	s2 =	sadd.s32 $0x620, s0;
	s7 =	sadd.s32 $0xC40, s0;
	v22 =	vadd.s32 s0, v20;
	v33 =	vmul.bf16 v38, v9;
	v38 =	vld [tilespmem:s1+$0xC0];
	v26 =	vadd.bf16 v27, v30;
	[tilespmem:v23+s18+$0x0] =	vst.idx.msk $0xffff, v42  }
0x4d6: {  	v23 =	vadd.bf16 v31, v29;
	v27 =	vld [tilespmem:s1+$0x120];
	v25 =	vadd.bf16 v25, v28;
	v28 =	vadd.s32 s7, v20  }
0x4d7: {  	v29 =	vmul.bf16 v36, v10;
	v30 =	vmul.bf16 v32, v11;
	v31 =	vld [tilespmem:s1+$0x180];
	v32 =	vadd.s32 s7, v21  }
0x4d8: {  	v33 =	vadd.bf16 v33, v34;
	v36 =	vmul.bf16 v37, v12;
	v37 =	vld [tilespmem:s1+$0x1E0];
	v34 =	vadd.bf16 v25, v23  }
0x4d9: {  	v25 =	vadd.s32 s2, v20;
	v35 =	vmul.bf16 v35, v13;
	v39 =	vld [tilespmem:s1+$0x240];
	v29 =	vadd.bf16 v30, v29  }
0x4da: {  	v23 =	vadd.s32 s2, v21;
	v30 =	vmul.bf16 v38, v14;
	v38 =	vld [tilespmem:s1+$0x2A0];
	v40 =	vunpack.i.l.bf16.f32 v34  }
0x4db: {  	v34 =	vunpack.i.u.bf16.f32 v34;
	v41 =	vmul.bf16 v27, v17;
	v35 =	vadd.bf16 v35, v36;
	v36 =	vld [tilespmem:s1+$0xFFFFFD10];
	[tilespmem:v28+s18+$0x0] =	vst.idx.msk $0xffff, v40  }
0x4dc: {  	v28 =	vadd.bf16 v29, v33;
	v27 =	vadd.s32 s0, v21;
	v31 =	vmul.bf16 v31, v15;
	v29 =	vld [tilespmem:s1+$0xFFFFFD70];
	[tilespmem:v32+s18+$0x0] =	vst.idx.msk $0xffff, v34  }
0x4dd: {  	v32 =	vmul.bf16 v37, v16;
	v30 =	vadd.bf16 v41, v30;
	v33 =	vld [tilespmem:s1+$0xFFFFFDD0]  }
0x4de: {  	v34 =	vmul.bf16 v39, v18;
	v37 =	vld [tilespmem:s1+$0xFFFFFE30]  }
0x4df: {  	v38 =	vmul.bf16 v38, v19;
	v31 =	vadd.bf16 v32, v31;
	v30 =	vadd.bf16 v30, v35;
	v32 =	vld [tilespmem:s1+$0xFFFFFE90]  }
0x4e0: {  	v35 =	vmul.bf16 v36, v4;
	v36 =	vld [tilespmem:s1+$0xFFFFFEF0]  }
0x4e1: {  	v34 =	vadd.bf16 v38, v34;
	v29 =	vmul.bf16 v29, v5;
	v38 =	vld [tilespmem:s1+$0xFFFFFF50]  }
0x4e2: {  	v33 =	vmul.bf16 v33, v6;
	v39 =	vld [tilespmem:s1+$0xFFFFFFB0]  }
0x4e3: {  	v31 =	vadd.bf16 v34, v31;
	v34 =	vmul.bf16 v37, v7;
	v37 =	vld [tilespmem:s1+$0x10];
	v35 =	vadd.bf16 v29, v35  }
0x4e4: {  	v32 =	vmul.bf16 v32, v8;
	v40 =	vld [tilespmem:s1+$0x70]  }
0x4e5: {  	v29 =	vadd.bf16 v31, v30;
	v30 =	vmul.bf16 v36, v9;
	v36 =	vld [tilespmem:s1+$0xD0];
	v33 =	vadd.bf16 v34, v33  }
0x4e6: {  	v34 =	vmul.bf16 v38, v10;
	v38 =	vld [tilespmem:s1+$0x130]  }
.Ltmp25:
0x4e7: {  	v39 =	vmul.bf16 v39, v11;
	v31 =	vld [tilespmem:s1+$0x190];
	v41 =	vadd.bf16 v30, v32;
	v30 =	vadd.bf16 v33, v35;
	(pc) =	sbr.rel @p0 .LBB2_42-.Ltmp25, $4  }
0x4e8: {  	v35 =	vmul.bf16 v37, v12;
	v32 =	vld [tilespmem:s1+$0x1F0]  }
0x4e9: {  	v40 =	vmul.bf16 v40, v13;
	v33 =	vld [tilespmem:s1+$0x250];
	v42 =	vadd.bf16 v39, v34  }
0x4ea: {  	v36 =	vmul.bf16 v36, v14;
	v34 =	vld [tilespmem:s1+$0x2B0]  }
0x4eb: {  	s7 =	smov.u32 s6;
	v37 =	vld [tilespmem:s1+$0xFFFFFD00];
	v39 =	vmul.bf16 v38, v17;
	v35 =	vadd.bf16 v40, v35;
	v38 =	vadd.bf16 v42, v41;
	s1 =	sadd.s32 $0x30, s1  }
.LBB2_43:
0x4ec: {  	_ =	sdelay $0x1  }
0x4ed: {  	v5 =	vmul.bf16 v31, v15;
	v6 =	vmul.bf16 v32, v16  }
0x4ee: {  	v7 =	vmul.bf16 v33, v18;
	v8 =	vmul.bf16 v34, v19  }
0x4ef: {  	v9 =	vadd.bf16 v39, v36;
	v4 =	vmul.bf16 v37, v4  }
0x4f0: {  	v5 =	vadd.bf16 v6, v5;
	v59 =	vadd.bf16 v8, v7  }
0x4f1: {  	v4 =	vadd.bf16 v24, v4  }
0x4f2: {  	v60 =	vadd.bf16 v9, v35;
	v5 =	vadd.bf16 v59, v5  }
0x4f3: {  	v4 =	vadd.bf16 v26, v4  }
0x4f4: {  	v61 =	vadd.bf16 v38, v30;
	v5 =	vadd.bf16 v5, v60  }
0x4f5: {  	v4 =	vadd.bf16 v28, v4  }
0x4f6: {  	s31 =	sadd.s32 $0x1, s31;
	v5 =	vadd.bf16 v5, v61  }
0x4f7: {  	p0 =	sne.s32 s31, $0x7;
	v4 =	vadd.bf16 v29, v4  }
.Ltmp26:
0x4f8: {  	v63 =	vunpack.i.l.bf16.f32 v5;
	(pc) =	sbr.rel @p0 .LBB2_41-.Ltmp26, $4  }
0x4f9: {  	v62 =	vunpack.i.l.bf16.f32 v4;
	[tilespmem:v25+s18+$0x0] =	vst.idx.msk $0xffff, v63  }
0x4fa: {  	v4 =	vunpack.i.u.bf16.f32 v4;
	[tilespmem:v22+s18+$0x0] =	vst.idx.msk $0xffff, v62  }
0x4fb: {  	[tilespmem:v27+s18+$0x0] =	vst.idx.msk $0xffff, v4;
	v4 =	vunpack.i.u.bf16.f32 v5  }
0x4fc: {  	s30 =	sadd.s32 $0x600, s30;
	[tilespmem:v23+s18+$0x0] =	vst.idx.msk $0xffff, v4  }
0x4fd: {  	_ =	swait.ge [sflag:s16], $0x2A00  }
0x4fe: {  	s29 =	simm.s32 $0x0;
	[sflag:s16] =	ssyncset.done $0x0  }
0x4ff: {  	s30 =	simm.s32 $0xC20;
	s31 =	simm.s32 $0x0;
	[sflag:s16] =	ssyncadd.s32 $0xFFFFD600  }
.LBB2_45:
0x500: {  	v22 =	vld [tilespmem:s30+$0xFFFFFD20]  }
0x501: {  	v23 =	vld [tilespmem:s30+$0xFFFFFD80]  }
0x502: {  	v24 =	vld [tilespmem:s30+$0xFFFFFDE0]  }
0x503: {  	v25 =	vld [tilespmem:s30+$0xFFFFFE40]  }
0x504: {  	v26 =	vld [tilespmem:s30+$0xFFFFFEA0]  }
0x505: {  	v27 =	vld [tilespmem:s30+$0xFFFFFF00]  }
0x506: {  	v28 =	vld [tilespmem:s30+$0xFFFFFF60]  }
0x507: {  	v29 =	vld [tilespmem:s30+$0xFFFFFFC0]  }
0x508: {  	v30 =	vld [tilespmem:s30+$0x20]  }
0x509: {  	v31 =	vld [tilespmem:s30+$0x80]  }
0x50a: {  	v32 =	vld [tilespmem:s30+$0xE0]  }
0x50b: {  	v33 =	vld [tilespmem:s30+$0x140]  }
0x50c: {  	v34 =	vld [tilespmem:s30+$0x1A0]  }
0x50d: {  	s0 =	sadd.s32 $0x2A, s31;
	v35 =	vld [tilespmem:s30+$0x200]  }
0x50e: {  	v36 =	vld [tilespmem:s30+$0x260];
	s1 =	sshll.u32 s0, $0x4  }
0x50f: {  	v37 =	vld [tilespmem:s30+$0x2C0];
	v4 =	vmov s1  }
0x510: {  	v38 =	vld [tilespmem:s30+$0xFFFFFD60];
	v5 =	vor.u32 $0x1, v4  }
0x511: {  	v39 =	vld [tilespmem:s30+$0xFFFFFDC0];
	v6 =	vor.u32 $0x2, v4  }
0x512: {  	v40 =	vld [tilespmem:s30+$0xFFFFFE20];
	v7 =	vor.u32 $0x3, v4  }
0x513: {  	v41 =	vld [tilespmem:s30+$0xFFFFFE80];
	v8 =	vor.u32 $0x4, v4  }
0x514: {  	v10 =	vor.u32 $0x5, v4;
	v9 =	vld.idx.msk [tilespmem:v4+s17+$0x0], $0xffff  }
0x515: {  	v11 =	vor.u32 $0x6, v4;
	v5 =	vld.idx.msk [tilespmem:v5+s17+$0x0], $0xffff  }
0x516: {  	v12 =	vor.u32 $0x7, v4;
	v6 =	vld.idx.msk [tilespmem:v6+s17+$0x0], $0xffff  }
0x517: {  	v13 =	vor.u32 $0x8, v4;
	v7 =	vld.idx.msk [tilespmem:v7+s17+$0x0], $0xffff  }
0x518: {  	v14 =	vor.u32 $0x9, v4;
	v8 =	vld.idx.msk [tilespmem:v8+s17+$0x0], $0xffff  }
0x519: {  	v15 =	vor.u32 $0xA, v4;
	v16 =	vor.u32 $0xB, v4;
	v17 =	vor.u32 $0xC, v4;
	v10 =	vld.idx.msk [tilespmem:v10+s17+$0x0], $0xffff  }
0x51a: {  	v18 =	vor.u32 $0xD, v4;
	v19 =	vor.u32 $0xE, v4;
	v4 =	vor.u32 $0xF, v4;
	v11 =	vld.idx.msk [tilespmem:v11+s17+$0x0], $0xffff  }
0x51b: {  	v12 =	vld.idx.msk [tilespmem:v12+s17+$0x0], $0xffff  }
0x51c: {  	v13 =	vld.idx.msk [tilespmem:v13+s17+$0x0], $0xffff  }
0x51d: {  	v14 =	vld.idx.msk [tilespmem:v14+s17+$0x0], $0xffff  }
0x51e: {  	v15 =	vld.idx.msk [tilespmem:v15+s17+$0x0], $0xffff  }
0x51f: {  	v21 =	vld.idx.msk [tilespmem:v4+s17+$0x0], $0xffff;
	v4 =	vpack.i.f32.bf16 v9, v9;
	v5 =	vpack.i.f32.bf16 v5, v5  }
0x520: {  	v16 =	vld.idx.msk [tilespmem:v16+s17+$0x0], $0xffff;
	v6 =	vpack.i.f32.bf16 v6, v6;
	v7 =	vpack.i.f32.bf16 v7, v7;
	v8 =	vpack.i.f32.bf16 v8, v8  }
0x521: {  	v20 =	vld.idx.msk [tilespmem:v17+s17+$0x0], $0xffff;
	v9 =	vpack.i.f32.bf16 v10, v10;
	v10 =	vpack.i.f32.bf16 v11, v11;
	v11 =	vpack.i.f32.bf16 v12, v12  }
0x522: {  	v18 =	vld.idx.msk [tilespmem:v18+s17+$0x0], $0xffff;
	v12 =	vpack.i.f32.bf16 v13, v13;
	v22 =	vmul.bf16 v22, v4;
	v23 =	vmul.bf16 v23, v5  }
0x523: {  	v19 =	vld.idx.msk [tilespmem:v19+s17+$0x0], $0xffff;
	v13 =	vpack.i.f32.bf16 v14, v14;
	v24 =	vmul.bf16 v24, v6;
	v25 =	vmul.bf16 v25, v7  }
0x524: {  	v42 =	vld [tilespmem:s30+$0xFFFFFEE0];
	v14 =	vpack.i.f32.bf16 v15, v15;
	v26 =	vmul.bf16 v26, v8;
	v27 =	vmul.bf16 v27, v9  }
0x525: {  	v43 =	vld [tilespmem:s30+$0xFFFFFF40];
	v17 =	vpack.i.f32.bf16 v16, v16;
	v28 =	vmul.bf16 v28, v10;
	v29 =	vmul.bf16 v29, v11  }
0x526: {  	v44 =	vld [tilespmem:s30+$0xFFFFFFA0];
	v15 =	vpack.i.f32.bf16 v20, v20;
	v30 =	vmul.bf16 v30, v12;
	v31 =	vmul.bf16 v31, v13  }
0x527: {  	v49 =	vld [tilespmem:s30+$0xFFFFFE90];
	v16 =	vpack.i.f32.bf16 v18, v18;
	v32 =	vmul.bf16 v32, v14;
	v33 =	vmul.bf16 v33, v17  }
0x528: {  	v45 =	vld [tilespmem:s30+$0x60];
	v18 =	vpack.i.f32.bf16 v19, v19;
	v34 =	vmul.bf16 v34, v15;
	v35 =	vmul.bf16 v35, v16  }
0x529: {  	v53 =	vld [tilespmem:s30+$0x1E0];
	v36 =	vmul.bf16 v36, v18;
	v50 =	vmul.bf16 v39, v6  }
0x52a: {  	v57 =	vld [tilespmem:s30+$0x2A0];
	v52 =	vmul.bf16 v40, v7;
	v54 =	vmul.bf16 v41, v8  }
0x52b: {  	v58 =	vld [tilespmem:s30+$0xFFFFFD10];
	v20 =	vadd.s32 s0, v1;
	v56 =	vmul.bf16 v42, v9;
	v60 =	vmul.bf16 v44, v11  }
0x52c: {  	v48 =	vld [tilespmem:s30+$0xFFFFFE30];
	v40 =	vmul.bf16 v49, v8;
	v22 =	vadd.bf16 v23, v22;
	v25 =	vadd.bf16 v25, v24  }
0x52d: {  	v23 =	vld [tilespmem:s30+$0x0];
	v26 =	vadd.bf16 v27, v26;
	v28 =	vadd.bf16 v29, v28;
	v24 =	vmul.bf16 v38, v5  }
0x52e: {  	v27 =	vld [tilespmem:s30+$0xC0];
	v30 =	vadd.bf16 v31, v30;
	v31 =	vadd.bf16 v33, v32;
	v19 =	vpack.i.f32.bf16 v21, v21  }
0x52f: {  	v29 =	vld [tilespmem:s30+$0x120];
	v34 =	vadd.bf16 v35, v34;
	v37 =	vmul.bf16 v37, v19;
	v25 =	vadd.bf16 v25, v22  }
0x530: {  	v33 =	vld [tilespmem:s30+$0x180];
	v32 =	vmul.bf16 v58, v4;
	v28 =	vadd.bf16 v28, v26;
	v30 =	vadd.bf16 v31, v30  }
0x531: {  	s25 =	simm.s32 $0xC40;
	v59 =	vld [tilespmem:s30+$0xFFFFFD70];
	v21 =	vadd.s32 s0, v3;
	v26 =	vadd.bf16 v52, v50;
	v51 =	vadd.bf16 v37, v36  }
0x532: {  	v55 =	vld [tilespmem:s30+$0x240];
	v22 =	vadd.s32 s29, v20;
	v61 =	vadd.s32 s25, v21;
	v35 =	vmul.bf16 v57, v19  }
0x533: {  	v46 =	vld [tilespmem:s30+$0xFFFFFEF0];
	v57 =	vmul.bf16 v48, v7;
	v23 =	vmul.bf16 v23, v12;
	v31 =	vadd.bf16 v51, v34  }
0x534: {  	v58 =	vld [tilespmem:s30+$0xD0];
	v25 =	vadd.bf16 v28, v25;
	v27 =	vmul.bf16 v27, v14;
	v29 =	vmul.bf16 v29, v17  }
0x535: {  	v52 =	vld [tilespmem:s30+$0xFFFFFFB0];
	v33 =	vmul.bf16 v33, v15;
	v28 =	vadd.bf16 v31, v30;
	v31 =	vmul.bf16 v43, v10  }
0x536: {  	v34 =	vadd.bf16 v56, v54;
	v54 =	vmul.bf16 v59, v5;
	v30 =	vadd.s32 s25, v20  }
0x537: {  	v51 =	vld [tilespmem:s30+$0xFFFFFF50];
	v63 =	vadd.bf16 v28, v25;
	v28 =	vmul.bf16 v45, v13;
	v31 =	vadd.bf16 v60, v31  }
0x538: {  	v62 =	vld [tilespmem:s30+$0xFFFFFDD0];
	v59 =	vmul.bf16 v46, v9;
	v27 =	vadd.bf16 v29, v27;
	v29 =	vmul.bf16 v55, v18  }
0x539: {  	v55 =	vld [tilespmem:s30+$0x70];
	v45 =	vadd.bf16 v28, v23;
	v28 =	vadd.bf16 v31, v34;
	v31 =	vmul.bf16 v53, v16  }
0x53a: {  	v36 =	vmul.bf16 v58, v14;
	v37 =	vmul.bf16 v52, v11;
	v40 =	vadd.bf16 v59, v40;
	v53 =	vld [tilespmem:s30+$0x10]  }
0x53b: {  	v29 =	vadd.bf16 v35, v29;
	v60 =	vld [tilespmem:s30+$0x130];
	v50 =	vunpack.i.l.bf16.f32 v63;
	v31 =	vadd.bf16 v31, v33  }
0x53c: {  	p0 =	por $0x1, $0x1;
	v35 =	vadd.bf16 v54, v32;
	v34 =	vmul.bf16 v51, v10;
	[tilespmem:v30+s18+$0x0] =	vst.idx.msk $0xffff, v50;
	v30 =	vunpack.i.u.bf16.f32 v63  }
.Ltmp27:
0x53d: {  	s26 =	simm.s32 $0x620;
	v56 =	vadd.bf16 v27, v45;
	v27 =	vmul.bf16 v62, v6;
	v29 =	vadd.bf16 v29, v31;
	v31 =	vld [tilespmem:s30+$0x190];
	(pc) =	sbr.rel @!p0 .LBB2_47-.Ltmp27, $4  }
0x53e: {  	v32 =	vld [tilespmem:s30+$0x1F0];
	v25 =	vadd.s32 s26, v20;
	v23 =	vadd.s32 s26, v21;
	[tilespmem:v61+s18+$0x0] =	vst.idx.msk $0xffff, v30;
	v63 =	vadd.bf16 v37, v34  }
0x53f: {  	v62 =	vmul.bf16 v55, v13;
	v33 =	vld [tilespmem:s30+$0x250];
	v30 =	vadd.bf16 v57, v27;
	v61 =	vmul.bf16 v53, v12  }
0x540: {  	v34 =	vld [tilespmem:s30+$0x2B0];
	v39 =	vmul.bf16 v60, v17;
	v38 =	vadd.bf16 v63, v40;
	v29 =	vadd.bf16 v29, v56  }
0x541: {  	s7 =	simm.s32 $0x0;
	s1 =	sadd.s32 $0x30, s30;
	s0 =	simm.s32 $0x0;
	v37 =	vld [tilespmem:s30+$0xFFFFFD00];
	v27 =	vadd.s32 s29, v21;
	v30 =	vadd.bf16 v30, v35;
	v35 =	vadd.bf16 v62, v61  }
.LBB2_46:
0x542: {  	v40 =	vld [tilespmem:s1+$0xFFFFFD20];
	v31 =	vmul.bf16 v31, v15;
	s2 =	smov.u32 s7  }
0x543: {  	v41 =	vld [tilespmem:s1+$0xFFFFFD80];
	v32 =	vmul.bf16 v32, v16;
	v36 =	vadd.bf16 v39, v36;
	v30 =	vadd.bf16 v38, v30  }
0x544: {  	v38 =	vld [tilespmem:s1+$0xFFFFFDE0];
	v33 =	vmul.bf16 v33, v18  }
0x545: {  	v39 =	vld [tilespmem:s1+$0xFFFFFE40];
	v34 =	vmul.bf16 v34, v19;
	v31 =	vadd.bf16 v32, v31;
	v32 =	vadd.bf16 v36, v35  }
0x546: {  	v35 =	vld [tilespmem:s1+$0xFFFFFEA0];
	v36 =	vmul.bf16 v37, v4  }
0x547: {  	v37 =	vld [tilespmem:s1+$0xFFFFFF00];
	v33 =	vadd.bf16 v34, v33  }
0x548: {  	v34 =	vld [tilespmem:s1+$0xFFFFFF60];
	v24 =	vadd.bf16 v24, v36  }
0x549: {  	v36 =	vld [tilespmem:s1+$0xFFFFFFC0];
	v31 =	vadd.bf16 v33, v31  }
0x54a: {  	v33 =	vld [tilespmem:s1+$0x20];
	v24 =	vadd.bf16 v26, v24  }
0x54b: {  	v26 =	vld [tilespmem:s1+$0x80];
	v31 =	vadd.bf16 v31, v32  }
0x54c: {  	v32 =	vld [tilespmem:s1+$0xE0];
	v24 =	vadd.bf16 v28, v24  }
0x54d: {  	v28 =	vld [tilespmem:s1+$0x140];
	v30 =	vadd.bf16 v31, v30  }
0x54e: {  	v31 =	vmul.bf16 v40, v4;
	v40 =	vmul.bf16 v41, v5;
	v41 =	vld [tilespmem:s1+$0x1A0];
	v24 =	vadd.bf16 v29, v24  }
0x54f: {  	v29 =	vmul.bf16 v38, v6;
	v38 =	vmul.bf16 v39, v7;
	v39 =	vld [tilespmem:s1+$0x200];
	v42 =	vunpack.i.u.bf16.f32 v30  }
0x550: {  	v35 =	vmul.bf16 v35, v8;
	v37 =	vmul.bf16 v37, v9;
	v43 =	vld [tilespmem:s1+$0x260];
	v44 =	vunpack.i.u.bf16.f32 v24  }
0x551: {  	v34 =	vmul.bf16 v34, v10;
	v36 =	vmul.bf16 v36, v11;
	v24 =	vunpack.i.l.bf16.f32 v24;
	v45 =	vld [tilespmem:s1+$0x2C0]  }
0x552: {  	s6 =	sadd.s32 $0x3, s7;
	v33 =	vmul.bf16 v33, v12;
	v26 =	vmul.bf16 v26, v13;
	v46 =	vld [tilespmem:s1+$0xFFFFFD60];
	[tilespmem:v22+s18+$0x0] =	vst.idx.msk $0xffff, v24;
	v22 =	vunpack.i.l.bf16.f32 v30  }
0x553: {  	p0 =	slt.u32 s6, s7;
	v32 =	vmul.bf16 v32, v14;
	v28 =	vmul.bf16 v28, v17;
	v30 =	vld [tilespmem:s1+$0xFFFFFDC0];
	[tilespmem:v27+s18+$0x0] =	vst.idx.msk $0xffff, v44  }
0x554: {  	v41 =	vmul.bf16 v41, v15;
	v27 =	vld [tilespmem:s1+$0xFFFFFE20];
	v39 =	vmul.bf16 v39, v16;
	[tilespmem:v25+s18+$0x0] =	vst.idx.msk $0xffff, v22  }
0x555: {  	v31 =	vadd.bf16 v40, v31;
	v29 =	vadd.bf16 v38, v29;
	v22 =	vld [tilespmem:s1+$0xFFFFFE80];
	v25 =	vmul.bf16 v43, v18  }
0x556: {  	v35 =	vadd.bf16 v37, v35;
	v34 =	vadd.bf16 v36, v34;
	v38 =	vld [tilespmem:s1+$0xFFFFFEE0];
	v40 =	vmul.bf16 v45, v19  }
0x557: {  	v26 =	vadd.bf16 v26, v33;
	v28 =	vadd.bf16 v28, v32;
	v24 =	vmul.bf16 v46, v5;
	v36 =	vld [tilespmem:s1+$0xFFFFFF40]  }
0x558: {  	v33 =	vadd.bf16 v39, v41;
	v30 =	vmul.bf16 v30, v6;
	v32 =	vld [tilespmem:s1+$0xFFFFFFA0];
	v25 =	vadd.bf16 v40, v25  }
0x559: {  	v29 =	vadd.bf16 v29, v31;
	v31 =	vadd.bf16 v34, v35;
	v27 =	vmul.bf16 v27, v7;
	v37 =	vld [tilespmem:s1+$0x0]  }
0x55a: {  	s0 =	sadd.s32 $0x1260, s0;
	v28 =	vadd.bf16 v28, v26;
	v34 =	vmul.bf16 v22, v8;
	v35 =	vld [tilespmem:s1+$0x60];
	v25 =	vadd.bf16 v25, v33  }
0x55b: {  	s2 =	sadd.s32 $0x620, s0;
	s7 =	sadd.s32 $0xC40, s0;
	v22 =	vadd.s32 s0, v20;
	v33 =	vmul.bf16 v38, v9;
	v38 =	vld [tilespmem:s1+$0xC0];
	v26 =	vadd.bf16 v27, v30;
	[tilespmem:v23+s18+$0x0] =	vst.idx.msk $0xffff, v42  }
0x55c: {  	v23 =	vadd.bf16 v31, v29;
	v27 =	vld [tilespmem:s1+$0x120];
	v25 =	vadd.bf16 v25, v28;
	v28 =	vadd.s32 s7, v20  }
0x55d: {  	v29 =	vmul.bf16 v36, v10;
	v30 =	vmul.bf16 v32, v11;
	v31 =	vld [tilespmem:s1+$0x180];
	v32 =	vadd.s32 s7, v21  }
0x55e: {  	v33 =	vadd.bf16 v33, v34;
	v36 =	vmul.bf16 v37, v12;
	v37 =	vld [tilespmem:s1+$0x1E0];
	v34 =	vadd.bf16 v25, v23  }
0x55f: {  	v25 =	vadd.s32 s2, v20;
	v35 =	vmul.bf16 v35, v13;
	v39 =	vld [tilespmem:s1+$0x240];
	v29 =	vadd.bf16 v30, v29  }
0x560: {  	v23 =	vadd.s32 s2, v21;
	v30 =	vmul.bf16 v38, v14;
	v38 =	vld [tilespmem:s1+$0x2A0];
	v40 =	vunpack.i.l.bf16.f32 v34  }
0x561: {  	v34 =	vunpack.i.u.bf16.f32 v34;
	v41 =	vmul.bf16 v27, v17;
	v35 =	vadd.bf16 v35, v36;
	v36 =	vld [tilespmem:s1+$0xFFFFFD10];
	[tilespmem:v28+s18+$0x0] =	vst.idx.msk $0xffff, v40  }
0x562: {  	v28 =	vadd.bf16 v29, v33;
	v27 =	vadd.s32 s0, v21;
	v31 =	vmul.bf16 v31, v15;
	v29 =	vld [tilespmem:s1+$0xFFFFFD70];
	[tilespmem:v32+s18+$0x0] =	vst.idx.msk $0xffff, v34  }
0x563: {  	v32 =	vmul.bf16 v37, v16;
	v30 =	vadd.bf16 v41, v30;
	v33 =	vld [tilespmem:s1+$0xFFFFFDD0]  }
0x564: {  	v34 =	vmul.bf16 v39, v18;
	v37 =	vld [tilespmem:s1+$0xFFFFFE30]  }
0x565: {  	v38 =	vmul.bf16 v38, v19;
	v31 =	vadd.bf16 v32, v31;
	v30 =	vadd.bf16 v30, v35;
	v32 =	vld [tilespmem:s1+$0xFFFFFE90]  }
0x566: {  	v35 =	vmul.bf16 v36, v4;
	v36 =	vld [tilespmem:s1+$0xFFFFFEF0]  }
0x567: {  	v34 =	vadd.bf16 v38, v34;
	v29 =	vmul.bf16 v29, v5;
	v38 =	vld [tilespmem:s1+$0xFFFFFF50]  }
0x568: {  	v33 =	vmul.bf16 v33, v6;
	v39 =	vld [tilespmem:s1+$0xFFFFFFB0]  }
0x569: {  	v31 =	vadd.bf16 v34, v31;
	v34 =	vmul.bf16 v37, v7;
	v37 =	vld [tilespmem:s1+$0x10];
	v35 =	vadd.bf16 v29, v35  }
0x56a: {  	v32 =	vmul.bf16 v32, v8;
	v40 =	vld [tilespmem:s1+$0x70]  }
0x56b: {  	v29 =	vadd.bf16 v31, v30;
	v30 =	vmul.bf16 v36, v9;
	v36 =	vld [tilespmem:s1+$0xD0];
	v33 =	vadd.bf16 v34, v33  }
0x56c: {  	v34 =	vmul.bf16 v38, v10;
	v38 =	vld [tilespmem:s1+$0x130]  }
.Ltmp28:
0x56d: {  	v39 =	vmul.bf16 v39, v11;
	v31 =	vld [tilespmem:s1+$0x190];
	v41 =	vadd.bf16 v30, v32;
	v30 =	vadd.bf16 v33, v35;
	(pc) =	sbr.rel @p0 .LBB2_46-.Ltmp28, $4  }
0x56e: {  	v35 =	vmul.bf16 v37, v12;
	v32 =	vld [tilespmem:s1+$0x1F0]  }
0x56f: {  	v40 =	vmul.bf16 v40, v13;
	v33 =	vld [tilespmem:s1+$0x250];
	v42 =	vadd.bf16 v39, v34  }
0x570: {  	v36 =	vmul.bf16 v36, v14;
	v34 =	vld [tilespmem:s1+$0x2B0]  }
0x571: {  	s7 =	smov.u32 s6;
	v37 =	vld [tilespmem:s1+$0xFFFFFD00];
	v39 =	vmul.bf16 v38, v17;
	v35 =	vadd.bf16 v40, v35;
	v38 =	vadd.bf16 v42, v41;
	s1 =	sadd.s32 $0x30, s1  }
.LBB2_47:
0x572: {  	_ =	sdelay $0x1  }
0x573: {  	v5 =	vmul.bf16 v31, v15;
	v6 =	vmul.bf16 v32, v16  }
0x574: {  	v7 =	vmul.bf16 v33, v18;
	v8 =	vmul.bf16 v34, v19  }
0x575: {  	v9 =	vadd.bf16 v39, v36;
	v4 =	vmul.bf16 v37, v4  }
0x576: {  	v5 =	vadd.bf16 v6, v5;
	v59 =	vadd.bf16 v8, v7  }
0x577: {  	v4 =	vadd.bf16 v24, v4  }
0x578: {  	v60 =	vadd.bf16 v9, v35;
	v5 =	vadd.bf16 v59, v5  }
0x579: {  	v4 =	vadd.bf16 v26, v4  }
0x57a: {  	v61 =	vadd.bf16 v38, v30;
	v5 =	vadd.bf16 v5, v60  }
0x57b: {  	v4 =	vadd.bf16 v28, v4  }
0x57c: {  	s31 =	sadd.s32 $0x1, s31;
	v5 =	vadd.bf16 v5, v61  }
0x57d: {  	p0 =	sne.s32 s31, $0x7;
	v4 =	vadd.bf16 v29, v4  }
.Ltmp29:
0x57e: {  	v63 =	vunpack.i.l.bf16.f32 v5;
	(pc) =	sbr.rel @p0 .LBB2_45-.Ltmp29, $4  }
0x57f: {  	v62 =	vunpack.i.l.bf16.f32 v4;
	[tilespmem:v25+s18+$0x0] =	vst.idx.msk $0xffff, v63  }
0x580: {  	v4 =	vunpack.i.u.bf16.f32 v4;
	[tilespmem:v22+s18+$0x0] =	vst.idx.msk $0xffff, v62  }
0x581: {  	[tilespmem:v27+s18+$0x0] =	vst.idx.msk $0xffff, v4;
	v4 =	vunpack.i.u.bf16.f32 v5  }
0x582: {  	s30 =	sadd.s32 $0x600, s30;
	[tilespmem:v23+s18+$0x0] =	vst.idx.msk $0xffff, v4  }
0x583: {  	s0 =	sadd.s32 s5, s28;
	s28 =	sadd.s32 $0x1, s28  }
0x584: {  	p0 =	sne.s32 s28, $0x20  }
.Ltmp30:
0x585: {  	_ = 	snop;
	(pc) =	sbr.rel @p0 .LBB2_2-.Ltmp30, $4  }
0x586: {  	s0 =	smul.u32 $0x498, s0  }
0x587: {  	s1 =	rddreg [dreg:$0x1]  }
0x588: {  	s0 =	sadd.s32 s1, s0  }
0x589: {  	[hbm4b:s0+s3] =	stream.linear.scatter [tilespmem:s18], [sflag:$0x3], $0x24C0, $0x38;
	[tilespmem:$0x81E0] =	vst v63  }
0x58a: {  	s1 =	simm.s32 $0x3  }
0x58b: {  	_ =	swait.ge [sflag:s1], $0x24C0  }
0x58c: {  	s2 =	rddreg [dreg:$0x5]  }
0x58d: {  	s0 =	rddreg [dreg:$0x4];
	s2 =	sadd.s32 $0x1, s2  }
0x58e: {  	p0 =	sne.s32 s2, s0  }
.Ltmp31:
0x58f: {  	_ = 	snop;
	(pc) =	sbr.rel @p0 .LBB2_1-.Ltmp31, $3  }
0x590: {  	_ =	sdelay $0x1  }
0x591: {  	[sflag:s1] =	ssyncset.done $0x0  }
0x592: {  	[sflag:s1] =	ssyncadd.s32 $0xFFFFDB40  }
0x593: {  	_ =	sfence.sel $0x180000  }
0x594: {  	[bflag:$0x0] =	sbarrier.arrive $0xFFFF  }
0x595: {  	_ =	strace $0x90000047  }
0x596: {  	s0 =	stileid.u32;
	[bflag:$0x2] =	sbarrier.arrive $0xFFFF  }
0x597: {  	p0 =	sne.s32 s0, $0x0;
	s0 =	rddreg [dreg:$0x2]  }
0x598: {  	s0 =	sadd.s32 @!p0 $0x100000, s0  }
0x599: {  	[sflag:s0] =	ssyncadd.tile.s32 @!p0 $0x1;
	_ =	shalt  }
.Lfunc_end2:
_tile_overlayer_lowered:
.L_overlay_start_2:
0x59a: {  	(tag) =	ssettag $0x2  }
0x59b: {  	s0 =	rddreg [dreg:$0x0];
	s2 =	stileid.u32  }
0x59c: {  	s1 =	rddreg [dreg:$0x1];
	p0 =	sne.s32 s2, $0x0  }
0x59d: {  	s3 =	rddreg [dreg:$0x2];
	[bflag:$0x3] =	sbarrier.arrive $0xFFFF;
	s2 =	simm.s32 @!p0 $0x1C04  }
0x59e: {  	[timem:s3], [sflag:s2] =	dma.local @!p0 [hbm:s0], s1  }
0x59f: {  	s0 =	simm.s32 @!p0 $0x4  }
0x5a0: {  	_ =	swait.ge @!p0 [sflag:s0], s1  }
0x5a1: {  	s1 =	ssub.s32 @!p0 $0x0, s1;
	[sflag:s0] =	ssyncset.done @!p0 $0x0  }
0x5a2: {  	[sflag:s0] =	ssyncadd.s32 @!p0 s1  }
0x5a3: {  	[bflag:$0x3] =	sbarrier.arrive $0xFFFF  }
0x5a4: {  	_ =	shalt  }

// kernel: sparse-core-data-format-call.1.cloned.1.call-start
scs
called_computation.1_lowered:
.L_overlay_start_0:
0x0: {  	s2 =	sld [smem:$0x3FD9]  }
0x1: {  	s3 =	sld [smem:$0x3FFE];
	_ =	sdelay $0x1  }
0x2: {  	s1 =	srdreg.scid  }
0x3: {  	s0 =	sand.u32 $0x1, s1  }
0x4: {  	s18 =	sshll.u32 s0, $0xA;
	s2 =	sadd.s32 s3, s2  }
0x5: {  	s2 =	sadd.s32 s2, s18  }
0x6: {  	[smem:$0x3FC6] =	sst s2  }
0x7: {  	_ = 	snop  }
0x8: {  	s2 =	sld [smem:$0x3FD0];
	(tm) =	ssettm $0x1  }
0x9: {  	s19 =	sld [smem:$0x3FFB];
	_ =	sdelay $0x3  }
0xa: {  	_ =	strace s19  }
0xb: {  	s3 =	sld [smem:$0x3FFC];
	_ =	sdelay $0x3  }
0xc: {  	_ =	strace s3  }
0xd: {  	s3 =	sld [smem:$0x3FFD];
	_ =	sdelay $0x3  }
0xe: {  	_ =	strace s3  }
0xf: {  	_ =	strace $0x8FFFFFFF  }
0x10: {  	s20 =	sld [smem:$0x3FDB];
	_ =	sdelay $0x1  }
0x11: {  	s4 =	simm.s32 $_scs_section_size  }
0x12: {  	s5 =	simm.s32 $_size__tile_overlayer_lowered;
	s6 =	simm.s32 $_tile_overlayer_lowered  }
0x13: {  	s23 =	simm.s32 $0x1BFF;
	s22 =	sshll.u32 s6, $0x1;
	s3 =	sadd.s32 s4, s20  }
0x14: {  	s7 =	simm.s32 $0x0;
	s21 =	sshll.u32 s5, $0x1;
	s5 =	sadd.s32 s22, s3  }
0x15: {  	[timem:s7], [sflag:s23] =	dma.local [hbm:s5], s21  }
0x16: {  	_ =	swait.ge [sflag:s23], s21  }
0x17: {  	s4 =	ssub.s32 $0x0, s21;
	[sflag:s23] =	ssyncset.done $0x0  }
0x18: {  	[sflag:s23] =	ssyncadd.s32 s4;
	_ =	sdelay $0x1  }
0x19: {  	s24 =	simm.s32 $0x1B8B  }
0x1a: {  	_ =	swait.ge [sflag:s24], $0x1  }
0x1b: {  	[sflag:s24] =	ssyncset.done $0x0  }
0x1c: {  	s26 =	simm.s32 $0x1B8E;
	s25 =	sld [smem:$0x3FFE];
	[sflag:s24] =	ssyncadd.s32 $0xFFFFFFFF  }
0x1d: {  	s27 =	simm.s32 $execute0_lowered;
	[smem:$0x3FD2] =	sst s26  }
0x1e: {  	s5 =	sshll.u32 s27, $0x1;
	_ =	strace $0x80000049;
	[dreg:$0x1] =	wrdreg $0xFFFFFFFF  }
0x1f: {  	s28 =	simm.s32 $_size_execute0_lowered;
	s3 =	sadd.s32 s3, s5;
	[dreg:$0x0] =	wrdreg $0x0  }
0x20: {  	s5 =	sshll.u32 s28, $0x1;
	[dreg:$0x2] =	wrdreg s3  }
0x21: {  	[dreg:$0x3] =	wrdreg s5  }
0x22: {  	[dreg:$0x4] =	wrdreg $0xC0  }
0x23: {  	_ =	task [dreg:s7], $0x5FFFF  }
0x24: {  	[dreg:$0x1] =	wrdreg $0xFFFFFFFF  }
0x25: {  	[dreg:$0x0] =	wrdreg $0x60  }
0x26: {  	[dreg:$0x2] =	wrdreg s25  }
0x27: {  	[dreg:$0x3] =	wrdreg s2  }
0x28: {  	[dreg:$0x4] =	wrdreg $0x9  }
0x29: {  	_ =	task.clear_ibuf [dreg:s7], $0x5FFFF;
	_ =	strace $0x90000049  }
0x2a: {  	s29 =	simm.s32 $0x9;
	_ =	strace $0x8000004B  }
0x2b: {  	_ =	swait.ge [sflag:s29], $0x1  }
0x2c: {  	[sflag:s29] =	ssyncadd.s32 $0xFFFFFFFF  }
0x2d: {  	_ =	strace $0x9000004B  }
0x2e: {  	_ =	sfence  }
0x2f: {  	s30 =	sld [smem:$0x0];
	_ =	sdelay $0x2  }
0x30: {  	s31 =	sshll.u32 s1, $0xD;
	s1 =	sshrl.u32 s1, $0x2  }
0x31: {  	s3 =	sand.u32 $0x4000, s31;
	s1 =	sadd.s32 s1, s30  }
0x32: {  	s0 =	sor.u32 s3, s0;
	s1 =	sshll.u32 s1, $0x11  }
0x33: {  	s0 =	sor.u32 s1, s0  }
0x34: {  	s0 =	sadd.s32 $0x8F2B, s0  }
0x35: {  	[sflag:s0] =	ssyncadd.remote.s32 $0x1  }
0x36: {  	_ =	sfence.sel $0xFFFF  }
0x37: {  	[dreg:$0x0] =	wrdreg $0xFFFFFFFF;
	(pc) =	sbr.abs _section_cstart, $3  }
0x38: {  	[dreg:$0x1] =	wrdreg $0xFFFFFFFF  }
0x39: {  	_ =	task.clear_ibuf [dreg:s7], $0x2FFFF;
	_ =	strace $0x9FFFFFFF  }
0x3a: {  	(tm) =	ssettm $0x7FFFFFFF  }
0x3b: {  	_ =	shalt  }
tec
execute0_lowered:
.L_overlay_start_1:
0x0: {  	(tag) =	ssettag $0x1  }
0x1: {  	s0 =	stileid.u32  }
0x2: {  	s2 =	srdreg.scid;
	s7 =	rddreg [dreg:$0x0]  }
0x3: {  	s6 =	simm.s32 $0x1;
	s31 =	simm.s32 $0x2;
	s16 =	simm.s32 $0x0  }
0x4: {  	s9 =	simm.s32 $0x2000;
	s15 =	simm.s32 $0x0;
	s10 =	simm.s32 $0x0  }
0x5: {  	s11 =	simm.s32 $0x0;
	s14 =	simm.s32 $0x0;
	s1 =	sshll.u32 s0, $0x7  }
0x6: {  	s3 =	sshll.u32 s0, $0x4;
	s2 =	sshll.u32 s2, $0x8;
	s1 =	sand.u32 $0x380, s1  }
0x7: {  	s7 =	sadd.s32 $0xC00, s7;
	s2 =	sor.u32 s3, s2;
	s5 =	ssub.s32 $0x400, s1  }
0x8: {  	s3 =	rddreg [dreg:$0x1];
	s4 =	sand.u32 $0x180, s2;
	s29 =	sand.u32 $0x380, s5  }
0x9: {  	s30 =	ssub.s32 $0x2480, s4;
	s5 =	sshrl.u32 s5, $0xA;
	p0 =	sne.s32 s29, $0x0  }
.Ltmp0:
0xa: {  	s8 =	sshrl.u32 s30, $0x9;
	s6 =	simm.s32 @!p0 $0x0;
	(pc) =	sbr.rel .LBB1_1-.Ltmp0, $4  }
0xb: {  	s2 =	rddreg [dreg:$0x2];
	s8 =	sadd.s32 $0x1, s8;
	s6 =	sadd.s32 s6, s5  }
0xc: {  	_ =	strace $0x8000004A;
	s5 =	simm.s32 $0x1;
	s6 =	smul.u32 s6, s8  }
0xd: {  	s13 =	smov.u32 s1;
	s12 =	smov.u32 s4;
	[sflag:s5] =	ssyncpa.u1 $0x0  }
0xe: {  	p0 =	por $0x0, $0x0;
	[sflag:s31] =	ssyncpa.u1 $0x0;
	s8 =	sadd.s32 $0x1, s6  }
.LBB1_4:
0xf: {  	s21 =	sshra.s32 s21, $0x2;
	s27 =	sshll.u32 s10, $0xA;
	s22 =	sshll.u32 s11, $0x3  }
0x10: {  	s23 =	sshll.u32 s10, $0x7;
	s24 =	sand.u32 $0x78, s11;
	p1 =	sgt.s32 s10, $0x2440  }
0x11: {  	s25 =	sshra.s32 s10, $0x1F;
	s26 =	sshra.s32 s11, $0x1F;
	s20 =	sadd.s32 s21, s20  }
0x12: {  	v5 =	vld [tilespmem:s18+$0xFFFFFFD0];
	[tilespmem:s19+$0x2040 ss:$0x81] =	vst.msk $0xffff, v4;
	s21 =	sand.u32 $0xFFFFE000, s27;
	s22 =	sand.u32 $0xFFFFFC00, s22;
	s28 =	sand.u32 $0x380, s23  }
0x13: {  	v58 =	vld [tilespmem:s18+$0xFFFFFFE0];
	[tilespmem:s19+$0x2850 ss:$0x81] =	vst.msk $0xffff, v3;
	s23 =	smov.u32 s10;
	s30 =	sand.u32 s25, s10;
	s25 =	smov.u32 s11  }
0x14: {  	v59 =	vld [tilespmem:s18+$0xFFFFFFF0];
	[tilespmem:s19+$0x3060 ss:$0x81] =	vst.msk $0xffff, v2;
	s31 =	sand.u32 s26, s11;
	s21 =	sadd.s32 s22, s21;
	s22 =	sor.u32 s24, s28  }
0x15: {  	v60 =	vld [tilespmem:s18+$0x0];
	[tilespmem:s19+$0x0 ss:$0x81] =	vst.msk $0xffff, v1;
	s23 =	simm.s32 @!p1 $0x2440;
	p1 =	sgt.s32 s11, $0x380;
	s21 =	sshrl.u32 s21, $0xA  }
0x16: {  	v61 =	vld [tilespmem:s18+$0x10];
	[tilespmem:s20+$0x3870 ss:$0x81] =	vst.msk $0xffff, v0;
	s19 =	ssub.s32 s23, s30;
	s25 =	simm.s32 @!p1 $0x380;
	s29 =	smulhi.u32 $0x6F74AF, s21  }
0x17: {  	v62 =	vld [tilespmem:s18+$0x20];
	s23 =	ssub.s32 s25, s31;
	s26 =	sadd.s32 $0xFFFFDBC0, s19;
	s19 =	ssub.s32 $0x24C0, s19;
	[tilespmem:s20+$0x810 ss:$0x81] =	vst.msk $0xffff, v5  }
0x18: {  	v63 =	vld [tilespmem:s18+$0xFFFFFFC0];
	[tilespmem:s20+$0x1020 ss:$0x81] =	vst.msk $0xffff, v58;
	p1 =	sgt.s32 s26, $0x7F;
	s28 =	sadd.s32 $0xFFFFFC80, s23;
	s24 =	sshrl.u32 s29, $0x4  }
0x19: {  	[tilespmem:s20+$0x1830 ss:$0x81] =	vst.msk $0xffff, v59;
	s23 =	ssub.s32 $0x400, s23;
	p2 =	sgt.s32 s28, $0x7F;
	s27 =	smul.u32 $0x24C0, s24  }
0x1a: {  	s30 =	sand.u32 $0x7, s11;
	[tilespmem:s20+$0x2040 ss:$0x81] =	vst.msk $0xffff, v60;
	s19 =	simm.s32 @p1 $0x0;
	s23 =	simm.s32 @p2 $0x0  }
0x1b: {  	[tilespmem:s20+$0x2850 ss:$0x81] =	vst.msk $0xffff, v61;
	s29 =	sshrl.u32 s22, $0x3;
	s19 =	smul.u32 s23, s19;
	s18 =	ssub.s32 s21, s27  }
0x1c: {  	[tilespmem:s20+$0x3060 ss:$0x81] =	vst.msk $0xffff, v62;
	s22 =	sshll.u32 s30, $0x12;
	s21 =	sadd.s32 s3, s29;
	s18 =	sshll.u32 s18, $0x7  }
0x1d: {  	[tilespmem:s20+$0x0 ss:$0x81] =	vst.msk $0xffff, v63;
	s31 =	sor.u32 $0x400, s22;
	s19 =	sand.u32 $0x3FFFFFFF, s19;
	s18 =	sadd.s32 s18, s21  }
0x1e: {  	[hbm4b:s18+s31] =	stream.strided.scatter [tilespmem:s17], [sflag:$0x2], s19, s9, s31, $0x20;
	[tilespmem:$0x10100] =	vst v63  }
.LBB1_5:
0x1f: {  	p1 =	slt.u32 s14, $0x2  }
0x20: {  	s18 =	smov.u32 s16;
	p2 =	sgt.s32 @!p1 s16, $0x2440;
	s17 =	sshra.s32 @!p1 s16, $0x1F  }
0x21: {  	p3 =	sgt.s32 @!p1 s15, $0x380;
	s19 =	sshra.s32 @!p1 s15, $0x1F;
	p2 =	por !p2, p1  }
0x22: {  	s16 =	sand.u32 @!p1 s17, s16;
	p3 =	por !p3, p1;
	s17 =	smov.u32 s15  }
0x23: {  	s15 =	sand.u32 @!p1 s19, s15;
	s18 =	simm.s32 @p2 $0x2440;
	s17 =	simm.s32 @p3 $0x380  }
0x24: {  	s16 =	ssub.s32 @!p1 s18, s16;
	s15 =	ssub.s32 @!p1 s17, s15  }
0x25: {  	s19 =	smov.u32 s13;
	s17 =	sadd.s32 @!p1 $0xFFFFDBC0, s16;
	s18 =	sadd.s32 @!p1 $0xFFFFFC80, s15  }
0x26: {  	s16 =	ssub.s32 @!p1 $0x24C0, s16;
	p2 =	sgt.s32 @!p1 s17, $0x7F;
	p3 =	sgt.s32 @!p1 s18, $0x7F  }
0x27: {  	s15 =	ssub.s32 @!p1 $0x400, s15;
	p2 =	por !p2, p1;
	p3 =	por !p3, p1  }
0x28: {  	s17 =	sadd.s32 $0x200, s12;
	s16 =	simm.s32 @!p2 $0x0;
	s15 =	simm.s32 @!p3 $0x0  }
0x29: {  	p2 =	sgt.s32 s17, $0x24BF;
	s15 =	smul.u32 @!p1 s15, s16;
	s16 =	sadd.s32 $0x400, s13  }
0x2a: {  	s19 =	smov.u32 @p2 s16  }
0x2b: {  	s17 =	smov.u32 @p2 s4;
	p2 =	sgt.s32 s19, $0x3FF  }
0x2c: {  	s19 =	smov.u32 @p2 s1;
	p2 =	sne.s32 s14, s8  }
.Ltmp1:
0x2d: {  	p0 =	por !p0, !p0;
	s18 =	simm.s32 @!p1 $0x2;
	(pc) =	sbr.rel @!p2 .LBB1_6-.Ltmp1, $4  }
0x2e: {  	s16 =	smov.u32 s10;
	s10 =	smov.u32 s12;
	s15 =	sand.u32 @!p1 $0x3FFFFFFF, s15  }
0x2f: {  	s12 =	smov.u32 s17;
	_ =	swait.ge @!p1 [sflag:s18], s15;
	s20 =	ssub.s32 @!p1 $0x0, s15  }
0x30: {  	s15 =	smov.u32 s11;
	s14 =	sadd.s32 $0x1, s14;
	[sflag:s18] =	ssyncset.done @!p1 $0x0  }
0x31: {  	s11 =	smov.u32 s13;
	s13 =	smov.u32 s19;
	[sflag:s18] =	ssyncadd.s32 @!p1 s20  }
.LBB1_1:
0x32: {  	p1 =	sge.u32 s14, s6  }
0x33: {  	s17 =	sshrl.u32 @!p1 s13, $0x3  }
0x34: {  	s18 =	sshll.u32 @!p1 s12, $0x3;
	s17 =	smul.u32 @!p1 $0x12800, s17  }
0x35: {  	s19 =	sshll.u32 @!p1 s13, $0x7;
	s18 =	sand.u32 @!p1 $0xFFFFFC00, s18  }
0x36: {  	s17 =	sadd.s32 @!p1 s17, s18;
	s18 =	sand.u32 @!p1 $0x380, s19  }
0x37: {  	s17 =	sor.u32 @!p1 s18, s17  }
0x38: {  	s18 =	sshrl.u32 @!p1 s17, $0x8  }
0x39: {  	s18 =	smulhi.u32 @!p1 $0x6EB3E46, s18;
	_ =	sdelay $0x1  }
0x3a: {  	s19 =	sand.u32 @!p1 $0x7F, s12;
	s20 =	smul.u32 @!p1 $0x2500, s18  }
0x3b: {  	s31 =	sadd.s32 $0xFFFFFFFF, s14;
	s17 =	sor.u32 @!p1 s19, s17;
	s19 =	sxor.u32 @!p1 $0xFFFFFFFF, s14  }
0x3c: {  	s19 =	sshll.u32 @!p1 s19, $0xE;
	s18 =	sand.u32 @!p1 $0x3FF, s18;
	s17 =	ssub.s32 @!p1 s17, s20  }
0x3d: {  	s18 =	smul.u32 @!p1 $0x4A0, s18;
	s20 =	sshrl.u32 @!p1 s17, $0x3;
	s17 =	sand.u32 @!p1 $0x7, s17  }
0x3e: {  	s19 =	sand.u32 @!p1 $0x4000, s19;
	s20 =	sadd.s32 @!p1 s7, s20;
	s17 =	sshll.u32 @!p1 s17, $0x12  }
0x3f: {  	s18 =	sadd.s32 @!p1 s18, s20;
	s17 =	sor.u32 @!p1 $0x400, s17;
	s20 =	simm.s32 @!p1 $0x12800  }
0x40: {  	[tilespmem:s19], [sflag:$0x1] =	stream.strided.gather @!p1 [hbm4b:s18+s17], $0x4000, s20, s17, $0x38;
	[tilespmem:$0x10100] =	vst v63  }
0x41: {  	p1 =	sge.u32 s31, s6  }
.Ltmp2:
0x42: {  	_ = 	snop;
	(pc) =	sbr.rel @p1 .LBB1_5-.Ltmp2, $1  }
0x43: {  	_ =	sdelay $0x3  }
0x44: {  	s17 =	simm.s32 $0x1  }
0x45: {  	_ =	swait.ge [sflag:s5], $0x4000;
	s17 =	simm.s32 @!p0 $0x0  }
0x46: {  	[sflag:s5] =	ssyncset.done $0x0;
	s18 =	sshll.u32 s17, $0xE  }
0x47: {  	[sflag:s5] =	ssyncadd.s32 $0xFFFFC000;
	s18 =	sor.u32 $0x40, s18  }
0x48: {  	s17 =	smul.u32 $0x10200, s17;
	v0 =	vld [tilespmem:s18+$0x30]  }
0x49: {  	v1 =	vld [tilespmem:s18+$0xFFFFFFD0]  }
0x4a: {  	s17 =	sshrl.u32 s17, $0x2;
	v5 =	vld [tilespmem:s18+$0xFFFFFFE0]  }
0x4b: {  	v6 =	vld [tilespmem:s18+$0xFFFFFFF0];
	s20 =	sor.u32 $0x8000, s17  }
0x4c: {  	s31 =	sand.u32 $0x1, s14;
	v4 =	vld [tilespmem:s18+$0x0];
	s19 =	sadd.s32 $0x0, s20  }
0x4d: {  	v3 =	vld [tilespmem:s18+$0x10];
	s17 =	smul.u32 $0x10200, s31;
	[tilespmem:s19+$0x3870 ss:$0x81] =	vst.msk $0xffff, v0  }
0x4e: {  	v2 =	vld [tilespmem:s18+$0x20];
	[tilespmem:s19+$0x810 ss:$0x81] =	vst.msk $0xffff, v1  }
0x4f: {  	s17 =	sshrl.u32 s17, $0x2;
	v1 =	vld [tilespmem:s18+$0xFFFFFFC0];
	[tilespmem:s19+$0x1020 ss:$0x81] =	vst.msk $0xffff, v5;
	s18 =	sadd.s32 $0x80, s18  }
0x50: {  	s21 =	simm.s32 $0x4;
	s22 =	simm.s32 $0x8;
	s17 =	sor.u32 $0x8000, s17;
	[tilespmem:s19+$0x1830 ss:$0x81] =	vst.msk $0xffff, v6;
	v0 =	vld [tilespmem:s18+$0x30]  }
.LBB1_3:
0x51: {  	p1 =	sne.s32 s22, $0x1FC;
	v5 =	vld [tilespmem:s18+$0xFFFFFFD0];
	[tilespmem:s19+$0x2040 ss:$0x81] =	vst.msk $0xffff, v4  }
0x52: {  	v6 =	vld [tilespmem:s18+$0xFFFFFFE0];
	[tilespmem:s19+$0x2850 ss:$0x81] =	vst.msk $0xffff, v3  }
0x53: {  	s23 =	sshra.s32 s21, $0x2;
	s21 =	smov.u32 s22;
	v7 =	vld [tilespmem:s18+$0xFFFFFFF0];
	[tilespmem:s19+$0x3060 ss:$0x81] =	vst.msk $0xffff, v2  }
.Ltmp3:
0x54: {  	v4 =	vld [tilespmem:s18+$0x0];
	[tilespmem:s19+$0x0 ss:$0x81] =	vst.msk $0xffff, v1;
	s19 =	sadd.s32 s23, s20;
	(pc) =	sbr.rel @p1 .LBB1_3-.Ltmp3, $4  }
0x55: {  	v3 =	vld [tilespmem:s18+$0x10];
	[tilespmem:s19+$0x3870 ss:$0x81] =	vst.msk $0xffff, v0  }
0x56: {  	[tilespmem:s19+$0x810 ss:$0x81] =	vst.msk $0xffff, v5;
	v2 =	vld [tilespmem:s18+$0x20]  }
0x57: {  	v1 =	vld [tilespmem:s18+$0xFFFFFFC0];
	[tilespmem:s19+$0x1020 ss:$0x81] =	vst.msk $0xffff, v6;
	s18 =	sadd.s32 $0x80, s18  }
0x58: {  	s22 =	sadd.s32 $0x4, s22;
	v0 =	vld [tilespmem:s18+$0x30];
	[tilespmem:s19+$0x1830 ss:$0x81] =	vst.msk $0xffff, v7  }
.Ltmp4:
0x59: {  	_ = 	snop;
	(pc) =	sbr.rel .LBB1_4-.Ltmp4, $1  }
0x5a: {  	_ =	sdelay $0x3  }
.LBB1_6:
0x5b: {  	_ =	sfence.sel $0x180000  }
0x5c: {  	s1 =	simm.s32 $0x1;
	[bflag:$0x0] =	sbarrier.arrive $0xFFFF  }
0x5d: {  	s31 =	simm.s32 $0x2;
	[sflag:s1] =	ssyncpa.u1 $0x1  }
0x5e: {  	[sflag:s31] =	ssyncpa.u1 $0x1  }
0x5f: {  	p0 =	sne.s32 s0, $0x0;
	_ =	strace $0x9000004A  }
0x60: {  	s0 =	sadd.s32 @!p0 $0x100000, s2;
	[bflag:$0x2] =	sbarrier.arrive $0xFFFF  }
0x61: {  	[sflag:s0] =	ssyncadd.tile.s32 @!p0 $0x1;
	_ =	shalt  }
.Lfunc_end1:
_tile_overlayer_lowered:
.L_overlay_start_2:
0x62: {  	(tag) =	ssettag $0x2  }
0x63: {  	s0 =	rddreg [dreg:$0x0];
	s2 =	stileid.u32  }
0x64: {  	s1 =	rddreg [dreg:$0x1];
	p0 =	sne.s32 s2, $0x0  }
0x65: {  	s3 =	rddreg [dreg:$0x2];
	[bflag:$0x3] =	sbarrier.arrive $0xFFFF;
	s2 =	simm.s32 @!p0 $0x1C01  }
0x66: {  	[timem:s3], [sflag:s2] =	dma.local @!p0 [hbm:s0], s1  }
0x67: {  	s0 =	simm.s32 @!p0 $0x1  }
0x68: {  	_ =	swait.ge @!p0 [sflag:s0], s1  }
0x69: {  	s1 =	ssub.s32 @!p0 $0x0, s1;
	[sflag:s0] =	ssyncset.done @!p0 $0x0  }
0x6a: {  	[sflag:s0] =	ssyncadd.s32 @!p0 s1  }
0x6b: {  	[bflag:$0x3] =	sbarrier.arrive $0xFFFF  }
0x6c: {  	_ =	shalt  }

// kernel: sparse-core-data-format-call.cloned.1.call-start
scs
called_computation_lowered:
.L_overlay_start_0:
0x0: {  	s2 =	sld [smem:$0x3FD9]  }
0x1: {  	s3 =	sld [smem:$0x3FFE];
	_ =	sdelay $0x1  }
0x2: {  	s1 =	srdreg.scid  }
0x3: {  	s0 =	sand.u32 $0x1, s1  }
0x4: {  	s18 =	sshll.u32 s0, $0xA;
	s2 =	sadd.s32 s3, s2  }
0x5: {  	s2 =	sadd.s32 s2, s18  }
0x6: {  	[smem:$0x3FC6] =	sst s2  }
0x7: {  	_ = 	snop  }
0x8: {  	s2 =	sld [smem:$0x3FD0];
	(tm) =	ssettm $0x1  }
0x9: {  	s19 =	sld [smem:$0x3FFB];
	_ =	sdelay $0x3  }
0xa: {  	_ =	strace s19  }
0xb: {  	s3 =	sld [smem:$0x3FFC];
	_ =	sdelay $0x3  }
0xc: {  	_ =	strace s3  }
0xd: {  	s3 =	sld [smem:$0x3FFD];
	_ =	sdelay $0x3  }
0xe: {  	_ =	strace s3  }
0xf: {  	_ =	strace $0x8FFFFFFF  }
0x10: {  	s20 =	sld [smem:$0x3FDB];
	_ =	sdelay $0x1  }
0x11: {  	s4 =	simm.s32 $_scs_section_size  }
0x12: {  	s5 =	simm.s32 $_size__tile_overlayer_lowered;
	s6 =	simm.s32 $_tile_overlayer_lowered  }
0x13: {  	s23 =	simm.s32 $0x1BFF;
	s22 =	sshll.u32 s6, $0x1;
	s3 =	sadd.s32 s4, s20  }
0x14: {  	s7 =	simm.s32 $0x0;
	s21 =	sshll.u32 s5, $0x1;
	s5 =	sadd.s32 s22, s3  }
0x15: {  	[timem:s7], [sflag:s23] =	dma.local [hbm:s5], s21  }
0x16: {  	_ =	swait.ge [sflag:s23], s21  }
0x17: {  	s4 =	ssub.s32 $0x0, s21;
	[sflag:s23] =	ssyncset.done $0x0  }
0x18: {  	[sflag:s23] =	ssyncadd.s32 s4;
	_ =	sdelay $0x1  }
0x19: {  	s24 =	simm.s32 $0x1B8B  }
0x1a: {  	_ =	swait.ge [sflag:s24], $0x1  }
0x1b: {  	[sflag:s24] =	ssyncset.done $0x0  }
0x1c: {  	s26 =	simm.s32 $0x1B8E;
	s25 =	sld [smem:$0x3FFE];
	[sflag:s24] =	ssyncadd.s32 $0xFFFFFFFF  }
0x1d: {  	s27 =	simm.s32 $execute0_lowered;
	[smem:$0x3FD2] =	sst s26  }
0x1e: {  	s5 =	sshll.u32 s27, $0x1;
	_ =	strace $0x8000004C;
	[dreg:$0x1] =	wrdreg $0xFFFFFFFF  }
0x1f: {  	s28 =	simm.s32 $_size_execute0_lowered;
	s3 =	sadd.s32 s3, s5;
	[dreg:$0x0] =	wrdreg $0x0  }
0x20: {  	s5 =	sshll.u32 s28, $0x1;
	[dreg:$0x2] =	wrdreg s3  }
0x21: {  	[dreg:$0x3] =	wrdreg s5  }
0x22: {  	[dreg:$0x4] =	wrdreg $0xC0  }
0x23: {  	_ =	task [dreg:s7], $0x5FFFF  }
0x24: {  	[dreg:$0x1] =	wrdreg $0xFFFFFFFF  }
0x25: {  	[dreg:$0x0] =	wrdreg $0x60  }
0x26: {  	[dreg:$0x2] =	wrdreg s25  }
0x27: {  	[dreg:$0x3] =	wrdreg s2  }
0x28: {  	[dreg:$0x4] =	wrdreg $0x9  }
0x29: {  	_ =	task.clear_ibuf [dreg:s7], $0x5FFFF;
	_ =	strace $0x9000004C  }
0x2a: {  	s29 =	simm.s32 $0x9;
	_ =	strace $0x8000004E  }
0x2b: {  	_ =	swait.ge [sflag:s29], $0x1  }
0x2c: {  	[sflag:s29] =	ssyncadd.s32 $0xFFFFFFFF  }
0x2d: {  	_ =	strace $0x9000004E  }
0x2e: {  	_ =	sfence  }
0x2f: {  	s30 =	sld [smem:$0x0];
	_ =	sdelay $0x2  }
0x30: {  	s31 =	sshll.u32 s1, $0xD;
	s1 =	sshrl.u32 s1, $0x2  }
0x31: {  	s3 =	sand.u32 $0x4000, s31;
	s1 =	sadd.s32 s1, s30  }
0x32: {  	s0 =	sor.u32 s3, s0;
	s1 =	sshll.u32 s1, $0x11  }
0x33: {  	s0 =	sor.u32 s1, s0  }
0x34: {  	s0 =	sadd.s32 $0x8F2B, s0  }
0x35: {  	[sflag:s0] =	ssyncadd.remote.s32 $0x1  }
0x36: {  	_ =	sfence.sel $0xFFFF  }
0x37: {  	[dreg:$0x0] =	wrdreg $0xFFFFFFFF;
	(pc) =	sbr.abs _section_cstart, $3  }
0x38: {  	[dreg:$0x1] =	wrdreg $0xFFFFFFFF  }
0x39: {  	_ =	task.clear_ibuf [dreg:s7], $0x2FFFF;
	_ =	strace $0x9FFFFFFF  }
0x3a: {  	(tm) =	ssettm $0x7FFFFFFF  }
0x3b: {  	_ =	shalt  }
tec
execute0_lowered:
.L_overlay_start_1:
0x0: {  	(tag) =	ssettag $0x1  }
0x1: {  	s0 =	stileid.u32  }
0x2: {  	s1 =	srdreg.scid;
	s4 =	rddreg [dreg:$0x0]  }
0x3: {  	s2 =	rddreg [dreg:$0x1];
	_ =	strace $0x8000004D;
	s5 =	simm.s32 $0x1  }
0x4: {  	s8 =	simm.s32 $0x0;
	s30 =	simm.s32 $0x2;
	s16 =	simm.s32 $0x0  }
0x5: {  	s9 =	simm.s32 $0x800;
	s3 =	sshll.u32 s0, $0x5;
	s1 =	sshll.u32 s1, $0x9  }
0x6: {  	s10 =	simm.s32 $0x30000;
	s11 =	simm.s32 $0x0;
	s1 =	sor.u32 s3, s1  }
0x7: {  	s17 =	simm.s32 $0x0;
	s18 =	simm.s32 $0x0;
	s3 =	sand.u32 $0x300, s1  }
0x8: {  	s12 =	simm.s32 $0x0;
	s13 =	simm.s32 $0x0;
	s6 =	ssub.s32 $0x400, s3  }
0x9: {  	s1 =	sadd.s32 s3, s4;
	s4 =	sand.u32 $0x7, s0;
	s7 =	sand.u32 $0x300, s6  }
0xa: {  	p0 =	seq.s32 s4, $0x7;
	p1 =	sne.s32 s7, $0x0;
	s7 =	simm.s32 $0x1  }
.Ltmp0:
0xb: {  	s6 =	sshrl.u32 s6, $0xA;
	s7 =	simm.s32 @!p1 $0x0;
	(pc) =	sbr.rel .LBB1_1-.Ltmp0, $4  }
0xc: {  	s14 =	simm.s32 $0x0;
	s8 =	simm.s32 @!p0 $0x18;
	s6 =	sadd.s32 s7, s6  }
0xd: {  	s15 =	simm.s32 $0x0;
	s31 =	sshll.u32 s4, $0xA;
	s6 =	smul.u32 s8, s6  }
0xe: {  	s24 =	simm.s32 $0x0;
	[sflag:s5] =	ssyncpa.u1 $0x0;
	s1 =	sadd.s32 s31, s1  }
0xf: {  	[sflag:s30] =	ssyncpa.u1 $0x0;
	s7 =	sadd.s32 $0xC00, s1;
	s8 =	sor.u32 $0x1, s6  }
.LBB1_7:
0x10: {  	p0 =	slt.u32 s15, $0x2  }
0x11: {  	s1 =	smov.u32 s17;
	p1 =	sgt.s32 @!p0 s17, $0xB8  }
0x12: {  	p2 =	sgt.s32 @!p0 s16, $0x6;
	s18 =	sshra.s32 @!p0 s17, $0x1F;
	p1 =	por !p1, p0  }
0x13: {  	p2 =	por !p2, p0;
	s17 =	sand.u32 @!p0 s18, s17;
	s1 =	simm.s32 @p1 $0xB8  }
0x14: {  	s16 =	simm.s32 @p2 $0x6;
	s1 =	ssub.s32 @!p0 s1, s17  }
0x15: {  	s19 =	sadd.s32 $0x8, s14;
	s16 =	sxor.u32 @!p0 $0x7, s16;
	s1 =	sadd.s32 @!p0 $0xFFFFFF48, s1  }
0x16: {  	s16 =	smul.u32 @!p0 $0x7, s16;
	p1 =	sgt.s32 @!p0 s1, $0x7;
	s1 =	sshll.u32 @!p0 s1, $0x8  }
0x17: {  	s20 =	sadd.s32 $0x1, s15;
	s1 =	ssub.s32 @!p0 $0x800, s1;
	p1 =	por !p1, p0  }
0x18: {  	s16 =	simm.s32 @!p2 $0x0;
	s1 =	simm.s32 @!p1 $0x0;
	p1 =	sgt.s32 s19, $0xBF  }
0x19: {  	s1 =	smul.u32 @!p0 s16, s1;
	s19 =	simm.s32 @p1 $0x0;
	p1 =	sne.s32 s15, s8  }
.Ltmp1:
0x1a: {  	s11 =	sadd.s32 $0x4000, s11;
	s18 =	simm.s32 @!p0 $0x2;
	(pc) =	sbr.rel @!p1 .LBB1_8-.Ltmp1, $4  }
0x1b: {  	s17 =	smov.u32 s13;
	s13 =	smov.u32 s14;
	s1 =	sand.u32 @!p0 $0x3FFFFF00, s1  }
0x1c: {  	s16 =	smov.u32 s12;
	s12 =	smov.u32 s4;
	_ =	swait.ge @!p0 [sflag:s18], s1  }
0x1d: {  	s15 =	smov.u32 s20;
	s1 =	ssub.s32 @!p0 $0x0, s1;
	[sflag:s18] =	ssyncset.done @!p0 $0x0  }
0x1e: {  	s14 =	smov.u32 s19;
	[sflag:s18] =	ssyncadd.s32 @!p0 s1;
	s18 =	smov.u32 s3  }
.LBB1_1:
0x1f: {  	p0 =	sge.u32 s15, s6  }
0x20: {  	s1 =	sxor.u32 @!p0 $0xFFFFFFFF, s15;
	s19 =	smul.u32 @!p0 $0x1C00, s14  }
0x21: {  	s31 =	sadd.s32 $0xFFFFFFFF, s15;
	s20 =	simm.s32 @!p0 $0x800;
	s1 =	sshll.u32 @!p0 s1, $0xE  }
0x22: {  	s21 =	simm.s32 @!p0 $0xE000;
	s1 =	sand.u32 @!p0 $0x4000, s1;
	s19 =	sadd.s32 @!p0 s19, s7  }
0x23: {  	[tilespmem:s1], [sflag:$0x1] =	stream.strided.gather @!p0 [hbm4b:s19+s20], $0x4000, s21, s20, $0x38;
	[tilespmem:$0x10000] =	vst v63  }
0x24: {  	p0 =	sge.u32 s31, s6  }
.Ltmp2:
0x25: {  	_ = 	snop;
	(pc) =	sbr.rel @p0 .LBB1_7-.Ltmp2, $1  }
0x26: {  	_ =	sdelay $0x3  }
0x27: {  	s1 =	sshll.u32 s11, $0x2;
	_ =	swait.ge [sflag:s5], $0x4000;
	s19 =	sshll.u32 s15, $0xE  }
0x28: {  	p0 =	por $0x0, $0x0;
	s25 =	simm.s32 $0x0;
	s26 =	simm.s32 $0x0  }
0x29: {  	s1 =	sand.u32 $0x10000, s1;
	[sflag:s5] =	ssyncset.done $0x0;
	s22 =	sand.u32 $0x4000, s19  }
0x2a: {  	s1 =	sshrl.u32 s1, $0x2;
	[sflag:s5] =	ssyncadd.s32 $0xFFFFC000;
	s19 =	sor.u32 $0x8000, s22  }
0x2b: {  	s20 =	sor.u32 $0x40, s1;
	s21 =	sor.u32 $0x8410, s1;
	s23 =	sadd.s32 $0x8400, s1  }
.LBB1_3:
0x2c: {  	v1 =	vld [tilespmem:s20+$0xFFFFFFD0]  }
0x2d: {  	v2 =	vld [tilespmem:s20+$0x430]  }
0x2e: {  	s1 =	sshll.u32 s26, $0xB;
	v4 =	vld [tilespmem:s20+$0xFFFFFFE0]  }
0x2f: {  	v7 =	vld [tilespmem:s20+$0xFFFFFFF0];
	v0 =	vmov s1  }
0x30: {  	v8 =	vld [tilespmem:s20+$0x0]  }
0x31: {  	v9 =	vld [tilespmem:s20+$0x10];
	s1 =	sand.u32 $0x300, s24  }
0x32: {  	s27 =	sand.u32 $0x80, s24;
	v10 =	vld [tilespmem:s20+$0x20];
	s1 =	sadd.s32 s1, s22  }
0x33: {  	v11 =	vld [tilespmem:s20+$0x30];
	s1 =	sadd.s32 s27, s1;
	s27 =	simm.s32 $0x1;
	[tilespmem:s21+$0x60] =	vst v2  }
0x34: {  	s27 =	simm.s32 @!p0 $0x0;
	[tilespmem:s21+$0xFFFFFC00] =	vst v1;
	v3 =	vld.idx.msk [tilespmem:v0+s1+$0x400 ss:$0x1], $0xffff;
	s1 =	sshll.u32 s25, $0x2  }
0x35: {  	v6 =	vld [tilespmem:s20+$0x3D0];
	s27 =	sshll.u32 s27, $0x9;
	[tilespmem:s21+$0xFFFFFC10] =	vst v4;
	s1 =	sand.u32 $0xFFFFFC00, s1  }
0x36: {  	v5 =	vld [tilespmem:s20+$0x3E0];
	[tilespmem:s21+$0xFFFFFC20] =	vst v7;
	s1 =	sor.u32 s27, s1  }
0x37: {  	[tilespmem:s21+$0xFFFFFC30] =	vst v8;
	v4 =	vld [tilespmem:s20+$0x400];
	s1 =	sshrl.u32 s1, $0x2  }
0x38: {  	[tilespmem:s21+$0xFFFFFC40] =	vst v9;
	v1 =	vld [tilespmem:s20+$0x410];
	s27 =	sadd.s32 s1, s23  }
0x39: {  	[tilespmem:s27+$0x0] =	vst v3;
	v3 =	vld [tilespmem:s20+$0x3F0]  }
0x3a: {  	s31 =	simm.s32 $0x80;
	s30 =	simm.s32 $0x100;
	[tilespmem:s21+$0xFFFFFC50] =	vst v10;
	v2 =	vld [tilespmem:s20+$0x420]  }
0x3b: {  	s28 =	sadd.s32 $0x80, s20;
	s29 =	smov.u32 s21;
	v7 =	vld [tilespmem:s20+$0xFFFFFFC0];
	[tilespmem:s21+$0xFFFFFC60] =	vst v11;
	s1 =	sand.u32 $0x300, s31  }
.LBB1_4:
0x3c: {  	p1 =	sne.s32 s30, $0x380;
	v8 =	vld [tilespmem:s28+$0xFFFFFFD0];
	s31 =	sand.u32 $0x80, s31;
	s1 =	sadd.s32 s1, s22;
	[tilespmem:s29+$0x0] =	vst v6  }
0x3d: {  	s1 =	sadd.s32 s31, s1;
	v6 =	vld [tilespmem:s28+$0x430];
	[tilespmem:s29+$0x10] =	vst v5;
	s31 =	smov.u32 s30  }
0x3e: {  	v5 =	vld.idx.msk [tilespmem:v0+s1+$0x400 ss:$0x1], $0xffff;
	[tilespmem:s29+$0x20] =	vst v3  }
0x3f: {  	v3 =	vld [tilespmem:s28+$0xFFFFFFE0];
	[tilespmem:s29+$0x30] =	vst v4  }
0x40: {  	v4 =	vld [tilespmem:s28+$0xFFFFFFF0];
	[tilespmem:s29+$0xFFFFFBF0] =	vst v7  }
0x41: {  	v7 =	vld [tilespmem:s28+$0x0];
	[tilespmem:s29+$0x40] =	vst v1  }
0x42: {  	v1 =	vld [tilespmem:s28+$0x10];
	[tilespmem:s29+$0x50] =	vst v2;
	s29 =	sadd.s32 $0x800, s29  }
0x43: {  	s27 =	sadd.s32 $0x800, s27;
	v2 =	vld [tilespmem:s28+$0x20];
	[tilespmem:s29+$0x60] =	vst v6  }
0x44: {  	v9 =	vld [tilespmem:s28+$0x30];
	[tilespmem:s27+$0x0] =	vst v5  }
0x45: {  	[tilespmem:s29+$0xFFFFFC00] =	vst v8;
	v6 =	vld [tilespmem:s28+$0x3D0]  }
0x46: {  	[tilespmem:s29+$0xFFFFFC10] =	vst v3;
	v5 =	vld [tilespmem:s28+$0x3E0]  }
.Ltmp3:
0x47: {  	[tilespmem:s29+$0xFFFFFC20] =	vst v4;
	v3 =	vld [tilespmem:s28+$0x3F0];
	(pc) =	sbr.rel @p1 .LBB1_4-.Ltmp3, $4  }
0x48: {  	[tilespmem:s29+$0xFFFFFC30] =	vst v7;
	v4 =	vld [tilespmem:s28+$0x400]  }
0x49: {  	[tilespmem:s29+$0xFFFFFC40] =	vst v1;
	v1 =	vld [tilespmem:s28+$0x410]  }
0x4a: {  	[tilespmem:s29+$0xFFFFFC50] =	vst v2;
	v2 =	vld [tilespmem:s28+$0x420]  }
0x4b: {  	s30 =	sadd.s32 $0x80, s30;
	s1 =	sand.u32 $0x300, s31;
	v7 =	vld [tilespmem:s28+$0xFFFFFFC0];
	[tilespmem:s29+$0xFFFFFC60] =	vst v9;
	s28 =	sadd.s32 $0x80, s28  }
0x4c: {  	[tilespmem:s29+$0x0] =	vst v6  }
0x4d: {  	[tilespmem:s29+$0x10] =	vst v5  }
0x4e: {  	v49 =	vld [tilespmem:s28+$0x430];
	[tilespmem:s29+$0x20] =	vst v3  }
0x4f: {  	v50 =	vld [tilespmem:s28+$0xFFFFFFD0];
	[tilespmem:s29+$0x30] =	vst v4  }
0x50: {  	v51 =	vld [tilespmem:s28+$0xFFFFFFE0];
	[tilespmem:s29+$0x40] =	vst v1  }
0x51: {  	v52 =	vld [tilespmem:s28+$0xFFFFFFF0];
	[tilespmem:s29+$0x50] =	vst v2  }
0x52: {  	s30 =	sand.u32 $0x80, s31;
	s31 =	sadd.s32 $0x800, s29;
	v53 =	vld [tilespmem:s28+$0x0];
	[tilespmem:s29+$0xFFFFFBF0] =	vst v7  }
0x53: {  	v54 =	vld [tilespmem:s28+$0x10];
	[tilespmem:s31+$0x60] =	vst v49  }
0x54: {  	v55 =	vld [tilespmem:s28+$0x20];
	[tilespmem:s31+$0xFFFFFC00] =	vst v50  }
0x55: {  	v56 =	vld [tilespmem:s28+$0x30];
	[tilespmem:s31+$0xFFFFFC10] =	vst v51  }
0x56: {  	v57 =	vld [tilespmem:s28+$0x3D0];
	[tilespmem:s31+$0xFFFFFC20] =	vst v52  }
0x57: {  	v58 =	vld [tilespmem:s28+$0x3E0];
	[tilespmem:s31+$0xFFFFFC30] =	vst v53  }
0x58: {  	v59 =	vld [tilespmem:s28+$0x3F0];
	[tilespmem:s31+$0xFFFFFC40] =	vst v54  }
0x59: {  	v60 =	vld [tilespmem:s28+$0x400];
	[tilespmem:s31+$0xFFFFFC50] =	vst v55  }
0x5a: {  	v61 =	vld [tilespmem:s28+$0xFFFFFFC0];
	[tilespmem:s31+$0xFFFFFC60] =	vst v56  }
0x5b: {  	s1 =	sadd.s32 s1, s22;
	v62 =	vld [tilespmem:s28+$0x410];
	[tilespmem:s31+$0x0] =	vst v57  }
0x5c: {  	v63 =	vld [tilespmem:s28+$0x420];
	s26 =	sadd.s32 $0x1, s26;
	s1 =	sadd.s32 s30, s1;
	[tilespmem:s31+$0x10] =	vst v58  }
0x5d: {  	p1 =	sne.s32 s26, $0x8;
	v0 =	vld.idx.msk [tilespmem:v0+s1+$0x400 ss:$0x1], $0xffff;
	[tilespmem:s31+$0x20] =	vst v59  }
.Ltmp4:
0x5e: {  	[tilespmem:s31+$0x30] =	vst v60;
	(pc) =	sbr.rel @p1 .LBB1_3-.Ltmp4, $4  }
0x5f: {  	[tilespmem:s31+$0xFFFFFBF0] =	vst v61  }
0x60: {  	[tilespmem:s31+$0x40] =	vst v62  }
0x61: {  	s27 =	sadd.s32 $0x800, s27;
	s20 =	sadd.s32 $0x800, s20;
	[tilespmem:s31+$0x50] =	vst v63  }
0x62: {  	s25 =	sadd.s32 $0x80, s25;
	p0 =	por !p0, !p0;
	s21 =	sadd.s32 $0x80, s21;
	[tilespmem:s27+$0x0] =	vst v0  }
0x63: {  	s1 =	sshll.u32 s13, $0xA  }
0x64: {  	s18 =	sshll.u32 s18, $0x3;
	p0 =	sgt.s32 s13, $0xB8;
	s20 =	smov.u32 s13  }
0x65: {  	s21 =	sshra.s32 s13, $0x1F;
	s30 =	smul.u32 $0x2A000, s12;
	s1 =	sand.u32 $0xFFFFE000, s1  }
0x66: {  	s20 =	simm.s32 @!p0 $0xB8;
	s28 =	sand.u32 s21, s13;
	s1 =	sor.u32 s1, s18  }
0x67: {  	p0 =	sgt.s32 s12, $0x6;
	s18 =	ssub.s32 s20, s28;
	s1 =	sshrl.u32 s1, $0xA  }
0x68: {  	s21 =	smov.u32 s12;
	s22 =	sadd.s32 $0xFFFFFF48, s18;
	s29 =	smulhi.u32 $0x1555556, s1  }
0x69: {  	s21 =	simm.s32 @!p0 $0x6;
	s18 =	ssub.s32 $0xC0, s18;
	p1 =	sgt.s32 s22, $0x7  }
0x6a: {  	s21 =	sxor.u32 $0x7, s21;
	s18 =	simm.s32 @p1 $0x0;
	s20 =	smul.u32 $0xC0, s29  }
0x6b: {  	s18 =	smul.u32 s18, s21  }
.Ltmp5:
0x6c: {  	s31 =	sshll.u32 s13, $0x4;
	s21 =	sadd.s32 s2, s30;
	(pc) =	sbr.rel .LBB1_7-.Ltmp5, $4  }
0x6d: {  	s1 =	ssub.s32 s1, s20;
	s18 =	smul.u32 $0x700, s18;
	s20 =	sand.u32 $0x70, s31  }
0x6e: {  	s1 =	sshll.u32 s1, $0x7;
	s20 =	sadd.s32 s20, s21  }
0x6f: {  	s18 =	sand.u32 $0x3FFFFF00, s18;
	s1 =	sadd.s32 s1, s20  }
0x70: {  	[hbm4b:s1+s9] =	stream.strided.scatter [tilespmem:s19], [sflag:$0x2], s18, s10, s9, $0x38;
	[tilespmem:$0x10000] =	vst v63  }
.LBB1_8:
0x71: {  	_ =	sfence.sel $0x180000  }
0x72: {  	s1 =	simm.s32 $0x1;
	[bflag:$0x0] =	sbarrier.arrive $0xFFFF  }
0x73: {  	s31 =	simm.s32 $0x2;
	[sflag:s1] =	ssyncpa.u1 $0x1  }
0x74: {  	[sflag:s31] =	ssyncpa.u1 $0x1  }
0x75: {  	_ =	strace $0x9000004D  }
0x76: {  	[bflag:$0x2] =	sbarrier.arrive $0xFFFF  }
0x77: {  	p0 =	sne.s32 s0, $0x0;
	s0 =	rddreg [dreg:$0x2]  }
0x78: {  	s0 =	sadd.s32 @!p0 $0x100000, s0  }
0x79: {  	[sflag:s0] =	ssyncadd.tile.s32 @!p0 $0x1;
	_ =	shalt  }
.Lfunc_end1:
_tile_overlayer_lowered:
.L_overlay_start_2:
0x7a: {  	(tag) =	ssettag $0x2  }
0x7b: {  	s0 =	rddreg [dreg:$0x0];
	s2 =	stileid.u32  }
0x7c: {  	s1 =	rddreg [dreg:$0x1];
	p0 =	sne.s32 s2, $0x0  }
0x7d: {  	s3 =	rddreg [dreg:$0x2];
	[bflag:$0x3] =	sbarrier.arrive $0xFFFF;
	s2 =	simm.s32 @!p0 $0x1C01  }
0x7e: {  	[timem:s3], [sflag:s2] =	dma.local @!p0 [hbm:s0], s1  }
0x7f: {  	s0 =	simm.s32 @!p0 $0x1  }
0x80: {  	_ =	swait.ge @!p0 [sflag:s0], s1  }
0x81: {  	s1 =	ssub.s32 @!p0 $0x0, s1;
	[sflag:s0] =	ssyncset.done @!p0 $0x0  }
0x82: {  	[sflag:s0] =	ssyncadd.s32 @!p0 s1  }
0x83: {  	[bflag:$0x3] =	sbarrier.arrive $0xFFFF  }
0x84: {  	_ =	shalt  }

</sc_bundles>
